<compile_context>
chip_gen: v7x
topology: tpu7x:2x2x1
jax: 0.10.2.dev20260603
libtpu: 0.0.44.dev20260713+nightly
codegen_flags: <defaults>
</compile_context>

<pallas_src>
import functools

import jax
import jax.numpy as jnp
from jax import lax
from jax.experimental import pallas as pl
from jax.experimental.pallas import tpu as pltpu
from jax.experimental.pallas import tpu_sc as plsc

_N = 10000
_E = 160000
_H = 256
_HH = 128
_G = 64
_NS = 16
_CHUNK = 80
_EPT = _E // _NS
_NCHUNK = _EPT // _CHUNK
_NPAD = 10240
_RPT = _NPAD // _NS
_BN = 400
_NB = _N // _BN
_BU = 80
_NBU = _N // _BU
_BE = 2000
_NEB = _E // _BE

_f32 = jnp.float32



def _proj_body(h_ref, w_ref, out_ref):
    out_ref[...] = jnp.dot(h_ref[...], w_ref[...], preferred_element_type=_f32)


def _proj(h, Wm):
    return pl.pallas_call(
        _proj_body,
        grid=(4, _NB),
        in_specs=[
            pl.BlockSpec((_BN, _H), lambda b, i: (i, 0)),
            pl.BlockSpec((_H, _HH), lambda b, i: (b % 2, b // 2)),
        ],
        out_specs=pl.BlockSpec((_BN, _HH), lambda b, i: (b * _NB + i, 0)),
        out_shape=jax.ShapeDtypeStruct((4 * _N, _HH), _f32),
    )(h, Wm)


def _q_body(e_ref, w_ref, b_ref, out_ref):
    out_ref[...] = jnp.dot(e_ref[...], w_ref[...],
                           preferred_element_type=_f32) + b_ref[...]


def _qproj(e, Wm, bm2d):
    return pl.pallas_call(
        _q_body,
        grid=(2, _NEB),
        in_specs=[
            pl.BlockSpec((_BE, 16), lambda c, i: (i, 0)),
            pl.BlockSpec((16, _HH), lambda c, i: (2 * _H // 16, c)),
            pl.BlockSpec((1, _HH), lambda c, i: (0, c)),
        ],
        out_specs=pl.BlockSpec((_BE, _HH), lambda c, i: (c * _NEB + i, 0)),
        out_shape=jax.ShapeDtypeStruct((2 * _E, _HH), _f32),
    )(e, Wm, bm2d)


def _update_body(h_ref, alo_ref, ahi_ref, dlo_ref, dhi_ref, wu_ref, bu_ref,
                 out_ref):
    deg = dlo_ref[:, 0:1] + dhi_ref[:, 0:1]
    inv = 1.0 / jnp.maximum(deg, 1.0)
    acc = jnp.dot(h_ref[...], wu_ref[0:_H, :], preferred_element_type=_f32)
    acc += jnp.dot(alo_ref[...] * inv, wu_ref[_H:_H + _HH, :],
                   preferred_element_type=_f32)
    acc += jnp.dot(ahi_ref[...] * inv, wu_ref[_H + _HH:2 * _H, :],
                   preferred_element_type=_f32)
    out_ref[...] = jnp.maximum(acc + bu_ref[...], 0.0)


def _update(h, agg_cat, deg, Wu, bu2d):
    return pl.pallas_call(
        _update_body,
        grid=(_NBU,),
        in_specs=[
            pl.BlockSpec((_BU, _H), lambda i: (i, 0)),
            pl.BlockSpec((_BU, _HH), lambda i: (i, 0)),
            pl.BlockSpec((_BU, _HH), lambda i: (_NPAD // _BU + i, 0)),
            pl.BlockSpec((_BU, _HH), lambda i: (i, 0)),
            pl.BlockSpec((_BU, _HH), lambda i: (_NPAD // _BU + i, 0)),
            pl.BlockSpec((2 * _H, _H), lambda i: (0, 0)),
            pl.BlockSpec((1, _H), lambda i: (0, 0)),
        ],
        out_specs=pl.BlockSpec((_BU, _H), lambda i: (i, 0)),
        out_shape=jax.ShapeDtypeStruct((_N, _H), _f32),
    )(h, agg_cat, agg_cat, deg, deg, Wu, bu2d)


def _pool_body(h_ref, b_ref, wout_ref, bout_ref, out_ref):
    seg = lax.broadcasted_iota(jnp.int32, (_G, _N), 0)
    oh = (seg == b_ref[...]).astype(_f32)
    sums = jnp.dot(oh, h_ref[...], preferred_element_type=_f32)
    cnt = jnp.sum(oh, axis=1, keepdims=True)
    ge = sums / jnp.maximum(cnt, 1.0)
    out_ref[...] = jnp.dot(ge, wout_ref[...],
                           preferred_element_type=_f32) + bout_ref[...]


def _pool(h, batch_row, wout_pad, bout_pad):
    return pl.pallas_call(
        _pool_body,
        out_shape=jax.ShapeDtypeStruct((_G, _HH), _f32),
    )(h, batch_row, wout_pad, bout_pad)



def _make_sc_edge():
    mesh = plsc.VectorSubcoreMesh(core_axis_name="c", subcore_axis_name="s")

    out_type = [jax.ShapeDtypeStruct((2 * _NPAD, _HH), _f32)]
    scratch = [
        pltpu.VMEM_SHARED((_NPAD, _HH), _f32),
        pltpu.VMEM((_CHUNK,), jnp.int32),
        pltpu.VMEM((_CHUNK,), jnp.int32),
        pltpu.VMEM((_CHUNK,), jnp.int32),
        pltpu.VMEM((_CHUNK,), jnp.int32),
        pltpu.VMEM((_CHUNK, _HH), _f32),
        pltpu.VMEM((_CHUNK, _HH), _f32),
        pltpu.VMEM((_CHUNK, _HH), _f32),
        pltpu.SemaphoreType.DMA,
        pltpu.SemaphoreType.DMA,
    ]

    def body(src_hbm, dst_hbm, t_hbm, q_hbm, agg_out, *rest):
        (agg_sh, src_v, dst_v, sidx_v, didx_v, ps_v, pd_v, q_v,
         sem0, sem1) = rest

        c = lax.axis_index("c")
        s = lax.axis_index("s")
        zv = jnp.zeros((16,), _f32)

        def zrow(r, _):
            for k in range(8):
                ps_v[r, pl.ds(k * 16, 16)] = zv
            return 0
        lax.fori_loop(0, _CHUNK, zrow, 0)

        base_r = s * _RPT

        def zcp(i, _):
            pltpu.sync_copy(ps_v, agg_sh.at[pl.ds(base_r + i * _CHUNK, _CHUNK)])
            return 0
        lax.fori_loop(0, _RPT // _CHUNK, zcp, 0)

        plsc.subcore_barrier()

        ebase = s * _EPT
        soff = (2 * c) * _N
        doff = soff + _N
        qbase = c * _E + ebase

        def chunk_body(ch, _):
            eb = ebase + ch * _CHUNK
            pltpu.sync_copy(src_hbm.at[pl.ds(eb, _CHUNK)], src_v)
            pltpu.sync_copy(dst_hbm.at[pl.ds(eb, _CHUNK)], dst_v)
            for k in range(_CHUNK // 16):
                sl = pl.ds(k * 16, 16)
                sidx_v[sl] = src_v[sl] + soff
                didx_v[sl] = dst_v[sl] + doff
            cp1 = pltpu.async_copy(t_hbm.at[sidx_v], ps_v, sem0)
            cp2 = pltpu.async_copy(t_hbm.at[didx_v], pd_v, sem1)
            pltpu.sync_copy(q_hbm.at[pl.ds(qbase + ch * _CHUNK, _CHUNK)], q_v)
            cp1.wait()
            cp2.wait()

            def mrow(r4, _):
                for dr in range(4):
                    r = r4 * 4 + dr
                    for k in range(8):
                        sl = pl.ds(k * 16, 16)
                        ps_v[r, sl] = jnp.maximum(
                            ps_v[r, sl] + pd_v[r, sl] + q_v[r, sl], 0.0)
                return 0
            lax.fori_loop(0, _CHUNK // 4, mrow, 0)

            pltpu.sync_copy(ps_v, agg_sh.at[dst_v], add=True)
            return 0
        lax.fori_loop(0, _NCHUNK, chunk_body, 0)

        plsc.subcore_barrier()

        pltpu.sync_copy(agg_sh.at[pl.ds(base_r, _RPT)],
                        agg_out.at[pl.ds(c * _NPAD + base_r, _RPT)])

    return functools.partial(
        pl.kernel, mesh=mesh, out_type=out_type, scratch_types=scratch)(body)


_sc_edge = _make_sc_edge()

_DCH = 200
_DEPT = _E // (2 * _NS)
_NDCH = _DEPT // _DCH


def _make_sc_deg():
    mesh = plsc.VectorSubcoreMesh(core_axis_name="c", subcore_axis_name="s")

    out_type = [jax.ShapeDtypeStruct((2 * _NPAD, _HH), _f32)]
    scratch = [
        pltpu.VMEM_SHARED((_NPAD, _HH), _f32),
        pltpu.VMEM((_DCH,), jnp.int32),
        pltpu.VMEM((_DCH, _HH), _f32),
    ]

    def body(dst_hbm, deg_out, deg_sh, dst_v, ones_v):
        c = lax.axis_index("c")
        s = lax.axis_index("s")
        zv = jnp.zeros((16,), _f32)

        def zrow(r, _):
            for k in range(8):
                ones_v[r, pl.ds(k * 16, 16)] = zv
            return 0
        lax.fori_loop(0, _DCH, zrow, 0)

        base_r = s * _RPT

        def zcp(i, _):
            pltpu.sync_copy(ones_v.at[pl.ds(0, 160)],
                            deg_sh.at[pl.ds(base_r + i * 160, 160)])
            return 0
        lax.fori_loop(0, _RPT // 160, zcp, 0)

        ov = jnp.ones((16,), _f32)

        def orow(r, _):
            for k in range(8):
                ones_v[r, pl.ds(k * 16, 16)] = ov
            return 0
        lax.fori_loop(0, _DCH, orow, 0)

        plsc.subcore_barrier()

        ebase = c * (_E // 2) + s * _DEPT

        def chunk_body(ch, _):
            pltpu.sync_copy(dst_hbm.at[pl.ds(ebase + ch * _DCH, _DCH)], dst_v)
            pltpu.sync_copy(ones_v, deg_sh.at[dst_v], add=True)
            return 0
        lax.fori_loop(0, _NDCH, chunk_body, 0)

        plsc.subcore_barrier()

        pltpu.sync_copy(deg_sh.at[pl.ds(base_r, _RPT)],
                        deg_out.at[pl.ds(c * _NPAD + base_r, _RPT)])

    return functools.partial(
        pl.kernel, mesh=mesh, out_type=out_type, scratch_types=scratch)(body)


_sc_deg = _make_sc_deg()



def kernel(x_embeddings, edge_index, edge_features, batch,
           Wm0, bm0, Wu0, bu0, Wm1, bm1, Wu1, bu1, Wm2, bm2, Wu2, bu2,
           Wout, bout):
    src = edge_index[0].astype(jnp.int32)
    dst = edge_index[1].astype(jnp.int32)
    batch_row = batch.astype(jnp.int32).reshape(1, _N)
    wout_pad = jnp.pad(Wout, ((0, 0), (0, _HH - 2)))
    bout_pad = jnp.pad(bout.reshape(1, 2), ((0, 0), (0, _HH - 2)))

    h = x_embeddings
    (deg,) = _sc_deg(dst)
    for Wm, bm, Wu, bu in [(Wm0, bm0, Wu0, bu0),
                           (Wm1, bm1, Wu1, bu1),
                           (Wm2, bm2, Wu2, bu2)]:
        T = _proj(h, Wm)
        Q = _qproj(edge_features, Wm, bm.reshape(1, _H))
        (agg_cat,) = _sc_edge(src, dst, T, Q)
        h = _update(h, agg_cat, deg, Wu, bu.reshape(1, _H))

    out = _pool(h, batch_row, wout_pad, bout_pad)
    return out[:, :2]

# --- scband reference (transcript-rebuilt; emitter-appended) ---
"""Pipeline reference for scband-ego-protein-gnn-26731876451147 (READ-ONLY COPY).

The authoritative reference and input builder live on the scoring server;
editing this copy changes nothing except your own understanding.
"""

import jax, jax.numpy as jnp
import numpy as np

N = 10000
E = 160000
D = 256
DE = 16
H = 256
G = 64


def setup_inputs(seed: int = 0) -> dict:
    key = jax.random.key(seed)
    ks = jax.random.split(key, 32)
    inp = {}
    inp['x_embeddings'] = jax.random.normal(ks[0], (N, D), dtype=jnp.float32)
    inp['edge_index'] = jax.random.randint(ks[1], (2, E), 0, N, dtype=jnp.int64)
    inp['edge_features'] = jax.random.normal(ks[2], (E, DE), dtype=jnp.float32)
    inp['batch'] = jnp.sort(jax.random.randint(ks[3], (N,), 0, G, dtype=jnp.int64))
    # MPNN layer params: layer l has message MLP W_m: [2*in+DE, H], update MLP W_u: [in+H, H]
    dims_in = [D, H, H]
    ki = 4
    for l, din in enumerate(dims_in):
        fm = 2 * din + DE
        inp[f'Wm{l}'] = jax.random.normal(ks[ki], (fm, H), dtype=jnp.float32) * (1.0 / np.sqrt(fm)); ki += 1
        inp[f'bm{l}'] = jnp.zeros((H,), dtype=jnp.float32)
        fu = din + H
        inp[f'Wu{l}'] = jax.random.normal(ks[ki], (fu, H), dtype=jnp.float32) * (1.0 / np.sqrt(fu)); ki += 1
        inp[f'bu{l}'] = jnp.zeros((H,), dtype=jnp.float32)
    inp['Wout'] = jax.random.normal(ks[ki], (H, 2), dtype=jnp.float32) * (1.0 / np.sqrt(H))
    inp['bout'] = jnp.zeros((2,), dtype=jnp.float32)
    return inp


def _mpnn_layer(x, src, dst, e, Wm, bm, Wu, bu):
    m_in = jnp.concatenate([x[src], x[dst], e], axis=-1)
    m = jax.nn.relu(m_in @ Wm + bm)
    agg = jax.ops.segment_sum(m, dst, num_segments=x.shape[0])
    deg = jax.ops.segment_sum(jnp.ones((dst.shape[0], 1), x.dtype), dst, num_segments=x.shape[0])
    agg = agg / jnp.maximum(deg, 1.0)
    h = jax.nn.relu(jnp.concatenate([x, agg], axis=-1) @ Wu + bu)
    return h


def reference(x_embeddings, edge_index, edge_features, batch,
              Wm0, bm0, Wu0, bu0, Wm1, bm1, Wu1, bu1, Wm2, bm2, Wu2, bu2,
              Wout, bout):
    src, dst = edge_index[0], edge_index[1]
    h = x_embeddings
    h = _mpnn_layer(h, src, dst, edge_features, Wm0, bm0, Wu0, bu0)
    h = _mpnn_layer(h, src, dst, edge_features, Wm1, bm1, Wu1, bu1)
    h = _mpnn_layer(h, src, dst, edge_features, Wm2, bm2, Wu2, bu2)
    # global_mean_pool over ego-graphs
    sums = jax.ops.segment_sum(h, batch, num_segments=G)
    cnt = jax.ops.segment_sum(jnp.ones((h.shape[0], 1), h.dtype), batch, num_segments=G)
    graph_embedding = sums / jnp.maximum(cnt, 1.0)
    logits = graph_embedding @ Wout + bout
    return logits

if __name__ == "__main__":
    import jax
    _d = setup_inputs()
    print(jax.jit(kernel)(*tuple(_d.values())))

</pallas_src>

<mosaic_0001>
#map = affine_map<(d0, d1) -> (0)>
#map1 = affine_map<(d0, d1) -> (0, 0)>
module attributes {stable_mosaic.version = 14 : i64} {
  func.func @body(%arg0: i32, %arg1: i32, %arg2: memref<160000xi32, #tpu.memory_space<hbm>>, %arg3: memref<160000xi32, #tpu.memory_space<hbm>>, %arg4: memref<40000x128xf32, #tpu.memory_space<hbm>>, %arg5: memref<320000x128xf32, #tpu.memory_space<hbm>>, %arg6: memref<20480x128xf32, #tpu.memory_space<hbm>>, %arg7: memref<10240x128xf32, #tpu.memory_space<vmem_shared>>, %arg8: memref<80xi32, #tpu.memory_space<vmem>>, %arg9: memref<80xi32, #tpu.memory_space<vmem>>, %arg10: memref<80xi32, #tpu.memory_space<vmem>>, %arg11: memref<80xi32, #tpu.memory_space<vmem>>, %arg12: memref<80x128xf32, #tpu.memory_space<vmem>>, %arg13: memref<80x128xf32, #tpu.memory_space<vmem>>, %arg14: memref<80x128xf32, #tpu.memory_space<vmem>>, %arg15: memref<!tpu.dma_semaphore, #tpu.memory_space<semaphore_mem>>, %arg16: memref<!tpu.dma_semaphore, #tpu.memory_space<semaphore_mem>>) attributes {dimension_semantics = [#tpu.dimension_semantics<core_parallel>, #tpu.dimension_semantics<subcore_parallel>], iteration_bounds = array<i64: 2, 16>, scalar_prefetch = 0 : i64, scratch_operands = 10 : i64, tpu.core_type = #tpu.core_type<sc_vector_subcore>, window_params = [{transform_indices = #map}, {transform_indices = #map}, {transform_indices = #map1}, {transform_indices = #map1}, {transform_indices = #map1}]} {
    %broadcast_in_dim3A = arith.constant 0.000000e+00 : f32
    %broadcast_in_dim3A_0 = vector.broadcast %broadcast_in_dim3A : f32 to vector<16xf32>
    %scan3A = arith.constant 0 : i32
    %scan3A_1 = arith.constant 0 : i32
    %scan3A_2 = arith.constant 80 : i32
    %scan3A_3 = arith.addi %scan3A_1, %scan3A_2 : i32
    %scan3A_4 = arith.constant 1 : i32
    %scan3A_5 = scf.for %scan3A_36 = %scan3A_1 to %scan3A_3 step %scan3A_4 iter_args(%scan3A_37 = %scan3A) -> (i32)  : i32 {
      %swap3A = arith.index_cast %scan3A_36 : i32 to index
      %swap3A_38 = arith.constant 0 : index
      %swap3A_39 = tpu.vector_load %arg12[%swap3A, %swap3A_38] {strides = array<i32>} : memref<80x128xf32, #tpu.memory_space<vmem>>, vector<1x16xf32>,
      %swap3A_40 = vector.shape_cast %swap3A_39 : vector<1x16xf32> to vector<16xf32>
      %swap3A_41 = vector.shape_cast %broadcast_in_dim3A_0 : vector<16xf32> to vector<1x16xf32>
      tpu.vector_store %arg12[%swap3A, %swap3A_38], %swap3A_41 {strides = array<i32>} : memref<80x128xf32, #tpu.memory_space<vmem>>, vector<1x16xf32>,
      %swap3A_42 = arith.index_cast %scan3A_36 : i32 to index
      %swap3A_43 = arith.constant 16 : index
      %swap3A_44 = tpu.vector_load %arg12[%swap3A_42, %swap3A_43] {strides = array<i32>} : memref<80x128xf32, #tpu.memory_space<vmem>>, vector<1x16xf32>,
      %swap3A_45 = vector.shape_cast %swap3A_44 : vector<1x16xf32> to vector<16xf32>
      %swap3A_46 = vector.shape_cast %broadcast_in_dim3A_0 : vector<16xf32> to vector<1x16xf32>
      tpu.vector_store %arg12[%swap3A_42, %swap3A_43], %swap3A_46 {strides = array<i32>} : memref<80x128xf32, #tpu.memory_space<vmem>>, vector<1x16xf32>,
      %swap3A_47 = arith.index_cast %scan3A_36 : i32 to index
      %swap3A_48 = arith.constant 32 : index
      %swap3A_49 = tpu.vector_load %arg12[%swap3A_47, %swap3A_48] {strides = array<i32>} : memref<80x128xf32, #tpu.memory_space<vmem>>, vector<1x16xf32>,
      %swap3A_50 = vector.shape_cast %swap3A_49 : vector<1x16xf32> to vector<16xf32>
      %swap3A_51 = vector.shape_cast %broadcast_in_dim3A_0 : vector<16xf32> to vector<1x16xf32>
      tpu.vector_store %arg12[%swap3A_47, %swap3A_48], %swap3A_51 {strides = array<i32>} : memref<80x128xf32, #tpu.memory_space<vmem>>, vector<1x16xf32>,
      %swap3A_52 = arith.index_cast %scan3A_36 : i32 to index
      %swap3A_53 = arith.constant 48 : index
      %swap3A_54 = tpu.vector_load %arg12[%swap3A_52, %swap3A_53] {strides = array<i32>} : memref<80x128xf32, #tpu.memory_space<vmem>>, vector<1x16xf32>,
      %swap3A_55 = vector.shape_cast %swap3A_54 : vector<1x16xf32> to vector<16xf32>
      %swap3A_56 = vector.shape_cast %broadcast_in_dim3A_0 : vector<16xf32> to vector<1x16xf32>
      tpu.vector_store %arg12[%swap3A_52, %swap3A_53], %swap3A_56 {strides = array<i32>} : memref<80x128xf32, #tpu.memory_space<vmem>>, vector<1x16xf32>,
      %swap3A_57 = arith.index_cast %scan3A_36 : i32 to index
      %swap3A_58 = arith.constant 64 : index
      %swap3A_59 = tpu.vector_load %arg12[%swap3A_57, %swap3A_58] {strides = array<i32>} : memref<80x128xf32, #tpu.memory_space<vmem>>, vector<1x16xf32>,
      %swap3A_60 = vector.shape_cast %swap3A_59 : vector<1x16xf32> to vector<16xf32>
      %swap3A_61 = vector.shape_cast %broadcast_in_dim3A_0 : vector<16xf32> to vector<1x16xf32>
      tpu.vector_store %arg12[%swap3A_57, %swap3A_58], %swap3A_61 {strides = array<i32>} : memref<80x128xf32, #tpu.memory_space<vmem>>, vector<1x16xf32>,
      %swap3A_62 = arith.index_cast %scan3A_36 : i32 to index
      %swap3A_63 = arith.constant 80 : index
      %swap3A_64 = tpu.vector_load %arg12[%swap3A_62, %swap3A_63] {strides = array<i32>} : memref<80x128xf32, #tpu.memory_space<vmem>>, vector<1x16xf32>,
      %swap3A_65 = vector.shape_cast %swap3A_64 : vector<1x16xf32> to vector<16xf32>
      %swap3A_66 = vector.shape_cast %broadcast_in_dim3A_0 : vector<16xf32> to vector<1x16xf32>
      tpu.vector_store %arg12[%swap3A_62, %swap3A_63], %swap3A_66 {strides = array<i32>} : memref<80x128xf32, #tpu.memory_space<vmem>>, vector<1x16xf32>,
      %swap3A_67 = arith.index_cast %scan3A_36 : i32 to index
      %swap3A_68 = arith.constant 96 : index
      %swap3A_69 = tpu.vector_load %arg12[%swap3A_67, %swap3A_68] {strides = array<i32>} : memref<80x128xf32, #tpu.memory_space<vmem>>, vector<1x16xf32>,
      %swap3A_70 = vector.shape_cast %swap3A_69 : vector<1x16xf32> to vector<16xf32>
      %swap3A_71 = vector.shape_cast %broadcast_in_dim3A_0 : vector<16xf32> to vector<1x16xf32>
      tpu.vector_store %arg12[%swap3A_67, %swap3A_68], %swap3A_71 {strides = array<i32>} : memref<80x128xf32, #tpu.memory_space<vmem>>, vector<1x16xf32>,
      %swap3A_72 = arith.index_cast %scan3A_36 : i32 to index
      %swap3A_73 = arith.constant 112 : index
      %swap3A_74 = tpu.vector_load %arg12[%swap3A_72, %swap3A_73] {strides = array<i32>} : memref<80x128xf32, #tpu.memory_space<vmem>>, vector<1x16xf32>,
      %swap3A_75 = vector.shape_cast %swap3A_74 : vector<1x16xf32> to vector<16xf32>
      %swap3A_76 = vector.shape_cast %broadcast_in_dim3A_0 : vector<16xf32> to vector<1x16xf32>
      tpu.vector_store %arg12[%swap3A_72, %swap3A_73], %swap3A_76 {strides = array<i32>} : memref<80x128xf32, #tpu.memory_space<vmem>>, vector<1x16xf32>,
      %scan3A_77 = arith.constant 0 : i32
      scf.yield %scan3A_77 : i32
    }
    %scan3A_6 = arith.constant 80 : i32
    %mul3A = arith.constant 640 : i32
    %mul3A_7 = arith.muli %arg1, %mul3A : i32
    %scan3A_8 = arith.constant 0 : i32
    %scan3A_9 = arith.constant 0 : i32
    %scan3A_10 = arith.constant 8 : i32
    %scan3A_11 = arith.addi %scan3A_9, %scan3A_10 : i32
    %scan3A_12 = arith.constant 1 : i32
    %scan3A_13 = scf.for %scan3A_36 = %scan3A_9 to %scan3A_11 step %scan3A_12 iter_args(%scan3A_37 = %scan3A_8) -> (i32)  : i32 {
      %mul3A_38 = arith.constant 80 : i32
      %mul3A_39 = arith.muli %scan3A_36, %mul3A_38 : i32
      %add3A_40 = arith.addi %mul3A_7, %mul3A_39 : i32
      "tpu.region"() ({
        %run_scoped3A = tpu.sem_alloc : memref<!tpu.dma_semaphore, #tpu.memory_space<semaphore_mem>>
        %dma_start3A = arith.constant 0 : i32
        %dma_start3A_42 = tpu.memref_slice %arg7[%add3A_40, %dma_start3A] : memref<10240x128xf32, #tpu.memory_space<vmem_shared>> -> memref<80x128xf32, #tpu.memory_space<vmem_shared>>
        %dma_start3A_43 = arith.constant 0 : i32
        %dma_start3A_44 = tpu.memref_slice %arg7[%add3A_40, %dma_start3A_43] : memref<10240x128xf32, #tpu.memory_space<vmem_shared>> -> memref<80x128xf32, #tpu.memory_space<vmem_shared>>
        tpu.enqueue_dma source(%arg12 : memref<80x128xf32, #tpu.memory_space<vmem>>) target(%dma_start3A_44 : memref<80x128xf32, #tpu.memory_space<vmem_shared>>) target_semaphore(%run_scoped3A : memref<!tpu.dma_semaphore, #tpu.memory_space<semaphore_mem>>)
        %dma_wait3A = arith.constant 0 : i32
        %dma_wait3A_45 = tpu.memref_slice %arg7[%add3A_40, %dma_wait3A] : memref<10240x128xf32, #tpu.memory_space<vmem_shared>> -> memref<80x128xf32, #tpu.memory_space<vmem_shared>>
        %dma_wait3A_46 = arith.constant 0 : i32
        %dma_wait3A_47 = tpu.memref_slice %arg7[%add3A_40, %dma_wait3A_46] : memref<10240x128xf32, #tpu.memory_space<vmem_shared>> -> memref<80x128xf32, #tpu.memory_space<vmem_shared>>
        tpu.wait_dma2 semaphore(%run_scoped3A : memref<!tpu.dma_semaphore, #tpu.memory_space<semaphore_mem>>) src(%arg12 : memref<80x128xf32, #tpu.memory_space<vmem>>) dst(%dma_wait3A_47 : memref<80x128xf32, #tpu.memory_space<vmem_shared>>)
        tpu.yield
      }) : () -> ()
      %scan3A_41 = arith.constant 0 : i32
      scf.yield %scan3A_41 : i32
    }
    %scan3A_14 = arith.constant 8 : i32
    %barrier3A = arith.constant 0 : index
    tpu.barrier barrier_id(%barrier3A)
    %mul3A_15 = arith.constant 10000 : i32
    %mul3A_16 = arith.muli %arg1, %mul3A_15 : i32
    %mul3A_17 = arith.constant 2 : i32
    %mul3A_18 = arith.muli %mul3A_17, %arg0 : i32
    %mul3A_19 = arith.constant 10000 : i32
    %mul3A_20 = arith.muli %mul3A_18, %mul3A_19 : i32
    %add3A = arith.constant 10000 : i32
    %add3A_21 = arith.addi %mul3A_20, %add3A : i32
    %mul3A_22 = arith.constant 160000 : i32
    %mul3A_23 = arith.muli %arg0, %mul3A_22 : i32
    %add3A_24 = arith.addi %mul3A_23, %mul3A_16 : i32
    %scan3A_25 = arith.constant 0 : i32
    %scan3A_26 = arith.constant 0 : i32
    %scan3A_27 = arith.constant 125 : i32
    %scan3A_28 = arith.addi %scan3A_26, %scan3A_27 : i32
    %scan3A_29 = arith.constant 1 : i32
    %scan3A_30 = scf.for %scan3A_36 = %scan3A_26 to %scan3A_28 step %scan3A_29 iter_args(%scan3A_37 = %scan3A_25) -> (i32)  : i32 {
      %mul3A_38 = arith.constant 80 : i32
      %mul3A_39 = arith.muli %scan3A_36, %mul3A_38 : i32
      %add3A_40 = arith.addi %mul3A_16, %mul3A_39 : i32
      "tpu.region"() ({
        %run_scoped3A = tpu.sem_alloc : memref<!tpu.dma_semaphore, #tpu.memory_space<semaphore_mem>>
        %dma_start3A_150 = tpu.memref_slice %arg2[%add3A_40] : memref<160000xi32, #tpu.memory_space<hbm>> -> memref<80xi32, #tpu.memory_space<hbm>>
        %dma_start3A_151 = tpu.memref_slice %arg2[%add3A_40] : memref<160000xi32, #tpu.memory_space<hbm>> -> memref<80xi32, #tpu.memory_space<hbm>>
        tpu.enqueue_dma source(%dma_start3A_151 : memref<80xi32, #tpu.memory_space<hbm>>) target(%arg8 : memref<80xi32, #tpu.memory_space<vmem>>) target_semaphore(%run_scoped3A : memref<!tpu.dma_semaphore, #tpu.memory_space<semaphore_mem>>)
        %dma_wait3A_152 = tpu.memref_slice %arg2[%add3A_40] : memref<160000xi32, #tpu.memory_space<hbm>> -> memref<80xi32, #tpu.memory_space<hbm>>
        %dma_wait3A_153 = tpu.memref_slice %arg2[%add3A_40] : memref<160000xi32, #tpu.memory_space<hbm>> -> memref<80xi32, #tpu.memory_space<hbm>>
        tpu.wait_dma2 semaphore(%run_scoped3A : memref<!tpu.dma_semaphore, #tpu.memory_space<semaphore_mem>>) src(%dma_wait3A_153 : memref<80xi32, #tpu.memory_space<hbm>>) dst(%arg8 : memref<80xi32, #tpu.memory_space<vmem>>)
        tpu.yield
      }) : () -> ()
      "tpu.region"() ({
        %run_scoped3A = tpu.sem_alloc : memref<!tpu.dma_semaphore, #tpu.memory_space<semaphore_mem>>
        %dma_start3A_150 = tpu.memref_slice %arg3[%add3A_40] : memref<160000xi32, #tpu.memory_space<hbm>> -> memref<80xi32, #tpu.memory_space<hbm>>
        %dma_start3A_151 = tpu.memref_slice %arg3[%add3A_40] : memref<160000xi32, #tpu.memory_space<hbm>> -> memref<80xi32, #tpu.memory_space<hbm>>
        tpu.enqueue_dma source(%dma_start3A_151 : memref<80xi32, #tpu.memory_space<hbm>>) target(%arg9 : memref<80xi32, #tpu.memory_space<vmem>>) target_semaphore(%run_scoped3A : memref<!tpu.dma_semaphore, #tpu.memory_space<semaphore_mem>>)
        %dma_wait3A_152 = tpu.memref_slice %arg3[%add3A_40] : memref<160000xi32, #tpu.memory_space<hbm>> -> memref<80xi32, #tpu.memory_space<hbm>>
        %dma_wait3A_153 = tpu.memref_slice %arg3[%add3A_40] : memref<160000xi32, #tpu.memory_space<hbm>> -> memref<80xi32, #tpu.memory_space<hbm>>
        tpu.wait_dma2 semaphore(%run_scoped3A : memref<!tpu.dma_semaphore, #tpu.memory_space<semaphore_mem>>) src(%dma_wait3A_153 : memref<80xi32, #tpu.memory_space<hbm>>) dst(%arg9 : memref<80xi32, #tpu.memory_space<vmem>>)
        tpu.yield
      }) : () -> ()
      %get3A = arith.constant 0 : index
      %get3A_41 = tpu.vector_load %arg8[%get3A] {strides = array<i32>} : memref<80xi32, #tpu.memory_space<vmem>>, vector<16xi32>,
      %get3A_42 = vector.shape_cast %get3A_41 : vector<16xi32> to vector<16xi32>
      %add3A_43 = vector.broadcast %mul3A_20 : i32 to vector<16xi32>
      %add3A_44 = arith.addi %get3A_42, %add3A_43 : vector<16xi32>
      %swap3A = arith.constant 0 : index
      %swap3A_45 = tpu.vector_load %arg10[%swap3A] {strides = array<i32>} : memref<80xi32, #tpu.memory_space<vmem>>, vector<16xi32>,
      %swap3A_46 = vector.shape_cast %swap3A_45 : vector<16xi32> to vector<16xi32>
      %swap3A_47 = vector.shape_cast %add3A_44 : vector<16xi32> to vector<16xi32>
      tpu.vector_store %arg10[%swap3A], %swap3A_47 {strides = array<i32>} : memref<80xi32, #tpu.memory_space<vmem>>, vector<16xi32>,
      %get3A_48 = arith.constant 0 : index
      %get3A_49 = tpu.vector_load %arg9[%get3A_48] {strides = array<i32>} : memref<80xi32, #tpu.memory_space<vmem>>, vector<16xi32>,
      %get3A_50 = vector.shape_cast %get3A_49 : vector<16xi32> to vector<16xi32>
      %add3A_51 = vector.broadcast %add3A_21 : i32 to vector<16xi32>
      %add3A_52 = arith.addi %get3A_50, %add3A_51 : vector<16xi32>
      %swap3A_53 = arith.constant 0 : index
      %swap3A_54 = tpu.vector_load %arg11[%swap3A_53] {strides = array<i32>} : memref<80xi32, #tpu.memory_space<vmem>>, vector<16xi32>,
      %swap3A_55 = vector.shape_cast %swap3A_54 : vector<16xi32> to vector<16xi32>
      %swap3A_56 = vector.shape_cast %add3A_52 : vector<16xi32> to vector<16xi32>
      tpu.vector_store %arg11[%swap3A_53], %swap3A_56 {strides = array<i32>} : memref<80xi32, #tpu.memory_space<vmem>>, vector<16xi32>,
      %get3A_57 = arith.constant 16 : index
      %get3A_58 = tpu.vector_load %arg8[%get3A_57] {strides = array<i32>} : memref<80xi32, #tpu.memory_space<vmem>>, vector<16xi32>,
      %get3A_59 = vector.shape_cast %get3A_58 : vector<16xi32> to vector<16xi32>
      %add3A_60 = vector.broadcast %mul3A_20 : i32 to vector<16xi32>
      %add3A_61 = arith.addi %get3A_59, %add3A_60 : vector<16xi32>
      %swap3A_62 = arith.constant 16 : index
      %swap3A_63 = tpu.vector_load %arg10[%swap3A_62] {strides = array<i32>} : memref<80xi32, #tpu.memory_space<vmem>>, vector<16xi32>,
      %swap3A_64 = vector.shape_cast %swap3A_63 : vector<16xi32> to vector<16xi32>
      %swap3A_65 = vector.shape_cast %add3A_61 : vector<16xi32> to vector<16xi32>
      tpu.vector_store %arg10[%swap3A_62], %swap3A_65 {strides = array<i32>} : memref<80xi32, #tpu.memory_space<vmem>>, vector<16xi32>,
      %get3A_66 = arith.constant 16 : index
      %get3A_67 = tpu.vector_load %arg9[%get3A_66] {strides = array<i32>} : memref<80xi32, #tpu.memory_space<vmem>>, vector<16xi32>,
      %get3A_68 = vector.shape_cast %get3A_67 : vector<16xi32> to vector<16xi32>
      %add3A_69 = vector.broadcast %add3A_21 : i32 to vector<16xi32>
      %add3A_70 = arith.addi %get3A_68, %add3A_69 : vector<16xi32>
      %swap3A_71 = arith.constant 16 : index
      %swap3A_72 = tpu.vector_load %arg11[%swap3A_71] {strides = array<i32>} : memref<80xi32, #tpu.memory_space<vmem>>, vector<16xi32>,
      %swap3A_73 = vector.shape_cast %swap3A_72 : vector<16xi32> to vector<16xi32>
      %swap3A_74 = vector.shape_cast %add3A_70 : vector<16xi32> to vector<16xi32>
      tpu.vector_store %arg11[%swap3A_71], %swap3A_74 {strides = array<i32>} : memref<80xi32, #tpu.memory_space<vmem>>, vector<16xi32>,
      %get3A_75 = arith.constant 32 : index
      %get3A_76 = tpu.vector_load %arg8[%get3A_75] {strides = array<i32>} : memref<80xi32, #tpu.memory_space<vmem>>, vector<16xi32>,
      %get3A_77 = vector.shape_cast %get3A_76 : vector<16xi32> to vector<16xi32>
      %add3A_78 = vector.broadcast %mul3A_20 : i32 to vector<16xi32>
      %add3A_79 = arith.addi %get3A_77, %add3A_78 : vector<16xi32>
      %swap3A_80 = arith.constant 32 : index
      %swap3A_81 = tpu.vector_load %arg10[%swap3A_80] {strides = array<i32>} : memref<80xi32, #tpu.memory_space<vmem>>, vector<16xi32>,
      %swap3A_82 = vector.shape_cast %swap3A_81 : vector<16xi32> to vector<16xi32>
      %swap3A_83 = vector.shape_cast %add3A_79 : vector<16xi32> to vector<16xi32>
      tpu.vector_store %arg10[%swap3A_80], %swap3A_83 {strides = array<i32>} : memref<80xi32, #tpu.memory_space<vmem>>, vector<16xi32>,
      %get3A_84 = arith.constant 32 : index
      %get3A_85 = tpu.vector_load %arg9[%get3A_84] {strides = array<i32>} : memref<80xi32, #tpu.memory_space<vmem>>, vector<16xi32>,
      %get3A_86 = vector.shape_cast %get3A_85 : vector<16xi32> to vector<16xi32>
      %add3A_87 = vector.broadcast %add3A_21 : i32 to vector<16xi32>
      %add3A_88 = arith.addi %get3A_86, %add3A_87 : vector<16xi32>
      %swap3A_89 = arith.constant 32 : index
      %swap3A_90 = tpu.vector_load %arg11[%swap3A_89] {strides = array<i32>} : memref<80xi32, #tpu.memory_space<vmem>>, vector<16xi32>,
      %swap3A_91 = vector.shape_cast %swap3A_90 : vector<16xi32> to vector<16xi32>
      %swap3A_92 = vector.shape_cast %add3A_88 : vector<16xi32> to vector<16xi32>
      tpu.vector_store %arg11[%swap3A_89], %swap3A_92 {strides = array<i32>} : memref<80xi32, #tpu.memory_space<vmem>>, vector<16xi32>,
      %get3A_93 = arith.constant 48 : index
      %get3A_94 = tpu.vector_load %arg8[%get3A_93] {strides = array<i32>} : memref<80xi32, #tpu.memory_space<vmem>>, vector<16xi32>,
      %get3A_95 = vector.shape_cast %get3A_94 : vector<16xi32> to vector<16xi32>
      %add3A_96 = vector.broadcast %mul3A_20 : i32 to vector<16xi32>
      %add3A_97 = arith.addi %get3A_95, %add3A_96 : vector<16xi32>
      %swap3A_98 = arith.constant 48 : index
      %swap3A_99 = tpu.vector_load %arg10[%swap3A_98] {strides = array<i32>} : memref<80xi32, #tpu.memory_space<vmem>>, vector<16xi32>,
      %swap3A_100 = vector.shape_cast %swap3A_99 : vector<16xi32> to vector<16xi32>
      %swap3A_101 = vector.shape_cast %add3A_97 : vector<16xi32> to vector<16xi32>
      tpu.vector_store %arg10[%swap3A_98], %swap3A_101 {strides = array<i32>} : memref<80xi32, #tpu.memory_space<vmem>>, vector<16xi32>,
      %get3A_102 = arith.constant 48 : index
      %get3A_103 = tpu.vector_load %arg9[%get3A_102] {strides = array<i32>} : memref<80xi32, #tpu.memory_space<vmem>>, vector<16xi32>,
      %get3A_104 = vector.shape_cast %get3A_103 : vector<16xi32> to vector<16xi32>
      %add3A_105 = vector.broadcast %add3A_21 : i32 to vector<16xi32>
      %add3A_106 = arith.addi %get3A_104, %add3A_105 : vector<16xi32>
      %swap3A_107 = arith.constant 48 : index
      %swap3A_108 = tpu.vector_load %arg11[%swap3A_107] {strides = array<i32>} : memref<80xi32, #tpu.memory_space<vmem>>, vector<16xi32>,
      %swap3A_109 = vector.shape_cast %swap3A_108 : vector<16xi32> to vector<16xi32>
      %swap3A_110 = vector.shape_cast %add3A_106 : vector<16xi32> to vector<16xi32>
      tpu.vector_store %arg11[%swap3A_107], %swap3A_110 {strides = array<i32>} : memref<80xi32, #tpu.memory_space<vmem>>, vector<16xi32>,
      %get3A_111 = arith.constant 64 : index
      %get3A_112 = tpu.vector_load %arg8[%get3A_111] {strides = array<i32>} : memref<80xi32, #tpu.memory_space<vmem>>, vector<16xi32>,
      %get3A_113 = vector.shape_cast %get3A_112 : vector<16xi32> to vector<16xi32>
      %add3A_114 = vector.broadcast %mul3A_20 : i32 to vector<16xi32>
      %add3A_115 = arith.addi %get3A_113, %add3A_114 : vector<16xi32>
      %swap3A_116 = arith.constant 64 : index
      %swap3A_117 = tpu.vector_load %arg10[%swap3A_116] {strides = array<i32>} : memref<80xi32, #tpu.memory_space<vmem>>, vector<16xi32>,
      %swap3A_118 = vector.shape_cast %swap3A_117 : vector<16xi32> to vector<16xi32>
      %swap3A_119 = vector.shape_cast %add3A_115 : vector<16xi32> to vector<16xi32>
      tpu.vector_store %arg10[%swap3A_116], %swap3A_119 {strides = array<i32>} : memref<80xi32, #tpu.memory_space<vmem>>, vector<16xi32>,
      %get3A_120 = arith.constant 64 : index
      %get3A_121 = tpu.vector_load %arg9[%get3A_120] {strides = array<i32>} : memref<80xi32, #tpu.memory_space<vmem>>, vector<16xi32>,
      %get3A_122 = vector.shape_cast %get3A_121 : vector<16xi32> to vector<16xi32>
      %add3A_123 = vector.broadcast %add3A_21 : i32 to vector<16xi32>
      %add3A_124 = arith.addi %get3A_122, %add3A_123 : vector<16xi32>
      %swap3A_125 = arith.constant 64 : index
      %swap3A_126 = tpu.vector_load %arg11[%swap3A_125] {strides = array<i32>} : memref<80xi32, #tpu.memory_space<vmem>>, vector<16xi32>,
      %swap3A_127 = vector.shape_cast %swap3A_126 : vector<16xi32> to vector<16xi32>
      %swap3A_128 = vector.shape_cast %add3A_124 : vector<16xi32> to vector<16xi32>
      tpu.vector_store %arg11[%swap3A_125], %swap3A_128 {strides = array<i32>} : memref<80xi32, #tpu.memory_space<vmem>>, vector<16xi32>,
      %dma_start3A = arith.constant 0 : i32
      %dma_start3A_129 = arith.constant 0 : i32
      %dma_start3A_130 = tpu.memref_slice %arg4[%dma_start3A, %dma_start3A_129] : memref<40000x128xf32, #tpu.memory_space<hbm>> -> memref<40000x128xf32, #tpu.memory_space<hbm>>
      tpu.enqueue_indirect_dma source(%dma_start3A_130 : memref<40000x128xf32, #tpu.memory_space<hbm>>) target(%arg12 : memref<80x128xf32, #tpu.memory_space<vmem>>) offsets(%arg10 : memref<80xi32, #tpu.memory_space<vmem>>) semaphore(%arg15 : memref<!tpu.dma_semaphore, #tpu.memory_space<semaphore_mem>>)
      %dma_start3A_131 = arith.constant 0 : i32
      %dma_start3A_132 = arith.constant 0 : i32
      %dma_start3A_133 = tpu.memref_slice %arg4[%dma_start3A_131, %dma_start3A_132] : memref<40000x128xf32, #tpu.memory_space<hbm>> -> memref<40000x128xf32, #tpu.memory_space<hbm>>
      tpu.enqueue_indirect_dma source(%dma_start3A_133 : memref<40000x128xf32, #tpu.memory_space<hbm>>) target(%arg13 : memref<80x128xf32, #tpu.memory_space<vmem>>) offsets(%arg11 : memref<80xi32, #tpu.memory_space<vmem>>) semaphore(%arg16 : memref<!tpu.dma_semaphore, #tpu.memory_space<semaphore_mem>>)
      %mul3A_134 = arith.constant 80 : i32
      %mul3A_135 = arith.muli %scan3A_36, %mul3A_134 : i32
      %add3A_136 = arith.addi %add3A_24, %mul3A_135 : i32
      "tpu.region"() ({
        %run_scoped3A = tpu.sem_alloc : memref<!tpu.dma_semaphore, #tpu.memory_space<semaphore_mem>>
        %dma_start3A_150 = arith.constant 0 : i32
        %dma_start3A_151 = tpu.memref_slice %arg5[%add3A_136, %dma_start3A_150] : memref<320000x128xf32, #tpu.memory_space<hbm>> -> memref<80x128xf32, #tpu.memory_space<hbm>>
        %dma_start3A_152 = arith.constant 0 : i32
        %dma_start3A_153 = tpu.memref_slice %arg5[%add3A_136, %dma_start3A_152] : memref<320000x128xf32, #tpu.memory_space<hbm>> -> memref<80x128xf32, #tpu.memory_space<hbm>>
        tpu.enqueue_dma source(%dma_start3A_153 : memref<80x128xf32, #tpu.memory_space<hbm>>) target(%arg14 : memref<80x128xf32, #tpu.memory_space<vmem>>) target_semaphore(%run_scoped3A : memref<!tpu.dma_semaphore, #tpu.memory_space<semaphore_mem>>)
        %dma_wait3A_154 = arith.constant 0 : i32
        %dma_wait3A_155 = tpu.memref_slice %arg5[%add3A_136, %dma_wait3A_154] : memref<320000x128xf32, #tpu.memory_space<hbm>> -> memref<80x128xf32, #tpu.memory_space<hbm>>
        %dma_wait3A_156 = arith.constant 0 : i32
        %dma_wait3A_157 = tpu.memref_slice %arg5[%add3A_136, %dma_wait3A_156] : memref<320000x128xf32, #tpu.memory_space<hbm>> -> memref<80x128xf32, #tpu.memory_space<hbm>>
        tpu.wait_dma2 semaphore(%run_scoped3A : memref<!tpu.dma_semaphore, #tpu.memory_space<semaphore_mem>>) src(%dma_wait3A_157 : memref<80x128xf32, #tpu.memory_space<hbm>>) dst(%arg14 : memref<80x128xf32, #tpu.memory_space<vmem>>)
        tpu.yield
      }) : () -> ()
      %dma_wait3A = arith.constant 0 : i32
      %dma_wait3A_137 = arith.constant 0 : i32
      %dma_wait3A_138 = tpu.memref_slice %arg4[%dma_wait3A, %dma_wait3A_137] : memref<40000x128xf32, #tpu.memory_space<hbm>> -> memref<40000x128xf32, #tpu.memory_space<hbm>>
      tpu.wait_indirect_dma semaphore(%arg15 : memref<!tpu.dma_semaphore, #tpu.memory_space<semaphore_mem>>) src(%dma_wait3A_138 : memref<40000x128xf32, #tpu.memory_space<hbm>>) dst(%arg12 : memref<80x128xf32, #tpu.memory_space<vmem>>)
      %dma_wait3A_139 = arith.constant 0 : i32
      %dma_wait3A_140 = arith.constant 0 : i32
      %dma_wait3A_141 = tpu.memref_slice %arg4[%dma_wait3A_139, %dma_wait3A_140] : memref<40000x128xf32, #tpu.memory_space<hbm>> -> memref<40000x128xf32, #tpu.memory_space<hbm>>
      tpu.wait_indirect_dma semaphore(%arg16 : memref<!tpu.dma_semaphore, #tpu.memory_space<semaphore_mem>>) src(%dma_wait3A_141 : memref<40000x128xf32, #tpu.memory_space<hbm>>) dst(%arg13 : memref<80x128xf32, #tpu.memory_space<vmem>>)
      %scan3A_142 = arith.constant 0 : i32
      %scan3A_143 = arith.constant 0 : i32
      %scan3A_144 = arith.constant 20 : i32
      %scan3A_145 = arith.addi %scan3A_143, %scan3A_144 : i32
      %scan3A_146 = arith.constant 1 : i32
      %scan3A_147 = scf.for %scan3A_150 = %scan3A_143 to %scan3A_145 step %scan3A_146 iter_args(%scan3A_151 = %scan3A_142) -> (i32)  : i32 {
        %mul3A_152 = arith.constant 4 : i32
        %mul3A_153 = arith.muli %scan3A_150, %mul3A_152 : i32
        %add3A_154 = arith.constant 0 : i32
        %add3A_155 = arith.addi %mul3A_153, %add3A_154 : i32
        %get3A_156 = arith.index_cast %add3A_155 : i32 to index
        %get3A_157 = arith.constant 0 : index
        %get3A_158 = tpu.vector_load %arg12[%get3A_156, %get3A_157] {strides = array<i32>} : memref<80x128xf32, #tpu.memory_space<vmem>>, vector<1x16xf32>,
        %get3A_159 = vector.shape_cast %get3A_158 : vector<1x16xf32> to vector<16xf32>
        %get3A_160 = arith.index_cast %add3A_155 : i32 to index
        %get3A_161 = arith.constant 0 : index
        %get3A_162 = tpu.vector_load %arg13[%get3A_160, %get3A_161] {strides = array<i32>} : memref<80x128xf32, #tpu.memory_space<vmem>>, vector<1x16xf32>,
        %get3A_163 = vector.shape_cast %get3A_162 : vector<1x16xf32> to vector<16xf32>
        %add3A_164 = arith.addf %get3A_159, %get3A_163 : vector<16xf32>
        %get3A_165 = arith.index_cast %add3A_155 : i32 to index
        %get3A_166 = arith.constant 0 : index
        %get3A_167 = tpu.vector_load %arg14[%get3A_165, %get3A_166] {strides = array<i32>} : memref<80x128xf32, #tpu.memory_space<vmem>>, vector<1x16xf32>,
        %get3A_168 = vector.shape_cast %get3A_167 : vector<1x16xf32> to vector<16xf32>
        %add3A_169 = arith.addf %add3A_164, %get3A_168 : vector<16xf32>
        %max3A = arith.constant 0.000000e+00 : f32
        %max3A_170 = vector.broadcast %max3A : f32 to vector<16xf32>
        %max3A_171 = arith.maximumf %add3A_169, %max3A_170 : vector<16xf32>
        %swap3A_172 = arith.index_cast %add3A_155 : i32 to index
        %swap3A_173 = arith.constant 0 : index
        %swap3A_174 = tpu.vector_load %arg12[%swap3A_172, %swap3A_173] {strides = array<i32>} : memref<80x128xf32, #tpu.memory_space<vmem>>, vector<1x16xf32>,
        %swap3A_175 = vector.shape_cast %swap3A_174 : vector<1x16xf32> to vector<16xf32>
        %swap3A_176 = vector.shape_cast %max3A_171 : vector<16xf32> to vector<1x16xf32>
        tpu.vector_store %arg12[%swap3A_172, %swap3A_173], %swap3A_176 {strides = array<i32>} : memref<80x128xf32, #tpu.memory_space<vmem>>, vector<1x16xf32>,
        %get3A_177 = arith.index_cast %add3A_155 : i32 to index
        %get3A_178 = arith.constant 16 : index
        %get3A_179 = tpu.vector_load %arg12[%get3A_177, %get3A_178] {strides = array<i32>} : memref<80x128xf32, #tpu.memory_space<vmem>>, vector<1x16xf32>,
        %get3A_180 = vector.shape_cast %get3A_179 : vector<1x16xf32> to vector<16xf32>
        %get3A_181 = arith.index_cast %add3A_155 : i32 to index
        %get3A_182 = arith.constant 16 : index
        %get3A_183 = tpu.vector_load %arg13[%get3A_181, %get3A_182] {strides = array<i32>} : memref<80x128xf32, #tpu.memory_space<vmem>>, vector<1x16xf32>,
        %get3A_184 = vector.shape_cast %get3A_183 : vector<1x16xf32> to vector<16xf32>
        %add3A_185 = arith.addf %get3A_180, %get3A_184 : vector<16xf32>
        %get3A_186 = arith.index_cast %add3A_155 : i32 to index
        %get3A_187 = arith.constant 16 : index
        %get3A_188 = tpu.vector_load %arg14[%get3A_186, %get3A_187] {strides = array<i32>} : memref<80x128xf32, #tpu.memory_space<vmem>>, vector<1x16xf32>,
        %get3A_189 = vector.shape_cast %get3A_188 : vector<1x16xf32> to vector<16xf32>
        %add3A_190 = arith.addf %add3A_185, %get3A_189 : vector<16xf32>
        %max3A_191 = arith.constant 0.000000e+00 : f32
        %max3A_192 = vector.broadcast %max3A_191 : f32 to vector<16xf32>
        %max3A_193 = arith.maximumf %add3A_190, %max3A_192 : vector<16xf32>
        %swap3A_194 = arith.index_cast %add3A_155 : i32 to index
        %swap3A_195 = arith.constant 16 : index
        %swap3A_196 = tpu.vector_load %arg12[%swap3A_194, %swap3A_195] {strides = array<i32>} : memref<80x128xf32, #tpu.memory_space<vmem>>, vector<1x16xf32>,
        %swap3A_197 = vector.shape_cast %swap3A_196 : vector<1x16xf32> to vector<16xf32>
        %swap3A_198 = vector.shape_cast %max3A_193 : vector<16xf32> to vector<1x16xf32>
        tpu.vector_store %arg12[%swap3A_194, %swap3A_195], %swap3A_198 {strides = array<i32>} : memref<80x128xf32, #tpu.memory_space<vmem>>, vector<1x16xf32>,
        %get3A_199 = arith.index_cast %add3A_155 : i32 to index
        %get3A_200 = arith.constant 32 : index
        %get3A_201 = tpu.vector_load %arg12[%get3A_199, %get3A_200] {strides = array<i32>} : memref<80x128xf32, #tpu.memory_space<vmem>>, vector<1x16xf32>,
        %get3A_202 = vector.shape_cast %get3A_201 : vector<1x16xf32> to vector<16xf32>
        %get3A_203 = arith.index_cast %add3A_155 : i32 to index
        %get3A_204 = arith.constant 32 : index
        %get3A_205 = tpu.vector_load %arg13[%get3A_203, %get3A_204] {strides = array<i32>} : memref<80x128xf32, #tpu.memory_space<vmem>>, vector<1x16xf32>,
        %get3A_206 = vector.shape_cast %get3A_205 : vector<1x16xf32> to vector<16xf32>
        %add3A_207 = arith.addf %get3A_202, %get3A_206 : vector<16xf32>
        %get3A_208 = arith.index_cast %add3A_155 : i32 to index
        %get3A_209 = arith.constant 32 : index
        %get3A_210 = tpu.vector_load %arg14[%get3A_208, %get3A_209] {strides = array<i32>} : memref<80x128xf32, #tpu.memory_space<vmem>>, vector<1x16xf32>,
        %get3A_211 = vector.shape_cast %get3A_210 : vector<1x16xf32> to vector<16xf32>
        %add3A_212 = arith.addf %add3A_207, %get3A_211 : vector<16xf32>
        %max3A_213 = arith.constant 0.000000e+00 : f32
        %max3A_214 = vector.broadcast %max3A_213 : f32 to vector<16xf32>
        %max3A_215 = arith.maximumf %add3A_212, %max3A_214 : vector<16xf32>
        %swap3A_216 = arith.index_cast %add3A_155 : i32 to index
        %swap3A_217 = arith.constant 32 : index
        %swap3A_218 = tpu.vector_load %arg12[%swap3A_216, %swap3A_217] {strides = array<i32>} : memref<80x128xf32, #tpu.memory_space<vmem>>, vector<1x16xf32>,
        %swap3A_219 = vector.shape_cast %swap3A_218 : vector<1x16xf32> to vector<16xf32>
        %swap3A_220 = vector.shape_cast %max3A_215 : vector<16xf32> to vector<1x16xf32>
        tpu.vector_store %arg12[%swap3A_216, %swap3A_217], %swap3A_220 {strides = array<i32>} : memref<80x128xf32, #tpu.memory_space<vmem>>, vector<1x16xf32>,
        %get3A_221 = arith.index_cast %add3A_155 : i32 to index
        %get3A_222 = arith.constant 48 : index
        %get3A_223 = tpu.vector_load %arg12[%get3A_221, %get3A_222] {strides = array<i32>} : memref<80x128xf32, #tpu.memory_space<vmem>>, vector<1x16xf32>,
        %get3A_224 = vector.shape_cast %get3A_223 : vector<1x16xf32> to vector<16xf32>
        %get3A_225 = arith.index_cast %add3A_155 : i32 to index
        %get3A_226 = arith.constant 48 : index
        %get3A_227 = tpu.vector_load %arg13[%get3A_225, %get3A_226] {strides = array<i32>} : memref<80x128xf32, #tpu.memory_space<vmem>>, vector<1x16xf32>,
        %get3A_228 = vector.shape_cast %get3A_227 : vector<1x16xf32> to vector<16xf32>
        %add3A_229 = arith.addf %get3A_224, %get3A_228 : vector<16xf32>
        %get3A_230 = arith.index_cast %add3A_155 : i32 to index
        %get3A_231 = arith.constant 48 : index
        %get3A_232 = tpu.vector_load %arg14[%get3A_230, %get3A_231] {strides = array<i32>} : memref<80x128xf32, #tpu.memory_space<vmem>>, vector<1x16xf32>,
        %get3A_233 = vector.shape_cast %get3A_232 : vector<1x16xf32> to vector<16xf32>
        %add3A_234 = arith.addf %add3A_229, %get3A_233 : vector<16xf32>
        %max3A_235 = arith.constant 0.000000e+00 : f32
        %max3A_236 = vector.broadcast %max3A_235 : f32 to vector<16xf32>
        %max3A_237 = arith.maximumf %add3A_234, %max3A_236 : vector<16xf32>
        %swap3A_238 = arith.index_cast %add3A_155 : i32 to index
        %swap3A_239 = arith.constant 48 : index
        %swap3A_240 = tpu.vector_load %arg12[%swap3A_238, %swap3A_239] {strides = array<i32>} : memref<80x128xf32, #tpu.memory_space<vmem>>, vector<1x16xf32>,
        %swap3A_241 = vector.shape_cast %swap3A_240 : vector<1x16xf32> to vector<16xf32>
        %swap3A_242 = vector.shape_cast %max3A_237 : vector<16xf32> to vector<1x16xf32>
        tpu.vector_store %arg12[%swap3A_238, %swap3A_239], %swap3A_242 {strides = array<i32>} : memref<80x128xf32, #tpu.memory_space<vmem>>, vector<1x16xf32>,
        %get3A_243 = arith.index_cast %add3A_155 : i32 to index
        %get3A_244 = arith.constant 64 : index
        %get3A_245 = tpu.vector_load %arg12[%get3A_243, %get3A_244] {strides = array<i32>} : memref<80x128xf32, #tpu.memory_space<vmem>>, vector<1x16xf32>,
        %get3A_246 = vector.shape_cast %get3A_245 : vector<1x16xf32> to vector<16xf32>
        %get3A_247 = arith.index_cast %add3A_155 : i32 to index
        %get3A_248 = arith.constant 64 : index
        %get3A_249 = tpu.vector_load %arg13[%get3A_247, %get3A_248] {strides = array<i32>} : memref<80x128xf32, #tpu.memory_space<vmem>>, vector<1x16xf32>,
        %get3A_250 = vector.shape_cast %get3A_249 : vector<1x16xf32> to vector<16xf32>
        %add3A_251 = arith.addf %get3A_246, %get3A_250 : vector<16xf32>
        %get3A_252 = arith.index_cast %add3A_155 : i32 to index
        %get3A_253 = arith.constant 64 : index
        %get3A_254 = tpu.vector_load %arg14[%get3A_252, %get3A_253] {strides = array<i32>} : memref<80x128xf32, #tpu.memory_space<vmem>>, vector<1x16xf32>,
        %get3A_255 = vector.shape_cast %get3A_254 : vector<1x16xf32> to vector<16xf32>
        %add3A_256 = arith.addf %add3A_251, %get3A_255 : vector<16xf32>
        %max3A_257 = arith.constant 0.000000e+00 : f32
        %max3A_258 = vector.broadcast %max3A_257 : f32 to vector<16xf32>
        %max3A_259 = arith.maximumf %add3A_256, %max3A_258 : vector<16xf32>
        %swap3A_260 = arith.index_cast %add3A_155 : i32 to index
        %swap3A_261 = arith.constant 64 : index
        %swap3A_262 = tpu.vector_load %arg12[%swap3A_260, %swap3A_261] {strides = array<i32>} : memref<80x128xf32, #tpu.memory_space<vmem>>, vector<1x16xf32>,
        %swap3A_263 = vector.shape_cast %swap3A_262 : vector<1x16xf32> to vector<16xf32>
        %swap3A_264 = vector.shape_cast %max3A_259 : vector<16xf32> to vector<1x16xf32>
        tpu.vector_store %arg12[%swap3A_260, %swap3A_261], %swap3A_264 {strides = array<i32>} : memref<80x128xf32, #tpu.memory_space<vmem>>, vector<1x16xf32>,
        %get3A_265 = arith.index_cast %add3A_155 : i32 to index
        %get3A_266 = arith.constant 80 : index
        %get3A_267 = tpu.vector_load %arg12[%get3A_265, %get3A_266] {strides = array<i32>} : memref<80x128xf32, #tpu.memory_space<vmem>>, vector<1x16xf32>,
        %get3A_268 = vector.shape_cast %get3A_267 : vector<1x16xf32> to vector<16xf32>
        %get3A_269 = arith.index_cast %add3A_155 : i32 to index
        %get3A_270 = arith.constant 80 : index
        %get3A_271 = tpu.vector_load %arg13[%get3A_269, %get3A_270] {strides = array<i32>} : memref<80x128xf32, #tpu.memory_space<vmem>>, vector<1x16xf32>,
        %get3A_272 = vector.shape_cast %get3A_271 : vector<1x16xf32> to vector<16xf32>
        %add3A_273 = arith.addf %get3A_268, %get3A_272 : vector<16xf32>
        %get3A_274 = arith.index_cast %add3A_155 : i32 to index
        %get3A_275 = arith.constant 80 : index
        %get3A_276 = tpu.vector_load %arg14[%get3A_274, %get3A_275] {strides = array<i32>} : memref<80x128xf32, #tpu.memory_space<vmem>>, vector<1x16xf32>,
        %get3A_277 = vector.shape_cast %get3A_276 : vector<1x16xf32> to vector<16xf32>
        %add3A_278 = arith.addf %add3A_273, %get3A_277 : vector<16xf32>
        %max3A_279 = arith.constant 0.000000e+00 : f32
        %max3A_280 = vector.broadcast %max3A_279 : f32 to vector<16xf32>
        %max3A_281 = arith.maximumf %add3A_278, %max3A_280 : vector<16xf32>
        %swap3A_282 = arith.index_cast %add3A_155 : i32 to index
        %swap3A_283 = arith.constant 80 : index
        %swap3A_284 = tpu.vector_load %arg12[%swap3A_282, %swap3A_283] {strides = array<i32>} : memref<80x128xf32, #tpu.memory_space<vmem>>, vector<1x16xf32>,
        %swap3A_285 = vector.shape_cast %swap3A_284 : vector<1x16xf32> to vector<16xf32>
        %swap3A_286 = vector.shape_cast %max3A_281 : vector<16xf32> to vector<1x16xf32>
        tpu.vector_store %arg12[%swap3A_282, %swap3A_283], %swap3A_286 {strides = array<i32>} : memref<80x128xf32, #tpu.memory_space<vmem>>, vector<1x16xf32>,
        %get3A_287 = arith.index_cast %add3A_155 : i32 to index
        %get3A_288 = arith.constant 96 : index
        %get3A_289 = tpu.vector_load %arg12[%get3A_287, %get3A_288] {strides = array<i32>} : memref<80x128xf32, #tpu.memory_space<vmem>>, vector<1x16xf32>,
        %get3A_290 = vector.shape_cast %get3A_289 : vector<1x16xf32> to vector<16xf32>
        %get3A_291 = arith.index_cast %add3A_155 : i32 to index
        %get3A_292 = arith.constant 96 : index
        %get3A_293 = tpu.vector_load %arg13[%get3A_291, %get3A_292] {strides = array<i32>} : memref<80x128xf32, #tpu.memory_space<vmem>>, vector<1x16xf32>,
        %get3A_294 = vector.shape_cast %get3A_293 : vector<1x16xf32> to vector<16xf32>
        %add3A_295 = arith.addf %get3A_290, %get3A_294 : vector<16xf32>
        %get3A_296 = arith.index_cast %add3A_155 : i32 to index
        %get3A_297 = arith.constant 96 : index
        %get3A_298 = tpu.vector_load %arg14[%get3A_296, %get3A_297] {strides = array<i32>} : memref<80x128xf32, #tpu.memory_space<vmem>>, vector<1x16xf32>,
        %get3A_299 = vector.shape_cast %get3A_298 : vector<1x16xf32> to vector<16xf32>
        %add3A_300 = arith.addf %add3A_295, %get3A_299 : vector<16xf32>
        %max3A_301 = arith.constant 0.000000e+00 : f32
        %max3A_302 = vector.broadcast %max3A_301 : f32 to vector<16xf32>
        %max3A_303 = arith.maximumf %add3A_300, %max3A_302 : vector<16xf32>
        %swap3A_304 = arith.index_cast %add3A_155 : i32 to index
        %swap3A_305 = arith.constant 96 : index
        %swap3A_306 = tpu.vector_load %arg12[%swap3A_304, %swap3A_305] {strides = array<i32>} : memref<80x128xf32, #tpu.memory_space<vmem>>, vector<1x16xf32>,
        %swap3A_307 = vector.shape_cast %swap3A_306 : vector<1x16xf32> to vector<16xf32>
        %swap3A_308 = vector.shape_cast %max3A_303 : vector<16xf32> to vector<1x16xf32>
        tpu.vector_store %arg12[%swap3A_304, %swap3A_305], %swap3A_308 {strides = array<i32>} : memref<80x128xf32, #tpu.memory_space<vmem>>, vector<1x16xf32>,
        %get3A_309 = arith.index_cast %add3A_155 : i32 to index
        %get3A_310 = arith.constant 112 : index
        %get3A_311 = tpu.vector_load %arg12[%get3A_309, %get3A_310] {strides = array<i32>} : memref<80x128xf32, #tpu.memory_space<vmem>>, vector<1x16xf32>,
        %get3A_312 = vector.shape_cast %get3A_311 : vector<1x16xf32> to vector<16xf32>
        %get3A_313 = arith.index_cast %add3A_155 : i32 to index
        %get3A_314 = arith.constant 112 : index
        %get3A_315 = tpu.vector_load %arg13[%get3A_313, %get3A_314] {strides = array<i32>} : memref<80x128xf32, #tpu.memory_space<vmem>>, vector<1x16xf32>,
        %get3A_316 = vector.shape_cast %get3A_315 : vector<1x16xf32> to vector<16xf32>
        %add3A_317 = arith.addf %get3A_312, %get3A_316 : vector<16xf32>
        %get3A_318 = arith.index_cast %add3A_155 : i32 to index
        %get3A_319 = arith.constant 112 : index
        %get3A_320 = tpu.vector_load %arg14[%get3A_318, %get3A_319] {strides = array<i32>} : memref<80x128xf32, #tpu.memory_space<vmem>>, vector<1x16xf32>,
        %get3A_321 = vector.shape_cast %get3A_320 : vector<1x16xf32> to vector<16xf32>
        %add3A_322 = arith.addf %add3A_317, %get3A_321 : vector<16xf32>
        %max3A_323 = arith.constant 0.000000e+00 : f32
        %max3A_324 = vector.broadcast %max3A_323 : f32 to vector<16xf32>
        %max3A_325 = arith.maximumf %add3A_322, %max3A_324 : vector<16xf32>
        %swap3A_326 = arith.index_cast %add3A_155 : i32 to index
        %swap3A_327 = arith.constant 112 : index
        %swap3A_328 = tpu.vector_load %arg12[%swap3A_326, %swap3A_327] {strides = array<i32>} : memref<80x128xf32, #tpu.memory_space<vmem>>, vector<1x16xf32>,
        %swap3A_329 = vector.shape_cast %swap3A_328 : vector<1x16xf32> to vector<16xf32>
        %swap3A_330 = vector.shape_cast %max3A_325 : vector<16xf32> to vector<1x16xf32>
        tpu.vector_store %arg12[%swap3A_326, %swap3A_327], %swap3A_330 {strides = array<i32>} : memref<80x128xf32, #tpu.memory_space<vmem>>, vector<1x16xf32>,
        %mul3A_331 = arith.constant 4 : i32
        %mul3A_332 = arith.muli %scan3A_150, %mul3A_331 : i32
        %add3A_333 = arith.constant 1 : i32
        %add3A_334 = arith.addi %mul3A_332, %add3A_333 : i32
        %get3A_335 = arith.index_cast %add3A_334 : i32 to index
        %get3A_336 = arith.constant 0 : index
        %get3A_337 = tpu.vector_load %arg12[%get3A_335, %get3A_336] {strides = array<i32>} : memref<80x128xf32, #tpu.memory_space<vmem>>, vector<1x16xf32>,
        %get3A_338 = vector.shape_cast %get3A_337 : vector<1x16xf32> to vector<16xf32>
        %get3A_339 = arith.index_cast %add3A_334 : i32 to index
        %get3A_340 = arith.constant 0 : index
        %get3A_341 = tpu.vector_load %arg13[%get3A_339, %get3A_340] {strides = array<i32>} : memref<80x128xf32, #tpu.memory_space<vmem>>, vector<1x16xf32>,
        %get3A_342 = vector.shape_cast %get3A_341 : vector<1x16xf32> to vector<16xf32>
        %add3A_343 = arith.addf %get3A_338, %get3A_342 : vector<16xf32>
        %get3A_344 = arith.index_cast %add3A_334 : i32 to index
        %get3A_345 = arith.constant 0 : index
        %get3A_346 = tpu.vector_load %arg14[%get3A_344, %get3A_345] {strides = array<i32>} : memref<80x128xf32, #tpu.memory_space<vmem>>, vector<1x16xf32>,
        %get3A_347 = vector.shape_cast %get3A_346 : vector<1x16xf32> to vector<16xf32>
        %add3A_348 = arith.addf %add3A_343, %get3A_347 : vector<16xf32>
        %max3A_349 = arith.constant 0.000000e+00 : f32
        %max3A_350 = vector.broadcast %max3A_349 : f32 to vector<16xf32>
        %max3A_351 = arith.maximumf %add3A_348, %max3A_350 : vector<16xf32>
        %swap3A_352 = arith.index_cast %add3A_334 : i32 to index
        %swap3A_353 = arith.constant 0 : index
        %swap3A_354 = tpu.vector_load %arg12[%swap3A_352, %swap3A_353] {strides = array<i32>} : memref<80x128xf32, #tpu.memory_space<vmem>>, vector<1x16xf32>,
        %swap3A_355 = vector.shape_cast %swap3A_354 : vector<1x16xf32> to vector<16xf32>
        %swap3A_356 = vector.shape_cast %max3A_351 : vector<16xf32> to vector<1x16xf32>
        tpu.vector_store %arg12[%swap3A_352, %swap3A_353], %swap3A_356 {strides = array<i32>} : memref<80x128xf32, #tpu.memory_space<vmem>>, vector<1x16xf32>,
        %get3A_357 = arith.index_cast %add3A_334 : i32 to index
        %get3A_358 = arith.constant 16 : index
        %get3A_359 = tpu.vector_load %arg12[%get3A_357, %get3A_358] {strides = array<i32>} : memref<80x128xf32, #tpu.memory_space<vmem>>, vector<1x16xf32>,
        %get3A_360 = vector.shape_cast %get3A_359 : vector<1x16xf32> to vector<16xf32>
        %get3A_361 = arith.index_cast %add3A_334 : i32 to index
        %get3A_362 = arith.constant 16 : index
        %get3A_363 = tpu.vector_load %arg13[%get3A_361, %get3A_362] {strides = array<i32>} : memref<80x128xf32, #tpu.memory_space<vmem>>, vector<1x16xf32>,
        %get3A_364 = vector.shape_cast %get3A_363 : vector<1x16xf32> to vector<16xf32>
        %add3A_365 = arith.addf %get3A_360, %get3A_364 : vector<16xf32>
        %get3A_366 = arith.index_cast %add3A_334 : i32 to index
        %get3A_367 = arith.constant 16 : index
        %get3A_368 = tpu.vector_load %arg14[%get3A_366, %get3A_367] {strides = array<i32>} : memref<80x128xf32, #tpu.memory_space<vmem>>, vector<1x16xf32>,
        %get3A_369 = vector.shape_cast %get3A_368 : vector<1x16xf32> to vector<16xf32>
        %add3A_370 = arith.addf %add3A_365, %get3A_369 : vector<16xf32>
        %max3A_371 = arith.constant 0.000000e+00 : f32
        %max3A_372 = vector.broadcast %max3A_371 : f32 to vector<16xf32>
        %max3A_373 = arith.maximumf %add3A_370, %max3A_372 : vector<16xf32>
        %swap3A_374 = arith.index_cast %add3A_334 : i32 to index
        %swap3A_375 = arith.constant 16 : index
        %swap3A_376 = tpu.vector_load %arg12[%swap3A_374, %swap3A_375] {strides = array<i32>} : memref<80x128xf32, #tpu.memory_space<vmem>>, vector<1x16xf32>,
        %swap3A_377 = vector.shape_cast %swap3A_376 : vector<1x16xf32> to vector<16xf32>
        %swap3A_378 = vector.shape_cast %max3A_373 : vector<16xf32> to vector<1x16xf32>
        tpu.vector_store %arg12[%swap3A_374, %swap3A_375], %swap3A_378 {strides = array<i32>} : memref<80x128xf32, #tpu.memory_space<vmem>>, vector<1x16xf32>,
        %get3A_379 = arith.index_cast %add3A_334 : i32 to index
        %get3A_380 = arith.constant 32 : index
        %get3A_381 = tpu.vector_load %arg12[%get3A_379, %get3A_380] {strides = array<i32>} : memref<80x128xf32, #tpu.memory_space<vmem>>, vector<1x16xf32>,
        %get3A_382 = vector.shape_cast %get3A_381 : vector<1x16xf32> to vector<16xf32>
        %get3A_383 = arith.index_cast %add3A_334 : i32 to index
        %get3A_384 = arith.constant 32 : index
        %get3A_385 = tpu.vector_load %arg13[%get3A_383, %get3A_384] {strides = array<i32>} : memref<80x128xf32, #tpu.memory_space<vmem>>, vector<1x16xf32>,
        %get3A_386 = vector.shape_cast %get3A_385 : vector<1x16xf32> to vector<16xf32>
        %add3A_387 = arith.addf %get3A_382, %get3A_386 : vector<16xf32>
        %get3A_388 = arith.index_cast %add3A_334 : i32 to index
        %get3A_389 = arith.constant 32 : index
        %get3A_390 = tpu.vector_load %arg14[%get3A_388, %get3A_389] {strides = array<i32>} : memref<80x128xf32, #tpu.memory_space<vmem>>, vector<1x16xf32>,
        %get3A_391 = vector.shape_cast %get3A_390 : vector<1x16xf32> to vector<16xf32>
        %add3A_392 = arith.addf %add3A_387, %get3A_391 : vector<16xf32>
        %max3A_393 = arith.constant 0.000000e+00 : f32
        %max3A_394 = vector.broadcast %max3A_393 : f32 to vector<16xf32>
        %max3A_395 = arith.maximumf %add3A_392, %max3A_394 : vector<16xf32>
        %swap3A_396 = arith.index_cast %add3A_334 : i32 to index
        %swap3A_397 = arith.constant 32 : index
        %swap3A_398 = tpu.vector_load %arg12[%swap3A_396, %swap3A_397] {strides = array<i32>} : memref<80x128xf32, #tpu.memory_space<vmem>>, vector<1x16xf32>,
        %swap3A_399 = vector.shape_cast %swap3A_398 : vector<1x16xf32> to vector<16xf32>
        %swap3A_400 = vector.shape_cast %max3A_395 : vector<16xf32> to vector<1x16xf32>
        tpu.vector_store %arg12[%swap3A_396, %swap3A_397], %swap3A_400 {strides = array<i32>} : memref<80x128xf32, #tpu.memory_space<vmem>>, vector<1x16xf32>,
        %get3A_401 = arith.index_cast %add3A_334 : i32 to index
        %get3A_402 = arith.constant 48 : index
        %get3A_403 = tpu.vector_load %arg12[%get3A_401, %get3A_402] {strides = array<i32>} : memref<80x128xf32, #tpu.memory_space<vmem>>, vector<1x16xf32>,
        %get3A_404 = vector.shape_cast %get3A_403 : vector<1x16xf32> to vector<16xf32>
        %get3A_405 = arith.index_cast %add3A_334 : i32 to index
        %get3A_406 = arith.constant 48 : index
        %get3A_407 = tpu.vector_load %arg13[%get3A_405, %get3A_406] {strides = array<i32>} : memref<80x128xf32, #tpu.memory_space<vmem>>, vector<1x16xf32>,
        %get3A_408 = vector.shape_cast %get3A_407 : vector<1x16xf32> to vector<16xf32>
        %add3A_409 = arith.addf %get3A_404, %get3A_408 : vector<16xf32>
        %get3A_410 = arith.index_cast %add3A_334 : i32 to index
        %get3A_411 = arith.constant 48 : index
        %get3A_412 = tpu.vector_load %arg14[%get3A_410, %get3A_411] {strides = array<i32>} : memref<80x128xf32, #tpu.memory_space<vmem>>, vector<1x16xf32>,
        %get3A_413 = vector.shape_cast %get3A_412 : vector<1x16xf32> to vector<16xf32>
        %add3A_414 = arith.addf %add3A_409, %get3A_413 : vector<16xf32>
        %max3A_415 = arith.constant 0.000000e+00 : f32
        %max3A_416 = vector.broadcast %max3A_415 : f32 to vector<16xf32>
        %max3A_417 = arith.maximumf %add3A_414, %max3A_416 : vector<16xf32>
        %swap3A_418 = arith.index_cast %add3A_334 : i32 to index
        %swap3A_419 = arith.constant 48 : index
        %swap3A_420 = tpu.vector_load %arg12[%swap3A_418, %swap3A_419] {strides = array<i32>} : memref<80x128xf32, #tpu.memory_space<vmem>>, vector<1x16xf32>,
        %swap3A_421 = vector.shape_cast %swap3A_420 : vector<1x16xf32> to vector<16xf32>
        %swap3A_422 = vector.shape_cast %max3A_417 : vector<16xf32> to vector<1x16xf32>
        tpu.vector_store %arg12[%swap3A_418, %swap3A_419], %swap3A_422 {strides = array<i32>} : memref<80x128xf32, #tpu.memory_space<vmem>>, vector<1x16xf32>,
        %get3A_423 = arith.index_cast %add3A_334 : i32 to index
        %get3A_424 = arith.constant 64 : index
        %get3A_425 = tpu.vector_load %arg12[%get3A_423, %get3A_424] {strides = array<i32>} : memref<80x128xf32, #tpu.memory_space<vmem>>, vector<1x16xf32>,
        %get3A_426 = vector.shape_cast %get3A_425 : vector<1x16xf32> to vector<16xf32>
        %get3A_427 = arith.index_cast %add3A_334 : i32 to index
        %get3A_428 = arith.constant 64 : index
        %get3A_429 = tpu.vector_load %arg13[%get3A_427, %get3A_428] {strides = array<i32>} : memref<80x128xf32, #tpu.memory_space<vmem>>, vector<1x16xf32>,
        %get3A_430 = vector.shape_cast %get3A_429 : vector<1x16xf32> to vector<16xf32>
        %add3A_431 = arith.addf %get3A_426, %get3A_430 : vector<16xf32>
        %get3A_432 = arith.index_cast %add3A_334 : i32 to index
        %get3A_433 = arith.constant 64 : index
        %get3A_434 = tpu.vector_load %arg14[%get3A_432, %get3A_433] {strides = array<i32>} : memref<80x128xf32, #tpu.memory_space<vmem>>, vector<1x16xf32>,
        %get3A_435 = vector.shape_cast %get3A_434 : vector<1x16xf32> to vector<16xf32>
        %add3A_436 = arith.addf %add3A_431, %get3A_435 : vector<16xf32>
        %max3A_437 = arith.constant 0.000000e+00 : f32
        %max3A_438 = vector.broadcast %max3A_437 : f32 to vector<16xf32>
        %max3A_439 = arith.maximumf %add3A_436, %max3A_438 : vector<16xf32>
        %swap3A_440 = arith.index_cast %add3A_334 : i32 to index
        %swap3A_441 = arith.constant 64 : index
        %swap3A_442 = tpu.vector_load %arg12[%swap3A_440, %swap3A_441] {strides = array<i32>} : memref<80x128xf32, #tpu.memory_space<vmem>>, vector<1x16xf32>,
        %swap3A_443 = vector.shape_cast %swap3A_442 : vector<1x16xf32> to vector<16xf32>
        %swap3A_444 = vector.shape_cast %max3A_439 : vector<16xf32> to vector<1x16xf32>
        tpu.vector_store %arg12[%swap3A_440, %swap3A_441], %swap3A_444 {strides = array<i32>} : memref<80x128xf32, #tpu.memory_space<vmem>>, vector<1x16xf32>,
        %get3A_445 = arith.index_cast %add3A_334 : i32 to index
        %get3A_446 = arith.constant 80 : index
        %get3A_447 = tpu.vector_load %arg12[%get3A_445, %get3A_446] {strides = array<i32>} : memref<80x128xf32, #tpu.memory_space<vmem>>, vector<1x16xf32>,
        %get3A_448 = vector.shape_cast %get3A_447 : vector<1x16xf32> to vector<16xf32>
        %get3A_449 = arith.index_cast %add3A_334 : i32 to index
        %get3A_450 = arith.constant 80 : index
        %get3A_451 = tpu.vector_load %arg13[%get3A_449, %get3A_450] {strides = array<i32>} : memref<80x128xf32, #tpu.memory_space<vmem>>, vector<1x16xf32>,
        %get3A_452 = vector.shape_cast %get3A_451 : vector<1x16xf32> to vector<16xf32>
        %add3A_453 = arith.addf %get3A_448, %get3A_452 : vector<16xf32>
        %get3A_454 = arith.index_cast %add3A_334 : i32 to index
        %get3A_455 = arith.constant 80 : index
        %get3A_456 = tpu.vector_load %arg14[%get3A_454, %get3A_455] {strides = array<i32>} : memref<80x128xf32, #tpu.memory_space<vmem>>, vector<1x16xf32>,
        %get3A_457 = vector.shape_cast %get3A_456 : vector<1x16xf32> to vector<16xf32>
        %add3A_458 = arith.addf %add3A_453, %get3A_457 : vector<16xf32>
        %max3A_459 = arith.constant 0.000000e+00 : f32
        %max3A_460 = vector.broadcast %max3A_459 : f32 to vector<16xf32>
        %max3A_461 = arith.maximumf %add3A_458, %max3A_460 : vector<16xf32>
        %swap3A_462 = arith.index_cast %add3A_334 : i32 to index
        %swap3A_463 = arith.constant 80 : index
        %swap3A_464 = tpu.vector_load %arg12[%swap3A_462, %swap3A_463] {strides = array<i32>} : memref<80x128xf32, #tpu.memory_space<vmem>>, vector<1x16xf32>,
        %swap3A_465 = vector.shape_cast %swap3A_464 : vector<1x16xf32> to vector<16xf32>
        %swap3A_466 = vector.shape_cast %max3A_461 : vector<16xf32> to vector<1x16xf32>
        tpu.vector_store %arg12[%swap3A_462, %swap3A_463], %swap3A_466 {strides = array<i32>} : memref<80x128xf32, #tpu.memory_space<vmem>>, vector<1x16xf32>,
        %get3A_467 = arith.index_cast %add3A_334 : i32 to index
        %get3A_468 = arith.constant 96 : index
        %get3A_469 = tpu.vector_load %arg12[%get3A_467, %get3A_468] {strides = array<i32>} : memref<80x128xf32, #tpu.memory_space<vmem>>, vector<1x16xf32>,
        %get3A_470 = vector.shape_cast %get3A_469 : vector<1x16xf32> to vector<16xf32>
        %get3A_471 = arith.index_cast %add3A_334 : i32 to index
        %get3A_472 = arith.constant 96 : index
        %get3A_473 = tpu.vector_load %arg13[%get3A_471, %get3A_472] {strides = array<i32>} : memref<80x128xf32, #tpu.memory_space<vmem>>, vector<1x16xf32>,
        %get3A_474 = vector.shape_cast %get3A_473 : vector<1x16xf32> to vector<16xf32>
        %add3A_475 = arith.addf %get3A_470, %get3A_474 : vector<16xf32>
        %get3A_476 = arith.index_cast %add3A_334 : i32 to index
        %get3A_477 = arith.constant 96 : index
        %get3A_478 = tpu.vector_load %arg14[%get3A_476, %get3A_477] {strides = array<i32>} : memref<80x128xf32, #tpu.memory_space<vmem>>, vector<1x16xf32>,
        %get3A_479 = vector.shape_cast %get3A_478 : vector<1x16xf32> to vector<16xf32>
        %add3A_480 = arith.addf %add3A_475, %get3A_479 : vector<16xf32>
        %max3A_481 = arith.constant 0.000000e+00 : f32
        %max3A_482 = vector.broadcast %max3A_481 : f32 to vector<16xf32>
        %max3A_483 = arith.maximumf %add3A_480, %max3A_482 : vector<16xf32>
        %swap3A_484 = arith.index_cast %add3A_334 : i32 to index
        %swap3A_485 = arith.constant 96 : index
        %swap3A_486 = tpu.vector_load %arg12[%swap3A_484, %swap3A_485] {strides = array<i32>} : memref<80x128xf32, #tpu.memory_space<vmem>>, vector<1x16xf32>,
        %swap3A_487 = vector.shape_cast %swap3A_486 : vector<1x16xf32> to vector<16xf32>
        %swap3A_488 = vector.shape_cast %max3A_483 : vector<16xf32> to vector<1x16xf32>
        tpu.vector_store %arg12[%swap3A_484, %swap3A_485], %swap3A_488 {strides = array<i32>} : memref<80x128xf32, #tpu.memory_space<vmem>>, vector<1x16xf32>,
        %get3A_489 = arith.index_cast %add3A_334 : i32 to index
        %get3A_490 = arith.constant 112 : index
        %get3A_491 = tpu.vector_load %arg12[%get3A_489, %get3A_490] {strides = array<i32>} : memref<80x128xf32, #tpu.memory_space<vmem>>, vector<1x16xf32>,
        %get3A_492 = vector.shape_cast %get3A_491 : vector<1x16xf32> to vector<16xf32>
        %get3A_493 = arith.index_cast %add3A_334 : i32 to index
        %get3A_494 = arith.constant 112 : index
        %get3A_495 = tpu.vector_load %arg13[%get3A_493, %get3A_494] {strides = array<i32>} : memref<80x128xf32, #tpu.memory_space<vmem>>, vector<1x16xf32>,
        %get3A_496 = vector.shape_cast %get3A_495 : vector<1x16xf32> to vector<16xf32>
        %add3A_497 = arith.addf %get3A_492, %get3A_496 : vector<16xf32>
        %get3A_498 = arith.index_cast %add3A_334 : i32 to index
        %get3A_499 = arith.constant 112 : index
        %get3A_500 = tpu.vector_load %arg14[%get3A_498, %get3A_499] {strides = array<i32>} : memref<80x128xf32, #tpu.memory_space<vmem>>, vector<1x16xf32>,
        %get3A_501 = vector.shape_cast %get3A_500 : vector<1x16xf32> to vector<16xf32>
        %add3A_502 = arith.addf %add3A_497, %get3A_501 : vector<16xf32>
        %max3A_503 = arith.constant 0.000000e+00 : f32
        %max3A_504 = vector.broadcast %max3A_503 : f32 to vector<16xf32>
        %max3A_505 = arith.maximumf %add3A_502, %max3A_504 : vector<16xf32>
        %swap3A_506 = arith.index_cast %add3A_334 : i32 to index
        %swap3A_507 = arith.constant 112 : index
        %swap3A_508 = tpu.vector_load %arg12[%swap3A_506, %swap3A_507] {strides = array<i32>} : memref<80x128xf32, #tpu.memory_space<vmem>>, vector<1x16xf32>,
        %swap3A_509 = vector.shape_cast %swap3A_508 : vector<1x16xf32> to vector<16xf32>
        %swap3A_510 = vector.shape_cast %max3A_505 : vector<16xf32> to vector<1x16xf32>
        tpu.vector_store %arg12[%swap3A_506, %swap3A_507], %swap3A_510 {strides = array<i32>} : memref<80x128xf32, #tpu.memory_space<vmem>>, vector<1x16xf32>,
        %mul3A_511 = arith.constant 4 : i32
        %mul3A_512 = arith.muli %scan3A_150, %mul3A_511 : i32
        %add3A_513 = arith.constant 2 : i32
        %add3A_514 = arith.addi %mul3A_512, %add3A_513 : i32
        %get3A_515 = arith.index_cast %add3A_514 : i32 to index
        %get3A_516 = arith.constant 0 : index
        %get3A_517 = tpu.vector_load %arg12[%get3A_515, %get3A_516] {strides = array<i32>} : memref<80x128xf32, #tpu.memory_space<vmem>>, vector<1x16xf32>,
        %get3A_518 = vector.shape_cast %get3A_517 : vector<1x16xf32> to vector<16xf32>
        %get3A_519 = arith.index_cast %add3A_514 : i32 to index
        %get3A_520 = arith.constant 0 : index
        %get3A_521 = tpu.vector_load %arg13[%get3A_519, %get3A_520] {strides = array<i32>} : memref<80x128xf32, #tpu.memory_space<vmem>>, vector<1x16xf32>,
        %get3A_522 = vector.shape_cast %get3A_521 : vector<1x16xf32> to vector<16xf32>
        %add3A_523 = arith.addf %get3A_518, %get3A_522 : vector<16xf32>
        %get3A_524 = arith.index_cast %add3A_514 : i32 to index
        %get3A_525 = arith.constant 0 : index
        %get3A_526 = tpu.vector_load %arg14[%get3A_524, %get3A_525] {strides = array<i32>} : memref<80x128xf32, #tpu.memory_space<vmem>>, vector<1x16xf32>,
        %get3A_527 = vector.shape_cast %get3A_526 : vector<1x16xf32> to vector<16xf32>
        %add3A_528 = arith.addf %add3A_523, %get3A_527 : vector<16xf32>
        %max3A_529 = arith.constant 0.000000e+00 : f32
        %max3A_530 = vector.broadcast %max3A_529 : f32 to vector<16xf32>
        %max3A_531 = arith.maximumf %add3A_528, %max3A_530 : vector<16xf32>
        %swap3A_532 = arith.index_cast %add3A_514 : i32 to index
        %swap3A_533 = arith.constant 0 : index
        %swap3A_534 = tpu.vector_load %arg12[%swap3A_532, %swap3A_533] {strides = array<i32>} : memref<80x128xf32, #tpu.memory_space<vmem>>, vector<1x16xf32>,
        %swap3A_535 = vector.shape_cast %swap3A_534 : vector<1x16xf32> to vector<16xf32>
        %swap3A_536 = vector.shape_cast %max3A_531 : vector<16xf32> to vector<1x16xf32>
        tpu.vector_store %arg12[%swap3A_532, %swap3A_533], %swap3A_536 {strides = array<i32>} : memref<80x128xf32, #tpu.memory_space<vmem>>, vector<1x16xf32>,
        %get3A_537 = arith.index_cast %add3A_514 : i32 to index
        %get3A_538 = arith.constant 16 : index
        %get3A_539 = tpu.vector_load %arg12[%get3A_537, %get3A_538] {strides = array<i32>} : memref<80x128xf32, #tpu.memory_space<vmem>>, vector<1x16xf32>,
        %get3A_540 = vector.shape_cast %get3A_539 : vector<1x16xf32> to vector<16xf32>
        %get3A_541 = arith.index_cast %add3A_514 : i32 to index
        %get3A_542 = arith.constant 16 : index
        %get3A_543 = tpu.vector_load %arg13[%get3A_541, %get3A_542] {strides = array<i32>} : memref<80x128xf32, #tpu.memory_space<vmem>>, vector<1x16xf32>,
        %get3A_544 = vector.shape_cast %get3A_543 : vector<1x16xf32> to vector<16xf32>
        %add3A_545 = arith.addf %get3A_540, %get3A_544 : vector<16xf32>
        %get3A_546 = arith.index_cast %add3A_514 : i32 to index
        %get3A_547 = arith.constant 16 : index
        %get3A_548 = tpu.vector_load %arg14[%get3A_546, %get3A_547] {strides = array<i32>} : memref<80x128xf32, #tpu.memory_space<vmem>>, vector<1x16xf32>,
        %get3A_549 = vector.shape_cast %get3A_548 : vector<1x16xf32> to vector<16xf32>
        %add3A_550 = arith.addf %add3A_545, %get3A_549 : vector<16xf32>
        %max3A_551 = arith.constant 0.000000e+00 : f32
        %max3A_552 = vector.broadcast %max3A_551 : f32 to vector<16xf32>
        %max3A_553 = arith.maximumf %add3A_550, %max3A_552 : vector<16xf32>
        %swap3A_554 = arith.index_cast %add3A_514 : i32 to index
        %swap3A_555 = arith.constant 16 : index
        %swap3A_556 = tpu.vector_load %arg12[%swap3A_554, %swap3A_555] {strides = array<i32>} : memref<80x128xf32, #tpu.memory_space<vmem>>, vector<1x16xf32>,
        %swap3A_557 = vector.shape_cast %swap3A_556 : vector<1x16xf32> to vector<16xf32>
        %swap3A_558 = vector.shape_cast %max3A_553 : vector<16xf32> to vector<1x16xf32>
        tpu.vector_store %arg12[%swap3A_554, %swap3A_555], %swap3A_558 {strides = array<i32>} : memref<80x128xf32, #tpu.memory_space<vmem>>, vector<1x16xf32>,
        %get3A_559 = arith.index_cast %add3A_514 : i32 to index
        %get3A_560 = arith.constant 32 : index
        %get3A_561 = tpu.vector_load %arg12[%get3A_559, %get3A_560] {strides = array<i32>} : memref<80x128xf32, #tpu.memory_space<vmem>>, vector<1x16xf32>,
        %get3A_562 = vector.shape_cast %get3A_561 : vector<1x16xf32> to vector<16xf32>
        %get3A_563 = arith.index_cast %add3A_514 : i32 to index
        %get3A_564 = arith.constant 32 : index
        %get3A_565 = tpu.vector_load %arg13[%get3A_563, %get3A_564] {strides = array<i32>} : memref<80x128xf32, #tpu.memory_space<vmem>>, vector<1x16xf32>,
        %get3A_566 = vector.shape_cast %get3A_565 : vector<1x16xf32> to vector<16xf32>
        %add3A_567 = arith.addf %get3A_562, %get3A_566 : vector<16xf32>
        %get3A_568 = arith.index_cast %add3A_514 : i32 to index
        %get3A_569 = arith.constant 32 : index
        %get3A_570 = tpu.vector_load %arg14[%get3A_568, %get3A_569] {strides = array<i32>} : memref<80x128xf32, #tpu.memory_space<vmem>>, vector<1x16xf32>,
        %get3A_571 = vector.shape_cast %get3A_570 : vector<1x16xf32> to vector<16xf32>
        %add3A_572 = arith.addf %add3A_567, %get3A_571 : vector<16xf32>
        %max3A_573 = arith.constant 0.000000e+00 : f32
        %max3A_574 = vector.broadcast %max3A_573 : f32 to vector<16xf32>
        %max3A_575 = arith.maximumf %add3A_572, %max3A_574 : vector<16xf32>
        %swap3A_576 = arith.index_cast %add3A_514 : i32 to index
        %swap3A_577 = arith.constant 32 : index
        %swap3A_578 = tpu.vector_load %arg12[%swap3A_576, %swap3A_577] {strides = array<i32>} : memref<80x128xf32, #tpu.memory_space<vmem>>, vector<1x16xf32>,
        %swap3A_579 = vector.shape_cast %swap3A_578 : vector<1x16xf32> to vector<16xf32>
        %swap3A_580 = vector.shape_cast %max3A_575 : vector<16xf32> to vector<1x16xf32>
        tpu.vector_store %arg12[%swap3A_576, %swap3A_577], %swap3A_580 {strides = array<i32>} : memref<80x128xf32, #tpu.memory_space<vmem>>, vector<1x16xf32>,
        %get3A_581 = arith.index_cast %add3A_514 : i32 to index
        %get3A_582 = arith.constant 48 : index
        %get3A_583 = tpu.vector_load %arg12[%get3A_581, %get3A_582] {strides = array<i32>} : memref<80x128xf32, #tpu.memory_space<vmem>>, vector<1x16xf32>,
        %get3A_584 = vector.shape_cast %get3A_583 : vector<1x16xf32> to vector<16xf32>
        %get3A_585 = arith.index_cast %add3A_514 : i32 to index
        %get3A_586 = arith.constant 48 : index
        %get3A_587 = tpu.vector_load %arg13[%get3A_585, %get3A_586] {strides = array<i32>} : memref<80x128xf32, #tpu.memory_space<vmem>>, vector<1x16xf32>,
        %get3A_588 = vector.shape_cast %get3A_587 : vector<1x16xf32> to vector<16xf32>
        %add3A_589 = arith.addf %get3A_584, %get3A_588 : vector<16xf32>
        %get3A_590 = arith.index_cast %add3A_514 : i32 to index
        %get3A_591 = arith.constant 48 : index
        %get3A_592 = tpu.vector_load %arg14[%get3A_590, %get3A_591] {strides = array<i32>} : memref<80x128xf32, #tpu.memory_space<vmem>>, vector<1x16xf32>,
        %get3A_593 = vector.shape_cast %get3A_592 : vector<1x16xf32> to vector<16xf32>
        %add3A_594 = arith.addf %add3A_589, %get3A_593 : vector<16xf32>
        %max3A_595 = arith.constant 0.000000e+00 : f32
        %max3A_596 = vector.broadcast %max3A_595 : f32 to vector<16xf32>
        %max3A_597 = arith.maximumf %add3A_594, %max3A_596 : vector<16xf32>
        %swap3A_598 = arith.index_cast %add3A_514 : i32 to index
        %swap3A_599 = arith.constant 48 : index
        %swap3A_600 = tpu.vector_load %arg12[%swap3A_598, %swap3A_599] {strides = array<i32>} : memref<80x128xf32, #tpu.memory_space<vmem>>, vector<1x16xf32>,
        %swap3A_601 = vector.shape_cast %swap3A_600 : vector<1x16xf32> to vector<16xf32>
        %swap3A_602 = vector.shape_cast %max3A_597 : vector<16xf32> to vector<1x16xf32>
        tpu.vector_store %arg12[%swap3A_598, %swap3A_599], %swap3A_602 {strides = array<i32>} : memref<80x128xf32, #tpu.memory_space<vmem>>, vector<1x16xf32>,
        %get3A_603 = arith.index_cast %add3A_514 : i32 to index
        %get3A_604 = arith.constant 64 : index
        %get3A_605 = tpu.vector_load %arg12[%get3A_603, %get3A_604] {strides = array<i32>} : memref<80x128xf32, #tpu.memory_space<vmem>>, vector<1x16xf32>,
        %get3A_606 = vector.shape_cast %get3A_605 : vector<1x16xf32> to vector<16xf32>
        %get3A_607 = arith.index_cast %add3A_514 : i32 to index
        %get3A_608 = arith.constant 64 : index
        %get3A_609 = tpu.vector_load %arg13[%get3A_607, %get3A_608] {strides = array<i32>} : memref<80x128xf32, #tpu.memory_space<vmem>>, vector<1x16xf32>,
        %get3A_610 = vector.shape_cast %get3A_609 : vector<1x16xf32> to vector<16xf32>
        %add3A_611 = arith.addf %get3A_606, %get3A_610 : vector<16xf32>
        %get3A_612 = arith.index_cast %add3A_514 : i32 to index
        %get3A_613 = arith.constant 64 : index
        %get3A_614 = tpu.vector_load %arg14[%get3A_612, %get3A_613] {strides = array<i32>} : memref<80x128xf32, #tpu.memory_space<vmem>>, vector<1x16xf32>,
        %get3A_615 = vector.shape_cast %get3A_614 : vector<1x16xf32> to vector<16xf32>
        %add3A_616 = arith.addf %add3A_611, %get3A_615 : vector<16xf32>
        %max3A_617 = arith.constant 0.000000e+00 : f32
        %max3A_618 = vector.broadcast %max3A_617 : f32 to vector<16xf32>
        %max3A_619 = arith.maximumf %add3A_616, %max3A_618 : vector<16xf32>
        %swap3A_620 = arith.index_cast %add3A_514 : i32 to index
        %swap3A_621 = arith.constant 64 : index
        %swap3A_622 = tpu.vector_load %arg12[%swap3A_620, %swap3A_621] {strides = array<i32>} : memref<80x128xf32, #tpu.memory_space<vmem>>, vector<1x16xf32>,
        %swap3A_623 = vector.shape_cast %swap3A_622 : vector<1x16xf32> to vector<16xf32>
        %swap3A_624 = vector.shape_cast %max3A_619 : vector<16xf32> to vector<1x16xf32>
        tpu.vector_store %arg12[%swap3A_620, %swap3A_621], %swap3A_624 {strides = array<i32>} : memref<80x128xf32, #tpu.memory_space<vmem>>, vector<1x16xf32>,
        %get3A_625 = arith.index_cast %add3A_514 : i32 to index
        %get3A_626 = arith.constant 80 : index
        %get3A_627 = tpu.vector_load %arg12[%get3A_625, %get3A_626] {strides = array<i32>} : memref<80x128xf32, #tpu.memory_space<vmem>>, vector<1x16xf32>,
        %get3A_628 = vector.shape_cast %get3A_627 : vector<1x16xf32> to vector<16xf32>
        %get3A_629 = arith.index_cast %add3A_514 : i32 to index
        %get3A_630 = arith.constant 80 : index
        %get3A_631 = tpu.vector_load %arg13[%get3A_629, %get3A_630] {strides = array<i32>} : memref<80x128xf32, #tpu.memory_space<vmem>>, vector<1x16xf32>,
        %get3A_632 = vector.shape_cast %get3A_631 : vector<1x16xf32> to vector<16xf32>
        %add3A_633 = arith.addf %get3A_628, %get3A_632 : vector<16xf32>
        %get3A_634 = arith.index_cast %add3A_514 : i32 to index
        %get3A_635 = arith.constant 80 : index
        %get3A_636 = tpu.vector_load %arg14[%get3A_634, %get3A_635] {strides = array<i32>} : memref<80x128xf32, #tpu.memory_space<vmem>>, vector<1x16xf32>,
        %get3A_637 = vector.shape_cast %get3A_636 : vector<1x16xf32> to vector<16xf32>
        %add3A_638 = arith.addf %add3A_633, %get3A_637 : vector<16xf32>
        %max3A_639 = arith.constant 0.000000e+00 : f32
        %max3A_640 = vector.broadcast %max3A_639 : f32 to vector<16xf32>
        %max3A_641 = arith.maximumf %add3A_638, %max3A_640 : vector<16xf32>
        %swap3A_642 = arith.index_cast %add3A_514 : i32 to index
        %swap3A_643 = arith.constant 80 : index
        %swap3A_644 = tpu.vector_load %arg12[%swap3A_642, %swap3A_643] {strides = array<i32>} : memref<80x128xf32, #tpu.memory_space<vmem>>, vector<1x16xf32>,
        %swap3A_645 = vector.shape_cast %swap3A_644 : vector<1x16xf32> to vector<16xf32>
        %swap3A_646 = vector.shape_cast %max3A_641 : vector<16xf32> to vector<1x16xf32>
        tpu.vector_store %arg12[%swap3A_642, %swap3A_643], %swap3A_646 {strides = array<i32>} : memref<80x128xf32, #tpu.memory_space<vmem>>, vector<1x16xf32>,
        %get3A_647 = arith.index_cast %add3A_514 : i32 to index
        %get3A_648 = arith.constant 96 : index
        %get3A_649 = tpu.vector_load %arg12[%get3A_647, %get3A_648] {strides = array<i32>} : memref<80x128xf32, #tpu.memory_space<vmem>>, vector<1x16xf32>,
        %get3A_650 = vector.shape_cast %get3A_649 : vector<1x16xf32> to vector<16xf32>
        %get3A_651 = arith.index_cast %add3A_514 : i32 to index
        %get3A_652 = arith.constant 96 : index
        %get3A_653 = tpu.vector_load %arg13[%get3A_651, %get3A_652] {strides = array<i32>} : memref<80x128xf32, #tpu.memory_space<vmem>>, vector<1x16xf32>,
        %get3A_654 = vector.shape_cast %get3A_653 : vector<1x16xf32> to vector<16xf32>
        %add3A_655 = arith.addf %get3A_650, %get3A_654 : vector<16xf32>
        %get3A_656 = arith.index_cast %add3A_514 : i32 to index
        %get3A_657 = arith.constant 96 : index
        %get3A_658 = tpu.vector_load %arg14[%get3A_656, %get3A_657] {strides = array<i32>} : memref<80x128xf32, #tpu.memory_space<vmem>>, vector<1x16xf32>,
        %get3A_659 = vector.shape_cast %get3A_658 : vector<1x16xf32> to vector<16xf32>
        %add3A_660 = arith.addf %add3A_655, %get3A_659 : vector<16xf32>
        %max3A_661 = arith.constant 0.000000e+00 : f32
        %max3A_662 = vector.broadcast %max3A_661 : f32 to vector<16xf32>
        %max3A_663 = arith.maximumf %add3A_660, %max3A_662 : vector<16xf32>
        %swap3A_664 = arith.index_cast %add3A_514 : i32 to index
        %swap3A_665 = arith.constant 96 : index
        %swap3A_666 = tpu.vector_load %arg12[%swap3A_664, %swap3A_665] {strides = array<i32>} : memref<80x128xf32, #tpu.memory_space<vmem>>, vector<1x16xf32>,
        %swap3A_667 = vector.shape_cast %swap3A_666 : vector<1x16xf32> to vector<16xf32>
        %swap3A_668 = vector.shape_cast %max3A_663 : vector<16xf32> to vector<1x16xf32>
        tpu.vector_store %arg12[%swap3A_664, %swap3A_665], %swap3A_668 {strides = array<i32>} : memref<80x128xf32, #tpu.memory_space<vmem>>, vector<1x16xf32>,
        %get3A_669 = arith.index_cast %add3A_514 : i32 to index
        %get3A_670 = arith.constant 112 : index
        %get3A_671 = tpu.vector_load %arg12[%get3A_669, %get3A_670] {strides = array<i32>} : memref<80x128xf32, #tpu.memory_space<vmem>>, vector<1x16xf32>,
        %get3A_672 = vector.shape_cast %get3A_671 : vector<1x16xf32> to vector<16xf32>
        %get3A_673 = arith.index_cast %add3A_514 : i32 to index
        %get3A_674 = arith.constant 112 : index
        %get3A_675 = tpu.vector_load %arg13[%get3A_673, %get3A_674] {strides = array<i32>} : memref<80x128xf32, #tpu.memory_space<vmem>>, vector<1x16xf32>,
        %get3A_676 = vector.shape_cast %get3A_675 : vector<1x16xf32> to vector<16xf32>
        %add3A_677 = arith.addf %get3A_672, %get3A_676 : vector<16xf32>
        %get3A_678 = arith.index_cast %add3A_514 : i32 to index
        %get3A_679 = arith.constant 112 : index
        %get3A_680 = tpu.vector_load %arg14[%get3A_678, %get3A_679] {strides = array<i32>} : memref<80x128xf32, #tpu.memory_space<vmem>>, vector<1x16xf32>,
        %get3A_681 = vector.shape_cast %get3A_680 : vector<1x16xf32> to vector<16xf32>
        %add3A_682 = arith.addf %add3A_677, %get3A_681 : vector<16xf32>
        %max3A_683 = arith.constant 0.000000e+00 : f32
        %max3A_684 = vector.broadcast %max3A_683 : f32 to vector<16xf32>
        %max3A_685 = arith.maximumf %add3A_682, %max3A_684 : vector<16xf32>
        %swap3A_686 = arith.index_cast %add3A_514 : i32 to index
        %swap3A_687 = arith.constant 112 : index
        %swap3A_688 = tpu.vector_load %arg12[%swap3A_686, %swap3A_687] {strides = array<i32>} : memref<80x128xf32, #tpu.memory_space<vmem>>, vector<1x16xf32>,
        %swap3A_689 = vector.shape_cast %swap3A_688 : vector<1x16xf32> to vector<16xf32>
        %swap3A_690 = vector.shape_cast %max3A_685 : vector<16xf32> to vector<1x16xf32>
        tpu.vector_store %arg12[%swap3A_686, %swap3A_687], %swap3A_690 {strides = array<i32>} : memref<80x128xf32, #tpu.memory_space<vmem>>, vector<1x16xf32>,
        %mul3A_691 = arith.constant 4 : i32
        %mul3A_692 = arith.muli %scan3A_150, %mul3A_691 : i32
        %add3A_693 = arith.constant 3 : i32
        %add3A_694 = arith.addi %mul3A_692, %add3A_693 : i32
        %get3A_695 = arith.index_cast %add3A_694 : i32 to index
        %get3A_696 = arith.constant 0 : index
        %get3A_697 = tpu.vector_load %arg12[%get3A_695, %get3A_696] {strides = array<i32>} : memref<80x128xf32, #tpu.memory_space<vmem>>, vector<1x16xf32>,
        %get3A_698 = vector.shape_cast %get3A_697 : vector<1x16xf32> to vector<16xf32>
        %get3A_699 = arith.index_cast %add3A_694 : i32 to index
        %get3A_700 = arith.constant 0 : index
        %get3A_701 = tpu.vector_load %arg13[%get3A_699, %get3A_700] {strides = array<i32>} : memref<80x128xf32, #tpu.memory_space<vmem>>, vector<1x16xf32>,
        %get3A_702 = vector.shape_cast %get3A_701 : vector<1x16xf32> to vector<16xf32>
        %add3A_703 = arith.addf %get3A_698, %get3A_702 : vector<16xf32>
        %get3A_704 = arith.index_cast %add3A_694 : i32 to index
        %get3A_705 = arith.constant 0 : index
        %get3A_706 = tpu.vector_load %arg14[%get3A_704, %get3A_705] {strides = array<i32>} : memref<80x128xf32, #tpu.memory_space<vmem>>, vector<1x16xf32>,
        %get3A_707 = vector.shape_cast %get3A_706 : vector<1x16xf32> to vector<16xf32>
        %add3A_708 = arith.addf %add3A_703, %get3A_707 : vector<16xf32>
        %max3A_709 = arith.constant 0.000000e+00 : f32
        %max3A_710 = vector.broadcast %max3A_709 : f32 to vector<16xf32>
        %max3A_711 = arith.maximumf %add3A_708, %max3A_710 : vector<16xf32>
        %swap3A_712 = arith.index_cast %add3A_694 : i32 to index
        %swap3A_713 = arith.constant 0 : index
        %swap3A_714 = tpu.vector_load %arg12[%swap3A_712, %swap3A_713] {strides = array<i32>} : memref<80x128xf32, #tpu.memory_space<vmem>>, vector<1x16xf32>,
        %swap3A_715 = vector.shape_cast %swap3A_714 : vector<1x16xf32> to vector<16xf32>
        %swap3A_716 = vector.shape_cast %max3A_711 : vector<16xf32> to vector<1x16xf32>
        tpu.vector_store %arg12[%swap3A_712, %swap3A_713], %swap3A_716 {strides = array<i32>} : memref<80x128xf32, #tpu.memory_space<vmem>>, vector<1x16xf32>,
        %get3A_717 = arith.index_cast %add3A_694 : i32 to index
        %get3A_718 = arith.constant 16 : index
        %get3A_719 = tpu.vector_load %arg12[%get3A_717, %get3A_718] {strides = array<i32>} : memref<80x128xf32, #tpu.memory_space<vmem>>, vector<1x16xf32>,
        %get3A_720 = vector.shape_cast %get3A_719 : vector<1x16xf32> to vector<16xf32>
        %get3A_721 = arith.index_cast %add3A_694 : i32 to index
        %get3A_722 = arith.constant 16 : index
        %get3A_723 = tpu.vector_load %arg13[%get3A_721, %get3A_722] {strides = array<i32>} : memref<80x128xf32, #tpu.memory_space<vmem>>, vector<1x16xf32>,
        %get3A_724 = vector.shape_cast %get3A_723 : vector<1x16xf32> to vector<16xf32>
        %add3A_725 = arith.addf %get3A_720, %get3A_724 : vector<16xf32>
        %get3A_726 = arith.index_cast %add3A_694 : i32 to index
        %get3A_727 = arith.constant 16 : index
        %get3A_728 = tpu.vector_load %arg14[%get3A_726, %get3A_727] {strides = array<i32>} : memref<80x128xf32, #tpu.memory_space<vmem>>, vector<1x16xf32>,
        %get3A_729 = vector.shape_cast %get3A_728 : vector<1x16xf32> to vector<16xf32>
        %add3A_730 = arith.addf %add3A_725, %get3A_729 : vector<16xf32>
        %max3A_731 = arith.constant 0.000000e+00 : f32
        %max3A_732 = vector.broadcast %max3A_731 : f32 to vector<16xf32>
        %max3A_733 = arith.maximumf %add3A_730, %max3A_732 : vector<16xf32>
        %swap3A_734 = arith.index_cast %add3A_694 : i32 to index
        %swap3A_735 = arith.constant 16 : index
        %swap3A_736 = tpu.vector_load %arg12[%swap3A_734, %swap3A_735] {strides = array<i32>} : memref<80x128xf32, #tpu.memory_space<vmem>>, vector<1x16xf32>,
        %swap3A_737 = vector.shape_cast %swap3A_736 : vector<1x16xf32> to vector<16xf32>
        %swap3A_738 = vector.shape_cast %max3A_733 : vector<16xf32> to vector<1x16xf32>
        tpu.vector_store %arg12[%swap3A_734, %swap3A_735], %swap3A_738 {strides = array<i32>} : memref<80x128xf32, #tpu.memory_space<vmem>>, vector<1x16xf32>,
        %get3A_739 = arith.index_cast %add3A_694 : i32 to index
        %get3A_740 = arith.constant 32 : index
        %get3A_741 = tpu.vector_load %arg12[%get3A_739, %get3A_740] {strides = array<i32>} : memref<80x128xf32, #tpu.memory_space<vmem>>, vector<1x16xf32>,
        %get3A_742 = vector.shape_cast %get3A_741 : vector<1x16xf32> to vector<16xf32>
        %get3A_743 = arith.index_cast %add3A_694 : i32 to index
        %get3A_744 = arith.constant 32 : index
        %get3A_745 = tpu.vector_load %arg13[%get3A_743, %get3A_744] {strides = array<i32>} : memref<80x128xf32, #tpu.memory_space<vmem>>, vector<1x16xf32>,
        %get3A_746 = vector.shape_cast %get3A_745 : vector<1x16xf32> to vector<16xf32>
        %add3A_747 = arith.addf %get3A_742, %get3A_746 : vector<16xf32>
        %get3A_748 = arith.index_cast %add3A_694 : i32 to index
        %get3A_749 = arith.constant 32 : index
        %get3A_750 = tpu.vector_load %arg14[%get3A_748, %get3A_749] {strides = array<i32>} : memref<80x128xf32, #tpu.memory_space<vmem>>, vector<1x16xf32>,
        %get3A_751 = vector.shape_cast %get3A_750 : vector<1x16xf32> to vector<16xf32>
        %add3A_752 = arith.addf %add3A_747, %get3A_751 : vector<16xf32>
        %max3A_753 = arith.constant 0.000000e+00 : f32
        %max3A_754 = vector.broadcast %max3A_753 : f32 to vector<16xf32>
        %max3A_755 = arith.maximumf %add3A_752, %max3A_754 : vector<16xf32>
        %swap3A_756 = arith.index_cast %add3A_694 : i32 to index
        %swap3A_757 = arith.constant 32 : index
        %swap3A_758 = tpu.vector_load %arg12[%swap3A_756, %swap3A_757] {strides = array<i32>} : memref<80x128xf32, #tpu.memory_space<vmem>>, vector<1x16xf32>,
        %swap3A_759 = vector.shape_cast %swap3A_758 : vector<1x16xf32> to vector<16xf32>
        %swap3A_760 = vector.shape_cast %max3A_755 : vector<16xf32> to vector<1x16xf32>
        tpu.vector_store %arg12[%swap3A_756, %swap3A_757], %swap3A_760 {strides = array<i32>} : memref<80x128xf32, #tpu.memory_space<vmem>>, vector<1x16xf32>,
        %get3A_761 = arith.index_cast %add3A_694 : i32 to index
        %get3A_762 = arith.constant 48 : index
        %get3A_763 = tpu.vector_load %arg12[%get3A_761, %get3A_762] {strides = array<i32>} : memref<80x128xf32, #tpu.memory_space<vmem>>, vector<1x16xf32>,
        %get3A_764 = vector.shape_cast %get3A_763 : vector<1x16xf32> to vector<16xf32>
        %get3A_765 = arith.index_cast %add3A_694 : i32 to index
        %get3A_766 = arith.constant 48 : index
        %get3A_767 = tpu.vector_load %arg13[%get3A_765, %get3A_766] {strides = array<i32>} : memref<80x128xf32, #tpu.memory_space<vmem>>, vector<1x16xf32>,
        %get3A_768 = vector.shape_cast %get3A_767 : vector<1x16xf32> to vector<16xf32>
        %add3A_769 = arith.addf %get3A_764, %get3A_768 : vector<16xf32>
        %get3A_770 = arith.index_cast %add3A_694 : i32 to index
        %get3A_771 = arith.constant 48 : index
        %get3A_772 = tpu.vector_load %arg14[%get3A_770, %get3A_771] {strides = array<i32>} : memref<80x128xf32, #tpu.memory_space<vmem>>, vector<1x16xf32>,
        %get3A_773 = vector.shape_cast %get3A_772 : vector<1x16xf32> to vector<16xf32>
        %add3A_774 = arith.addf %add3A_769, %get3A_773 : vector<16xf32>
        %max3A_775 = arith.constant 0.000000e+00 : f32
        %max3A_776 = vector.broadcast %max3A_775 : f32 to vector<16xf32>
        %max3A_777 = arith.maximumf %add3A_774, %max3A_776 : vector<16xf32>
        %swap3A_778 = arith.index_cast %add3A_694 : i32 to index
        %swap3A_779 = arith.constant 48 : index
        %swap3A_780 = tpu.vector_load %arg12[%swap3A_778, %swap3A_779] {strides = array<i32>} : memref<80x128xf32, #tpu.memory_space<vmem>>, vector<1x16xf32>,
        %swap3A_781 = vector.shape_cast %swap3A_780 : vector<1x16xf32> to vector<16xf32>
        %swap3A_782 = vector.shape_cast %max3A_777 : vector<16xf32> to vector<1x16xf32>
        tpu.vector_store %arg12[%swap3A_778, %swap3A_779], %swap3A_782 {strides = array<i32>} : memref<80x128xf32, #tpu.memory_space<vmem>>, vector<1x16xf32>,
        %get3A_783 = arith.index_cast %add3A_694 : i32 to index
        %get3A_784 = arith.constant 64 : index
        %get3A_785 = tpu.vector_load %arg12[%get3A_783, %get3A_784] {strides = array<i32>} : memref<80x128xf32, #tpu.memory_space<vmem>>, vector<1x16xf32>,
        %get3A_786 = vector.shape_cast %get3A_785 : vector<1x16xf32> to vector<16xf32>
        %get3A_787 = arith.index_cast %add3A_694 : i32 to index
        %get3A_788 = arith.constant 64 : index
        %get3A_789 = tpu.vector_load %arg13[%get3A_787, %get3A_788] {strides = array<i32>} : memref<80x128xf32, #tpu.memory_space<vmem>>, vector<1x16xf32>,
        %get3A_790 = vector.shape_cast %get3A_789 : vector<1x16xf32> to vector<16xf32>
        %add3A_791 = arith.addf %get3A_786, %get3A_790 : vector<16xf32>
        %get3A_792 = arith.index_cast %add3A_694 : i32 to index
        %get3A_793 = arith.constant 64 : index
        %get3A_794 = tpu.vector_load %arg14[%get3A_792, %get3A_793] {strides = array<i32>} : memref<80x128xf32, #tpu.memory_space<vmem>>, vector<1x16xf32>,
        %get3A_795 = vector.shape_cast %get3A_794 : vector<1x16xf32> to vector<16xf32>
        %add3A_796 = arith.addf %add3A_791, %get3A_795 : vector<16xf32>
        %max3A_797 = arith.constant 0.000000e+00 : f32
        %max3A_798 = vector.broadcast %max3A_797 : f32 to vector<16xf32>
        %max3A_799 = arith.maximumf %add3A_796, %max3A_798 : vector<16xf32>
        %swap3A_800 = arith.index_cast %add3A_694 : i32 to index
        %swap3A_801 = arith.constant 64 : index
        %swap3A_802 = tpu.vector_load %arg12[%swap3A_800, %swap3A_801] {strides = array<i32>} : memref<80x128xf32, #tpu.memory_space<vmem>>, vector<1x16xf32>,
        %swap3A_803 = vector.shape_cast %swap3A_802 : vector<1x16xf32> to vector<16xf32>
        %swap3A_804 = vector.shape_cast %max3A_799 : vector<16xf32> to vector<1x16xf32>
        tpu.vector_store %arg12[%swap3A_800, %swap3A_801], %swap3A_804 {strides = array<i32>} : memref<80x128xf32, #tpu.memory_space<vmem>>, vector<1x16xf32>,
        %get3A_805 = arith.index_cast %add3A_694 : i32 to index
        %get3A_806 = arith.constant 80 : index
        %get3A_807 = tpu.vector_load %arg12[%get3A_805, %get3A_806] {strides = array<i32>} : memref<80x128xf32, #tpu.memory_space<vmem>>, vector<1x16xf32>,
        %get3A_808 = vector.shape_cast %get3A_807 : vector<1x16xf32> to vector<16xf32>
        %get3A_809 = arith.index_cast %add3A_694 : i32 to index
        %get3A_810 = arith.constant 80 : index
        %get3A_811 = tpu.vector_load %arg13[%get3A_809, %get3A_810] {strides = array<i32>} : memref<80x128xf32, #tpu.memory_space<vmem>>, vector<1x16xf32>,
        %get3A_812 = vector.shape_cast %get3A_811 : vector<1x16xf32> to vector<16xf32>
        %add3A_813 = arith.addf %get3A_808, %get3A_812 : vector<16xf32>
        %get3A_814 = arith.index_cast %add3A_694 : i32 to index
        %get3A_815 = arith.constant 80 : index
        %get3A_816 = tpu.vector_load %arg14[%get3A_814, %get3A_815] {strides = array<i32>} : memref<80x128xf32, #tpu.memory_space<vmem>>, vector<1x16xf32>,
        %get3A_817 = vector.shape_cast %get3A_816 : vector<1x16xf32> to vector<16xf32>
        %add3A_818 = arith.addf %add3A_813, %get3A_817 : vector<16xf32>
        %max3A_819 = arith.constant 0.000000e+00 : f32
        %max3A_820 = vector.broadcast %max3A_819 : f32 to vector<16xf32>
        %max3A_821 = arith.maximumf %add3A_818, %max3A_820 : vector<16xf32>
        %swap3A_822 = arith.index_cast %add3A_694 : i32 to index
        %swap3A_823 = arith.constant 80 : index
        %swap3A_824 = tpu.vector_load %arg12[%swap3A_822, %swap3A_823] {strides = array<i32>} : memref<80x128xf32, #tpu.memory_space<vmem>>, vector<1x16xf32>,
        %swap3A_825 = vector.shape_cast %swap3A_824 : vector<1x16xf32> to vector<16xf32>
        %swap3A_826 = vector.shape_cast %max3A_821 : vector<16xf32> to vector<1x16xf32>
        tpu.vector_store %arg12[%swap3A_822, %swap3A_823], %swap3A_826 {strides = array<i32>} : memref<80x128xf32, #tpu.memory_space<vmem>>, vector<1x16xf32>,
        %get3A_827 = arith.index_cast %add3A_694 : i32 to index
        %get3A_828 = arith.constant 96 : index
        %get3A_829 = tpu.vector_load %arg12[%get3A_827, %get3A_828] {strides = array<i32>} : memref<80x128xf32, #tpu.memory_space<vmem>>, vector<1x16xf32>,
        %get3A_830 = vector.shape_cast %get3A_829 : vector<1x16xf32> to vector<16xf32>
        %get3A_831 = arith.index_cast %add3A_694 : i32 to index
        %get3A_832 = arith.constant 96 : index
        %get3A_833 = tpu.vector_load %arg13[%get3A_831, %get3A_832] {strides = array<i32>} : memref<80x128xf32, #tpu.memory_space<vmem>>, vector<1x16xf32>,
        %get3A_834 = vector.shape_cast %get3A_833 : vector<1x16xf32> to vector<16xf32>
        %add3A_835 = arith.addf %get3A_830, %get3A_834 : vector<16xf32>
        %get3A_836 = arith.index_cast %add3A_694 : i32 to index
        %get3A_837 = arith.constant 96 : index
        %get3A_838 = tpu.vector_load %arg14[%get3A_836, %get3A_837] {strides = array<i32>} : memref<80x128xf32, #tpu.memory_space<vmem>>, vector<1x16xf32>,
        %get3A_839 = vector.shape_cast %get3A_838 : vector<1x16xf32> to vector<16xf32>
        %add3A_840 = arith.addf %add3A_835, %get3A_839 : vector<16xf32>
        %max3A_841 = arith.constant 0.000000e+00 : f32
        %max3A_842 = vector.broadcast %max3A_841 : f32 to vector<16xf32>
        %max3A_843 = arith.maximumf %add3A_840, %max3A_842 : vector<16xf32>
        %swap3A_844 = arith.index_cast %add3A_694 : i32 to index
        %swap3A_845 = arith.constant 96 : index
        %swap3A_846 = tpu.vector_load %arg12[%swap3A_844, %swap3A_845] {strides = array<i32>} : memref<80x128xf32, #tpu.memory_space<vmem>>, vector<1x16xf32>,
        %swap3A_847 = vector.shape_cast %swap3A_846 : vector<1x16xf32> to vector<16xf32>
        %swap3A_848 = vector.shape_cast %max3A_843 : vector<16xf32> to vector<1x16xf32>
        tpu.vector_store %arg12[%swap3A_844, %swap3A_845], %swap3A_848 {strides = array<i32>} : memref<80x128xf32, #tpu.memory_space<vmem>>, vector<1x16xf32>,
        %get3A_849 = arith.index_cast %add3A_694 : i32 to index
        %get3A_850 = arith.constant 112 : index
        %get3A_851 = tpu.vector_load %arg12[%get3A_849, %get3A_850] {strides = array<i32>} : memref<80x128xf32, #tpu.memory_space<vmem>>, vector<1x16xf32>,
        %get3A_852 = vector.shape_cast %get3A_851 : vector<1x16xf32> to vector<16xf32>
        %get3A_853 = arith.index_cast %add3A_694 : i32 to index
        %get3A_854 = arith.constant 112 : index
        %get3A_855 = tpu.vector_load %arg13[%get3A_853, %get3A_854] {strides = array<i32>} : memref<80x128xf32, #tpu.memory_space<vmem>>, vector<1x16xf32>,
        %get3A_856 = vector.shape_cast %get3A_855 : vector<1x16xf32> to vector<16xf32>
        %add3A_857 = arith.addf %get3A_852, %get3A_856 : vector<16xf32>
        %get3A_858 = arith.index_cast %add3A_694 : i32 to index
        %get3A_859 = arith.constant 112 : index
        %get3A_860 = tpu.vector_load %arg14[%get3A_858, %get3A_859] {strides = array<i32>} : memref<80x128xf32, #tpu.memory_space<vmem>>, vector<1x16xf32>,
        %get3A_861 = vector.shape_cast %get3A_860 : vector<1x16xf32> to vector<16xf32>
        %add3A_862 = arith.addf %add3A_857, %get3A_861 : vector<16xf32>
        %max3A_863 = arith.constant 0.000000e+00 : f32
        %max3A_864 = vector.broadcast %max3A_863 : f32 to vector<16xf32>
        %max3A_865 = arith.maximumf %add3A_862, %max3A_864 : vector<16xf32>
        %swap3A_866 = arith.index_cast %add3A_694 : i32 to index
        %swap3A_867 = arith.constant 112 : index
        %swap3A_868 = tpu.vector_load %arg12[%swap3A_866, %swap3A_867] {strides = array<i32>} : memref<80x128xf32, #tpu.memory_space<vmem>>, vector<1x16xf32>,
        %swap3A_869 = vector.shape_cast %swap3A_868 : vector<1x16xf32> to vector<16xf32>
        %swap3A_870 = vector.shape_cast %max3A_865 : vector<16xf32> to vector<1x16xf32>
        tpu.vector_store %arg12[%swap3A_866, %swap3A_867], %swap3A_870 {strides = array<i32>} : memref<80x128xf32, #tpu.memory_space<vmem>>, vector<1x16xf32>,
        %scan3A_871 = arith.constant 0 : i32
        scf.yield %scan3A_871 : i32
      }
      %scan3A_148 = arith.constant 20 : i32
      "tpu.region"() ({
        %run_scoped3A = tpu.sem_alloc : memref<!tpu.dma_semaphore, #tpu.memory_space<semaphore_mem>>
        %dma_start3A_150 = arith.constant 0 : i32
        %dma_start3A_151 = arith.constant 0 : i32
        %dma_start3A_152 = tpu.memref_slice %arg7[%dma_start3A_150, %dma_start3A_151] : memref<10240x128xf32, #tpu.memory_space<vmem_shared>> -> memref<10240x128xf32, #tpu.memory_space<vmem_shared>>
        tpu.enqueue_indirect_dma source(%arg12 : memref<80x128xf32, #tpu.memory_space<vmem>>) target(%dma_start3A_152 : memref<10240x128xf32, #tpu.memory_space<vmem_shared>>) offsets(%arg9 : memref<80xi32, #tpu.memory_space<vmem>>) semaphore(%run_scoped3A : memref<!tpu.dma_semaphore, #tpu.memory_space<semaphore_mem>>) {add = true}
        %dma_wait3A_153 = arith.constant 0 : i32
        %dma_wait3A_154 = arith.constant 0 : i32
        %dma_wait3A_155 = tpu.memref_slice %arg7[%dma_wait3A_153, %dma_wait3A_154] : memref<10240x128xf32, #tpu.memory_space<vmem_shared>> -> memref<10240x128xf32, #tpu.memory_space<vmem_shared>>
        tpu.wait_indirect_dma semaphore(%run_scoped3A : memref<!tpu.dma_semaphore, #tpu.memory_space<semaphore_mem>>) src(%arg12 : memref<80x128xf32, #tpu.memory_space<vmem>>) dst(%dma_wait3A_155 : memref<10240x128xf32, #tpu.memory_space<vmem_shared>>)
        tpu.yield
      }) : () -> ()
      %scan3A_149 = arith.constant 0 : i32
      scf.yield %scan3A_149 : i32
    }
    %scan3A_31 = arith.constant 125 : i32
    %barrier3A_32 = arith.constant 0 : index
    tpu.barrier barrier_id(%barrier3A_32)
    %mul3A_33 = arith.constant 10240 : i32
    %mul3A_34 = arith.muli %arg0, %mul3A_33 : i32
    %add3A_35 = arith.addi %mul3A_34, %mul3A_7 : i32
    "tpu.region"() ({
      %run_scoped3A = tpu.sem_alloc : memref<!tpu.dma_semaphore, #tpu.memory_space<semaphore_mem>>
      %dma_start3A = arith.constant 0 : i32
      %dma_start3A_36 = tpu.memref_slice %arg6[%add3A_35, %dma_start3A] : memref<20480x128xf32, #tpu.memory_space<hbm>> -> memref<640x128xf32, #tpu.memory_space<hbm>>
      %dma_start3A_37 = arith.constant 0 : i32
      %dma_start3A_38 = tpu.memref_slice %arg7[%mul3A_7, %dma_start3A_37] : memref<10240x128xf32, #tpu.memory_space<vmem_shared>> -> memref<640x128xf32, #tpu.memory_space<vmem_shared>>
      tpu.enqueue_dma source(%dma_start3A_38 : memref<640x128xf32, #tpu.memory_space<vmem_shared>>) target(%dma_start3A_36 : memref<640x128xf32, #tpu.memory_space<hbm>>) target_semaphore(%run_scoped3A : memref<!tpu.dma_semaphore, #tpu.memory_space<semaphore_mem>>)
      %dma_wait3A = arith.constant 0 : i32
      %dma_wait3A_39 = tpu.memref_slice %arg6[%add3A_35, %dma_wait3A] : memref<20480x128xf32, #tpu.memory_space<hbm>> -> memref<640x128xf32, #tpu.memory_space<hbm>>
      %dma_wait3A_40 = arith.constant 0 : i32
      %dma_wait3A_41 = tpu.memref_slice %arg7[%mul3A_7, %dma_wait3A_40] : memref<10240x128xf32, #tpu.memory_space<vmem_shared>> -> memref<640x128xf32, #tpu.memory_space<vmem_shared>>
      tpu.wait_dma2 semaphore(%run_scoped3A : memref<!tpu.dma_semaphore, #tpu.memory_space<semaphore_mem>>) src(%dma_wait3A_41 : memref<640x128xf32, #tpu.memory_space<vmem_shared>>) dst(%dma_wait3A_39 : memref<640x128xf32, #tpu.memory_space<hbm>>)
      tpu.yield
    }) : () -> ()
    return
  }
}

#map = affine_map<(d0, d1) -> (0)>
#map1 = affine_map<(d0, d1) -> (0, 0)>
module attributes {stable_mosaic.version = 14 : i64} {
  func.func @body(%arg0: i32, %arg1: i32, %arg2: memref<160000xi32, #tpu.memory_space<hbm>>, %arg3: memref<160000xi32, #tpu.memory_space<hbm>>, %arg4: memref<40000x128xf32, #tpu.memory_space<hbm>>, %arg5: memref<320000x128xf32, #tpu.memory_space<hbm>>, %arg6: memref<20480x128xf32, #tpu.memory_space<hbm>>, %arg7: memref<10240x128xf32, #tpu.memory_space<vmem_shared>>, %arg8: memref<80xi32, #tpu.memory_space<vmem>>, %arg9: memref<80xi32, #tpu.memory_space<vmem>>, %arg10: memref<80xi32, #tpu.memory_space<vmem>>, %arg11: memref<80xi32, #tpu.memory_space<vmem>>, %arg12: memref<80x128xf32, #tpu.memory_space<vmem>>, %arg13: memref<80x128xf32, #tpu.memory_space<vmem>>, %arg14: memref<80x128xf32, #tpu.memory_space<vmem>>, %arg15: memref<!tpu.dma_semaphore, #tpu.memory_space<semaphore_mem>>, %arg16: memref<!tpu.dma_semaphore, #tpu.memory_space<semaphore_mem>>) attributes {dimension_semantics = [#tpu.dimension_semantics<core_parallel>, #tpu.dimension_semantics<subcore_parallel>], iteration_bounds = array<i64: 2, 16>, scalar_prefetch = 0 : i64, scratch_operands = 10 : i64, tpu.core_type = #tpu.core_type<sc_vector_subcore>, window_params = [{transform_indices = #map}, {transform_indices = #map}, {transform_indices = #map1}, {transform_indices = #map1}, {transform_indices = #map1}]} {
    %broadcast_in_dim3A = arith.constant 0.000000e+00 : f32
    %broadcast_in_dim3A_0 = vector.broadcast %broadcast_in_dim3A : f32 to vector<16xf32>
    %scan3A = arith.constant 0 : i32
    %scan3A_1 = arith.constant 0 : i32
    %scan3A_2 = arith.constant 80 : i32
    %scan3A_3 = arith.addi %scan3A_1, %scan3A_2 : i32
    %scan3A_4 = arith.constant 1 : i32
    %scan3A_5 = scf.for %scan3A_36 = %scan3A_1 to %scan3A_3 step %scan3A_4 iter_args(%scan3A_37 = %scan3A) -> (i32)  : i32 {
      %swap3A = arith.index_cast %scan3A_36 : i32 to index
      %swap3A_38 = arith.constant 0 : index
      %swap3A_39 = tpu.vector_load %arg12[%swap3A, %swap3A_38] {strides = array<i32>} : memref<80x128xf32, #tpu.memory_space<vmem>>, vector<1x16xf32>,
      %swap3A_40 = vector.shape_cast %swap3A_39 : vector<1x16xf32> to vector<16xf32>
      %swap3A_41 = vector.shape_cast %broadcast_in_dim3A_0 : vector<16xf32> to vector<1x16xf32>
      tpu.vector_store %arg12[%swap3A, %swap3A_38], %swap3A_41 {strides = array<i32>} : memref<80x128xf32, #tpu.memory_space<vmem>>, vector<1x16xf32>,
      %swap3A_42 = arith.index_cast %scan3A_36 : i32 to index
      %swap3A_43 = arith.constant 16 : index
      %swap3A_44 = tpu.vector_load %arg12[%swap3A_42, %swap3A_43] {strides = array<i32>} : memref<80x128xf32, #tpu.memory_space<vmem>>, vector<1x16xf32>,
      %swap3A_45 = vector.shape_cast %swap3A_44 : vector<1x16xf32> to vector<16xf32>
      %swap3A_46 = vector.shape_cast %broadcast_in_dim3A_0 : vector<16xf32> to vector<1x16xf32>
      tpu.vector_store %arg12[%swap3A_42, %swap3A_43], %swap3A_46 {strides = array<i32>} : memref<80x128xf32, #tpu.memory_space<vmem>>, vector<1x16xf32>,
      %swap3A_47 = arith.index_cast %scan3A_36 : i32 to index
      %swap3A_48 = arith.constant 32 : index
      %swap3A_49 = tpu.vector_load %arg12[%swap3A_47, %swap3A_48] {strides = array<i32>} : memref<80x128xf32, #tpu.memory_space<vmem>>, vector<1x16xf32>,
      %swap3A_50 = vector.shape_cast %swap3A_49 : vector<1x16xf32> to vector<16xf32>
      %swap3A_51 = vector.shape_cast %broadcast_in_dim3A_0 : vector<16xf32> to vector<1x16xf32>
      tpu.vector_store %arg12[%swap3A_47, %swap3A_48], %swap3A_51 {strides = array<i32>} : memref<80x128xf32, #tpu.memory_space<vmem>>, vector<1x16xf32>,
      %swap3A_52 = arith.index_cast %scan3A_36 : i32 to index
      %swap3A_53 = arith.constant 48 : index
      %swap3A_54 = tpu.vector_load %arg12[%swap3A_52, %swap3A_53] {strides = array<i32>} : memref<80x128xf32, #tpu.memory_space<vmem>>, vector<1x16xf32>,
      %swap3A_55 = vector.shape_cast %swap3A_54 : vector<1x16xf32> to vector<16xf32>
      %swap3A_56 = vector.shape_cast %broadcast_in_dim3A_0 : vector<16xf32> to vector<1x16xf32>
      tpu.vector_store %arg12[%swap3A_52, %swap3A_53], %swap3A_56 {strides = array<i32>} : memref<80x128xf32, #tpu.memory_space<vmem>>, vector<1x16xf32>,
      %swap3A_57 = arith.index_cast %scan3A_36 : i32 to index
      %swap3A_58 = arith.constant 64 : index
      %swap3A_59 = tpu.vector_load %arg12[%swap3A_57, %swap3A_58] {strides = array<i32>} : memref<80x128xf32, #tpu.memory_space<vmem>>, vector<1x16xf32>,
      %swap3A_60 = vector.shape_cast %swap3A_59 : vector<1x16xf32> to vector<16xf32>
      %swap3A_61 = vector.shape_cast %broadcast_in_dim3A_0 : vector<16xf32> to vector<1x16xf32>
      tpu.vector_store %arg12[%swap3A_57, %swap3A_58], %swap3A_61 {strides = array<i32>} : memref<80x128xf32, #tpu.memory_space<vmem>>, vector<1x16xf32>,
      %swap3A_62 = arith.index_cast %scan3A_36 : i32 to index
      %swap3A_63 = arith.constant 80 : index
      %swap3A_64 = tpu.vector_load %arg12[%swap3A_62, %swap3A_63] {strides = array<i32>} : memref<80x128xf32, #tpu.memory_space<vmem>>, vector<1x16xf32>,
      %swap3A_65 = vector.shape_cast %swap3A_64 : vector<1x16xf32> to vector<16xf32>
      %swap3A_66 = vector.shape_cast %broadcast_in_dim3A_0 : vector<16xf32> to vector<1x16xf32>
      tpu.vector_store %arg12[%swap3A_62, %swap3A_63], %swap3A_66 {strides = array<i32>} : memref<80x128xf32, #tpu.memory_space<vmem>>, vector<1x16xf32>,
      %swap3A_67 = arith.index_cast %scan3A_36 : i32 to index
      %swap3A_68 = arith.constant 96 : index
      %swap3A_69 = tpu.vector_load %arg12[%swap3A_67, %swap3A_68] {strides = array<i32>} : memref<80x128xf32, #tpu.memory_space<vmem>>, vector<1x16xf32>,
      %swap3A_70 = vector.shape_cast %swap3A_69 : vector<1x16xf32> to vector<16xf32>
      %swap3A_71 = vector.shape_cast %broadcast_in_dim3A_0 : vector<16xf32> to vector<1x16xf32>
      tpu.vector_store %arg12[%swap3A_67, %swap3A_68], %swap3A_71 {strides = array<i32>} : memref<80x128xf32, #tpu.memory_space<vmem>>, vector<1x16xf32>,
      %swap3A_72 = arith.index_cast %scan3A_36 : i32 to index
      %swap3A_73 = arith.constant 112 : index
      %swap3A_74 = tpu.vector_load %arg12[%swap3A_72, %swap3A_73] {strides = array<i32>} : memref<80x128xf32, #tpu.memory_space<vmem>>, vector<1x16xf32>,
      %swap3A_75 = vector.shape_cast %swap3A_74 : vector<1x16xf32> to vector<16xf32>
      %swap3A_76 = vector.shape_cast %broadcast_in_dim3A_0 : vector<16xf32> to vector<1x16xf32>
      tpu.vector_store %arg12[%swap3A_72, %swap3A_73], %swap3A_76 {strides = array<i32>} : memref<80x128xf32, #tpu.memory_space<vmem>>, vector<1x16xf32>,
      %scan3A_77 = arith.constant 0 : i32
      scf.yield %scan3A_77 : i32
    }
    %scan3A_6 = arith.constant 80 : i32
    %mul3A = arith.constant 640 : i32
    %mul3A_7 = arith.muli %arg1, %mul3A : i32
    %scan3A_8 = arith.constant 0 : i32
    %scan3A_9 = arith.constant 0 : i32
    %scan3A_10 = arith.constant 8 : i32
    %scan3A_11 = arith.addi %scan3A_9, %scan3A_10 : i32
    %scan3A_12 = arith.constant 1 : i32
    %scan3A_13 = scf.for %scan3A_36 = %scan3A_9 to %scan3A_11 step %scan3A_12 iter_args(%scan3A_37 = %scan3A_8) -> (i32)  : i32 {
      %mul3A_38 = arith.constant 80 : i32
      %mul3A_39 = arith.muli %scan3A_36, %mul3A_38 : i32
      %add3A_40 = arith.addi %mul3A_7, %mul3A_39 : i32
      "tpu.region"() ({
        %run_scoped3A = tpu.sem_alloc : memref<!tpu.dma_semaphore, #tpu.memory_space<semaphore_mem>>
        %dma_start3A = arith.constant 0 : i32
        %dma_start3A_42 = tpu.memref_slice %arg7[%add3A_40, %dma_start3A] : memref<10240x128xf32, #tpu.memory_space<vmem_shared>> -> memref<80x128xf32, #tpu.memory_space<vmem_shared>>
        %dma_start3A_43 = arith.constant 0 : i32
        %dma_start3A_44 = tpu.memref_slice %arg7[%add3A_40, %dma_start3A_43] : memref<10240x128xf32, #tpu.memory_space<vmem_shared>> -> memref<80x128xf32, #tpu.memory_space<vmem_shared>>
        tpu.enqueue_dma source(%arg12 : memref<80x128xf32, #tpu.memory_space<vmem>>) target(%dma_start3A_44 : memref<80x128xf32, #tpu.memory_space<vmem_shared>>) target_semaphore(%run_scoped3A : memref<!tpu.dma_semaphore, #tpu.memory_space<semaphore_mem>>)
        %dma_wait3A = arith.constant 0 : i32
        %dma_wait3A_45 = tpu.memref_slice %arg7[%add3A_40, %dma_wait3A] : memref<10240x128xf32, #tpu.memory_space<vmem_shared>> -> memref<80x128xf32, #tpu.memory_space<vmem_shared>>
        %dma_wait3A_46 = arith.constant 0 : i32
        %dma_wait3A_47 = tpu.memref_slice %arg7[%add3A_40, %dma_wait3A_46] : memref<10240x128xf32, #tpu.memory_space<vmem_shared>> -> memref<80x128xf32, #tpu.memory_space<vmem_shared>>
        tpu.wait_dma2 semaphore(%run_scoped3A : memref<!tpu.dma_semaphore, #tpu.memory_space<semaphore_mem>>) src(%arg12 : memref<80x128xf32, #tpu.memory_space<vmem>>) dst(%dma_wait3A_47 : memref<80x128xf32, #tpu.memory_space<vmem_shared>>)
        tpu.yield
      }) : () -> ()
      %scan3A_41 = arith.constant 0 : i32
      scf.yield %scan3A_41 : i32
    }
    %scan3A_14 = arith.constant 8 : i32
    %barrier3A = arith.constant 0 : index
    tpu.barrier barrier_id(%barrier3A)
    %mul3A_15 = arith.constant 10000 : i32
    %mul3A_16 = arith.muli %arg1, %mul3A_15 : i32
    %mul3A_17 = arith.constant 2 : i32
    %mul3A_18 = arith.muli %mul3A_17, %arg0 : i32
    %mul3A_19 = arith.constant 10000 : i32
    %mul3A_20 = arith.muli %mul3A_18, %mul3A_19 : i32
    %add3A = arith.constant 10000 : i32
    %add3A_21 = arith.addi %mul3A_20, %add3A : i32
    %mul3A_22 = arith.constant 160000 : i32
    %mul3A_23 = arith.muli %arg0, %mul3A_22 : i32
    %add3A_24 = arith.addi %mul3A_23, %mul3A_16 : i32
    %scan3A_25 = arith.constant 0 : i32
    %scan3A_26 = arith.constant 0 : i32
    %scan3A_27 = arith.constant 125 : i32
    %scan3A_28 = arith.addi %scan3A_26, %scan3A_27 : i32
    %scan3A_29 = arith.constant 1 : i32
    %scan3A_30 = scf.for %scan3A_36 = %scan3A_26 to %scan3A_28 step %scan3A_29 iter_args(%scan3A_37 = %scan3A_25) -> (i32)  : i32 {
      %mul3A_38 = arith.constant 80 : i32
      %mul3A_39 = arith.muli %scan3A_36, %mul3A_38 : i32
      %add3A_40 = arith.addi %mul3A_16, %mul3A_39 : i32
      "tpu.region"() ({
        %run_scoped3A = tpu.sem_alloc : memref<!tpu.dma_semaphore, #tpu.memory_space<semaphore_mem>>
        %dma_start3A_150 = tpu.memref_slice %arg2[%add3A_40] : memref<160000xi32, #tpu.memory_space<hbm>> -> memref<80xi32, #tpu.memory_space<hbm>>
        %dma_start3A_151 = tpu.memref_slice %arg2[%add3A_40] : memref<160000xi32, #tpu.memory_space<hbm>> -> memref<80xi32, #tpu.memory_space<hbm>>
        tpu.enqueue_dma source(%dma_start3A_151 : memref<80xi32, #tpu.memory_space<hbm>>) target(%arg8 : memref<80xi32, #tpu.memory_space<vmem>>) target_semaphore(%run_scoped3A : memref<!tpu.dma_semaphore, #tpu.memory_space<semaphore_mem>>)
        %dma_wait3A_152 = tpu.memref_slice %arg2[%add3A_40] : memref<160000xi32, #tpu.memory_space<hbm>> -> memref<80xi32, #tpu.memory_space<hbm>>
        %dma_wait3A_153 = tpu.memref_slice %arg2[%add3A_40] : memref<160000xi32, #tpu.memory_space<hbm>> -> memref<80xi32, #tpu.memory_space<hbm>>
        tpu.wait_dma2 semaphore(%run_scoped3A : memref<!tpu.dma_semaphore, #tpu.memory_space<semaphore_mem>>) src(%dma_wait3A_153 : memref<80xi32, #tpu.memory_space<hbm>>) dst(%arg8 : memref<80xi32, #tpu.memory_space<vmem>>)
        tpu.yield
      }) : () -> ()
      "tpu.region"() ({
        %run_scoped3A = tpu.sem_alloc : memref<!tpu.dma_semaphore, #tpu.memory_space<semaphore_mem>>
        %dma_start3A_150 = tpu.memref_slice %arg3[%add3A_40] : memref<160000xi32, #tpu.memory_space<hbm>> -> memref<80xi32, #tpu.memory_space<hbm>>
        %dma_start3A_151 = tpu.memref_slice %arg3[%add3A_40] : memref<160000xi32, #tpu.memory_space<hbm>> -> memref<80xi32, #tpu.memory_space<hbm>>
        tpu.enqueue_dma source(%dma_start3A_151 : memref<80xi32, #tpu.memory_space<hbm>>) target(%arg9 : memref<80xi32, #tpu.memory_space<vmem>>) target_semaphore(%run_scoped3A : memref<!tpu.dma_semaphore, #tpu.memory_space<semaphore_mem>>)
        %dma_wait3A_152 = tpu.memref_slice %arg3[%add3A_40] : memref<160000xi32, #tpu.memory_space<hbm>> -> memref<80xi32, #tpu.memory_space<hbm>>
        %dma_wait3A_153 = tpu.memref_slice %arg3[%add3A_40] : memref<160000xi32, #tpu.memory_space<hbm>> -> memref<80xi32, #tpu.memory_space<hbm>>
        tpu.wait_dma2 semaphore(%run_scoped3A : memref<!tpu.dma_semaphore, #tpu.memory_space<semaphore_mem>>) src(%dma_wait3A_153 : memref<80xi32, #tpu.memory_space<hbm>>) dst(%arg9 : memref<80xi32, #tpu.memory_space<vmem>>)
        tpu.yield
      }) : () -> ()
      %get3A = arith.constant 0 : index
      %get3A_41 = tpu.vector_load %arg8[%get3A] {strides = array<i32>} : memref<80xi32, #tpu.memory_space<vmem>>, vector<16xi32>,
      %get3A_42 = vector.shape_cast %get3A_41 : vector<16xi32> to vector<16xi32>
      %add3A_43 = vector.broadcast %mul3A_20 : i32 to vector<16xi32>
      %add3A_44 = arith.addi %get3A_42, %add3A_43 : vector<16xi32>
      %swap3A = arith.constant 0 : index
      %swap3A_45 = tpu.vector_load %arg10[%swap3A] {strides = array<i32>} : memref<80xi32, #tpu.memory_space<vmem>>, vector<16xi32>,
      %swap3A_46 = vector.shape_cast %swap3A_45 : vector<16xi32> to vector<16xi32>
      %swap3A_47 = vector.shape_cast %add3A_44 : vector<16xi32> to vector<16xi32>
      tpu.vector_store %arg10[%swap3A], %swap3A_47 {strides = array<i32>} : memref<80xi32, #tpu.memory_space<vmem>>, vector<16xi32>,
      %get3A_48 = arith.constant 0 : index
      %get3A_49 = tpu.vector_load %arg9[%get3A_48] {strides = array<i32>} : memref<80xi32, #tpu.memory_space<vmem>>, vector<16xi32>,
      %get3A_50 = vector.shape_cast %get3A_49 : vector<16xi32> to vector<16xi32>
      %add3A_51 = vector.broadcast %add3A_21 : i32 to vector<16xi32>
      %add3A_52 = arith.addi %get3A_50, %add3A_51 : vector<16xi32>
      %swap3A_53 = arith.constant 0 : index
      %swap3A_54 = tpu.vector_load %arg11[%swap3A_53] {strides = array<i32>} : memref<80xi32, #tpu.memory_space<vmem>>, vector<16xi32>,
      %swap3A_55 = vector.shape_cast %swap3A_54 : vector<16xi32> to vector<16xi32>
      %swap3A_56 = vector.shape_cast %add3A_52 : vector<16xi32> to vector<16xi32>
      tpu.vector_store %arg11[%swap3A_53], %swap3A_56 {strides = array<i32>} : memref<80xi32, #tpu.memory_space<vmem>>, vector<16xi32>,
      %get3A_57 = arith.constant 16 : index
      %get3A_58 = tpu.vector_load %arg8[%get3A_57] {strides = array<i32>} : memref<80xi32, #tpu.memory_space<vmem>>, vector<16xi32>,
      %get3A_59 = vector.shape_cast %get3A_58 : vector<16xi32> to vector<16xi32>
      %add3A_60 = vector.broadcast %mul3A_20 : i32 to vector<16xi32>
      %add3A_61 = arith.addi %get3A_59, %add3A_60 : vector<16xi32>
      %swap3A_62 = arith.constant 16 : index
      %swap3A_63 = tpu.vector_load %arg10[%swap3A_62] {strides = array<i32>} : memref<80xi32, #tpu.memory_space<vmem>>, vector<16xi32>,
      %swap3A_64 = vector.shape_cast %swap3A_63 : vector<16xi32> to vector<16xi32>
      %swap3A_65 = vector.shape_cast %add3A_61 : vector<16xi32> to vector<16xi32>
      tpu.vector_store %arg10[%swap3A_62], %swap3A_65 {strides = array<i32>} : memref<80xi32, #tpu.memory_space<vmem>>, vector<16xi32>,
      %get3A_66 = arith.constant 16 : index
      %get3A_67 = tpu.vector_load %arg9[%get3A_66] {strides = array<i32>} : memref<80xi32, #tpu.memory_space<vmem>>, vector<16xi32>,
      %get3A_68 = vector.shape_cast %get3A_67 : vector<16xi32> to vector<16xi32>
      %add3A_69 = vector.broadcast %add3A_21 : i32 to vector<16xi32>
      %add3A_70 = arith.addi %get3A_68, %add3A_69 : vector<16xi32>
      %swap3A_71 = arith.constant 16 : index
      %swap3A_72 = tpu.vector_load %arg11[%swap3A_71] {strides = array<i32>} : memref<80xi32, #tpu.memory_space<vmem>>, vector<16xi32>,
      %swap3A_73 = vector.shape_cast %swap3A_72 : vector<16xi32> to vector<16xi32>
      %swap3A_74 = vector.shape_cast %add3A_70 : vector<16xi32> to vector<16xi32>
      tpu.vector_store %arg11[%swap3A_71], %swap3A_74 {strides = array<i32>} : memref<80xi32, #tpu.memory_space<vmem>>, vector<16xi32>,
      %get3A_75 = arith.constant 32 : index
      %get3A_76 = tpu.vector_load %arg8[%get3A_75] {strides = array<i32>} : memref<80xi32, #tpu.memory_space<vmem>>, vector<16xi32>,
      %get3A_77 = vector.shape_cast %get3A_76 : vector<16xi32> to vector<16xi32>
      %add3A_78 = vector.broadcast %mul3A_20 : i32 to vector<16xi32>
      %add3A_79 = arith.addi %get3A_77, %add3A_78 : vector<16xi32>
      %swap3A_80 = arith.constant 32 : index
      %swap3A_81 = tpu.vector_load %arg10[%swap3A_80] {strides = array<i32>} : memref<80xi32, #tpu.memory_space<vmem>>, vector<16xi32>,
      %swap3A_82 = vector.shape_cast %swap3A_81 : vector<16xi32> to vector<16xi32>
      %swap3A_83 = vector.shape_cast %add3A_79 : vector<16xi32> to vector<16xi32>
      tpu.vector_store %arg10[%swap3A_80], %swap3A_83 {strides = array<i32>} : memref<80xi32, #tpu.memory_space<vmem>>, vector<16xi32>,
      %get3A_84 = arith.constant 32 : index
      %get3A_85 = tpu.vector_load %arg9[%get3A_84] {strides = array<i32>} : memref<80xi32, #tpu.memory_space<vmem>>, vector<16xi32>,
      %get3A_86 = vector.shape_cast %get3A_85 : vector<16xi32> to vector<16xi32>
      %add3A_87 = vector.broadcast %add3A_21 : i32 to vector<16xi32>
      %add3A_88 = arith.addi %get3A_86, %add3A_87 : vector<16xi32>
      %swap3A_89 = arith.constant 32 : index
      %swap3A_90 = tpu.vector_load %arg11[%swap3A_89] {strides = array<i32>} : memref<80xi32, #tpu.memory_space<vmem>>, vector<16xi32>,
      %swap3A_91 = vector.shape_cast %swap3A_90 : vector<16xi32> to vector<16xi32>
      %swap3A_92 = vector.shape_cast %add3A_88 : vector<16xi32> to vector<16xi32>
      tpu.vector_store %arg11[%swap3A_89], %swap3A_92 {strides = array<i32>} : memref<80xi32, #tpu.memory_space<vmem>>, vector<16xi32>,
      %get3A_93 = arith.constant 48 : index
      %get3A_94 = tpu.vector_load %arg8[%get3A_93] {strides = array<i32>} : memref<80xi32, #tpu.memory_space<vmem>>, vector<16xi32>,
      %get3A_95 = vector.shape_cast %get3A_94 : vector<16xi32> to vector<16xi32>
      %add3A_96 = vector.broadcast %mul3A_20 : i32 to vector<16xi32>
      %add3A_97 = arith.addi %get3A_95, %add3A_96 : vector<16xi32>
      %swap3A_98 = arith.constant 48 : index
      %swap3A_99 = tpu.vector_load %arg10[%swap3A_98] {strides = array<i32>} : memref<80xi32, #tpu.memory_space<vmem>>, vector<16xi32>,
      %swap3A_100 = vector.shape_cast %swap3A_99 : vector<16xi32> to vector<16xi32>
      %swap3A_101 = vector.shape_cast %add3A_97 : vector<16xi32> to vector<16xi32>
      tpu.vector_store %arg10[%swap3A_98], %swap3A_101 {strides = array<i32>} : memref<80xi32, #tpu.memory_space<vmem>>, vector<16xi32>,
      %get3A_102 = arith.constant 48 : index
      %get3A_103 = tpu.vector_load %arg9[%get3A_102] {strides = array<i32>} : memref<80xi32, #tpu.memory_space<vmem>>, vector<16xi32>,
      %get3A_104 = vector.shape_cast %get3A_103 : vector<16xi32> to vector<16xi32>
      %add3A_105 = vector.broadcast %add3A_21 : i32 to vector<16xi32>
      %add3A_106 = arith.addi %get3A_104, %add3A_105 : vector<16xi32>
      %swap3A_107 = arith.constant 48 : index
      %swap3A_108 = tpu.vector_load %arg11[%swap3A_107] {strides = array<i32>} : memref<80xi32, #tpu.memory_space<vmem>>, vector<16xi32>,
      %swap3A_109 = vector.shape_cast %swap3A_108 : vector<16xi32> to vector<16xi32>
      %swap3A_110 = vector.shape_cast %add3A_106 : vector<16xi32> to vector<16xi32>
      tpu.vector_store %arg11[%swap3A_107], %swap3A_110 {strides = array<i32>} : memref<80xi32, #tpu.memory_space<vmem>>, vector<16xi32>,
      %get3A_111 = arith.constant 64 : index
      %get3A_112 = tpu.vector_load %arg8[%get3A_111] {strides = array<i32>} : memref<80xi32, #tpu.memory_space<vmem>>, vector<16xi32>,
      %get3A_113 = vector.shape_cast %get3A_112 : vector<16xi32> to vector<16xi32>
      %add3A_114 = vector.broadcast %mul3A_20 : i32 to vector<16xi32>
      %add3A_115 = arith.addi %get3A_113, %add3A_114 : vector<16xi32>
      %swap3A_116 = arith.constant 64 : index
      %swap3A_117 = tpu.vector_load %arg10[%swap3A_116] {strides = array<i32>} : memref<80xi32, #tpu.memory_space<vmem>>, vector<16xi32>,
      %swap3A_118 = vector.shape_cast %swap3A_117 : vector<16xi32> to vector<16xi32>
      %swap3A_119 = vector.shape_cast %add3A_115 : vector<16xi32> to vector<16xi32>
      tpu.vector_store %arg10[%swap3A_116], %swap3A_119 {strides = array<i32>} : memref<80xi32, #tpu.memory_space<vmem>>, vector<16xi32>,
      %get3A_120 = arith.constant 64 : index
      %get3A_121 = tpu.vector_load %arg9[%get3A_120] {strides = array<i32>} : memref<80xi32, #tpu.memory_space<vmem>>, vector<16xi32>,
      %get3A_122 = vector.shape_cast %get3A_121 : vector<16xi32> to vector<16xi32>
      %add3A_123 = vector.broadcast %add3A_21 : i32 to vector<16xi32>
      %add3A_124 = arith.addi %get3A_122, %add3A_123 : vector<16xi32>
      %swap3A_125 = arith.constant 64 : index
      %swap3A_126 = tpu.vector_load %arg11[%swap3A_125] {strides = array<i32>} : memref<80xi32, #tpu.memory_space<vmem>>, vector<16xi32>,
      %swap3A_127 = vector.shape_cast %swap3A_126 : vector<16xi32> to vector<16xi32>
      %swap3A_128 = vector.shape_cast %add3A_124 : vector<16xi32> to vector<16xi32>
      tpu.vector_store %arg11[%swap3A_125], %swap3A_128 {strides = array<i32>} : memref<80xi32, #tpu.memory_space<vmem>>, vector<16xi32>,
      %dma_start3A = arith.constant 0 : i32
      %dma_start3A_129 = arith.constant 0 : i32
      %dma_start3A_130 = tpu.memref_slice %arg4[%dma_start3A, %dma_start3A_129] : memref<40000x128xf32, #tpu.memory_space<hbm>> -> memref<40000x128xf32, #tpu.memory_space<hbm>>
      tpu.enqueue_indirect_dma source(%dma_start3A_130 : memref<40000x128xf32, #tpu.memory_space<hbm>>) target(%arg12 : memref<80x128xf32, #tpu.memory_space<vmem>>) offsets(%arg10 : memref<80xi32, #tpu.memory_space<vmem>>) semaphore(%arg15 : memref<!tpu.dma_semaphore, #tpu.memory_space<semaphore_mem>>)
      %dma_start3A_131 = arith.constant 0 : i32
      %dma_start3A_132 = arith.constant 0 : i32
      %dma_start3A_133 = tpu.memref_slice %arg4[%dma_start3A_131, %dma_start3A_132] : memref<40000x128xf32, #tpu.memory_space<hbm>> -> memref<40000x128xf32, #tpu.memory_space<hbm>>
      tpu.enqueue_indirect_dma source(%dma_start3A_133 : memref<40000x128xf32, #tpu.memory_space<hbm>>) target(%arg13 : memref<80x128xf32, #tpu.memory_space<vmem>>) offsets(%arg11 : memref<80xi32, #tpu.memory_space<vmem>>) semaphore(%arg16 : memref<!tpu.dma_semaphore, #tpu.memory_space<semaphore_mem>>)
      %mul3A_134 = arith.constant 80 : i32
      %mul3A_135 = arith.muli %scan3A_36, %mul3A_134 : i32
      %add3A_136 = arith.addi %add3A_24, %mul3A_135 : i32
      "tpu.region"() ({
        %run_scoped3A = tpu.sem_alloc : memref<!tpu.dma_semaphore, #tpu.memory_space<semaphore_mem>>
        %dma_start3A_150 = arith.constant 0 : i32
        %dma_start3A_151 = tpu.memref_slice %arg5[%add3A_136, %dma_start3A_150] : memref<320000x128xf32, #tpu.memory_space<hbm>> -> memref<80x128xf32, #tpu.memory_space<hbm>>
        %dma_start3A_152 = arith.constant 0 : i32
        %dma_start3A_153 = tpu.memref_slice %arg5[%add3A_136, %dma_start3A_152] : memref<320000x128xf32, #tpu.memory_space<hbm>> -> memref<80x128xf32, #tpu.memory_space<hbm>>
        tpu.enqueue_dma source(%dma_start3A_153 : memref<80x128xf32, #tpu.memory_space<hbm>>) target(%arg14 : memref<80x128xf32, #tpu.memory_space<vmem>>) target_semaphore(%run_scoped3A : memref<!tpu.dma_semaphore, #tpu.memory_space<semaphore_mem>>)
        %dma_wait3A_154 = arith.constant 0 : i32
        %dma_wait3A_155 = tpu.memref_slice %arg5[%add3A_136, %dma_wait3A_154] : memref<320000x128xf32, #tpu.memory_space<hbm>> -> memref<80x128xf32, #tpu.memory_space<hbm>>
        %dma_wait3A_156 = arith.constant 0 : i32
        %dma_wait3A_157 = tpu.memref_slice %arg5[%add3A_136, %dma_wait3A_156] : memref<320000x128xf32, #tpu.memory_space<hbm>> -> memref<80x128xf32, #tpu.memory_space<hbm>>
        tpu.wait_dma2 semaphore(%run_scoped3A : memref<!tpu.dma_semaphore, #tpu.memory_space<semaphore_mem>>) src(%dma_wait3A_157 : memref<80x128xf32, #tpu.memory_space<hbm>>) dst(%arg14 : memref<80x128xf32, #tpu.memory_space<vmem>>)
        tpu.yield
      }) : () -> ()
      %dma_wait3A = arith.constant 0 : i32
      %dma_wait3A_137 = arith.constant 0 : i32
      %dma_wait3A_138 = tpu.memref_slice %arg4[%dma_wait3A, %dma_wait3A_137] : memref<40000x128xf32, #tpu.memory_space<hbm>> -> memref<40000x128xf32, #tpu.memory_space<hbm>>
      tpu.wait_indirect_dma semaphore(%arg15 : memref<!tpu.dma_semaphore, #tpu.memory_space<semaphore_mem>>) src(%dma_wait3A_138 : memref<40000x128xf32, #tpu.memory_space<hbm>>) dst(%arg12 : memref<80x128xf32, #tpu.memory_space<vmem>>)
      %dma_wait3A_139 = arith.constant 0 : i32
      %dma_wait3A_140 = arith.constant 0 : i32
      %dma_wait3A_141 = tpu.memref_slice %arg4[%dma_wait3A_139, %dma_wait3A_140] : memref<40000x128xf32, #tpu.memory_space<hbm>> -> memref<40000x128xf32, #tpu.memory_space<hbm>>
      tpu.wait_indirect_dma semaphore(%arg16 : memref<!tpu.dma_semaphore, #tpu.memory_space<semaphore_mem>>) src(%dma_wait3A_141 : memref<40000x128xf32, #tpu.memory_space<hbm>>) dst(%arg13 : memref<80x128xf32, #tpu.memory_space<vmem>>)
      %scan3A_142 = arith.constant 0 : i32
      %scan3A_143 = arith.constant 0 : i32
      %scan3A_144 = arith.constant 20 : i32
      %scan3A_145 = arith.addi %scan3A_143, %scan3A_144 : i32
      %scan3A_146 = arith.constant 1 : i32
      %scan3A_147 = scf.for %scan3A_150 = %scan3A_143 to %scan3A_145 step %scan3A_146 iter_args(%scan3A_151 = %scan3A_142) -> (i32)  : i32 {
        %mul3A_152 = arith.constant 4 : i32
        %mul3A_153 = arith.muli %scan3A_150, %mul3A_152 : i32
        %add3A_154 = arith.constant 0 : i32
        %add3A_155 = arith.addi %mul3A_153, %add3A_154 : i32
        %get3A_156 = arith.index_cast %add3A_155 : i32 to index
        %get3A_157 = arith.constant 0 : index
        %get3A_158 = tpu.vector_load %arg12[%get3A_156, %get3A_157] {strides = array<i32>} : memref<80x128xf32, #tpu.memory_space<vmem>>, vector<1x16xf32>,
        %get3A_159 = vector.shape_cast %get3A_158 : vector<1x16xf32> to vector<16xf32>
        %get3A_160 = arith.index_cast %add3A_155 : i32 to index
        %get3A_161 = arith.constant 0 : index
        %get3A_162 = tpu.vector_load %arg13[%get3A_160, %get3A_161] {strides = array<i32>} : memref<80x128xf32, #tpu.memory_space<vmem>>, vector<1x16xf32>,
        %get3A_163 = vector.shape_cast %get3A_162 : vector<1x16xf32> to vector<16xf32>
        %add3A_164 = arith.addf %get3A_159, %get3A_163 : vector<16xf32>
        %get3A_165 = arith.index_cast %add3A_155 : i32 to index
        %get3A_166 = arith.constant 0 : index
        %get3A_167 = tpu.vector_load %arg14[%get3A_165, %get3A_166] {strides = array<i32>} : memref<80x128xf32, #tpu.memory_space<vmem>>, vector<1x16xf32>,
        %get3A_168 = vector.shape_cast %get3A_167 : vector<1x16xf32> to vector<16xf32>
        %add3A_169 = arith.addf %add3A_164, %get3A_168 : vector<16xf32>
        %max3A = arith.constant 0.000000e+00 : f32
        %max3A_170 = vector.broadcast %max3A : f32 to vector<16xf32>
        %max3A_171 = arith.maximumf %add3A_169, %max3A_170 : vector<16xf32>
        %swap3A_172 = arith.index_cast %add3A_155 : i32 to index
        %swap3A_173 = arith.constant 0 : index
        %swap3A_174 = tpu.vector_load %arg12[%swap3A_172, %swap3A_173] {strides = array<i32>} : memref<80x128xf32, #tpu.memory_space<vmem>>, vector<1x16xf32>,
        %swap3A_175 = vector.shape_cast %swap3A_174 : vector<1x16xf32> to vector<16xf32>
        %swap3A_176 = vector.shape_cast %max3A_171 : vector<16xf32> to vector<1x16xf32>
        tpu.vector_store %arg12[%swap3A_172, %swap3A_173], %swap3A_176 {strides = array<i32>} : memref<80x128xf32, #tpu.memory_space<vmem>>, vector<1x16xf32>,
        %get3A_177 = arith.index_cast %add3A_155 : i32 to index
        %get3A_178 = arith.constant 16 : index
        %get3A_179 = tpu.vector_load %arg12[%get3A_177, %get3A_178] {strides = array<i32>} : memref<80x128xf32, #tpu.memory_space<vmem>>, vector<1x16xf32>,
        %get3A_180 = vector.shape_cast %get3A_179 : vector<1x16xf32> to vector<16xf32>
        %get3A_181 = arith.index_cast %add3A_155 : i32 to index
        %get3A_182 = arith.constant 16 : index
        %get3A_183 = tpu.vector_load %arg13[%get3A_181, %get3A_182] {strides = array<i32>} : memref<80x128xf32, #tpu.memory_space<vmem>>, vector<1x16xf32>,
        %get3A_184 = vector.shape_cast %get3A_183 : vector<1x16xf32> to vector<16xf32>
        %add3A_185 = arith.addf %get3A_180, %get3A_184 : vector<16xf32>
        %get3A_186 = arith.index_cast %add3A_155 : i32 to index
        %get3A_187 = arith.constant 16 : index
        %get3A_188 = tpu.vector_load %arg14[%get3A_186, %get3A_187] {strides = array<i32>} : memref<80x128xf32, #tpu.memory_space<vmem>>, vector<1x16xf32>,
        %get3A_189 = vector.shape_cast %get3A_188 : vector<1x16xf32> to vector<16xf32>
        %add3A_190 = arith.addf %add3A_185, %get3A_189 : vector<16xf32>
        %max3A_191 = arith.constant 0.000000e+00 : f32
        %max3A_192 = vector.broadcast %max3A_191 : f32 to vector<16xf32>
        %max3A_193 = arith.maximumf %add3A_190, %max3A_192 : vector<16xf32>
        %swap3A_194 = arith.index_cast %add3A_155 : i32 to index
        %swap3A_195 = arith.constant 16 : index
        %swap3A_196 = tpu.vector_load %arg12[%swap3A_194, %swap3A_195] {strides = array<i32>} : memref<80x128xf32, #tpu.memory_space<vmem>>, vector<1x16xf32>,
        %swap3A_197 = vector.shape_cast %swap3A_196 : vector<1x16xf32> to vector<16xf32>
        %swap3A_198 = vector.shape_cast %max3A_193 : vector<16xf32> to vector<1x16xf32>
        tpu.vector_store %arg12[%swap3A_194, %swap3A_195], %swap3A_198 {strides = array<i32>} : memref<80x128xf32, #tpu.memory_space<vmem>>, vector<1x16xf32>,
        %get3A_199 = arith.index_cast %add3A_155 : i32 to index
        %get3A_200 = arith.constant 32 : index
        %get3A_201 = tpu.vector_load %arg12[%get3A_199, %get3A_200] {strides = array<i32>} : memref<80x128xf32, #tpu.memory_space<vmem>>, vector<1x16xf32>,
        %get3A_202 = vector.shape_cast %get3A_201 : vector<1x16xf32> to vector<16xf32>
        %get3A_203 = arith.index_cast %add3A_155 : i32 to index
        %get3A_204 = arith.constant 32 : index
        %get3A_205 = tpu.vector_load %arg13[%get3A_203, %get3A_204] {strides = array<i32>} : memref<80x128xf32, #tpu.memory_space<vmem>>, vector<1x16xf32>,
        %get3A_206 = vector.shape_cast %get3A_205 : vector<1x16xf32> to vector<16xf32>
        %add3A_207 = arith.addf %get3A_202, %get3A_206 : vector<16xf32>
        %get3A_208 = arith.index_cast %add3A_155 : i32 to index
        %get3A_209 = arith.constant 32 : index
        %get3A_210 = tpu.vector_load %arg14[%get3A_208, %get3A_209] {strides = array<i32>} : memref<80x128xf32, #tpu.memory_space<vmem>>, vector<1x16xf32>,
        %get3A_211 = vector.shape_cast %get3A_210 : vector<1x16xf32> to vector<16xf32>
        %add3A_212 = arith.addf %add3A_207, %get3A_211 : vector<16xf32>
        %max3A_213 = arith.constant 0.000000e+00 : f32
        %max3A_214 = vector.broadcast %max3A_213 : f32 to vector<16xf32>
        %max3A_215 = arith.maximumf %add3A_212, %max3A_214 : vector<16xf32>
        %swap3A_216 = arith.index_cast %add3A_155 : i32 to index
        %swap3A_217 = arith.constant 32 : index
        %swap3A_218 = tpu.vector_load %arg12[%swap3A_216, %swap3A_217] {strides = array<i32>} : memref<80x128xf32, #tpu.memory_space<vmem>>, vector<1x16xf32>,
        %swap3A_219 = vector.shape_cast %swap3A_218 : vector<1x16xf32> to vector<16xf32>
        %swap3A_220 = vector.shape_cast %max3A_215 : vector<16xf32> to vector<1x16xf32>
        tpu.vector_store %arg12[%swap3A_216, %swap3A_217], %swap3A_220 {strides = array<i32>} : memref<80x128xf32, #tpu.memory_space<vmem>>, vector<1x16xf32>,
        %get3A_221 = arith.index_cast %add3A_155 : i32 to index
        %get3A_222 = arith.constant 48 : index
        %get3A_223 = tpu.vector_load %arg12[%get3A_221, %get3A_222] {strides = array<i32>} : memref<80x128xf32, #tpu.memory_space<vmem>>, vector<1x16xf32>,
        %get3A_224 = vector.shape_cast %get3A_223 : vector<1x16xf32> to vector<16xf32>
        %get3A_225 = arith.index_cast %add3A_155 : i32 to index
        %get3A_226 = arith.constant 48 : index
        %get3A_227 = tpu.vector_load %arg13[%get3A_225, %get3A_226] {strides = array<i32>} : memref<80x128xf32, #tpu.memory_space<vmem>>, vector<1x16xf32>,
        %get3A_228 = vector.shape_cast %get3A_227 : vector<1x16xf32> to vector<16xf32>
        %add3A_229 = arith.addf %get3A_224, %get3A_228 : vector<16xf32>
        %get3A_230 = arith.index_cast %add3A_155 : i32 to index
        %get3A_231 = arith.constant 48 : index
        %get3A_232 = tpu.vector_load %arg14[%get3A_230, %get3A_231] {strides = array<i32>} : memref<80x128xf32, #tpu.memory_space<vmem>>, vector<1x16xf32>,
        %get3A_233 = vector.shape_cast %get3A_232 : vector<1x16xf32> to vector<16xf32>
        %add3A_234 = arith.addf %add3A_229, %get3A_233 : vector<16xf32>
        %max3A_235 = arith.constant 0.000000e+00 : f32
        %max3A_236 = vector.broadcast %max3A_235 : f32 to vector<16xf32>
        %max3A_237 = arith.maximumf %add3A_234, %max3A_236 : vector<16xf32>
        %swap3A_238 = arith.index_cast %add3A_155 : i32 to index
        %swap3A_239 = arith.constant 48 : index
        %swap3A_240 = tpu.vector_load %arg12[%swap3A_238, %swap3A_239] {strides = array<i32>} : memref<80x128xf32, #tpu.memory_space<vmem>>, vector<1x16xf32>,
        %swap3A_241 = vector.shape_cast %swap3A_240 : vector<1x16xf32> to vector<16xf32>
        %swap3A_242 = vector.shape_cast %max3A_237 : vector<16xf32> to vector<1x16xf32>
        tpu.vector_store %arg12[%swap3A_238, %swap3A_239], %swap3A_242 {strides = array<i32>} : memref<80x128xf32, #tpu.memory_space<vmem>>, vector<1x16xf32>,
        %get3A_243 = arith.index_cast %add3A_155 : i32 to index
        %get3A_244 = arith.constant 64 : index
        %get3A_245 = tpu.vector_load %arg12[%get3A_243, %get3A_244] {strides = array<i32>} : memref<80x128xf32, #tpu.memory_space<vmem>>, vector<1x16xf32>,
        %get3A_246 = vector.shape_cast %get3A_245 : vector<1x16xf32> to vector<16xf32>
        %get3A_247 = arith.index_cast %add3A_155 : i32 to index
        %get3A_248 = arith.constant 64 : index
        %get3A_249 = tpu.vector_load %arg13[%get3A_247, %get3A_248] {strides = array<i32>} : memref<80x128xf32, #tpu.memory_space<vmem>>, vector<1x16xf32>,
        %get3A_250 = vector.shape_cast %get3A_249 : vector<1x16xf32> to vector<16xf32>
        %add3A_251 = arith.addf %get3A_246, %get3A_250 : vector<16xf32>
        %get3A_252 = arith.index_cast %add3A_155 : i32 to index
        %get3A_253 = arith.constant 64 : index
        %get3A_254 = tpu.vector_load %arg14[%get3A_252, %get3A_253] {strides = array<i32>} : memref<80x128xf32, #tpu.memory_space<vmem>>, vector<1x16xf32>,
        %get3A_255 = vector.shape_cast %get3A_254 : vector<1x16xf32> to vector<16xf32>
        %add3A_256 = arith.addf %add3A_251, %get3A_255 : vector<16xf32>
        %max3A_257 = arith.constant 0.000000e+00 : f32
        %max3A_258 = vector.broadcast %max3A_257 : f32 to vector<16xf32>
        %max3A_259 = arith.maximumf %add3A_256, %max3A_258 : vector<16xf32>
        %swap3A_260 = arith.index_cast %add3A_155 : i32 to index
        %swap3A_261 = arith.constant 64 : index
        %swap3A_262 = tpu.vector_load %arg12[%swap3A_260, %swap3A_261] {strides = array<i32>} : memref<80x128xf32, #tpu.memory_space<vmem>>, vector<1x16xf32>,
        %swap3A_263 = vector.shape_cast %swap3A_262 : vector<1x16xf32> to vector<16xf32>
        %swap3A_264 = vector.shape_cast %max3A_259 : vector<16xf32> to vector<1x16xf32>
        tpu.vector_store %arg12[%swap3A_260, %swap3A_261], %swap3A_264 {strides = array<i32>} : memref<80x128xf32, #tpu.memory_space<vmem>>, vector<1x16xf32>,
        %get3A_265 = arith.index_cast %add3A_155 : i32 to index
        %get3A_266 = arith.constant 80 : index
        %get3A_267 = tpu.vector_load %arg12[%get3A_265, %get3A_266] {strides = array<i32>} : memref<80x128xf32, #tpu.memory_space<vmem>>, vector<1x16xf32>,
        %get3A_268 = vector.shape_cast %get3A_267 : vector<1x16xf32> to vector<16xf32>
        %get3A_269 = arith.index_cast %add3A_155 : i32 to index
        %get3A_270 = arith.constant 80 : index
        %get3A_271 = tpu.vector_load %arg13[%get3A_269, %get3A_270] {strides = array<i32>} : memref<80x128xf32, #tpu.memory_space<vmem>>, vector<1x16xf32>,
        %get3A_272 = vector.shape_cast %get3A_271 : vector<1x16xf32> to vector<16xf32>
        %add3A_273 = arith.addf %get3A_268, %get3A_272 : vector<16xf32>
        %get3A_274 = arith.index_cast %add3A_155 : i32 to index
        %get3A_275 = arith.constant 80 : index
        %get3A_276 = tpu.vector_load %arg14[%get3A_274, %get3A_275] {strides = array<i32>} : memref<80x128xf32, #tpu.memory_space<vmem>>, vector<1x16xf32>,
        %get3A_277 = vector.shape_cast %get3A_276 : vector<1x16xf32> to vector<16xf32>
        %add3A_278 = arith.addf %add3A_273, %get3A_277 : vector<16xf32>
        %max3A_279 = arith.constant 0.000000e+00 : f32
        %max3A_280 = vector.broadcast %max3A_279 : f32 to vector<16xf32>
        %max3A_281 = arith.maximumf %add3A_278, %max3A_280 : vector<16xf32>
        %swap3A_282 = arith.index_cast %add3A_155 : i32 to index
        %swap3A_283 = arith.constant 80 : index
        %swap3A_284 = tpu.vector_load %arg12[%swap3A_282, %swap3A_283] {strides = array<i32>} : memref<80x128xf32, #tpu.memory_space<vmem>>, vector<1x16xf32>,
        %swap3A_285 = vector.shape_cast %swap3A_284 : vector<1x16xf32> to vector<16xf32>
        %swap3A_286 = vector.shape_cast %max3A_281 : vector<16xf32> to vector<1x16xf32>
        tpu.vector_store %arg12[%swap3A_282, %swap3A_283], %swap3A_286 {strides = array<i32>} : memref<80x128xf32, #tpu.memory_space<vmem>>, vector<1x16xf32>,
        %get3A_287 = arith.index_cast %add3A_155 : i32 to index
        %get3A_288 = arith.constant 96 : index
        %get3A_289 = tpu.vector_load %arg12[%get3A_287, %get3A_288] {strides = array<i32>} : memref<80x128xf32, #tpu.memory_space<vmem>>, vector<1x16xf32>,
        %get3A_290 = vector.shape_cast %get3A_289 : vector<1x16xf32> to vector<16xf32>
        %get3A_291 = arith.index_cast %add3A_155 : i32 to index
        %get3A_292 = arith.constant 96 : index
        %get3A_293 = tpu.vector_load %arg13[%get3A_291, %get3A_292] {strides = array<i32>} : memref<80x128xf32, #tpu.memory_space<vmem>>, vector<1x16xf32>,
        %get3A_294 = vector.shape_cast %get3A_293 : vector<1x16xf32> to vector<16xf32>
        %add3A_295 = arith.addf %get3A_290, %get3A_294 : vector<16xf32>
        %get3A_296 = arith.index_cast %add3A_155 : i32 to index
        %get3A_297 = arith.constant 96 : index
        %get3A_298 = tpu.vector_load %arg14[%get3A_296, %get3A_297] {strides = array<i32>} : memref<80x128xf32, #tpu.memory_space<vmem>>, vector<1x16xf32>,
        %get3A_299 = vector.shape_cast %get3A_298 : vector<1x16xf32> to vector<16xf32>
        %add3A_300 = arith.addf %add3A_295, %get3A_299 : vector<16xf32>
        %max3A_301 = arith.constant 0.000000e+00 : f32
        %max3A_302 = vector.broadcast %max3A_301 : f32 to vector<16xf32>
        %max3A_303 = arith.maximumf %add3A_300, %max3A_302 : vector<16xf32>
        %swap3A_304 = arith.index_cast %add3A_155 : i32 to index
        %swap3A_305 = arith.constant 96 : index
        %swap3A_306 = tpu.vector_load %arg12[%swap3A_304, %swap3A_305] {strides = array<i32>} : memref<80x128xf32, #tpu.memory_space<vmem>>, vector<1x16xf32>,
        %swap3A_307 = vector.shape_cast %swap3A_306 : vector<1x16xf32> to vector<16xf32>
        %swap3A_308 = vector.shape_cast %max3A_303 : vector<16xf32> to vector<1x16xf32>
        tpu.vector_store %arg12[%swap3A_304, %swap3A_305], %swap3A_308 {strides = array<i32>} : memref<80x128xf32, #tpu.memory_space<vmem>>, vector<1x16xf32>,
        %get3A_309 = arith.index_cast %add3A_155 : i32 to index
        %get3A_310 = arith.constant 112 : index
        %get3A_311 = tpu.vector_load %arg12[%get3A_309, %get3A_310] {strides = array<i32>} : memref<80x128xf32, #tpu.memory_space<vmem>>, vector<1x16xf32>,
        %get3A_312 = vector.shape_cast %get3A_311 : vector<1x16xf32> to vector<16xf32>
        %get3A_313 = arith.index_cast %add3A_155 : i32 to index
        %get3A_314 = arith.constant 112 : index
        %get3A_315 = tpu.vector_load %arg13[%get3A_313, %get3A_314] {strides = array<i32>} : memref<80x128xf32, #tpu.memory_space<vmem>>, vector<1x16xf32>,
        %get3A_316 = vector.shape_cast %get3A_315 : vector<1x16xf32> to vector<16xf32>
        %add3A_317 = arith.addf %get3A_312, %get3A_316 : vector<16xf32>
        %get3A_318 = arith.index_cast %add3A_155 : i32 to index
        %get3A_319 = arith.constant 112 : index
        %get3A_320 = tpu.vector_load %arg14[%get3A_318, %get3A_319] {strides = array<i32>} : memref<80x128xf32, #tpu.memory_space<vmem>>, vector<1x16xf32>,
        %get3A_321 = vector.shape_cast %get3A_320 : vector<1x16xf32> to vector<16xf32>
        %add3A_322 = arith.addf %add3A_317, %get3A_321 : vector<16xf32>
        %max3A_323 = arith.constant 0.000000e+00 : f32
        %max3A_324 = vector.broadcast %max3A_323 : f32 to vector<16xf32>
        %max3A_325 = arith.maximumf %add3A_322, %max3A_324 : vector<16xf32>
        %swap3A_326 = arith.index_cast %add3A_155 : i32 to index
        %swap3A_327 = arith.constant 112 : index
        %swap3A_328 = tpu.vector_load %arg12[%swap3A_326, %swap3A_327] {strides = array<i32>} : memref<80x128xf32, #tpu.memory_space<vmem>>, vector<1x16xf32>,
        %swap3A_329 = vector.shape_cast %swap3A_328 : vector<1x16xf32> to vector<16xf32>
        %swap3A_330 = vector.shape_cast %max3A_325 : vector<16xf32> to vector<1x16xf32>
        tpu.vector_store %arg12[%swap3A_326, %swap3A_327], %swap3A_330 {strides = array<i32>} : memref<80x128xf32, #tpu.memory_space<vmem>>, vector<1x16xf32>,
        %mul3A_331 = arith.constant 4 : i32
        %mul3A_332 = arith.muli %scan3A_150, %mul3A_331 : i32
        %add3A_333 = arith.constant 1 : i32
        %add3A_334 = arith.addi %mul3A_332, %add3A_333 : i32
        %get3A_335 = arith.index_cast %add3A_334 : i32 to index
        %get3A_336 = arith.constant 0 : index
        %get3A_337 = tpu.vector_load %arg12[%get3A_335, %get3A_336] {strides = array<i32>} : memref<80x128xf32, #tpu.memory_space<vmem>>, vector<1x16xf32>,
        %get3A_338 = vector.shape_cast %get3A_337 : vector<1x16xf32> to vector<16xf32>
        %get3A_339 = arith.index_cast %add3A_334 : i32 to index
        %get3A_340 = arith.constant 0 : index
        %get3A_341 = tpu.vector_load %arg13[%get3A_339, %get3A_340] {strides = array<i32>} : memref<80x128xf32, #tpu.memory_space<vmem>>, vector<1x16xf32>,
        %get3A_342 = vector.shape_cast %get3A_341 : vector<1x16xf32> to vector<16xf32>
        %add3A_343 = arith.addf %get3A_338, %get3A_342 : vector<16xf32>
        %get3A_344 = arith.index_cast %add3A_334 : i32 to index
        %get3A_345 = arith.constant 0 : index
        %get3A_346 = tpu.vector_load %arg14[%get3A_344, %get3A_345] {strides = array<i32>} : memref<80x128xf32, #tpu.memory_space<vmem>>, vector<1x16xf32>,
        %get3A_347 = vector.shape_cast %get3A_346 : vector<1x16xf32> to vector<16xf32>
        %add3A_348 = arith.addf %add3A_343, %get3A_347 : vector<16xf32>
        %max3A_349 = arith.constant 0.000000e+00 : f32
        %max3A_350 = vector.broadcast %max3A_349 : f32 to vector<16xf32>
        %max3A_351 = arith.maximumf %add3A_348, %max3A_350 : vector<16xf32>
        %swap3A_352 = arith.index_cast %add3A_334 : i32 to index
        %swap3A_353 = arith.constant 0 : index
        %swap3A_354 = tpu.vector_load %arg12[%swap3A_352, %swap3A_353] {strides = array<i32>} : memref<80x128xf32, #tpu.memory_space<vmem>>, vector<1x16xf32>,
        %swap3A_355 = vector.shape_cast %swap3A_354 : vector<1x16xf32> to vector<16xf32>
        %swap3A_356 = vector.shape_cast %max3A_351 : vector<16xf32> to vector<1x16xf32>
        tpu.vector_store %arg12[%swap3A_352, %swap3A_353], %swap3A_356 {strides = array<i32>} : memref<80x128xf32, #tpu.memory_space<vmem>>, vector<1x16xf32>,
        %get3A_357 = arith.index_cast %add3A_334 : i32 to index
        %get3A_358 = arith.constant 16 : index
        %get3A_359 = tpu.vector_load %arg12[%get3A_357, %get3A_358] {strides = array<i32>} : memref<80x128xf32, #tpu.memory_space<vmem>>, vector<1x16xf32>,
        %get3A_360 = vector.shape_cast %get3A_359 : vector<1x16xf32> to vector<16xf32>
        %get3A_361 = arith.index_cast %add3A_334 : i32 to index
        %get3A_362 = arith.constant 16 : index
        %get3A_363 = tpu.vector_load %arg13[%get3A_361, %get3A_362] {strides = array<i32>} : memref<80x128xf32, #tpu.memory_space<vmem>>, vector<1x16xf32>,
        %get3A_364 = vector.shape_cast %get3A_363 : vector<1x16xf32> to vector<16xf32>
        %add3A_365 = arith.addf %get3A_360, %get3A_364 : vector<16xf32>
        %get3A_366 = arith.index_cast %add3A_334 : i32 to index
        %get3A_367 = arith.constant 16 : index
        %get3A_368 = tpu.vector_load %arg14[%get3A_366, %get3A_367] {strides = array<i32>} : memref<80x128xf32, #tpu.memory_space<vmem>>, vector<1x16xf32>,
        %get3A_369 = vector.shape_cast %get3A_368 : vector<1x16xf32> to vector<16xf32>
        %add3A_370 = arith.addf %add3A_365, %get3A_369 : vector<16xf32>
        %max3A_371 = arith.constant 0.000000e+00 : f32
        %max3A_372 = vector.broadcast %max3A_371 : f32 to vector<16xf32>
        %max3A_373 = arith.maximumf %add3A_370, %max3A_372 : vector<16xf32>
        %swap3A_374 = arith.index_cast %add3A_334 : i32 to index
        %swap3A_375 = arith.constant 16 : index
        %swap3A_376 = tpu.vector_load %arg12[%swap3A_374, %swap3A_375] {strides = array<i32>} : memref<80x128xf32, #tpu.memory_space<vmem>>, vector<1x16xf32>,
        %swap3A_377 = vector.shape_cast %swap3A_376 : vector<1x16xf32> to vector<16xf32>
        %swap3A_378 = vector.shape_cast %max3A_373 : vector<16xf32> to vector<1x16xf32>
        tpu.vector_store %arg12[%swap3A_374, %swap3A_375], %swap3A_378 {strides = array<i32>} : memref<80x128xf32, #tpu.memory_space<vmem>>, vector<1x16xf32>,
        %get3A_379 = arith.index_cast %add3A_334 : i32 to index
        %get3A_380 = arith.constant 32 : index
        %get3A_381 = tpu.vector_load %arg12[%get3A_379, %get3A_380] {strides = array<i32>} : memref<80x128xf32, #tpu.memory_space<vmem>>, vector<1x16xf32>,
        %get3A_382 = vector.shape_cast %get3A_381 : vector<1x16xf32> to vector<16xf32>
        %get3A_383 = arith.index_cast %add3A_334 : i32 to index
        %get3A_384 = arith.constant 32 : index
        %get3A_385 = tpu.vector_load %arg13[%get3A_383, %get3A_384] {strides = array<i32>} : memref<80x128xf32, #tpu.memory_space<vmem>>, vector<1x16xf32>,
        %get3A_386 = vector.shape_cast %get3A_385 : vector<1x16xf32> to vector<16xf32>
        %add3A_387 = arith.addf %get3A_382, %get3A_386 : vector<16xf32>
        %get3A_388 = arith.index_cast %add3A_334 : i32 to index
        %get3A_389 = arith.constant 32 : index
        %get3A_390 = tpu.vector_load %arg14[%get3A_388, %get3A_389] {strides = array<i32>} : memref<80x128xf32, #tpu.memory_space<vmem>>, vector<1x16xf32>,
        %get3A_391 = vector.shape_cast %get3A_390 : vector<1x16xf32> to vector<16xf32>
        %add3A_392 = arith.addf %add3A_387, %get3A_391 : vector<16xf32>
        %max3A_393 = arith.constant 0.000000e+00 : f32
        %max3A_394 = vector.broadcast %max3A_393 : f32 to vector<16xf32>
        %max3A_395 = arith.maximumf %add3A_392, %max3A_394 : vector<16xf32>
        %swap3A_396 = arith.index_cast %add3A_334 : i32 to index
        %swap3A_397 = arith.constant 32 : index
        %swap3A_398 = tpu.vector_load %arg12[%swap3A_396, %swap3A_397] {strides = array<i32>} : memref<80x128xf32, #tpu.memory_space<vmem>>, vector<1x16xf32>,
        %swap3A_399 = vector.shape_cast %swap3A_398 : vector<1x16xf32> to vector<16xf32>
        %swap3A_400 = vector.shape_cast %max3A_395 : vector<16xf32> to vector<1x16xf32>
        tpu.vector_store %arg12[%swap3A_396, %swap3A_397], %swap3A_400 {strides = array<i32>} : memref<80x128xf32, #tpu.memory_space<vmem>>, vector<1x16xf32>,
        %get3A_401 = arith.index_cast %add3A_334 : i32 to index
        %get3A_402 = arith.constant 48 : index
        %get3A_403 = tpu.vector_load %arg12[%get3A_401, %get3A_402] {strides = array<i32>} : memref<80x128xf32, #tpu.memory_space<vmem>>, vector<1x16xf32>,
        %get3A_404 = vector.shape_cast %get3A_403 : vector<1x16xf32> to vector<16xf32>
        %get3A_405 = arith.index_cast %add3A_334 : i32 to index
        %get3A_406 = arith.constant 48 : index
        %get3A_407 = tpu.vector_load %arg13[%get3A_405, %get3A_406] {strides = array<i32>} : memref<80x128xf32, #tpu.memory_space<vmem>>, vector<1x16xf32>,
        %get3A_408 = vector.shape_cast %get3A_407 : vector<1x16xf32> to vector<16xf32>
        %add3A_409 = arith.addf %get3A_404, %get3A_408 : vector<16xf32>
        %get3A_410 = arith.index_cast %add3A_334 : i32 to index
        %get3A_411 = arith.constant 48 : index
        %get3A_412 = tpu.vector_load %arg14[%get3A_410, %get3A_411] {strides = array<i32>} : memref<80x128xf32, #tpu.memory_space<vmem>>, vector<1x16xf32>,
        %get3A_413 = vector.shape_cast %get3A_412 : vector<1x16xf32> to vector<16xf32>
        %add3A_414 = arith.addf %add3A_409, %get3A_413 : vector<16xf32>
        %max3A_415 = arith.constant 0.000000e+00 : f32
        %max3A_416 = vector.broadcast %max3A_415 : f32 to vector<16xf32>
        %max3A_417 = arith.maximumf %add3A_414, %max3A_416 : vector<16xf32>
        %swap3A_418 = arith.index_cast %add3A_334 : i32 to index
        %swap3A_419 = arith.constant 48 : index
        %swap3A_420 = tpu.vector_load %arg12[%swap3A_418, %swap3A_419] {strides = array<i32>} : memref<80x128xf32, #tpu.memory_space<vmem>>, vector<1x16xf32>,
        %swap3A_421 = vector.shape_cast %swap3A_420 : vector<1x16xf32> to vector<16xf32>
        %swap3A_422 = vector.shape_cast %max3A_417 : vector<16xf32> to vector<1x16xf32>
        tpu.vector_store %arg12[%swap3A_418, %swap3A_419], %swap3A_422 {strides = array<i32>} : memref<80x128xf32, #tpu.memory_space<vmem>>, vector<1x16xf32>,
        %get3A_423 = arith.index_cast %add3A_334 : i32 to index
        %get3A_424 = arith.constant 64 : index
        %get3A_425 = tpu.vector_load %arg12[%get3A_423, %get3A_424] {strides = array<i32>} : memref<80x128xf32, #tpu.memory_space<vmem>>, vector<1x16xf32>,
        %get3A_426 = vector.shape_cast %get3A_425 : vector<1x16xf32> to vector<16xf32>
        %get3A_427 = arith.index_cast %add3A_334 : i32 to index
        %get3A_428 = arith.constant 64 : index
        %get3A_429 = tpu.vector_load %arg13[%get3A_427, %get3A_428] {strides = array<i32>} : memref<80x128xf32, #tpu.memory_space<vmem>>, vector<1x16xf32>,
        %get3A_430 = vector.shape_cast %get3A_429 : vector<1x16xf32> to vector<16xf32>
        %add3A_431 = arith.addf %get3A_426, %get3A_430 : vector<16xf32>
        %get3A_432 = arith.index_cast %add3A_334 : i32 to index
        %get3A_433 = arith.constant 64 : index
        %get3A_434 = tpu.vector_load %arg14[%get3A_432, %get3A_433] {strides = array<i32>} : memref<80x128xf32, #tpu.memory_space<vmem>>, vector<1x16xf32>,
        %get3A_435 = vector.shape_cast %get3A_434 : vector<1x16xf32> to vector<16xf32>
        %add3A_436 = arith.addf %add3A_431, %get3A_435 : vector<16xf32>
        %max3A_437 = arith.constant 0.000000e+00 : f32
        %max3A_438 = vector.broadcast %max3A_437 : f32 to vector<16xf32>
        %max3A_439 = arith.maximumf %add3A_436, %max3A_438 : vector<16xf32>
        %swap3A_440 = arith.index_cast %add3A_334 : i32 to index
        %swap3A_441 = arith.constant 64 : index
        %swap3A_442 = tpu.vector_load %arg12[%swap3A_440, %swap3A_441] {strides = array<i32>} : memref<80x128xf32, #tpu.memory_space<vmem>>, vector<1x16xf32>,
        %swap3A_443 = vector.shape_cast %swap3A_442 : vector<1x16xf32> to vector<16xf32>
        %swap3A_444 = vector.shape_cast %max3A_439 : vector<16xf32> to vector<1x16xf32>
        tpu.vector_store %arg12[%swap3A_440, %swap3A_441], %swap3A_444 {strides = array<i32>} : memref<80x128xf32, #tpu.memory_space<vmem>>, vector<1x16xf32>,
        %get3A_445 = arith.index_cast %add3A_334 : i32 to index
        %get3A_446 = arith.constant 80 : index
        %get3A_447 = tpu.vector_load %arg12[%get3A_445, %get3A_446] {strides = array<i32>} : memref<80x128xf32, #tpu.memory_space<vmem>>, vector<1x16xf32>,
        %get3A_448 = vector.shape_cast %get3A_447 : vector<1x16xf32> to vector<16xf32>
        %get3A_449 = arith.index_cast %add3A_334 : i32 to index
        %get3A_450 = arith.constant 80 : index
        %get3A_451 = tpu.vector_load %arg13[%get3A_449, %get3A_450] {strides = array<i32>} : memref<80x128xf32, #tpu.memory_space<vmem>>, vector<1x16xf32>,
        %get3A_452 = vector.shape_cast %get3A_451 : vector<1x16xf32> to vector<16xf32>
        %add3A_453 = arith.addf %get3A_448, %get3A_452 : vector<16xf32>
        %get3A_454 = arith.index_cast %add3A_334 : i32 to index
        %get3A_455 = arith.constant 80 : index
        %get3A_456 = tpu.vector_load %arg14[%get3A_454, %get3A_455] {strides = array<i32>} : memref<80x128xf32, #tpu.memory_space<vmem>>, vector<1x16xf32>,
        %get3A_457 = vector.shape_cast %get3A_456 : vector<1x16xf32> to vector<16xf32>
        %add3A_458 = arith.addf %add3A_453, %get3A_457 : vector<16xf32>
        %max3A_459 = arith.constant 0.000000e+00 : f32
        %max3A_460 = vector.broadcast %max3A_459 : f32 to vector<16xf32>
        %max3A_461 = arith.maximumf %add3A_458, %max3A_460 : vector<16xf32>
        %swap3A_462 = arith.index_cast %add3A_334 : i32 to index
        %swap3A_463 = arith.constant 80 : index
        %swap3A_464 = tpu.vector_load %arg12[%swap3A_462, %swap3A_463] {strides = array<i32>} : memref<80x128xf32, #tpu.memory_space<vmem>>, vector<1x16xf32>,
        %swap3A_465 = vector.shape_cast %swap3A_464 : vector<1x16xf32> to vector<16xf32>
        %swap3A_466 = vector.shape_cast %max3A_461 : vector<16xf32> to vector<1x16xf32>
        tpu.vector_store %arg12[%swap3A_462, %swap3A_463], %swap3A_466 {strides = array<i32>} : memref<80x128xf32, #tpu.memory_space<vmem>>, vector<1x16xf32>,
        %get3A_467 = arith.index_cast %add3A_334 : i32 to index
        %get3A_468 = arith.constant 96 : index
        %get3A_469 = tpu.vector_load %arg12[%get3A_467, %get3A_468] {strides = array<i32>} : memref<80x128xf32, #tpu.memory_space<vmem>>, vector<1x16xf32>,
        %get3A_470 = vector.shape_cast %get3A_469 : vector<1x16xf32> to vector<16xf32>
        %get3A_471 = arith.index_cast %add3A_334 : i32 to index
        %get3A_472 = arith.constant 96 : index
        %get3A_473 = tpu.vector_load %arg13[%get3A_471, %get3A_472] {strides = array<i32>} : memref<80x128xf32, #tpu.memory_space<vmem>>, vector<1x16xf32>,
        %get3A_474 = vector.shape_cast %get3A_473 : vector<1x16xf32> to vector<16xf32>
        %add3A_475 = arith.addf %get3A_470, %get3A_474 : vector<16xf32>
        %get3A_476 = arith.index_cast %add3A_334 : i32 to index
        %get3A_477 = arith.constant 96 : index
        %get3A_478 = tpu.vector_load %arg14[%get3A_476, %get3A_477] {strides = array<i32>} : memref<80x128xf32, #tpu.memory_space<vmem>>, vector<1x16xf32>,
        %get3A_479 = vector.shape_cast %get3A_478 : vector<1x16xf32> to vector<16xf32>
        %add3A_480 = arith.addf %add3A_475, %get3A_479 : vector<16xf32>
        %max3A_481 = arith.constant 0.000000e+00 : f32
        %max3A_482 = vector.broadcast %max3A_481 : f32 to vector<16xf32>
        %max3A_483 = arith.maximumf %add3A_480, %max3A_482 : vector<16xf32>
        %swap3A_484 = arith.index_cast %add3A_334 : i32 to index
        %swap3A_485 = arith.constant 96 : index
        %swap3A_486 = tpu.vector_load %arg12[%swap3A_484, %swap3A_485] {strides = array<i32>} : memref<80x128xf32, #tpu.memory_space<vmem>>, vector<1x16xf32>,
        %swap3A_487 = vector.shape_cast %swap3A_486 : vector<1x16xf32> to vector<16xf32>
        %swap3A_488 = vector.shape_cast %max3A_483 : vector<16xf32> to vector<1x16xf32>
        tpu.vector_store %arg12[%swap3A_484, %swap3A_485], %swap3A_488 {strides = array<i32>} : memref<80x128xf32, #tpu.memory_space<vmem>>, vector<1x16xf32>,
        %get3A_489 = arith.index_cast %add3A_334 : i32 to index
        %get3A_490 = arith.constant 112 : index
        %get3A_491 = tpu.vector_load %arg12[%get3A_489, %get3A_490] {strides = array<i32>} : memref<80x128xf32, #tpu.memory_space<vmem>>, vector<1x16xf32>,
        %get3A_492 = vector.shape_cast %get3A_491 : vector<1x16xf32> to vector<16xf32>
        %get3A_493 = arith.index_cast %add3A_334 : i32 to index
        %get3A_494 = arith.constant 112 : index
        %get3A_495 = tpu.vector_load %arg13[%get3A_493, %get3A_494] {strides = array<i32>} : memref<80x128xf32, #tpu.memory_space<vmem>>, vector<1x16xf32>,
        %get3A_496 = vector.shape_cast %get3A_495 : vector<1x16xf32> to vector<16xf32>
        %add3A_497 = arith.addf %get3A_492, %get3A_496 : vector<16xf32>
        %get3A_498 = arith.index_cast %add3A_334 : i32 to index
        %get3A_499 = arith.constant 112 : index
        %get3A_500 = tpu.vector_load %arg14[%get3A_498, %get3A_499] {strides = array<i32>} : memref<80x128xf32, #tpu.memory_space<vmem>>, vector<1x16xf32>,
        %get3A_501 = vector.shape_cast %get3A_500 : vector<1x16xf32> to vector<16xf32>
        %add3A_502 = arith.addf %add3A_497, %get3A_501 : vector<16xf32>
        %max3A_503 = arith.constant 0.000000e+00 : f32
        %max3A_504 = vector.broadcast %max3A_503 : f32 to vector<16xf32>
        %max3A_505 = arith.maximumf %add3A_502, %max3A_504 : vector<16xf32>
        %swap3A_506 = arith.index_cast %add3A_334 : i32 to index
        %swap3A_507 = arith.constant 112 : index
        %swap3A_508 = tpu.vector_load %arg12[%swap3A_506, %swap3A_507] {strides = array<i32>} : memref<80x128xf32, #tpu.memory_space<vmem>>, vector<1x16xf32>,
        %swap3A_509 = vector.shape_cast %swap3A_508 : vector<1x16xf32> to vector<16xf32>
        %swap3A_510 = vector.shape_cast %max3A_505 : vector<16xf32> to vector<1x16xf32>
        tpu.vector_store %arg12[%swap3A_506, %swap3A_507], %swap3A_510 {strides = array<i32>} : memref<80x128xf32, #tpu.memory_space<vmem>>, vector<1x16xf32>,
        %mul3A_511 = arith.constant 4 : i32
        %mul3A_512 = arith.muli %scan3A_150, %mul3A_511 : i32
        %add3A_513 = arith.constant 2 : i32
        %add3A_514 = arith.addi %mul3A_512, %add3A_513 : i32
        %get3A_515 = arith.index_cast %add3A_514 : i32 to index
        %get3A_516 = arith.constant 0 : index
        %get3A_517 = tpu.vector_load %arg12[%get3A_515, %get3A_516] {strides = array<i32>} : memref<80x128xf32, #tpu.memory_space<vmem>>, vector<1x16xf32>,
        %get3A_518 = vector.shape_cast %get3A_517 : vector<1x16xf32> to vector<16xf32>
        %get3A_519 = arith.index_cast %add3A_514 : i32 to index
        %get3A_520 = arith.constant 0 : index
        %get3A_521 = tpu.vector_load %arg13[%get3A_519, %get3A_520] {strides = array<i32>} : memref<80x128xf32, #tpu.memory_space<vmem>>, vector<1x16xf32>,
        %get3A_522 = vector.shape_cast %get3A_521 : vector<1x16xf32> to vector<16xf32>
        %add3A_523 = arith.addf %get3A_518, %get3A_522 : vector<16xf32>
        %get3A_524 = arith.index_cast %add3A_514 : i32 to index
        %get3A_525 = arith.constant 0 : index
        %get3A_526 = tpu.vector_load %arg14[%get3A_524, %get3A_525] {strides = array<i32>} : memref<80x128xf32, #tpu.memory_space<vmem>>, vector<1x16xf32>,
        %get3A_527 = vector.shape_cast %get3A_526 : vector<1x16xf32> to vector<16xf32>
        %add3A_528 = arith.addf %add3A_523, %get3A_527 : vector<16xf32>
        %max3A_529 = arith.constant 0.000000e+00 : f32
        %max3A_530 = vector.broadcast %max3A_529 : f32 to vector<16xf32>
        %max3A_531 = arith.maximumf %add3A_528, %max3A_530 : vector<16xf32>
        %swap3A_532 = arith.index_cast %add3A_514 : i32 to index
        %swap3A_533 = arith.constant 0 : index
        %swap3A_534 = tpu.vector_load %arg12[%swap3A_532, %swap3A_533] {strides = array<i32>} : memref<80x128xf32, #tpu.memory_space<vmem>>, vector<1x16xf32>,
        %swap3A_535 = vector.shape_cast %swap3A_534 : vector<1x16xf32> to vector<16xf32>
        %swap3A_536 = vector.shape_cast %max3A_531 : vector<16xf32> to vector<1x16xf32>
        tpu.vector_store %arg12[%swap3A_532, %swap3A_533], %swap3A_536 {strides = array<i32>} : memref<80x128xf32, #tpu.memory_space<vmem>>, vector<1x16xf32>,
        %get3A_537 = arith.index_cast %add3A_514 : i32 to index
        %get3A_538 = arith.constant 16 : index
        %get3A_539 = tpu.vector_load %arg12[%get3A_537, %get3A_538] {strides = array<i32>} : memref<80x128xf32, #tpu.memory_space<vmem>>, vector<1x16xf32>,
        %get3A_540 = vector.shape_cast %get3A_539 : vector<1x16xf32> to vector<16xf32>
        %get3A_541 = arith.index_cast %add3A_514 : i32 to index
        %get3A_542 = arith.constant 16 : index
        %get3A_543 = tpu.vector_load %arg13[%get3A_541, %get3A_542] {strides = array<i32>} : memref<80x128xf32, #tpu.memory_space<vmem>>, vector<1x16xf32>,
        %get3A_544 = vector.shape_cast %get3A_543 : vector<1x16xf32> to vector<16xf32>
        %add3A_545 = arith.addf %get3A_540, %get3A_544 : vector<16xf32>
        %get3A_546 = arith.index_cast %add3A_514 : i32 to index
        %get3A_547 = arith.constant 16 : index
        %get3A_548 = tpu.vector_load %arg14[%get3A_546, %get3A_547] {strides = array<i32>} : memref<80x128xf32, #tpu.memory_space<vmem>>, vector<1x16xf32>,
        %get3A_549 = vector.shape_cast %get3A_548 : vector<1x16xf32> to vector<16xf32>
        %add3A_550 = arith.addf %add3A_545, %get3A_549 : vector<16xf32>
        %max3A_551 = arith.constant 0.000000e+00 : f32
        %max3A_552 = vector.broadcast %max3A_551 : f32 to vector<16xf32>
        %max3A_553 = arith.maximumf %add3A_550, %max3A_552 : vector<16xf32>
        %swap3A_554 = arith.index_cast %add3A_514 : i32 to index
        %swap3A_555 = arith.constant 16 : index
        %swap3A_556 = tpu.vector_load %arg12[%swap3A_554, %swap3A_555] {strides = array<i32>} : memref<80x128xf32, #tpu.memory_space<vmem>>, vector<1x16xf32>,
        %swap3A_557 = vector.shape_cast %swap3A_556 : vector<1x16xf32> to vector<16xf32>
        %swap3A_558 = vector.shape_cast %max3A_553 : vector<16xf32> to vector<1x16xf32>
        tpu.vector_store %arg12[%swap3A_554, %swap3A_555], %swap3A_558 {strides = array<i32>} : memref<80x128xf32, #tpu.memory_space<vmem>>, vector<1x16xf32>,
        %get3A_559 = arith.index_cast %add3A_514 : i32 to index
        %get3A_560 = arith.constant 32 : index
        %get3A_561 = tpu.vector_load %arg12[%get3A_559, %get3A_560] {strides = array<i32>} : memref<80x128xf32, #tpu.memory_space<vmem>>, vector<1x16xf32>,
        %get3A_562 = vector.shape_cast %get3A_561 : vector<1x16xf32> to vector<16xf32>
        %get3A_563 = arith.index_cast %add3A_514 : i32 to index
        %get3A_564 = arith.constant 32 : index
        %get3A_565 = tpu.vector_load %arg13[%get3A_563, %get3A_564] {strides = array<i32>} : memref<80x128xf32, #tpu.memory_space<vmem>>, vector<1x16xf32>,
        %get3A_566 = vector.shape_cast %get3A_565 : vector<1x16xf32> to vector<16xf32>
        %add3A_567 = arith.addf %get3A_562, %get3A_566 : vector<16xf32>
        %get3A_568 = arith.index_cast %add3A_514 : i32 to index
        %get3A_569 = arith.constant 32 : index
        %get3A_570 = tpu.vector_load %arg14[%get3A_568, %get3A_569] {strides = array<i32>} : memref<80x128xf32, #tpu.memory_space<vmem>>, vector<1x16xf32>,
        %get3A_571 = vector.shape_cast %get3A_570 : vector<1x16xf32> to vector<16xf32>
        %add3A_572 = arith.addf %add3A_567, %get3A_571 : vector<16xf32>
        %max3A_573 = arith.constant 0.000000e+00 : f32
        %max3A_574 = vector.broadcast %max3A_573 : f32 to vector<16xf32>
        %max3A_575 = arith.maximumf %add3A_572, %max3A_574 : vector<16xf32>
        %swap3A_576 = arith.index_cast %add3A_514 : i32 to index
        %swap3A_577 = arith.constant 32 : index
        %swap3A_578 = tpu.vector_load %arg12[%swap3A_576, %swap3A_577] {strides = array<i32>} : memref<80x128xf32, #tpu.memory_space<vmem>>, vector<1x16xf32>,
        %swap3A_579 = vector.shape_cast %swap3A_578 : vector<1x16xf32> to vector<16xf32>
        %swap3A_580 = vector.shape_cast %max3A_575 : vector<16xf32> to vector<1x16xf32>
        tpu.vector_store %arg12[%swap3A_576, %swap3A_577], %swap3A_580 {strides = array<i32>} : memref<80x128xf32, #tpu.memory_space<vmem>>, vector<1x16xf32>,
        %get3A_581 = arith.index_cast %add3A_514 : i32 to index
        %get3A_582 = arith.constant 48 : index
        %get3A_583 = tpu.vector_load %arg12[%get3A_581, %get3A_582] {strides = array<i32>} : memref<80x128xf32, #tpu.memory_space<vmem>>, vector<1x16xf32>,
        %get3A_584 = vector.shape_cast %get3A_583 : vector<1x16xf32> to vector<16xf32>
        %get3A_585 = arith.index_cast %add3A_514 : i32 to index
        %get3A_586 = arith.constant 48 : index
        %get3A_587 = tpu.vector_load %arg13[%get3A_585, %get3A_586] {strides = array<i32>} : memref<80x128xf32, #tpu.memory_space<vmem>>, vector<1x16xf32>,
        %get3A_588 = vector.shape_cast %get3A_587 : vector<1x16xf32> to vector<16xf32>
        %add3A_589 = arith.addf %get3A_584, %get3A_588 : vector<16xf32>
        %get3A_590 = arith.index_cast %add3A_514 : i32 to index
        %get3A_591 = arith.constant 48 : index
        %get3A_592 = tpu.vector_load %arg14[%get3A_590, %get3A_591] {strides = array<i32>} : memref<80x128xf32, #tpu.memory_space<vmem>>, vector<1x16xf32>,
        %get3A_593 = vector.shape_cast %get3A_592 : vector<1x16xf32> to vector<16xf32>
        %add3A_594 = arith.addf %add3A_589, %get3A_593 : vector<16xf32>
        %max3A_595 = arith.constant 0.000000e+00 : f32
        %max3A_596 = vector.broadcast %max3A_595 : f32 to vector<16xf32>
        %max3A_597 = arith.maximumf %add3A_594, %max3A_596 : vector<16xf32>
        %swap3A_598 = arith.index_cast %add3A_514 : i32 to index
        %swap3A_599 = arith.constant 48 : index
        %swap3A_600 = tpu.vector_load %arg12[%swap3A_598, %swap3A_599] {strides = array<i32>} : memref<80x128xf32, #tpu.memory_space<vmem>>, vector<1x16xf32>,
        %swap3A_601 = vector.shape_cast %swap3A_600 : vector<1x16xf32> to vector<16xf32>
        %swap3A_602 = vector.shape_cast %max3A_597 : vector<16xf32> to vector<1x16xf32>
        tpu.vector_store %arg12[%swap3A_598, %swap3A_599], %swap3A_602 {strides = array<i32>} : memref<80x128xf32, #tpu.memory_space<vmem>>, vector<1x16xf32>,
        %get3A_603 = arith.index_cast %add3A_514 : i32 to index
        %get3A_604 = arith.constant 64 : index
        %get3A_605 = tpu.vector_load %arg12[%get3A_603, %get3A_604] {strides = array<i32>} : memref<80x128xf32, #tpu.memory_space<vmem>>, vector<1x16xf32>,
        %get3A_606 = vector.shape_cast %get3A_605 : vector<1x16xf32> to vector<16xf32>
        %get3A_607 = arith.index_cast %add3A_514 : i32 to index
        %get3A_608 = arith.constant 64 : index
        %get3A_609 = tpu.vector_load %arg13[%get3A_607, %get3A_608] {strides = array<i32>} : memref<80x128xf32, #tpu.memory_space<vmem>>, vector<1x16xf32>,
        %get3A_610 = vector.shape_cast %get3A_609 : vector<1x16xf32> to vector<16xf32>
        %add3A_611 = arith.addf %get3A_606, %get3A_610 : vector<16xf32>
        %get3A_612 = arith.index_cast %add3A_514 : i32 to index
        %get3A_613 = arith.constant 64 : index
        %get3A_614 = tpu.vector_load %arg14[%get3A_612, %get3A_613] {strides = array<i32>} : memref<80x128xf32, #tpu.memory_space<vmem>>, vector<1x16xf32>,
        %get3A_615 = vector.shape_cast %get3A_614 : vector<1x16xf32> to vector<16xf32>
        %add3A_616 = arith.addf %add3A_611, %get3A_615 : vector<16xf32>
        %max3A_617 = arith.constant 0.000000e+00 : f32
        %max3A_618 = vector.broadcast %max3A_617 : f32 to vector<16xf32>
        %max3A_619 = arith.maximumf %add3A_616, %max3A_618 : vector<16xf32>
        %swap3A_620 = arith.index_cast %add3A_514 : i32 to index
        %swap3A_621 = arith.constant 64 : index
        %swap3A_622 = tpu.vector_load %arg12[%swap3A_620, %swap3A_621] {strides = array<i32>} : memref<80x128xf32, #tpu.memory_space<vmem>>, vector<1x16xf32>,
        %swap3A_623 = vector.shape_cast %swap3A_622 : vector<1x16xf32> to vector<16xf32>
        %swap3A_624 = vector.shape_cast %max3A_619 : vector<16xf32> to vector<1x16xf32>
        tpu.vector_store %arg12[%swap3A_620, %swap3A_621], %swap3A_624 {strides = array<i32>} : memref<80x128xf32, #tpu.memory_space<vmem>>, vector<1x16xf32>,
        %get3A_625 = arith.index_cast %add3A_514 : i32 to index
        %get3A_626 = arith.constant 80 : index
        %get3A_627 = tpu.vector_load %arg12[%get3A_625, %get3A_626] {strides = array<i32>} : memref<80x128xf32, #tpu.memory_space<vmem>>, vector<1x16xf32>,
        %get3A_628 = vector.shape_cast %get3A_627 : vector<1x16xf32> to vector<16xf32>
        %get3A_629 = arith.index_cast %add3A_514 : i32 to index
        %get3A_630 = arith.constant 80 : index
        %get3A_631 = tpu.vector_load %arg13[%get3A_629, %get3A_630] {strides = array<i32>} : memref<80x128xf32, #tpu.memory_space<vmem>>, vector<1x16xf32>,
        %get3A_632 = vector.shape_cast %get3A_631 : vector<1x16xf32> to vector<16xf32>
        %add3A_633 = arith.addf %get3A_628, %get3A_632 : vector<16xf32>
        %get3A_634 = arith.index_cast %add3A_514 : i32 to index
        %get3A_635 = arith.constant 80 : index
        %get3A_636 = tpu.vector_load %arg14[%get3A_634, %get3A_635] {strides = array<i32>} : memref<80x128xf32, #tpu.memory_space<vmem>>, vector<1x16xf32>,
        %get3A_637 = vector.shape_cast %get3A_636 : vector<1x16xf32> to vector<16xf32>
        %add3A_638 = arith.addf %add3A_633, %get3A_637 : vector<16xf32>
        %max3A_639 = arith.constant 0.000000e+00 : f32
        %max3A_640 = vector.broadcast %max3A_639 : f32 to vector<16xf32>
        %max3A_641 = arith.maximumf %add3A_638, %max3A_640 : vector<16xf32>
        %swap3A_642 = arith.index_cast %add3A_514 : i32 to index
        %swap3A_643 = arith.constant 80 : index
        %swap3A_644 = tpu.vector_load %arg12[%swap3A_642, %swap3A_643] {strides = array<i32>} : memref<80x128xf32, #tpu.memory_space<vmem>>, vector<1x16xf32>,
        %swap3A_645 = vector.shape_cast %swap3A_644 : vector<1x16xf32> to vector<16xf32>
        %swap3A_646 = vector.shape_cast %max3A_641 : vector<16xf32> to vector<1x16xf32>
        tpu.vector_store %arg12[%swap3A_642, %swap3A_643], %swap3A_646 {strides = array<i32>} : memref<80x128xf32, #tpu.memory_space<vmem>>, vector<1x16xf32>,
        %get3A_647 = arith.index_cast %add3A_514 : i32 to index
        %get3A_648 = arith.constant 96 : index
        %get3A_649 = tpu.vector_load %arg12[%get3A_647, %get3A_648] {strides = array<i32>} : memref<80x128xf32, #tpu.memory_space<vmem>>, vector<1x16xf32>,
        %get3A_650 = vector.shape_cast %get3A_649 : vector<1x16xf32> to vector<16xf32>
        %get3A_651 = arith.index_cast %add3A_514 : i32 to index
        %get3A_652 = arith.constant 96 : index
        %get3A_653 = tpu.vector_load %arg13[%get3A_651, %get3A_652] {strides = array<i32>} : memref<80x128xf32, #tpu.memory_space<vmem>>, vector<1x16xf32>,
        %get3A_654 = vector.shape_cast %get3A_653 : vector<1x16xf32> to vector<16xf32>
        %add3A_655 = arith.addf %get3A_650, %get3A_654 : vector<16xf32>
        %get3A_656 = arith.index_cast %add3A_514 : i32 to index
        %get3A_657 = arith.constant 96 : index
        %get3A_658 = tpu.vector_load %arg14[%get3A_656, %get3A_657] {strides = array<i32>} : memref<80x128xf32, #tpu.memory_space<vmem>>, vector<1x16xf32>,
        %get3A_659 = vector.shape_cast %get3A_658 : vector<1x16xf32> to vector<16xf32>
        %add3A_660 = arith.addf %add3A_655, %get3A_659 : vector<16xf32>
        %max3A_661 = arith.constant 0.000000e+00 : f32
        %max3A_662 = vector.broadcast %max3A_661 : f32 to vector<16xf32>
        %max3A_663 = arith.maximumf %add3A_660, %max3A_662 : vector<16xf32>
        %swap3A_664 = arith.index_cast %add3A_514 : i32 to index
        %swap3A_665 = arith.constant 96 : index
        %swap3A_666 = tpu.vector_load %arg12[%swap3A_664, %swap3A_665] {strides = array<i32>} : memref<80x128xf32, #tpu.memory_space<vmem>>, vector<1x16xf32>,
        %swap3A_667 = vector.shape_cast %swap3A_666 : vector<1x16xf32> to vector<16xf32>
        %swap3A_668 = vector.shape_cast %max3A_663 : vector<16xf32> to vector<1x16xf32>
        tpu.vector_store %arg12[%swap3A_664, %swap3A_665], %swap3A_668 {strides = array<i32>} : memref<80x128xf32, #tpu.memory_space<vmem>>, vector<1x16xf32>,
        %get3A_669 = arith.index_cast %add3A_514 : i32 to index
        %get3A_670 = arith.constant 112 : index
        %get3A_671 = tpu.vector_load %arg12[%get3A_669, %get3A_670] {strides = array<i32>} : memref<80x128xf32, #tpu.memory_space<vmem>>, vector<1x16xf32>,
        %get3A_672 = vector.shape_cast %get3A_671 : vector<1x16xf32> to vector<16xf32>
        %get3A_673 = arith.index_cast %add3A_514 : i32 to index
        %get3A_674 = arith.constant 112 : index
        %get3A_675 = tpu.vector_load %arg13[%get3A_673, %get3A_674] {strides = array<i32>} : memref<80x128xf32, #tpu.memory_space<vmem>>, vector<1x16xf32>,
        %get3A_676 = vector.shape_cast %get3A_675 : vector<1x16xf32> to vector<16xf32>
        %add3A_677 = arith.addf %get3A_672, %get3A_676 : vector<16xf32>
        %get3A_678 = arith.index_cast %add3A_514 : i32 to index
        %get3A_679 = arith.constant 112 : index
        %get3A_680 = tpu.vector_load %arg14[%get3A_678, %get3A_679] {strides = array<i32>} : memref<80x128xf32, #tpu.memory_space<vmem>>, vector<1x16xf32>,
        %get3A_681 = vector.shape_cast %get3A_680 : vector<1x16xf32> to vector<16xf32>
        %add3A_682 = arith.addf %add3A_677, %get3A_681 : vector<16xf32>
        %max3A_683 = arith.constant 0.000000e+00 : f32
        %max3A_684 = vector.broadcast %max3A_683 : f32 to vector<16xf32>
        %max3A_685 = arith.maximumf %add3A_682, %max3A_684 : vector<16xf32>
        %swap3A_686 = arith.index_cast %add3A_514 : i32 to index
        %swap3A_687 = arith.constant 112 : index
        %swap3A_688 = tpu.vector_load %arg12[%swap3A_686, %swap3A_687] {strides = array<i32>} : memref<80x128xf32, #tpu.memory_space<vmem>>, vector<1x16xf32>,
        %swap3A_689 = vector.shape_cast %swap3A_688 : vector<1x16xf32> to vector<16xf32>
        %swap3A_690 = vector.shape_cast %max3A_685 : vector<16xf32> to vector<1x16xf32>
        tpu.vector_store %arg12[%swap3A_686, %swap3A_687], %swap3A_690 {strides = array<i32>} : memref<80x128xf32, #tpu.memory_space<vmem>>, vector<1x16xf32>,
        %mul3A_691 = arith.constant 4 : i32
        %mul3A_692 = arith.muli %scan3A_150, %mul3A_691 : i32
        %add3A_693 = arith.constant 3 : i32
        %add3A_694 = arith.addi %mul3A_692, %add3A_693 : i32
        %get3A_695 = arith.index_cast %add3A_694 : i32 to index
        %get3A_696 = arith.constant 0 : index
        %get3A_697 = tpu.vector_load %arg12[%get3A_695, %get3A_696] {strides = array<i32>} : memref<80x128xf32, #tpu.memory_space<vmem>>, vector<1x16xf32>,
        %get3A_698 = vector.shape_cast %get3A_697 : vector<1x16xf32> to vector<16xf32>
        %get3A_699 = arith.index_cast %add3A_694 : i32 to index
        %get3A_700 = arith.constant 0 : index
        %get3A_701 = tpu.vector_load %arg13[%get3A_699, %get3A_700] {strides = array<i32>} : memref<80x128xf32, #tpu.memory_space<vmem>>, vector<1x16xf32>,
        %get3A_702 = vector.shape_cast %get3A_701 : vector<1x16xf32> to vector<16xf32>
        %add3A_703 = arith.addf %get3A_698, %get3A_702 : vector<16xf32>
        %get3A_704 = arith.index_cast %add3A_694 : i32 to index
        %get3A_705 = arith.constant 0 : index
        %get3A_706 = tpu.vector_load %arg14[%get3A_704, %get3A_705] {strides = array<i32>} : memref<80x128xf32, #tpu.memory_space<vmem>>, vector<1x16xf32>,
        %get3A_707 = vector.shape_cast %get3A_706 : vector<1x16xf32> to vector<16xf32>
        %add3A_708 = arith.addf %add3A_703, %get3A_707 : vector<16xf32>
        %max3A_709 = arith.constant 0.000000e+00 : f32
        %max3A_710 = vector.broadcast %max3A_709 : f32 to vector<16xf32>
        %max3A_711 = arith.maximumf %add3A_708, %max3A_710 : vector<16xf32>
        %swap3A_712 = arith.index_cast %add3A_694 : i32 to index
        %swap3A_713 = arith.constant 0 : index
        %swap3A_714 = tpu.vector_load %arg12[%swap3A_712, %swap3A_713] {strides = array<i32>} : memref<80x128xf32, #tpu.memory_space<vmem>>, vector<1x16xf32>,
        %swap3A_715 = vector.shape_cast %swap3A_714 : vector<1x16xf32> to vector<16xf32>
        %swap3A_716 = vector.shape_cast %max3A_711 : vector<16xf32> to vector<1x16xf32>
        tpu.vector_store %arg12[%swap3A_712, %swap3A_713], %swap3A_716 {strides = array<i32>} : memref<80x128xf32, #tpu.memory_space<vmem>>, vector<1x16xf32>,
        %get3A_717 = arith.index_cast %add3A_694 : i32 to index
        %get3A_718 = arith.constant 16 : index
        %get3A_719 = tpu.vector_load %arg12[%get3A_717, %get3A_718] {strides = array<i32>} : memref<80x128xf32, #tpu.memory_space<vmem>>, vector<1x16xf32>,
        %get3A_720 = vector.shape_cast %get3A_719 : vector<1x16xf32> to vector<16xf32>
        %get3A_721 = arith.index_cast %add3A_694 : i32 to index
        %get3A_722 = arith.constant 16 : index
        %get3A_723 = tpu.vector_load %arg13[%get3A_721, %get3A_722] {strides = array<i32>} : memref<80x128xf32, #tpu.memory_space<vmem>>, vector<1x16xf32>,
        %get3A_724 = vector.shape_cast %get3A_723 : vector<1x16xf32> to vector<16xf32>
        %add3A_725 = arith.addf %get3A_720, %get3A_724 : vector<16xf32>
        %get3A_726 = arith.index_cast %add3A_694 : i32 to index
        %get3A_727 = arith.constant 16 : index
        %get3A_728 = tpu.vector_load %arg14[%get3A_726, %get3A_727] {strides = array<i32>} : memref<80x128xf32, #tpu.memory_space<vmem>>, vector<1x16xf32>,
        %get3A_729 = vector.shape_cast %get3A_728 : vector<1x16xf32> to vector<16xf32>
        %add3A_730 = arith.addf %add3A_725, %get3A_729 : vector<16xf32>
        %max3A_731 = arith.constant 0.000000e+00 : f32
        %max3A_732 = vector.broadcast %max3A_731 : f32 to vector<16xf32>
        %max3A_733 = arith.maximumf %add3A_730, %max3A_732 : vector<16xf32>
        %swap3A_734 = arith.index_cast %add3A_694 : i32 to index
        %swap3A_735 = arith.constant 16 : index
        %swap3A_736 = tpu.vector_load %arg12[%swap3A_734, %swap3A_735] {strides = array<i32>} : memref<80x128xf32, #tpu.memory_space<vmem>>, vector<1x16xf32>,
        %swap3A_737 = vector.shape_cast %swap3A_736 : vector<1x16xf32> to vector<16xf32>
        %swap3A_738 = vector.shape_cast %max3A_733 : vector<16xf32> to vector<1x16xf32>
        tpu.vector_store %arg12[%swap3A_734, %swap3A_735], %swap3A_738 {strides = array<i32>} : memref<80x128xf32, #tpu.memory_space<vmem>>, vector<1x16xf32>,
        %get3A_739 = arith.index_cast %add3A_694 : i32 to index
        %get3A_740 = arith.constant 32 : index
        %get3A_741 = tpu.vector_load %arg12[%get3A_739, %get3A_740] {strides = array<i32>} : memref<80x128xf32, #tpu.memory_space<vmem>>, vector<1x16xf32>,
        %get3A_742 = vector.shape_cast %get3A_741 : vector<1x16xf32> to vector<16xf32>
        %get3A_743 = arith.index_cast %add3A_694 : i32 to index
        %get3A_744 = arith.constant 32 : index
        %get3A_745 = tpu.vector_load %arg13[%get3A_743, %get3A_744] {strides = array<i32>} : memref<80x128xf32, #tpu.memory_space<vmem>>, vector<1x16xf32>,
        %get3A_746 = vector.shape_cast %get3A_745 : vector<1x16xf32> to vector<16xf32>
        %add3A_747 = arith.addf %get3A_742, %get3A_746 : vector<16xf32>
        %get3A_748 = arith.index_cast %add3A_694 : i32 to index
        %get3A_749 = arith.constant 32 : index
        %get3A_750 = tpu.vector_load %arg14[%get3A_748, %get3A_749] {strides = array<i32>} : memref<80x128xf32, #tpu.memory_space<vmem>>, vector<1x16xf32>,
        %get3A_751 = vector.shape_cast %get3A_750 : vector<1x16xf32> to vector<16xf32>
        %add3A_752 = arith.addf %add3A_747, %get3A_751 : vector<16xf32>
        %max3A_753 = arith.constant 0.000000e+00 : f32
        %max3A_754 = vector.broadcast %max3A_753 : f32 to vector<16xf32>
        %max3A_755 = arith.maximumf %add3A_752, %max3A_754 : vector<16xf32>
        %swap3A_756 = arith.index_cast %add3A_694 : i32 to index
        %swap3A_757 = arith.constant 32 : index
        %swap3A_758 = tpu.vector_load %arg12[%swap3A_756, %swap3A_757] {strides = array<i32>} : memref<80x128xf32, #tpu.memory_space<vmem>>, vector<1x16xf32>,
        %swap3A_759 = vector.shape_cast %swap3A_758 : vector<1x16xf32> to vector<16xf32>
        %swap3A_760 = vector.shape_cast %max3A_755 : vector<16xf32> to vector<1x16xf32>
        tpu.vector_store %arg12[%swap3A_756, %swap3A_757], %swap3A_760 {strides = array<i32>} : memref<80x128xf32, #tpu.memory_space<vmem>>, vector<1x16xf32>,
        %get3A_761 = arith.index_cast %add3A_694 : i32 to index
        %get3A_762 = arith.constant 48 : index
        %get3A_763 = tpu.vector_load %arg12[%get3A_761, %get3A_762] {strides = array<i32>} : memref<80x128xf32, #tpu.memory_space<vmem>>, vector<1x16xf32>,
        %get3A_764 = vector.shape_cast %get3A_763 : vector<1x16xf32> to vector<16xf32>
        %get3A_765 = arith.index_cast %add3A_694 : i32 to index
        %get3A_766 = arith.constant 48 : index
        %get3A_767 = tpu.vector_load %arg13[%get3A_765, %get3A_766] {strides = array<i32>} : memref<80x128xf32, #tpu.memory_space<vmem>>, vector<1x16xf32>,
        %get3A_768 = vector.shape_cast %get3A_767 : vector<1x16xf32> to vector<16xf32>
        %add3A_769 = arith.addf %get3A_764, %get3A_768 : vector<16xf32>
        %get3A_770 = arith.index_cast %add3A_694 : i32 to index
        %get3A_771 = arith.constant 48 : index
        %get3A_772 = tpu.vector_load %arg14[%get3A_770, %get3A_771] {strides = array<i32>} : memref<80x128xf32, #tpu.memory_space<vmem>>, vector<1x16xf32>,
        %get3A_773 = vector.shape_cast %get3A_772 : vector<1x16xf32> to vector<16xf32>
        %add3A_774 = arith.addf %add3A_769, %get3A_773 : vector<16xf32>
        %max3A_775 = arith.constant 0.000000e+00 : f32
        %max3A_776 = vector.broadcast %max3A_775 : f32 to vector<16xf32>
        %max3A_777 = arith.maximumf %add3A_774, %max3A_776 : vector<16xf32>
        %swap3A_778 = arith.index_cast %add3A_694 : i32 to index
        %swap3A_779 = arith.constant 48 : index
        %swap3A_780 = tpu.vector_load %arg12[%swap3A_778, %swap3A_779] {strides = array<i32>} : memref<80x128xf32, #tpu.memory_space<vmem>>, vector<1x16xf32>,
        %swap3A_781 = vector.shape_cast %swap3A_780 : vector<1x16xf32> to vector<16xf32>
        %swap3A_782 = vector.shape_cast %max3A_777 : vector<16xf32> to vector<1x16xf32>
        tpu.vector_store %arg12[%swap3A_778, %swap3A_779], %swap3A_782 {strides = array<i32>} : memref<80x128xf32, #tpu.memory_space<vmem>>, vector<1x16xf32>,
        %get3A_783 = arith.index_cast %add3A_694 : i32 to index
        %get3A_784 = arith.constant 64 : index
        %get3A_785 = tpu.vector_load %arg12[%get3A_783, %get3A_784] {strides = array<i32>} : memref<80x128xf32, #tpu.memory_space<vmem>>, vector<1x16xf32>,
        %get3A_786 = vector.shape_cast %get3A_785 : vector<1x16xf32> to vector<16xf32>
        %get3A_787 = arith.index_cast %add3A_694 : i32 to index
        %get3A_788 = arith.constant 64 : index
        %get3A_789 = tpu.vector_load %arg13[%get3A_787, %get3A_788] {strides = array<i32>} : memref<80x128xf32, #tpu.memory_space<vmem>>, vector<1x16xf32>,
        %get3A_790 = vector.shape_cast %get3A_789 : vector<1x16xf32> to vector<16xf32>
        %add3A_791 = arith.addf %get3A_786, %get3A_790 : vector<16xf32>
        %get3A_792 = arith.index_cast %add3A_694 : i32 to index
        %get3A_793 = arith.constant 64 : index
        %get3A_794 = tpu.vector_load %arg14[%get3A_792, %get3A_793] {strides = array<i32>} : memref<80x128xf32, #tpu.memory_space<vmem>>, vector<1x16xf32>,
        %get3A_795 = vector.shape_cast %get3A_794 : vector<1x16xf32> to vector<16xf32>
        %add3A_796 = arith.addf %add3A_791, %get3A_795 : vector<16xf32>
        %max3A_797 = arith.constant 0.000000e+00 : f32
        %max3A_798 = vector.broadcast %max3A_797 : f32 to vector<16xf32>
        %max3A_799 = arith.maximumf %add3A_796, %max3A_798 : vector<16xf32>
        %swap3A_800 = arith.index_cast %add3A_694 : i32 to index
        %swap3A_801 = arith.constant 64 : index
        %swap3A_802 = tpu.vector_load %arg12[%swap3A_800, %swap3A_801] {strides = array<i32>} : memref<80x128xf32, #tpu.memory_space<vmem>>, vector<1x16xf32>,
        %swap3A_803 = vector.shape_cast %swap3A_802 : vector<1x16xf32> to vector<16xf32>
        %swap3A_804 = vector.shape_cast %max3A_799 : vector<16xf32> to vector<1x16xf32>
        tpu.vector_store %arg12[%swap3A_800, %swap3A_801], %swap3A_804 {strides = array<i32>} : memref<80x128xf32, #tpu.memory_space<vmem>>, vector<1x16xf32>,
        %get3A_805 = arith.index_cast %add3A_694 : i32 to index
        %get3A_806 = arith.constant 80 : index
        %get3A_807 = tpu.vector_load %arg12[%get3A_805, %get3A_806] {strides = array<i32>} : memref<80x128xf32, #tpu.memory_space<vmem>>, vector<1x16xf32>,
        %get3A_808 = vector.shape_cast %get3A_807 : vector<1x16xf32> to vector<16xf32>
        %get3A_809 = arith.index_cast %add3A_694 : i32 to index
        %get3A_810 = arith.constant 80 : index
        %get3A_811 = tpu.vector_load %arg13[%get3A_809, %get3A_810] {strides = array<i32>} : memref<80x128xf32, #tpu.memory_space<vmem>>, vector<1x16xf32>,
        %get3A_812 = vector.shape_cast %get3A_811 : vector<1x16xf32> to vector<16xf32>
        %add3A_813 = arith.addf %get3A_808, %get3A_812 : vector<16xf32>
        %get3A_814 = arith.index_cast %add3A_694 : i32 to index
        %get3A_815 = arith.constant 80 : index
        %get3A_816 = tpu.vector_load %arg14[%get3A_814, %get3A_815] {strides = array<i32>} : memref<80x128xf32, #tpu.memory_space<vmem>>, vector<1x16xf32>,
        %get3A_817 = vector.shape_cast %get3A_816 : vector<1x16xf32> to vector<16xf32>
        %add3A_818 = arith.addf %add3A_813, %get3A_817 : vector<16xf32>
        %max3A_819 = arith.constant 0.000000e+00 : f32
        %max3A_820 = vector.broadcast %max3A_819 : f32 to vector<16xf32>
        %max3A_821 = arith.maximumf %add3A_818, %max3A_820 : vector<16xf32>
        %swap3A_822 = arith.index_cast %add3A_694 : i32 to index
        %swap3A_823 = arith.constant 80 : index
        %swap3A_824 = tpu.vector_load %arg12[%swap3A_822, %swap3A_823] {strides = array<i32>} : memref<80x128xf32, #tpu.memory_space<vmem>>, vector<1x16xf32>,
        %swap3A_825 = vector.shape_cast %swap3A_824 : vector<1x16xf32> to vector<16xf32>
        %swap3A_826 = vector.shape_cast %max3A_821 : vector<16xf32> to vector<1x16xf32>
        tpu.vector_store %arg12[%swap3A_822, %swap3A_823], %swap3A_826 {strides = array<i32>} : memref<80x128xf32, #tpu.memory_space<vmem>>, vector<1x16xf32>,
        %get3A_827 = arith.index_cast %add3A_694 : i32 to index
        %get3A_828 = arith.constant 96 : index
        %get3A_829 = tpu.vector_load %arg12[%get3A_827, %get3A_828] {strides = array<i32>} : memref<80x128xf32, #tpu.memory_space<vmem>>, vector<1x16xf32>,
        %get3A_830 = vector.shape_cast %get3A_829 : vector<1x16xf32> to vector<16xf32>
        %get3A_831 = arith.index_cast %add3A_694 : i32 to index
        %get3A_832 = arith.constant 96 : index
        %get3A_833 = tpu.vector_load %arg13[%get3A_831, %get3A_832] {strides = array<i32>} : memref<80x128xf32, #tpu.memory_space<vmem>>, vector<1x16xf32>,
        %get3A_834 = vector.shape_cast %get3A_833 : vector<1x16xf32> to vector<16xf32>
        %add3A_835 = arith.addf %get3A_830, %get3A_834 : vector<16xf32>
        %get3A_836 = arith.index_cast %add3A_694 : i32 to index
        %get3A_837 = arith.constant 96 : index
        %get3A_838 = tpu.vector_load %arg14[%get3A_836, %get3A_837] {strides = array<i32>} : memref<80x128xf32, #tpu.memory_space<vmem>>, vector<1x16xf32>,
        %get3A_839 = vector.shape_cast %get3A_838 : vector<1x16xf32> to vector<16xf32>
        %add3A_840 = arith.addf %add3A_835, %get3A_839 : vector<16xf32>
        %max3A_841 = arith.constant 0.000000e+00 : f32
        %max3A_842 = vector.broadcast %max3A_841 : f32 to vector<16xf32>
        %max3A_843 = arith.maximumf %add3A_840, %max3A_842 : vector<16xf32>
        %swap3A_844 = arith.index_cast %add3A_694 : i32 to index
        %swap3A_845 = arith.constant 96 : index
        %swap3A_846 = tpu.vector_load %arg12[%swap3A_844, %swap3A_845] {strides = array<i32>} : memref<80x128xf32, #tpu.memory_space<vmem>>, vector<1x16xf32>,
        %swap3A_847 = vector.shape_cast %swap3A_846 : vector<1x16xf32> to vector<16xf32>
        %swap3A_848 = vector.shape_cast %max3A_843 : vector<16xf32> to vector<1x16xf32>
        tpu.vector_store %arg12[%swap3A_844, %swap3A_845], %swap3A_848 {strides = array<i32>} : memref<80x128xf32, #tpu.memory_space<vmem>>, vector<1x16xf32>,
        %get3A_849 = arith.index_cast %add3A_694 : i32 to index
        %get3A_850 = arith.constant 112 : index
        %get3A_851 = tpu.vector_load %arg12[%get3A_849, %get3A_850] {strides = array<i32>} : memref<80x128xf32, #tpu.memory_space<vmem>>, vector<1x16xf32>,
        %get3A_852 = vector.shape_cast %get3A_851 : vector<1x16xf32> to vector<16xf32>
        %get3A_853 = arith.index_cast %add3A_694 : i32 to index
        %get3A_854 = arith.constant 112 : index
        %get3A_855 = tpu.vector_load %arg13[%get3A_853, %get3A_854] {strides = array<i32>} : memref<80x128xf32, #tpu.memory_space<vmem>>, vector<1x16xf32>,
        %get3A_856 = vector.shape_cast %get3A_855 : vector<1x16xf32> to vector<16xf32>
        %add3A_857 = arith.addf %get3A_852, %get3A_856 : vector<16xf32>
        %get3A_858 = arith.index_cast %add3A_694 : i32 to index
        %get3A_859 = arith.constant 112 : index
        %get3A_860 = tpu.vector_load %arg14[%get3A_858, %get3A_859] {strides = array<i32>} : memref<80x128xf32, #tpu.memory_space<vmem>>, vector<1x16xf32>,
        %get3A_861 = vector.shape_cast %get3A_860 : vector<1x16xf32> to vector<16xf32>
        %add3A_862 = arith.addf %add3A_857, %get3A_861 : vector<16xf32>
        %max3A_863 = arith.constant 0.000000e+00 : f32
        %max3A_864 = vector.broadcast %max3A_863 : f32 to vector<16xf32>
        %max3A_865 = arith.maximumf %add3A_862, %max3A_864 : vector<16xf32>
        %swap3A_866 = arith.index_cast %add3A_694 : i32 to index
        %swap3A_867 = arith.constant 112 : index
        %swap3A_868 = tpu.vector_load %arg12[%swap3A_866, %swap3A_867] {strides = array<i32>} : memref<80x128xf32, #tpu.memory_space<vmem>>, vector<1x16xf32>,
        %swap3A_869 = vector.shape_cast %swap3A_868 : vector<1x16xf32> to vector<16xf32>
        %swap3A_870 = vector.shape_cast %max3A_865 : vector<16xf32> to vector<1x16xf32>
        tpu.vector_store %arg12[%swap3A_866, %swap3A_867], %swap3A_870 {strides = array<i32>} : memref<80x128xf32, #tpu.memory_space<vmem>>, vector<1x16xf32>,
        %scan3A_871 = arith.constant 0 : i32
        scf.yield %scan3A_871 : i32
      }
      %scan3A_148 = arith.constant 20 : i32
      "tpu.region"() ({
        %run_scoped3A = tpu.sem_alloc : memref<!tpu.dma_semaphore, #tpu.memory_space<semaphore_mem>>
        %dma_start3A_150 = arith.constant 0 : i32
        %dma_start3A_151 = arith.constant 0 : i32
        %dma_start3A_152 = tpu.memref_slice %arg7[%dma_start3A_150, %dma_start3A_151] : memref<10240x128xf32, #tpu.memory_space<vmem_shared>> -> memref<10240x128xf32, #tpu.memory_space<vmem_shared>>
        tpu.enqueue_indirect_dma source(%arg12 : memref<80x128xf32, #tpu.memory_space<vmem>>) target(%dma_start3A_152 : memref<10240x128xf32, #tpu.memory_space<vmem_shared>>) offsets(%arg9 : memref<80xi32, #tpu.memory_space<vmem>>) semaphore(%run_scoped3A : memref<!tpu.dma_semaphore, #tpu.memory_space<semaphore_mem>>) {add = true}
        %dma_wait3A_153 = arith.constant 0 : i32
        %dma_wait3A_154 = arith.constant 0 : i32
        %dma_wait3A_155 = tpu.memref_slice %arg7[%dma_wait3A_153, %dma_wait3A_154] : memref<10240x128xf32, #tpu.memory_space<vmem_shared>> -> memref<10240x128xf32, #tpu.memory_space<vmem_shared>>
        tpu.wait_indirect_dma semaphore(%run_scoped3A : memref<!tpu.dma_semaphore, #tpu.memory_space<semaphore_mem>>) src(%arg12 : memref<80x128xf32, #tpu.memory_space<vmem>>) dst(%dma_wait3A_155 : memref<10240x128xf32, #tpu.memory_space<vmem_shared>>)
        tpu.yield
      }) : () -> ()
      %scan3A_149 = arith.constant 0 : i32
      scf.yield %scan3A_149 : i32
    }
    %scan3A_31 = arith.constant 125 : i32
    %barrier3A_32 = arith.constant 0 : index
    tpu.barrier barrier_id(%barrier3A_32)
    %mul3A_33 = arith.constant 10240 : i32
    %mul3A_34 = arith.muli %arg0, %mul3A_33 : i32
    %add3A_35 = arith.addi %mul3A_34, %mul3A_7 : i32
    "tpu.region"() ({
      %run_scoped3A = tpu.sem_alloc : memref<!tpu.dma_semaphore, #tpu.memory_space<semaphore_mem>>
      %dma_start3A = arith.constant 0 : i32
      %dma_start3A_36 = tpu.memref_slice %arg6[%add3A_35, %dma_start3A] : memref<20480x128xf32, #tpu.memory_space<hbm>> -> memref<640x128xf32, #tpu.memory_space<hbm>>
      %dma_start3A_37 = arith.constant 0 : i32
      %dma_start3A_38 = tpu.memref_slice %arg7[%mul3A_7, %dma_start3A_37] : memref<10240x128xf32, #tpu.memory_space<vmem_shared>> -> memref<640x128xf32, #tpu.memory_space<vmem_shared>>
      tpu.enqueue_dma source(%dma_start3A_38 : memref<640x128xf32, #tpu.memory_space<vmem_shared>>) target(%dma_start3A_36 : memref<640x128xf32, #tpu.memory_space<hbm>>) target_semaphore(%run_scoped3A : memref<!tpu.dma_semaphore, #tpu.memory_space<semaphore_mem>>)
      %dma_wait3A = arith.constant 0 : i32
      %dma_wait3A_39 = tpu.memref_slice %arg6[%add3A_35, %dma_wait3A] : memref<20480x128xf32, #tpu.memory_space<hbm>> -> memref<640x128xf32, #tpu.memory_space<hbm>>
      %dma_wait3A_40 = arith.constant 0 : i32
      %dma_wait3A_41 = tpu.memref_slice %arg7[%mul3A_7, %dma_wait3A_40] : memref<10240x128xf32, #tpu.memory_space<vmem_shared>> -> memref<640x128xf32, #tpu.memory_space<vmem_shared>>
      tpu.wait_dma2 semaphore(%run_scoped3A : memref<!tpu.dma_semaphore, #tpu.memory_space<semaphore_mem>>) src(%dma_wait3A_41 : memref<640x128xf32, #tpu.memory_space<vmem_shared>>) dst(%dma_wait3A_39 : memref<640x128xf32, #tpu.memory_space<hbm>>)
      tpu.yield
    }) : () -> ()
    return
  }
}

#map = affine_map<(d0, d1) -> (0)>
#map1 = affine_map<(d0, d1) -> (0, 0)>
module attributes {stable_mosaic.version = 14 : i64} {
  func.func @body(%arg0: i32, %arg1: i32, %arg2: memref<160000xi32, #tpu.memory_space<hbm>>, %arg3: memref<20480x128xf32, #tpu.memory_space<hbm>>, %arg4: memref<10240x128xf32, #tpu.memory_space<vmem_shared>>, %arg5: memref<200xi32, #tpu.memory_space<vmem>>, %arg6: memref<200x128xf32, #tpu.memory_space<vmem>>) attributes {dimension_semantics = [#tpu.dimension_semantics<core_parallel>, #tpu.dimension_semantics<subcore_parallel>], iteration_bounds = array<i64: 2, 16>, scalar_prefetch = 0 : i64, scratch_operands = 3 : i64, tpu.core_type = #tpu.core_type<sc_vector_subcore>, window_params = [{transform_indices = #map}, {transform_indices = #map1}]} {
    %broadcast_in_dim3A = arith.constant 0.000000e+00 : f32
    %broadcast_in_dim3A_0 = vector.broadcast %broadcast_in_dim3A : f32 to vector<16xf32>
    %scan3A = arith.constant 0 : i32
    %scan3A_1 = arith.constant 0 : i32
    %scan3A_2 = arith.constant 200 : i32
    %scan3A_3 = arith.addi %scan3A_1, %scan3A_2 : i32
    %scan3A_4 = arith.constant 1 : i32
    %scan3A_5 = scf.for %scan3A_39 = %scan3A_1 to %scan3A_3 step %scan3A_4 iter_args(%scan3A_40 = %scan3A) -> (i32)  : i32 {
      %swap3A = arith.index_cast %scan3A_39 : i32 to index
      %swap3A_41 = arith.constant 0 : index
      %swap3A_42 = tpu.vector_load %arg6[%swap3A, %swap3A_41] {strides = array<i32>} : memref<200x128xf32, #tpu.memory_space<vmem>>, vector<1x16xf32>,
      %swap3A_43 = vector.shape_cast %swap3A_42 : vector<1x16xf32> to vector<16xf32>
      %swap3A_44 = vector.shape_cast %broadcast_in_dim3A_0 : vector<16xf32> to vector<1x16xf32>
      tpu.vector_store %arg6[%swap3A, %swap3A_41], %swap3A_44 {strides = array<i32>} : memref<200x128xf32, #tpu.memory_space<vmem>>, vector<1x16xf32>,
      %swap3A_45 = arith.index_cast %scan3A_39 : i32 to index
      %swap3A_46 = arith.constant 16 : index
      %swap3A_47 = tpu.vector_load %arg6[%swap3A_45, %swap3A_46] {strides = array<i32>} : memref<200x128xf32, #tpu.memory_space<vmem>>, vector<1x16xf32>,
      %swap3A_48 = vector.shape_cast %swap3A_47 : vector<1x16xf32> to vector<16xf32>
      %swap3A_49 = vector.shape_cast %broadcast_in_dim3A_0 : vector<16xf32> to vector<1x16xf32>
      tpu.vector_store %arg6[%swap3A_45, %swap3A_46], %swap3A_49 {strides = array<i32>} : memref<200x128xf32, #tpu.memory_space<vmem>>, vector<1x16xf32>,
      %swap3A_50 = arith.index_cast %scan3A_39 : i32 to index
      %swap3A_51 = arith.constant 32 : index
      %swap3A_52 = tpu.vector_load %arg6[%swap3A_50, %swap3A_51] {strides = array<i32>} : memref<200x128xf32, #tpu.memory_space<vmem>>, vector<1x16xf32>,
      %swap3A_53 = vector.shape_cast %swap3A_52 : vector<1x16xf32> to vector<16xf32>
      %swap3A_54 = vector.shape_cast %broadcast_in_dim3A_0 : vector<16xf32> to vector<1x16xf32>
      tpu.vector_store %arg6[%swap3A_50, %swap3A_51], %swap3A_54 {strides = array<i32>} : memref<200x128xf32, #tpu.memory_space<vmem>>, vector<1x16xf32>,
      %swap3A_55 = arith.index_cast %scan3A_39 : i32 to index
      %swap3A_56 = arith.constant 48 : index
      %swap3A_57 = tpu.vector_load %arg6[%swap3A_55, %swap3A_56] {strides = array<i32>} : memref<200x128xf32, #tpu.memory_space<vmem>>, vector<1x16xf32>,
      %swap3A_58 = vector.shape_cast %swap3A_57 : vector<1x16xf32> to vector<16xf32>
      %swap3A_59 = vector.shape_cast %broadcast_in_dim3A_0 : vector<16xf32> to vector<1x16xf32>
      tpu.vector_store %arg6[%swap3A_55, %swap3A_56], %swap3A_59 {strides = array<i32>} : memref<200x128xf32, #tpu.memory_space<vmem>>, vector<1x16xf32>,
      %swap3A_60 = arith.index_cast %scan3A_39 : i32 to index
      %swap3A_61 = arith.constant 64 : index
      %swap3A_62 = tpu.vector_load %arg6[%swap3A_60, %swap3A_61] {strides = array<i32>} : memref<200x128xf32, #tpu.memory_space<vmem>>, vector<1x16xf32>,
      %swap3A_63 = vector.shape_cast %swap3A_62 : vector<1x16xf32> to vector<16xf32>
      %swap3A_64 = vector.shape_cast %broadcast_in_dim3A_0 : vector<16xf32> to vector<1x16xf32>
      tpu.vector_store %arg6[%swap3A_60, %swap3A_61], %swap3A_64 {strides = array<i32>} : memref<200x128xf32, #tpu.memory_space<vmem>>, vector<1x16xf32>,
      %swap3A_65 = arith.index_cast %scan3A_39 : i32 to index
      %swap3A_66 = arith.constant 80 : index
      %swap3A_67 = tpu.vector_load %arg6[%swap3A_65, %swap3A_66] {strides = array<i32>} : memref<200x128xf32, #tpu.memory_space<vmem>>, vector<1x16xf32>,
      %swap3A_68 = vector.shape_cast %swap3A_67 : vector<1x16xf32> to vector<16xf32>
      %swap3A_69 = vector.shape_cast %broadcast_in_dim3A_0 : vector<16xf32> to vector<1x16xf32>
      tpu.vector_store %arg6[%swap3A_65, %swap3A_66], %swap3A_69 {strides = array<i32>} : memref<200x128xf32, #tpu.memory_space<vmem>>, vector<1x16xf32>,
      %swap3A_70 = arith.index_cast %scan3A_39 : i32 to index
      %swap3A_71 = arith.constant 96 : index
      %swap3A_72 = tpu.vector_load %arg6[%swap3A_70, %swap3A_71] {strides = array<i32>} : memref<200x128xf32, #tpu.memory_space<vmem>>, vector<1x16xf32>,
      %swap3A_73 = vector.shape_cast %swap3A_72 : vector<1x16xf32> to vector<16xf32>
      %swap3A_74 = vector.shape_cast %broadcast_in_dim3A_0 : vector<16xf32> to vector<1x16xf32>
      tpu.vector_store %arg6[%swap3A_70, %swap3A_71], %swap3A_74 {strides = array<i32>} : memref<200x128xf32, #tpu.memory_space<vmem>>, vector<1x16xf32>,
      %swap3A_75 = arith.index_cast %scan3A_39 : i32 to index
      %swap3A_76 = arith.constant 112 : index
      %swap3A_77 = tpu.vector_load %arg6[%swap3A_75, %swap3A_76] {strides = array<i32>} : memref<200x128xf32, #tpu.memory_space<vmem>>, vector<1x16xf32>,
      %swap3A_78 = vector.shape_cast %swap3A_77 : vector<1x16xf32> to vector<16xf32>
      %swap3A_79 = vector.shape_cast %broadcast_in_dim3A_0 : vector<16xf32> to vector<1x16xf32>
      tpu.vector_store %arg6[%swap3A_75, %swap3A_76], %swap3A_79 {strides = array<i32>} : memref<200x128xf32, #tpu.memory_space<vmem>>, vector<1x16xf32>,
      %scan3A_80 = arith.constant 0 : i32
      scf.yield %scan3A_80 : i32
    }
    %scan3A_6 = arith.constant 200 : i32
    %mul3A = arith.constant 640 : i32
    %mul3A_7 = arith.muli %arg1, %mul3A : i32
    %scan3A_8 = arith.constant 0 : i32
    %scan3A_9 = arith.constant 0 : i32
    %scan3A_10 = arith.constant 4 : i32
    %scan3A_11 = arith.addi %scan3A_9, %scan3A_10 : i32
    %scan3A_12 = arith.constant 1 : i32
    %scan3A_13 = scf.for %scan3A_39 = %scan3A_9 to %scan3A_11 step %scan3A_12 iter_args(%scan3A_40 = %scan3A_8) -> (i32)  : i32 {
      %mul3A_41 = arith.constant 160 : i32
      %mul3A_42 = arith.muli %scan3A_39, %mul3A_41 : i32
      %add3A_43 = arith.addi %mul3A_7, %mul3A_42 : i32
      "tpu.region"() ({
        %run_scoped3A = tpu.sem_alloc : memref<!tpu.dma_semaphore, #tpu.memory_space<semaphore_mem>>
        %dma_start3A = arith.constant 0 : i32
        %dma_start3A_45 = arith.constant 0 : i32
        %dma_start3A_46 = tpu.memref_slice %arg6[%dma_start3A, %dma_start3A_45] : memref<200x128xf32, #tpu.memory_space<vmem>> -> memref<160x128xf32, #tpu.memory_space<vmem>>
        %dma_start3A_47 = arith.constant 0 : i32
        %dma_start3A_48 = tpu.memref_slice %arg4[%add3A_43, %dma_start3A_47] : memref<10240x128xf32, #tpu.memory_space<vmem_shared>> -> memref<160x128xf32, #tpu.memory_space<vmem_shared>>
        %dma_start3A_49 = arith.constant 0 : i32
        %dma_start3A_50 = tpu.memref_slice %arg4[%add3A_43, %dma_start3A_49] : memref<10240x128xf32, #tpu.memory_space<vmem_shared>> -> memref<160x128xf32, #tpu.memory_space<vmem_shared>>
        %dma_start3A_51 = arith.constant 0 : i32
        %dma_start3A_52 = arith.constant 0 : i32
        %dma_start3A_53 = tpu.memref_slice %arg6[%dma_start3A_51, %dma_start3A_52] : memref<200x128xf32, #tpu.memory_space<vmem>> -> memref<160x128xf32, #tpu.memory_space<vmem>>
        tpu.enqueue_dma source(%dma_start3A_53 : memref<160x128xf32, #tpu.memory_space<vmem>>) target(%dma_start3A_50 : memref<160x128xf32, #tpu.memory_space<vmem_shared>>) target_semaphore(%run_scoped3A : memref<!tpu.dma_semaphore, #tpu.memory_space<semaphore_mem>>)
        %dma_wait3A = arith.constant 0 : i32
        %dma_wait3A_54 = arith.constant 0 : i32
        %dma_wait3A_55 = tpu.memref_slice %arg6[%dma_wait3A, %dma_wait3A_54] : memref<200x128xf32, #tpu.memory_space<vmem>> -> memref<160x128xf32, #tpu.memory_space<vmem>>
        %dma_wait3A_56 = arith.constant 0 : i32
        %dma_wait3A_57 = tpu.memref_slice %arg4[%add3A_43, %dma_wait3A_56] : memref<10240x128xf32, #tpu.memory_space<vmem_shared>> -> memref<160x128xf32, #tpu.memory_space<vmem_shared>>
        %dma_wait3A_58 = arith.constant 0 : i32
        %dma_wait3A_59 = tpu.memref_slice %arg4[%add3A_43, %dma_wait3A_58] : memref<10240x128xf32, #tpu.memory_space<vmem_shared>> -> memref<160x128xf32, #tpu.memory_space<vmem_shared>>
        %dma_wait3A_60 = arith.constant 0 : i32
        %dma_wait3A_61 = arith.constant 0 : i32
        %dma_wait3A_62 = tpu.memref_slice %arg6[%dma_wait3A_60, %dma_wait3A_61] : memref<200x128xf32, #tpu.memory_space<vmem>> -> memref<160x128xf32, #tpu.memory_space<vmem>>
        tpu.wait_dma2 semaphore(%run_scoped3A : memref<!tpu.dma_semaphore, #tpu.memory_space<semaphore_mem>>) src(%dma_wait3A_62 : memref<160x128xf32, #tpu.memory_space<vmem>>) dst(%dma_wait3A_59 : memref<160x128xf32, #tpu.memory_space<vmem_shared>>)
        tpu.yield
      }) : () -> ()
      %scan3A_44 = arith.constant 0 : i32
      scf.yield %scan3A_44 : i32
    }
    %scan3A_14 = arith.constant 4 : i32
    %broadcast_in_dim3A_15 = arith.constant 1.000000e+00 : f32
    %broadcast_in_dim3A_16 = vector.broadcast %broadcast_in_dim3A_15 : f32 to vector<16xf32>
    %scan3A_17 = arith.constant 0 : i32
    %scan3A_18 = arith.constant 0 : i32
    %scan3A_19 = arith.constant 200 : i32
    %scan3A_20 = arith.addi %scan3A_18, %scan3A_19 : i32
    %scan3A_21 = arith.constant 1 : i32
    %scan3A_22 = scf.for %scan3A_39 = %scan3A_18 to %scan3A_20 step %scan3A_21 iter_args(%scan3A_40 = %scan3A_17) -> (i32)  : i32 {
      %swap3A = arith.index_cast %scan3A_39 : i32 to index
      %swap3A_41 = arith.constant 0 : index
      %swap3A_42 = tpu.vector_load %arg6[%swap3A, %swap3A_41] {strides = array<i32>} : memref<200x128xf32, #tpu.memory_space<vmem>>, vector<1x16xf32>,
      %swap3A_43 = vector.shape_cast %swap3A_42 : vector<1x16xf32> to vector<16xf32>
      %swap3A_44 = vector.shape_cast %broadcast_in_dim3A_16 : vector<16xf32> to vector<1x16xf32>
      tpu.vector_store %arg6[%swap3A, %swap3A_41], %swap3A_44 {strides = array<i32>} : memref<200x128xf32, #tpu.memory_space<vmem>>, vector<1x16xf32>,
      %swap3A_45 = arith.index_cast %scan3A_39 : i32 to index
      %swap3A_46 = arith.constant 16 : index
      %swap3A_47 = tpu.vector_load %arg6[%swap3A_45, %swap3A_46] {strides = array<i32>} : memref<200x128xf32, #tpu.memory_space<vmem>>, vector<1x16xf32>,
      %swap3A_48 = vector.shape_cast %swap3A_47 : vector<1x16xf32> to vector<16xf32>
      %swap3A_49 = vector.shape_cast %broadcast_in_dim3A_16 : vector<16xf32> to vector<1x16xf32>
      tpu.vector_store %arg6[%swap3A_45, %swap3A_46], %swap3A_49 {strides = array<i32>} : memref<200x128xf32, #tpu.memory_space<vmem>>, vector<1x16xf32>,
      %swap3A_50 = arith.index_cast %scan3A_39 : i32 to index
      %swap3A_51 = arith.constant 32 : index
      %swap3A_52 = tpu.vector_load %arg6[%swap3A_50, %swap3A_51] {strides = array<i32>} : memref<200x128xf32, #tpu.memory_space<vmem>>, vector<1x16xf32>,
      %swap3A_53 = vector.shape_cast %swap3A_52 : vector<1x16xf32> to vector<16xf32>
      %swap3A_54 = vector.shape_cast %broadcast_in_dim3A_16 : vector<16xf32> to vector<1x16xf32>
      tpu.vector_store %arg6[%swap3A_50, %swap3A_51], %swap3A_54 {strides = array<i32>} : memref<200x128xf32, #tpu.memory_space<vmem>>, vector<1x16xf32>,
      %swap3A_55 = arith.index_cast %scan3A_39 : i32 to index
      %swap3A_56 = arith.constant 48 : index
      %swap3A_57 = tpu.vector_load %arg6[%swap3A_55, %swap3A_56] {strides = array<i32>} : memref<200x128xf32, #tpu.memory_space<vmem>>, vector<1x16xf32>,
      %swap3A_58 = vector.shape_cast %swap3A_57 : vector<1x16xf32> to vector<16xf32>
      %swap3A_59 = vector.shape_cast %broadcast_in_dim3A_16 : vector<16xf32> to vector<1x16xf32>
      tpu.vector_store %arg6[%swap3A_55, %swap3A_56], %swap3A_59 {strides = array<i32>} : memref<200x128xf32, #tpu.memory_space<vmem>>, vector<1x16xf32>,
      %swap3A_60 = arith.index_cast %scan3A_39 : i32 to index
      %swap3A_61 = arith.constant 64 : index
      %swap3A_62 = tpu.vector_load %arg6[%swap3A_60, %swap3A_61] {strides = array<i32>} : memref<200x128xf32, #tpu.memory_space<vmem>>, vector<1x16xf32>,
      %swap3A_63 = vector.shape_cast %swap3A_62 : vector<1x16xf32> to vector<16xf32>
      %swap3A_64 = vector.shape_cast %broadcast_in_dim3A_16 : vector<16xf32> to vector<1x16xf32>
      tpu.vector_store %arg6[%swap3A_60, %swap3A_61], %swap3A_64 {strides = array<i32>} : memref<200x128xf32, #tpu.memory_space<vmem>>, vector<1x16xf32>,
      %swap3A_65 = arith.index_cast %scan3A_39 : i32 to index
      %swap3A_66 = arith.constant 80 : index
      %swap3A_67 = tpu.vector_load %arg6[%swap3A_65, %swap3A_66] {strides = array<i32>} : memref<200x128xf32, #tpu.memory_space<vmem>>, vector<1x16xf32>,
      %swap3A_68 = vector.shape_cast %swap3A_67 : vector<1x16xf32> to vector<16xf32>
      %swap3A_69 = vector.shape_cast %broadcast_in_dim3A_16 : vector<16xf32> to vector<1x16xf32>
      tpu.vector_store %arg6[%swap3A_65, %swap3A_66], %swap3A_69 {strides = array<i32>} : memref<200x128xf32, #tpu.memory_space<vmem>>, vector<1x16xf32>,
      %swap3A_70 = arith.index_cast %scan3A_39 : i32 to index
      %swap3A_71 = arith.constant 96 : index
      %swap3A_72 = tpu.vector_load %arg6[%swap3A_70, %swap3A_71] {strides = array<i32>} : memref<200x128xf32, #tpu.memory_space<vmem>>, vector<1x16xf32>,
      %swap3A_73 = vector.shape_cast %swap3A_72 : vector<1x16xf32> to vector<16xf32>
      %swap3A_74 = vector.shape_cast %broadcast_in_dim3A_16 : vector<16xf32> to vector<1x16xf32>
      tpu.vector_store %arg6[%swap3A_70, %swap3A_71], %swap3A_74 {strides = array<i32>} : memref<200x128xf32, #tpu.memory_space<vmem>>, vector<1x16xf32>,
      %swap3A_75 = arith.index_cast %scan3A_39 : i32 to index
      %swap3A_76 = arith.constant 112 : index
      %swap3A_77 = tpu.vector_load %arg6[%swap3A_75, %swap3A_76] {strides = array<i32>} : memref<200x128xf32, #tpu.memory_space<vmem>>, vector<1x16xf32>,
      %swap3A_78 = vector.shape_cast %swap3A_77 : vector<1x16xf32> to vector<16xf32>
      %swap3A_79 = vector.shape_cast %broadcast_in_dim3A_16 : vector<16xf32> to vector<1x16xf32>
      tpu.vector_store %arg6[%swap3A_75, %swap3A_76], %swap3A_79 {strides = array<i32>} : memref<200x128xf32, #tpu.memory_space<vmem>>, vector<1x16xf32>,
      %scan3A_80 = arith.constant 0 : i32
      scf.yield %scan3A_80 : i32
    }
    %scan3A_23 = arith.constant 200 : i32
    %barrier3A = arith.constant 0 : index
    tpu.barrier barrier_id(%barrier3A)
    %mul3A_24 = arith.constant 80000 : i32
    %mul3A_25 = arith.muli %arg0, %mul3A_24 : i32
    %mul3A_26 = arith.constant 5000 : i32
    %mul3A_27 = arith.muli %arg1, %mul3A_26 : i32
    %add3A = arith.addi %mul3A_25, %mul3A_27 : i32
    %scan3A_28 = arith.constant 0 : i32
    %scan3A_29 = arith.constant 0 : i32
    %scan3A_30 = arith.constant 25 : i32
    %scan3A_31 = arith.addi %scan3A_29, %scan3A_30 : i32
    %scan3A_32 = arith.constant 1 : i32
    %scan3A_33 = scf.for %scan3A_39 = %scan3A_29 to %scan3A_31 step %scan3A_32 iter_args(%scan3A_40 = %scan3A_28) -> (i32)  : i32 {
      %mul3A_41 = arith.constant 200 : i32
      %mul3A_42 = arith.muli %scan3A_39, %mul3A_41 : i32
      %add3A_43 = arith.addi %add3A, %mul3A_42 : i32
      "tpu.region"() ({
        %run_scoped3A = tpu.sem_alloc : memref<!tpu.dma_semaphore, #tpu.memory_space<semaphore_mem>>
        %dma_start3A = tpu.memref_slice %arg2[%add3A_43] : memref<160000xi32, #tpu.memory_space<hbm>> -> memref<200xi32, #tpu.memory_space<hbm>>
        %dma_start3A_45 = tpu.memref_slice %arg2[%add3A_43] : memref<160000xi32, #tpu.memory_space<hbm>> -> memref<200xi32, #tpu.memory_space<hbm>>
        tpu.enqueue_dma source(%dma_start3A_45 : memref<200xi32, #tpu.memory_space<hbm>>) target(%arg5 : memref<200xi32, #tpu.memory_space<vmem>>) target_semaphore(%run_scoped3A : memref<!tpu.dma_semaphore, #tpu.memory_space<semaphore_mem>>)
        %dma_wait3A = tpu.memref_slice %arg2[%add3A_43] : memref<160000xi32, #tpu.memory_space<hbm>> -> memref<200xi32, #tpu.memory_space<hbm>>
        %dma_wait3A_46 = tpu.memref_slice %arg2[%add3A_43] : memref<160000xi32, #tpu.memory_space<hbm>> -> memref<200xi32, #tpu.memory_space<hbm>>
        tpu.wait_dma2 semaphore(%run_scoped3A : memref<!tpu.dma_semaphore, #tpu.memory_space<semaphore_mem>>) src(%dma_wait3A_46 : memref<200xi32, #tpu.memory_space<hbm>>) dst(%arg5 : memref<200xi32, #tpu.memory_space<vmem>>)
        tpu.yield
      }) : () -> ()
      "tpu.region"() ({
        %run_scoped3A = tpu.sem_alloc : memref<!tpu.dma_semaphore, #tpu.memory_space<semaphore_mem>>
        %dma_start3A = arith.constant 0 : i32
        %dma_start3A_45 = arith.constant 0 : i32
        %dma_start3A_46 = tpu.memref_slice %arg4[%dma_start3A, %dma_start3A_45] : memref<10240x128xf32, #tpu.memory_space<vmem_shared>> -> memref<10240x128xf32, #tpu.memory_space<vmem_shared>>
        tpu.enqueue_indirect_dma source(%arg6 : memref<200x128xf32, #tpu.memory_space<vmem>>) target(%dma_start3A_46 : memref<10240x128xf32, #tpu.memory_space<vmem_shared>>) offsets(%arg5 : memref<200xi32, #tpu.memory_space<vmem>>) semaphore(%run_scoped3A : memref<!tpu.dma_semaphore, #tpu.memory_space<semaphore_mem>>) {add = true}
        %dma_wait3A = arith.constant 0 : i32
        %dma_wait3A_47 = arith.constant 0 : i32
        %dma_wait3A_48 = tpu.memref_slice %arg4[%dma_wait3A, %dma_wait3A_47] : memref<10240x128xf32, #tpu.memory_space<vmem_shared>> -> memref<10240x128xf32, #tpu.memory_space<vmem_shared>>
        tpu.wait_indirect_dma semaphore(%run_scoped3A : memref<!tpu.dma_semaphore, #tpu.memory_space<semaphore_mem>>) src(%arg6 : memref<200x128xf32, #tpu.memory_space<vmem>>) dst(%dma_wait3A_48 : memref<10240x128xf32, #tpu.memory_space<vmem_shared>>)
        tpu.yield
      }) : () -> ()
      %scan3A_44 = arith.constant 0 : i32
      scf.yield %scan3A_44 : i32
    }
    %scan3A_34 = arith.constant 25 : i32
    %barrier3A_35 = arith.constant 0 : index
    tpu.barrier barrier_id(%barrier3A_35)
    %mul3A_36 = arith.constant 10240 : i32
    %mul3A_37 = arith.muli %arg0, %mul3A_36 : i32
    %add3A_38 = arith.addi %mul3A_37, %mul3A_7 : i32
    "tpu.region"() ({
      %run_scoped3A = tpu.sem_alloc : memref<!tpu.dma_semaphore, #tpu.memory_space<semaphore_mem>>
      %dma_start3A = arith.constant 0 : i32
      %dma_start3A_39 = tpu.memref_slice %arg3[%add3A_38, %dma_start3A] : memref<20480x128xf32, #tpu.memory_space<hbm>> -> memref<640x128xf32, #tpu.memory_space<hbm>>
      %dma_start3A_40 = arith.constant 0 : i32
      %dma_start3A_41 = tpu.memref_slice %arg4[%mul3A_7, %dma_start3A_40] : memref<10240x128xf32, #tpu.memory_space<vmem_shared>> -> memref<640x128xf32, #tpu.memory_space<vmem_shared>>
      tpu.enqueue_dma source(%dma_start3A_41 : memref<640x128xf32, #tpu.memory_space<vmem_shared>>) target(%dma_start3A_39 : memref<640x128xf32, #tpu.memory_space<hbm>>) target_semaphore(%run_scoped3A : memref<!tpu.dma_semaphore, #tpu.memory_space<semaphore_mem>>)
      %dma_wait3A = arith.constant 0 : i32
      %dma_wait3A_42 = tpu.memref_slice %arg3[%add3A_38, %dma_wait3A] : memref<20480x128xf32, #tpu.memory_space<hbm>> -> memref<640x128xf32, #tpu.memory_space<hbm>>
      %dma_wait3A_43 = arith.constant 0 : i32
      %dma_wait3A_44 = tpu.memref_slice %arg4[%mul3A_7, %dma_wait3A_43] : memref<10240x128xf32, #tpu.memory_space<vmem_shared>> -> memref<640x128xf32, #tpu.memory_space<vmem_shared>>
      tpu.wait_dma2 semaphore(%run_scoped3A : memref<!tpu.dma_semaphore, #tpu.memory_space<semaphore_mem>>) src(%dma_wait3A_44 : memref<640x128xf32, #tpu.memory_space<vmem_shared>>) dst(%dma_wait3A_42 : memref<640x128xf32, #tpu.memory_space<hbm>>)
      tpu.yield
    }) : () -> ()
    return
  }
}

#map = affine_map<(d0, d1) -> (0)>
#map1 = affine_map<(d0, d1) -> (0, 0)>
module attributes {stable_mosaic.version = 14 : i64} {
  func.func @body(%arg0: i32, %arg1: i32, %arg2: memref<160000xi32, #tpu.memory_space<hbm>>, %arg3: memref<160000xi32, #tpu.memory_space<hbm>>, %arg4: memref<40000x128xf32, #tpu.memory_space<hbm>>, %arg5: memref<320000x128xf32, #tpu.memory_space<hbm>>, %arg6: memref<20480x128xf32, #tpu.memory_space<hbm>>, %arg7: memref<10240x128xf32, #tpu.memory_space<vmem_shared>>, %arg8: memref<80xi32, #tpu.memory_space<vmem>>, %arg9: memref<80xi32, #tpu.memory_space<vmem>>, %arg10: memref<80xi32, #tpu.memory_space<vmem>>, %arg11: memref<80xi32, #tpu.memory_space<vmem>>, %arg12: memref<80x128xf32, #tpu.memory_space<vmem>>, %arg13: memref<80x128xf32, #tpu.memory_space<vmem>>, %arg14: memref<80x128xf32, #tpu.memory_space<vmem>>, %arg15: memref<!tpu.dma_semaphore, #tpu.memory_space<semaphore_mem>>, %arg16: memref<!tpu.dma_semaphore, #tpu.memory_space<semaphore_mem>>) attributes {dimension_semantics = [#tpu.dimension_semantics<core_parallel>, #tpu.dimension_semantics<subcore_parallel>], iteration_bounds = array<i64: 2, 16>, scalar_prefetch = 0 : i64, scratch_operands = 10 : i64, tpu.core_type = #tpu.core_type<sc_vector_subcore>, window_params = [{transform_indices = #map}, {transform_indices = #map}, {transform_indices = #map1}, {transform_indices = #map1}, {transform_indices = #map1}]} {
    %broadcast_in_dim3A = arith.constant 0.000000e+00 : f32
    %broadcast_in_dim3A_0 = vector.broadcast %broadcast_in_dim3A : f32 to vector<16xf32>
    %scan3A = arith.constant 0 : i32
    %scan3A_1 = arith.constant 0 : i32
    %scan3A_2 = arith.constant 80 : i32
    %scan3A_3 = arith.addi %scan3A_1, %scan3A_2 : i32
    %scan3A_4 = arith.constant 1 : i32
    %scan3A_5 = scf.for %scan3A_36 = %scan3A_1 to %scan3A_3 step %scan3A_4 iter_args(%scan3A_37 = %scan3A) -> (i32)  : i32 {
      %swap3A = arith.index_cast %scan3A_36 : i32 to index
      %swap3A_38 = arith.constant 0 : index
      %swap3A_39 = tpu.vector_load %arg12[%swap3A, %swap3A_38] {strides = array<i32>} : memref<80x128xf32, #tpu.memory_space<vmem>>, vector<1x16xf32>,
      %swap3A_40 = vector.shape_cast %swap3A_39 : vector<1x16xf32> to vector<16xf32>
      %swap3A_41 = vector.shape_cast %broadcast_in_dim3A_0 : vector<16xf32> to vector<1x16xf32>
      tpu.vector_store %arg12[%swap3A, %swap3A_38], %swap3A_41 {strides = array<i32>} : memref<80x128xf32, #tpu.memory_space<vmem>>, vector<1x16xf32>,
      %swap3A_42 = arith.index_cast %scan3A_36 : i32 to index
      %swap3A_43 = arith.constant 16 : index
      %swap3A_44 = tpu.vector_load %arg12[%swap3A_42, %swap3A_43] {strides = array<i32>} : memref<80x128xf32, #tpu.memory_space<vmem>>, vector<1x16xf32>,
      %swap3A_45 = vector.shape_cast %swap3A_44 : vector<1x16xf32> to vector<16xf32>
      %swap3A_46 = vector.shape_cast %broadcast_in_dim3A_0 : vector<16xf32> to vector<1x16xf32>
      tpu.vector_store %arg12[%swap3A_42, %swap3A_43], %swap3A_46 {strides = array<i32>} : memref<80x128xf32, #tpu.memory_space<vmem>>, vector<1x16xf32>,
      %swap3A_47 = arith.index_cast %scan3A_36 : i32 to index
      %swap3A_48 = arith.constant 32 : index
      %swap3A_49 = tpu.vector_load %arg12[%swap3A_47, %swap3A_48] {strides = array<i32>} : memref<80x128xf32, #tpu.memory_space<vmem>>, vector<1x16xf32>,
      %swap3A_50 = vector.shape_cast %swap3A_49 : vector<1x16xf32> to vector<16xf32>
      %swap3A_51 = vector.shape_cast %broadcast_in_dim3A_0 : vector<16xf32> to vector<1x16xf32>
      tpu.vector_store %arg12[%swap3A_47, %swap3A_48], %swap3A_51 {strides = array<i32>} : memref<80x128xf32, #tpu.memory_space<vmem>>, vector<1x16xf32>,
      %swap3A_52 = arith.index_cast %scan3A_36 : i32 to index
      %swap3A_53 = arith.constant 48 : index
      %swap3A_54 = tpu.vector_load %arg12[%swap3A_52, %swap3A_53] {strides = array<i32>} : memref<80x128xf32, #tpu.memory_space<vmem>>, vector<1x16xf32>,
      %swap3A_55 = vector.shape_cast %swap3A_54 : vector<1x16xf32> to vector<16xf32>
      %swap3A_56 = vector.shape_cast %broadcast_in_dim3A_0 : vector<16xf32> to vector<1x16xf32>
      tpu.vector_store %arg12[%swap3A_52, %swap3A_53], %swap3A_56 {strides = array<i32>} : memref<80x128xf32, #tpu.memory_space<vmem>>, vector<1x16xf32>,
      %swap3A_57 = arith.index_cast %scan3A_36 : i32 to index
      %swap3A_58 = arith.constant 64 : index
      %swap3A_59 = tpu.vector_load %arg12[%swap3A_57, %swap3A_58] {strides = array<i32>} : memref<80x128xf32, #tpu.memory_space<vmem>>, vector<1x16xf32>,
      %swap3A_60 = vector.shape_cast %swap3A_59 : vector<1x16xf32> to vector<16xf32>
      %swap3A_61 = vector.shape_cast %broadcast_in_dim3A_0 : vector<16xf32> to vector<1x16xf32>
      tpu.vector_store %arg12[%swap3A_57, %swap3A_58], %swap3A_61 {strides = array<i32>} : memref<80x128xf32, #tpu.memory_space<vmem>>, vector<1x16xf32>,
      %swap3A_62 = arith.index_cast %scan3A_36 : i32 to index
      %swap3A_63 = arith.constant 80 : index
      %swap3A_64 = tpu.vector_load %arg12[%swap3A_62, %swap3A_63] {strides = array<i32>} : memref<80x128xf32, #tpu.memory_space<vmem>>, vector<1x16xf32>,
      %swap3A_65 = vector.shape_cast %swap3A_64 : vector<1x16xf32> to vector<16xf32>
      %swap3A_66 = vector.shape_cast %broadcast_in_dim3A_0 : vector<16xf32> to vector<1x16xf32>
      tpu.vector_store %arg12[%swap3A_62, %swap3A_63], %swap3A_66 {strides = array<i32>} : memref<80x128xf32, #tpu.memory_space<vmem>>, vector<1x16xf32>,
      %swap3A_67 = arith.index_cast %scan3A_36 : i32 to index
      %swap3A_68 = arith.constant 96 : index
      %swap3A_69 = tpu.vector_load %arg12[%swap3A_67, %swap3A_68] {strides = array<i32>} : memref<80x128xf32, #tpu.memory_space<vmem>>, vector<1x16xf32>,
      %swap3A_70 = vector.shape_cast %swap3A_69 : vector<1x16xf32> to vector<16xf32>
      %swap3A_71 = vector.shape_cast %broadcast_in_dim3A_0 : vector<16xf32> to vector<1x16xf32>
      tpu.vector_store %arg12[%swap3A_67, %swap3A_68], %swap3A_71 {strides = array<i32>} : memref<80x128xf32, #tpu.memory_space<vmem>>, vector<1x16xf32>,
      %swap3A_72 = arith.index_cast %scan3A_36 : i32 to index
      %swap3A_73 = arith.constant 112 : index
      %swap3A_74 = tpu.vector_load %arg12[%swap3A_72, %swap3A_73] {strides = array<i32>} : memref<80x128xf32, #tpu.memory_space<vmem>>, vector<1x16xf32>,
      %swap3A_75 = vector.shape_cast %swap3A_74 : vector<1x16xf32> to vector<16xf32>
      %swap3A_76 = vector.shape_cast %broadcast_in_dim3A_0 : vector<16xf32> to vector<1x16xf32>
      tpu.vector_store %arg12[%swap3A_72, %swap3A_73], %swap3A_76 {strides = array<i32>} : memref<80x128xf32, #tpu.memory_space<vmem>>, vector<1x16xf32>,
      %scan3A_77 = arith.constant 0 : i32
      scf.yield %scan3A_77 : i32
    }
    %scan3A_6 = arith.constant 80 : i32
    %mul3A = arith.constant 640 : i32
    %mul3A_7 = arith.muli %arg1, %mul3A : i32
    %scan3A_8 = arith.constant 0 : i32
    %scan3A_9 = arith.constant 0 : i32
    %scan3A_10 = arith.constant 8 : i32
    %scan3A_11 = arith.addi %scan3A_9, %scan3A_10 : i32
    %scan3A_12 = arith.constant 1 : i32
    %scan3A_13 = scf.for %scan3A_36 = %scan3A_9 to %scan3A_11 step %scan3A_12 iter_args(%scan3A_37 = %scan3A_8) -> (i32)  : i32 {
      %mul3A_38 = arith.constant 80 : i32
      %mul3A_39 = arith.muli %scan3A_36, %mul3A_38 : i32
      %add3A_40 = arith.addi %mul3A_7, %mul3A_39 : i32
      "tpu.region"() ({
        %run_scoped3A = tpu.sem_alloc : memref<!tpu.dma_semaphore, #tpu.memory_space<semaphore_mem>>
        %dma_start3A = arith.constant 0 : i32
        %dma_start3A_42 = tpu.memref_slice %arg7[%add3A_40, %dma_start3A] : memref<10240x128xf32, #tpu.memory_space<vmem_shared>> -> memref<80x128xf32, #tpu.memory_space<vmem_shared>>
        %dma_start3A_43 = arith.constant 0 : i32
        %dma_start3A_44 = tpu.memref_slice %arg7[%add3A_40, %dma_start3A_43] : memref<10240x128xf32, #tpu.memory_space<vmem_shared>> -> memref<80x128xf32, #tpu.memory_space<vmem_shared>>
        tpu.enqueue_dma source(%arg12 : memref<80x128xf32, #tpu.memory_space<vmem>>) target(%dma_start3A_44 : memref<80x128xf32, #tpu.memory_space<vmem_shared>>) target_semaphore(%run_scoped3A : memref<!tpu.dma_semaphore, #tpu.memory_space<semaphore_mem>>)
        %dma_wait3A = arith.constant 0 : i32
        %dma_wait3A_45 = tpu.memref_slice %arg7[%add3A_40, %dma_wait3A] : memref<10240x128xf32, #tpu.memory_space<vmem_shared>> -> memref<80x128xf32, #tpu.memory_space<vmem_shared>>
        %dma_wait3A_46 = arith.constant 0 : i32
        %dma_wait3A_47 = tpu.memref_slice %arg7[%add3A_40, %dma_wait3A_46] : memref<10240x128xf32, #tpu.memory_space<vmem_shared>> -> memref<80x128xf32, #tpu.memory_space<vmem_shared>>
        tpu.wait_dma2 semaphore(%run_scoped3A : memref<!tpu.dma_semaphore, #tpu.memory_space<semaphore_mem>>) src(%arg12 : memref<80x128xf32, #tpu.memory_space<vmem>>) dst(%dma_wait3A_47 : memref<80x128xf32, #tpu.memory_space<vmem_shared>>)
        tpu.yield
      }) : () -> ()
      %scan3A_41 = arith.constant 0 : i32
      scf.yield %scan3A_41 : i32
    }
    %scan3A_14 = arith.constant 8 : i32
    %barrier3A = arith.constant 0 : index
    tpu.barrier barrier_id(%barrier3A)
    %mul3A_15 = arith.constant 10000 : i32
    %mul3A_16 = arith.muli %arg1, %mul3A_15 : i32
    %mul3A_17 = arith.constant 2 : i32
    %mul3A_18 = arith.muli %mul3A_17, %arg0 : i32
    %mul3A_19 = arith.constant 10000 : i32
    %mul3A_20 = arith.muli %mul3A_18, %mul3A_19 : i32
    %add3A = arith.constant 10000 : i32
    %add3A_21 = arith.addi %mul3A_20, %add3A : i32
    %mul3A_22 = arith.constant 160000 : i32
    %mul3A_23 = arith.muli %arg0, %mul3A_22 : i32
    %add3A_24 = arith.addi %mul3A_23, %mul3A_16 : i32
    %scan3A_25 = arith.constant 0 : i32
    %scan3A_26 = arith.constant 0 : i32
    %scan3A_27 = arith.constant 125 : i32
    %scan3A_28 = arith.addi %scan3A_26, %scan3A_27 : i32
    %scan3A_29 = arith.constant 1 : i32
    %scan3A_30 = scf.for %scan3A_36 = %scan3A_26 to %scan3A_28 step %scan3A_29 iter_args(%scan3A_37 = %scan3A_25) -> (i32)  : i32 {
      %mul3A_38 = arith.constant 80 : i32
      %mul3A_39 = arith.muli %scan3A_36, %mul3A_38 : i32
      %add3A_40 = arith.addi %mul3A_16, %mul3A_39 : i32
      "tpu.region"() ({
        %run_scoped3A = tpu.sem_alloc : memref<!tpu.dma_semaphore, #tpu.memory_space<semaphore_mem>>
        %dma_start3A_150 = tpu.memref_slice %arg2[%add3A_40] : memref<160000xi32, #tpu.memory_space<hbm>> -> memref<80xi32, #tpu.memory_space<hbm>>
        %dma_start3A_151 = tpu.memref_slice %arg2[%add3A_40] : memref<160000xi32, #tpu.memory_space<hbm>> -> memref<80xi32, #tpu.memory_space<hbm>>
        tpu.enqueue_dma source(%dma_start3A_151 : memref<80xi32, #tpu.memory_space<hbm>>) target(%arg8 : memref<80xi32, #tpu.memory_space<vmem>>) target_semaphore(%run_scoped3A : memref<!tpu.dma_semaphore, #tpu.memory_space<semaphore_mem>>)
        %dma_wait3A_152 = tpu.memref_slice %arg2[%add3A_40] : memref<160000xi32, #tpu.memory_space<hbm>> -> memref<80xi32, #tpu.memory_space<hbm>>
        %dma_wait3A_153 = tpu.memref_slice %arg2[%add3A_40] : memref<160000xi32, #tpu.memory_space<hbm>> -> memref<80xi32, #tpu.memory_space<hbm>>
        tpu.wait_dma2 semaphore(%run_scoped3A : memref<!tpu.dma_semaphore, #tpu.memory_space<semaphore_mem>>) src(%dma_wait3A_153 : memref<80xi32, #tpu.memory_space<hbm>>) dst(%arg8 : memref<80xi32, #tpu.memory_space<vmem>>)
        tpu.yield
      }) : () -> ()
      "tpu.region"() ({
        %run_scoped3A = tpu.sem_alloc : memref<!tpu.dma_semaphore, #tpu.memory_space<semaphore_mem>>
        %dma_start3A_150 = tpu.memref_slice %arg3[%add3A_40] : memref<160000xi32, #tpu.memory_space<hbm>> -> memref<80xi32, #tpu.memory_space<hbm>>
        %dma_start3A_151 = tpu.memref_slice %arg3[%add3A_40] : memref<160000xi32, #tpu.memory_space<hbm>> -> memref<80xi32, #tpu.memory_space<hbm>>
        tpu.enqueue_dma source(%dma_start3A_151 : memref<80xi32, #tpu.memory_space<hbm>>) target(%arg9 : memref<80xi32, #tpu.memory_space<vmem>>) target_semaphore(%run_scoped3A : memref<!tpu.dma_semaphore, #tpu.memory_space<semaphore_mem>>)
        %dma_wait3A_152 = tpu.memref_slice %arg3[%add3A_40] : memref<160000xi32, #tpu.memory_space<hbm>> -> memref<80xi32, #tpu.memory_space<hbm>>
        %dma_wait3A_153 = tpu.memref_slice %arg3[%add3A_40] : memref<160000xi32, #tpu.memory_space<hbm>> -> memref<80xi32, #tpu.memory_space<hbm>>
        tpu.wait_dma2 semaphore(%run_scoped3A : memref<!tpu.dma_semaphore, #tpu.memory_space<semaphore_mem>>) src(%dma_wait3A_153 : memref<80xi32, #tpu.memory_space<hbm>>) dst(%arg9 : memref<80xi32, #tpu.memory_space<vmem>>)
        tpu.yield
      }) : () -> ()
      %get3A = arith.constant 0 : index
      %get3A_41 = tpu.vector_load %arg8[%get3A] {strides = array<i32>} : memref<80xi32, #tpu.memory_space<vmem>>, vector<16xi32>,
      %get3A_42 = vector.shape_cast %get3A_41 : vector<16xi32> to vector<16xi32>
      %add3A_43 = vector.broadcast %mul3A_20 : i32 to vector<16xi32>
      %add3A_44 = arith.addi %get3A_42, %add3A_43 : vector<16xi32>
      %swap3A = arith.constant 0 : index
      %swap3A_45 = tpu.vector_load %arg10[%swap3A] {strides = array<i32>} : memref<80xi32, #tpu.memory_space<vmem>>, vector<16xi32>,
      %swap3A_46 = vector.shape_cast %swap3A_45 : vector<16xi32> to vector<16xi32>
      %swap3A_47 = vector.shape_cast %add3A_44 : vector<16xi32> to vector<16xi32>
      tpu.vector_store %arg10[%swap3A], %swap3A_47 {strides = array<i32>} : memref<80xi32, #tpu.memory_space<vmem>>, vector<16xi32>,
      %get3A_48 = arith.constant 0 : index
      %get3A_49 = tpu.vector_load %arg9[%get3A_48] {strides = array<i32>} : memref<80xi32, #tpu.memory_space<vmem>>, vector<16xi32>,
      %get3A_50 = vector.shape_cast %get3A_49 : vector<16xi32> to vector<16xi32>
      %add3A_51 = vector.broadcast %add3A_21 : i32 to vector<16xi32>
      %add3A_52 = arith.addi %get3A_50, %add3A_51 : vector<16xi32>
      %swap3A_53 = arith.constant 0 : index
      %swap3A_54 = tpu.vector_load %arg11[%swap3A_53] {strides = array<i32>} : memref<80xi32, #tpu.memory_space<vmem>>, vector<16xi32>,
      %swap3A_55 = vector.shape_cast %swap3A_54 : vector<16xi32> to vector<16xi32>
      %swap3A_56 = vector.shape_cast %add3A_52 : vector<16xi32> to vector<16xi32>
      tpu.vector_store %arg11[%swap3A_53], %swap3A_56 {strides = array<i32>} : memref<80xi32, #tpu.memory_space<vmem>>, vector<16xi32>,
      %get3A_57 = arith.constant 16 : index
      %get3A_58 = tpu.vector_load %arg8[%get3A_57] {strides = array<i32>} : memref<80xi32, #tpu.memory_space<vmem>>, vector<16xi32>,
      %get3A_59 = vector.shape_cast %get3A_58 : vector<16xi32> to vector<16xi32>
      %add3A_60 = vector.broadcast %mul3A_20 : i32 to vector<16xi32>
      %add3A_61 = arith.addi %get3A_59, %add3A_60 : vector<16xi32>
      %swap3A_62 = arith.constant 16 : index
      %swap3A_63 = tpu.vector_load %arg10[%swap3A_62] {strides = array<i32>} : memref<80xi32, #tpu.memory_space<vmem>>, vector<16xi32>,
      %swap3A_64 = vector.shape_cast %swap3A_63 : vector<16xi32> to vector<16xi32>
      %swap3A_65 = vector.shape_cast %add3A_61 : vector<16xi32> to vector<16xi32>
      tpu.vector_store %arg10[%swap3A_62], %swap3A_65 {strides = array<i32>} : memref<80xi32, #tpu.memory_space<vmem>>, vector<16xi32>,
      %get3A_66 = arith.constant 16 : index
      %get3A_67 = tpu.vector_load %arg9[%get3A_66] {strides = array<i32>} : memref<80xi32, #tpu.memory_space<vmem>>, vector<16xi32>,
      %get3A_68 = vector.shape_cast %get3A_67 : vector<16xi32> to vector<16xi32>
      %add3A_69 = vector.broadcast %add3A_21 : i32 to vector<16xi32>
      %add3A_70 = arith.addi %get3A_68, %add3A_69 : vector<16xi32>
      %swap3A_71 = arith.constant 16 : index
      %swap3A_72 = tpu.vector_load %arg11[%swap3A_71] {strides = array<i32>} : memref<80xi32, #tpu.memory_space<vmem>>, vector<16xi32>,
      %swap3A_73 = vector.shape_cast %swap3A_72 : vector<16xi32> to vector<16xi32>
      %swap3A_74 = vector.shape_cast %add3A_70 : vector<16xi32> to vector<16xi32>
      tpu.vector_store %arg11[%swap3A_71], %swap3A_74 {strides = array<i32>} : memref<80xi32, #tpu.memory_space<vmem>>, vector<16xi32>,
      %get3A_75 = arith.constant 32 : index
      %get3A_76 = tpu.vector_load %arg8[%get3A_75] {strides = array<i32>} : memref<80xi32, #tpu.memory_space<vmem>>, vector<16xi32>,
      %get3A_77 = vector.shape_cast %get3A_76 : vector<16xi32> to vector<16xi32>
      %add3A_78 = vector.broadcast %mul3A_20 : i32 to vector<16xi32>
      %add3A_79 = arith.addi %get3A_77, %add3A_78 : vector<16xi32>
      %swap3A_80 = arith.constant 32 : index
      %swap3A_81 = tpu.vector_load %arg10[%swap3A_80] {strides = array<i32>} : memref<80xi32, #tpu.memory_space<vmem>>, vector<16xi32>,
      %swap3A_82 = vector.shape_cast %swap3A_81 : vector<16xi32> to vector<16xi32>
      %swap3A_83 = vector.shape_cast %add3A_79 : vector<16xi32> to vector<16xi32>
      tpu.vector_store %arg10[%swap3A_80], %swap3A_83 {strides = array<i32>} : memref<80xi32, #tpu.memory_space<vmem>>, vector<16xi32>,
      %get3A_84 = arith.constant 32 : index
      %get3A_85 = tpu.vector_load %arg9[%get3A_84] {strides = array<i32>} : memref<80xi32, #tpu.memory_space<vmem>>, vector<16xi32>,
      %get3A_86 = vector.shape_cast %get3A_85 : vector<16xi32> to vector<16xi32>
      %add3A_87 = vector.broadcast %add3A_21 : i32 to vector<16xi32>
      %add3A_88 = arith.addi %get3A_86, %add3A_87 : vector<16xi32>
      %swap3A_89 = arith.constant 32 : index
      %swap3A_90 = tpu.vector_load %arg11[%swap3A_89] {strides = array<i32>} : memref<80xi32, #tpu.memory_space<vmem>>, vector<16xi32>,
      %swap3A_91 = vector.shape_cast %swap3A_90 : vector<16xi32> to vector<16xi32>
      %swap3A_92 = vector.shape_cast %add3A_88 : vector<16xi32> to vector<16xi32>
      tpu.vector_store %arg11[%swap3A_89], %swap3A_92 {strides = array<i32>} : memref<80xi32, #tpu.memory_space<vmem>>, vector<16xi32>,
      %get3A_93 = arith.constant 48 : index
      %get3A_94 = tpu.vector_load %arg8[%get3A_93] {strides = array<i32>} : memref<80xi32, #tpu.memory_space<vmem>>, vector<16xi32>,
      %get3A_95 = vector.shape_cast %get3A_94 : vector<16xi32> to vector<16xi32>
      %add3A_96 = vector.broadcast %mul3A_20 : i32 to vector<16xi32>
      %add3A_97 = arith.addi %get3A_95, %add3A_96 : vector<16xi32>
      %swap3A_98 = arith.constant 48 : index
      %swap3A_99 = tpu.vector_load %arg10[%swap3A_98] {strides = array<i32>} : memref<80xi32, #tpu.memory_space<vmem>>, vector<16xi32>,
      %swap3A_100 = vector.shape_cast %swap3A_99 : vector<16xi32> to vector<16xi32>
      %swap3A_101 = vector.shape_cast %add3A_97 : vector<16xi32> to vector<16xi32>
      tpu.vector_store %arg10[%swap3A_98], %swap3A_101 {strides = array<i32>} : memref<80xi32, #tpu.memory_space<vmem>>, vector<16xi32>,
      %get3A_102 = arith.constant 48 : index
      %get3A_103 = tpu.vector_load %arg9[%get3A_102] {strides = array<i32>} : memref<80xi32, #tpu.memory_space<vmem>>, vector<16xi32>,
      %get3A_104 = vector.shape_cast %get3A_103 : vector<16xi32> to vector<16xi32>
      %add3A_105 = vector.broadcast %add3A_21 : i32 to vector<16xi32>
      %add3A_106 = arith.addi %get3A_104, %add3A_105 : vector<16xi32>
      %swap3A_107 = arith.constant 48 : index
      %swap3A_108 = tpu.vector_load %arg11[%swap3A_107] {strides = array<i32>} : memref<80xi32, #tpu.memory_space<vmem>>, vector<16xi32>,
      %swap3A_109 = vector.shape_cast %swap3A_108 : vector<16xi32> to vector<16xi32>
      %swap3A_110 = vector.shape_cast %add3A_106 : vector<16xi32> to vector<16xi32>
      tpu.vector_store %arg11[%swap3A_107], %swap3A_110 {strides = array<i32>} : memref<80xi32, #tpu.memory_space<vmem>>, vector<16xi32>,
      %get3A_111 = arith.constant 64 : index
      %get3A_112 = tpu.vector_load %arg8[%get3A_111] {strides = array<i32>} : memref<80xi32, #tpu.memory_space<vmem>>, vector<16xi32>,
      %get3A_113 = vector.shape_cast %get3A_112 : vector<16xi32> to vector<16xi32>
      %add3A_114 = vector.broadcast %mul3A_20 : i32 to vector<16xi32>
      %add3A_115 = arith.addi %get3A_113, %add3A_114 : vector<16xi32>
      %swap3A_116 = arith.constant 64 : index
      %swap3A_117 = tpu.vector_load %arg10[%swap3A_116] {strides = array<i32>} : memref<80xi32, #tpu.memory_space<vmem>>, vector<16xi32>,
      %swap3A_118 = vector.shape_cast %swap3A_117 : vector<16xi32> to vector<16xi32>
      %swap3A_119 = vector.shape_cast %add3A_115 : vector<16xi32> to vector<16xi32>
      tpu.vector_store %arg10[%swap3A_116], %swap3A_119 {strides = array<i32>} : memref<80xi32, #tpu.memory_space<vmem>>, vector<16xi32>,
      %get3A_120 = arith.constant 64 : index
      %get3A_121 = tpu.vector_load %arg9[%get3A_120] {strides = array<i32>} : memref<80xi32, #tpu.memory_space<vmem>>, vector<16xi32>,
      %get3A_122 = vector.shape_cast %get3A_121 : vector<16xi32> to vector<16xi32>
      %add3A_123 = vector.broadcast %add3A_21 : i32 to vector<16xi32>
      %add3A_124 = arith.addi %get3A_122, %add3A_123 : vector<16xi32>
      %swap3A_125 = arith.constant 64 : index
      %swap3A_126 = tpu.vector_load %arg11[%swap3A_125] {strides = array<i32>} : memref<80xi32, #tpu.memory_space<vmem>>, vector<16xi32>,
      %swap3A_127 = vector.shape_cast %swap3A_126 : vector<16xi32> to vector<16xi32>
      %swap3A_128 = vector.shape_cast %add3A_124 : vector<16xi32> to vector<16xi32>
      tpu.vector_store %arg11[%swap3A_125], %swap3A_128 {strides = array<i32>} : memref<80xi32, #tpu.memory_space<vmem>>, vector<16xi32>,
      %dma_start3A = arith.constant 0 : i32
      %dma_start3A_129 = arith.constant 0 : i32
      %dma_start3A_130 = tpu.memref_slice %arg4[%dma_start3A, %dma_start3A_129] : memref<40000x128xf32, #tpu.memory_space<hbm>> -> memref<40000x128xf32, #tpu.memory_space<hbm>>
      tpu.enqueue_indirect_dma source(%dma_start3A_130 : memref<40000x128xf32, #tpu.memory_space<hbm>>) target(%arg12 : memref<80x128xf32, #tpu.memory_space<vmem>>) offsets(%arg10 : memref<80xi32, #tpu.memory_space<vmem>>) semaphore(%arg15 : memref<!tpu.dma_semaphore, #tpu.memory_space<semaphore_mem>>)
      %dma_start3A_131 = arith.constant 0 : i32
      %dma_start3A_132 = arith.constant 0 : i32
      %dma_start3A_133 = tpu.memref_slice %arg4[%dma_start3A_131, %dma_start3A_132] : memref<40000x128xf32, #tpu.memory_space<hbm>> -> memref<40000x128xf32, #tpu.memory_space<hbm>>
      tpu.enqueue_indirect_dma source(%dma_start3A_133 : memref<40000x128xf32, #tpu.memory_space<hbm>>) target(%arg13 : memref<80x128xf32, #tpu.memory_space<vmem>>) offsets(%arg11 : memref<80xi32, #tpu.memory_space<vmem>>) semaphore(%arg16 : memref<!tpu.dma_semaphore, #tpu.memory_space<semaphore_mem>>)
      %mul3A_134 = arith.constant 80 : i32
      %mul3A_135 = arith.muli %scan3A_36, %mul3A_134 : i32
      %add3A_136 = arith.addi %add3A_24, %mul3A_135 : i32
      "tpu.region"() ({
        %run_scoped3A = tpu.sem_alloc : memref<!tpu.dma_semaphore, #tpu.memory_space<semaphore_mem>>
        %dma_start3A_150 = arith.constant 0 : i32
        %dma_start3A_151 = tpu.memref_slice %arg5[%add3A_136, %dma_start3A_150] : memref<320000x128xf32, #tpu.memory_space<hbm>> -> memref<80x128xf32, #tpu.memory_space<hbm>>
        %dma_start3A_152 = arith.constant 0 : i32
        %dma_start3A_153 = tpu.memref_slice %arg5[%add3A_136, %dma_start3A_152] : memref<320000x128xf32, #tpu.memory_space<hbm>> -> memref<80x128xf32, #tpu.memory_space<hbm>>
        tpu.enqueue_dma source(%dma_start3A_153 : memref<80x128xf32, #tpu.memory_space<hbm>>) target(%arg14 : memref<80x128xf32, #tpu.memory_space<vmem>>) target_semaphore(%run_scoped3A : memref<!tpu.dma_semaphore, #tpu.memory_space<semaphore_mem>>)
        %dma_wait3A_154 = arith.constant 0 : i32
        %dma_wait3A_155 = tpu.memref_slice %arg5[%add3A_136, %dma_wait3A_154] : memref<320000x128xf32, #tpu.memory_space<hbm>> -> memref<80x128xf32, #tpu.memory_space<hbm>>
        %dma_wait3A_156 = arith.constant 0 : i32
        %dma_wait3A_157 = tpu.memref_slice %arg5[%add3A_136, %dma_wait3A_156] : memref<320000x128xf32, #tpu.memory_space<hbm>> -> memref<80x128xf32, #tpu.memory_space<hbm>>
        tpu.wait_dma2 semaphore(%run_scoped3A : memref<!tpu.dma_semaphore, #tpu.memory_space<semaphore_mem>>) src(%dma_wait3A_157 : memref<80x128xf32, #tpu.memory_space<hbm>>) dst(%arg14 : memref<80x128xf32, #tpu.memory_space<vmem>>)
        tpu.yield
      }) : () -> ()
      %dma_wait3A = arith.constant 0 : i32
      %dma_wait3A_137 = arith.constant 0 : i32
      %dma_wait3A_138 = tpu.memref_slice %arg4[%dma_wait3A, %dma_wait3A_137] : memref<40000x128xf32, #tpu.memory_space<hbm>> -> memref<40000x128xf32, #tpu.memory_space<hbm>>
      tpu.wait_indirect_dma semaphore(%arg15 : memref<!tpu.dma_semaphore, #tpu.memory_space<semaphore_mem>>) src(%dma_wait3A_138 : memref<40000x128xf32, #tpu.memory_space<hbm>>) dst(%arg12 : memref<80x128xf32, #tpu.memory_space<vmem>>)
      %dma_wait3A_139 = arith.constant 0 : i32
      %dma_wait3A_140 = arith.constant 0 : i32
      %dma_wait3A_141 = tpu.memref_slice %arg4[%dma_wait3A_139, %dma_wait3A_140] : memref<40000x128xf32, #tpu.memory_space<hbm>> -> memref<40000x128xf32, #tpu.memory_space<hbm>>
      tpu.wait_indirect_dma semaphore(%arg16 : memref<!tpu.dma_semaphore, #tpu.memory_space<semaphore_mem>>) src(%dma_wait3A_141 : memref<40000x128xf32, #tpu.memory_space<hbm>>) dst(%arg13 : memref<80x128xf32, #tpu.memory_space<vmem>>)
      %scan3A_142 = arith.constant 0 : i32
      %scan3A_143 = arith.constant 0 : i32
      %scan3A_144 = arith.constant 20 : i32
      %scan3A_145 = arith.addi %scan3A_143, %scan3A_144 : i32
      %scan3A_146 = arith.constant 1 : i32
      %scan3A_147 = scf.for %scan3A_150 = %scan3A_143 to %scan3A_145 step %scan3A_146 iter_args(%scan3A_151 = %scan3A_142) -> (i32)  : i32 {
        %mul3A_152 = arith.constant 4 : i32
        %mul3A_153 = arith.muli %scan3A_150, %mul3A_152 : i32
        %add3A_154 = arith.constant 0 : i32
        %add3A_155 = arith.addi %mul3A_153, %add3A_154 : i32
        %get3A_156 = arith.index_cast %add3A_155 : i32 to index
        %get3A_157 = arith.constant 0 : index
        %get3A_158 = tpu.vector_load %arg12[%get3A_156, %get3A_157] {strides = array<i32>} : memref<80x128xf32, #tpu.memory_space<vmem>>, vector<1x16xf32>,
        %get3A_159 = vector.shape_cast %get3A_158 : vector<1x16xf32> to vector<16xf32>
        %get3A_160 = arith.index_cast %add3A_155 : i32 to index
        %get3A_161 = arith.constant 0 : index
        %get3A_162 = tpu.vector_load %arg13[%get3A_160, %get3A_161] {strides = array<i32>} : memref<80x128xf32, #tpu.memory_space<vmem>>, vector<1x16xf32>,
        %get3A_163 = vector.shape_cast %get3A_162 : vector<1x16xf32> to vector<16xf32>
        %add3A_164 = arith.addf %get3A_159, %get3A_163 : vector<16xf32>
        %get3A_165 = arith.index_cast %add3A_155 : i32 to index
        %get3A_166 = arith.constant 0 : index
        %get3A_167 = tpu.vector_load %arg14[%get3A_165, %get3A_166] {strides = array<i32>} : memref<80x128xf32, #tpu.memory_space<vmem>>, vector<1x16xf32>,
        %get3A_168 = vector.shape_cast %get3A_167 : vector<1x16xf32> to vector<16xf32>
        %add3A_169 = arith.addf %add3A_164, %get3A_168 : vector<16xf32>
        %max3A = arith.constant 0.000000e+00 : f32
        %max3A_170 = vector.broadcast %max3A : f32 to vector<16xf32>
        %max3A_171 = arith.maximumf %add3A_169, %max3A_170 : vector<16xf32>
        %swap3A_172 = arith.index_cast %add3A_155 : i32 to index
        %swap3A_173 = arith.constant 0 : index
        %swap3A_174 = tpu.vector_load %arg12[%swap3A_172, %swap3A_173] {strides = array<i32>} : memref<80x128xf32, #tpu.memory_space<vmem>>, vector<1x16xf32>,
        %swap3A_175 = vector.shape_cast %swap3A_174 : vector<1x16xf32> to vector<16xf32>
        %swap3A_176 = vector.shape_cast %max3A_171 : vector<16xf32> to vector<1x16xf32>
        tpu.vector_store %arg12[%swap3A_172, %swap3A_173], %swap3A_176 {strides = array<i32>} : memref<80x128xf32, #tpu.memory_space<vmem>>, vector<1x16xf32>,
        %get3A_177 = arith.index_cast %add3A_155 : i32 to index
        %get3A_178 = arith.constant 16 : index
        %get3A_179 = tpu.vector_load %arg12[%get3A_177, %get3A_178] {strides = array<i32>} : memref<80x128xf32, #tpu.memory_space<vmem>>, vector<1x16xf32>,
        %get3A_180 = vector.shape_cast %get3A_179 : vector<1x16xf32> to vector<16xf32>
        %get3A_181 = arith.index_cast %add3A_155 : i32 to index
        %get3A_182 = arith.constant 16 : index
        %get3A_183 = tpu.vector_load %arg13[%get3A_181, %get3A_182] {strides = array<i32>} : memref<80x128xf32, #tpu.memory_space<vmem>>, vector<1x16xf32>,
        %get3A_184 = vector.shape_cast %get3A_183 : vector<1x16xf32> to vector<16xf32>
        %add3A_185 = arith.addf %get3A_180, %get3A_184 : vector<16xf32>
        %get3A_186 = arith.index_cast %add3A_155 : i32 to index
        %get3A_187 = arith.constant 16 : index
        %get3A_188 = tpu.vector_load %arg14[%get3A_186, %get3A_187] {strides = array<i32>} : memref<80x128xf32, #tpu.memory_space<vmem>>, vector<1x16xf32>,
        %get3A_189 = vector.shape_cast %get3A_188 : vector<1x16xf32> to vector<16xf32>
        %add3A_190 = arith.addf %add3A_185, %get3A_189 : vector<16xf32>
        %max3A_191 = arith.constant 0.000000e+00 : f32
        %max3A_192 = vector.broadcast %max3A_191 : f32 to vector<16xf32>
        %max3A_193 = arith.maximumf %add3A_190, %max3A_192 : vector<16xf32>
        %swap3A_194 = arith.index_cast %add3A_155 : i32 to index
        %swap3A_195 = arith.constant 16 : index
        %swap3A_196 = tpu.vector_load %arg12[%swap3A_194, %swap3A_195] {strides = array<i32>} : memref<80x128xf32, #tpu.memory_space<vmem>>, vector<1x16xf32>,
        %swap3A_197 = vector.shape_cast %swap3A_196 : vector<1x16xf32> to vector<16xf32>
        %swap3A_198 = vector.shape_cast %max3A_193 : vector<16xf32> to vector<1x16xf32>
        tpu.vector_store %arg12[%swap3A_194, %swap3A_195], %swap3A_198 {strides = array<i32>} : memref<80x128xf32, #tpu.memory_space<vmem>>, vector<1x16xf32>,
        %get3A_199 = arith.index_cast %add3A_155 : i32 to index
        %get3A_200 = arith.constant 32 : index
        %get3A_201 = tpu.vector_load %arg12[%get3A_199, %get3A_200] {strides = array<i32>} : memref<80x128xf32, #tpu.memory_space<vmem>>, vector<1x16xf32>,
        %get3A_202 = vector.shape_cast %get3A_201 : vector<1x16xf32> to vector<16xf32>
        %get3A_203 = arith.index_cast %add3A_155 : i32 to index
        %get3A_204 = arith.constant 32 : index
        %get3A_205 = tpu.vector_load %arg13[%get3A_203, %get3A_204] {strides = array<i32>} : memref<80x128xf32, #tpu.memory_space<vmem>>, vector<1x16xf32>,
        %get3A_206 = vector.shape_cast %get3A_205 : vector<1x16xf32> to vector<16xf32>
        %add3A_207 = arith.addf %get3A_202, %get3A_206 : vector<16xf32>
        %get3A_208 = arith.index_cast %add3A_155 : i32 to index
        %get3A_209 = arith.constant 32 : index
        %get3A_210 = tpu.vector_load %arg14[%get3A_208, %get3A_209] {strides = array<i32>} : memref<80x128xf32, #tpu.memory_space<vmem>>, vector<1x16xf32>,
        %get3A_211 = vector.shape_cast %get3A_210 : vector<1x16xf32> to vector<16xf32>
        %add3A_212 = arith.addf %add3A_207, %get3A_211 : vector<16xf32>
        %max3A_213 = arith.constant 0.000000e+00 : f32
        %max3A_214 = vector.broadcast %max3A_213 : f32 to vector<16xf32>
        %max3A_215 = arith.maximumf %add3A_212, %max3A_214 : vector<16xf32>
        %swap3A_216 = arith.index_cast %add3A_155 : i32 to index
        %swap3A_217 = arith.constant 32 : index
        %swap3A_218 = tpu.vector_load %arg12[%swap3A_216, %swap3A_217] {strides = array<i32>} : memref<80x128xf32, #tpu.memory_space<vmem>>, vector<1x16xf32>,
        %swap3A_219 = vector.shape_cast %swap3A_218 : vector<1x16xf32> to vector<16xf32>
        %swap3A_220 = vector.shape_cast %max3A_215 : vector<16xf32> to vector<1x16xf32>
        tpu.vector_store %arg12[%swap3A_216, %swap3A_217], %swap3A_220 {strides = array<i32>} : memref<80x128xf32, #tpu.memory_space<vmem>>, vector<1x16xf32>,
        %get3A_221 = arith.index_cast %add3A_155 : i32 to index
        %get3A_222 = arith.constant 48 : index
        %get3A_223 = tpu.vector_load %arg12[%get3A_221, %get3A_222] {strides = array<i32>} : memref<80x128xf32, #tpu.memory_space<vmem>>, vector<1x16xf32>,
        %get3A_224 = vector.shape_cast %get3A_223 : vector<1x16xf32> to vector<16xf32>
        %get3A_225 = arith.index_cast %add3A_155 : i32 to index
        %get3A_226 = arith.constant 48 : index
        %get3A_227 = tpu.vector_load %arg13[%get3A_225, %get3A_226] {strides = array<i32>} : memref<80x128xf32, #tpu.memory_space<vmem>>, vector<1x16xf32>,
        %get3A_228 = vector.shape_cast %get3A_227 : vector<1x16xf32> to vector<16xf32>
        %add3A_229 = arith.addf %get3A_224, %get3A_228 : vector<16xf32>
        %get3A_230 = arith.index_cast %add3A_155 : i32 to index
        %get3A_231 = arith.constant 48 : index
        %get3A_232 = tpu.vector_load %arg14[%get3A_230, %get3A_231] {strides = array<i32>} : memref<80x128xf32, #tpu.memory_space<vmem>>, vector<1x16xf32>,
        %get3A_233 = vector.shape_cast %get3A_232 : vector<1x16xf32> to vector<16xf32>
        %add3A_234 = arith.addf %add3A_229, %get3A_233 : vector<16xf32>
        %max3A_235 = arith.constant 0.000000e+00 : f32
        %max3A_236 = vector.broadcast %max3A_235 : f32 to vector<16xf32>
        %max3A_237 = arith.maximumf %add3A_234, %max3A_236 : vector<16xf32>
        %swap3A_238 = arith.index_cast %add3A_155 : i32 to index
        %swap3A_239 = arith.constant 48 : index
        %swap3A_240 = tpu.vector_load %arg12[%swap3A_238, %swap3A_239] {strides = array<i32>} : memref<80x128xf32, #tpu.memory_space<vmem>>, vector<1x16xf32>,
        %swap3A_241 = vector.shape_cast %swap3A_240 : vector<1x16xf32> to vector<16xf32>
        %swap3A_242 = vector.shape_cast %max3A_237 : vector<16xf32> to vector<1x16xf32>
        tpu.vector_store %arg12[%swap3A_238, %swap3A_239], %swap3A_242 {strides = array<i32>} : memref<80x128xf32, #tpu.memory_space<vmem>>, vector<1x16xf32>,
        %get3A_243 = arith.index_cast %add3A_155 : i32 to index
        %get3A_244 = arith.constant 64 : index
        %get3A_245 = tpu.vector_load %arg12[%get3A_243, %get3A_244] {strides = array<i32>} : memref<80x128xf32, #tpu.memory_space<vmem>>, vector<1x16xf32>,
        %get3A_246 = vector.shape_cast %get3A_245 : vector<1x16xf32> to vector<16xf32>
        %get3A_247 = arith.index_cast %add3A_155 : i32 to index
        %get3A_248 = arith.constant 64 : index
        %get3A_249 = tpu.vector_load %arg13[%get3A_247, %get3A_248] {strides = array<i32>} : memref<80x128xf32, #tpu.memory_space<vmem>>, vector<1x16xf32>,
        %get3A_250 = vector.shape_cast %get3A_249 : vector<1x16xf32> to vector<16xf32>
        %add3A_251 = arith.addf %get3A_246, %get3A_250 : vector<16xf32>
        %get3A_252 = arith.index_cast %add3A_155 : i32 to index
        %get3A_253 = arith.constant 64 : index
        %get3A_254 = tpu.vector_load %arg14[%get3A_252, %get3A_253] {strides = array<i32>} : memref<80x128xf32, #tpu.memory_space<vmem>>, vector<1x16xf32>,
        %get3A_255 = vector.shape_cast %get3A_254 : vector<1x16xf32> to vector<16xf32>
        %add3A_256 = arith.addf %add3A_251, %get3A_255 : vector<16xf32>
        %max3A_257 = arith.constant 0.000000e+00 : f32
        %max3A_258 = vector.broadcast %max3A_257 : f32 to vector<16xf32>
        %max3A_259 = arith.maximumf %add3A_256, %max3A_258 : vector<16xf32>
        %swap3A_260 = arith.index_cast %add3A_155 : i32 to index
        %swap3A_261 = arith.constant 64 : index
        %swap3A_262 = tpu.vector_load %arg12[%swap3A_260, %swap3A_261] {strides = array<i32>} : memref<80x128xf32, #tpu.memory_space<vmem>>, vector<1x16xf32>,
        %swap3A_263 = vector.shape_cast %swap3A_262 : vector<1x16xf32> to vector<16xf32>
        %swap3A_264 = vector.shape_cast %max3A_259 : vector<16xf32> to vector<1x16xf32>
        tpu.vector_store %arg12[%swap3A_260, %swap3A_261], %swap3A_264 {strides = array<i32>} : memref<80x128xf32, #tpu.memory_space<vmem>>, vector<1x16xf32>,
        %get3A_265 = arith.index_cast %add3A_155 : i32 to index
        %get3A_266 = arith.constant 80 : index
        %get3A_267 = tpu.vector_load %arg12[%get3A_265, %get3A_266] {strides = array<i32>} : memref<80x128xf32, #tpu.memory_space<vmem>>, vector<1x16xf32>,
        %get3A_268 = vector.shape_cast %get3A_267 : vector<1x16xf32> to vector<16xf32>
        %get3A_269 = arith.index_cast %add3A_155 : i32 to index
        %get3A_270 = arith.constant 80 : index
        %get3A_271 = tpu.vector_load %arg13[%get3A_269, %get3A_270] {strides = array<i32>} : memref<80x128xf32, #tpu.memory_space<vmem>>, vector<1x16xf32>,
        %get3A_272 = vector.shape_cast %get3A_271 : vector<1x16xf32> to vector<16xf32>
        %add3A_273 = arith.addf %get3A_268, %get3A_272 : vector<16xf32>
        %get3A_274 = arith.index_cast %add3A_155 : i32 to index
        %get3A_275 = arith.constant 80 : index
        %get3A_276 = tpu.vector_load %arg14[%get3A_274, %get3A_275] {strides = array<i32>} : memref<80x128xf32, #tpu.memory_space<vmem>>, vector<1x16xf32>,
        %get3A_277 = vector.shape_cast %get3A_276 : vector<1x16xf32> to vector<16xf32>
        %add3A_278 = arith.addf %add3A_273, %get3A_277 : vector<16xf32>
        %max3A_279 = arith.constant 0.000000e+00 : f32
        %max3A_280 = vector.broadcast %max3A_279 : f32 to vector<16xf32>
        %max3A_281 = arith.maximumf %add3A_278, %max3A_280 : vector<16xf32>
        %swap3A_282 = arith.index_cast %add3A_155 : i32 to index
        %swap3A_283 = arith.constant 80 : index
        %swap3A_284 = tpu.vector_load %arg12[%swap3A_282, %swap3A_283] {strides = array<i32>} : memref<80x128xf32, #tpu.memory_space<vmem>>, vector<1x16xf32>,
        %swap3A_285 = vector.shape_cast %swap3A_284 : vector<1x16xf32> to vector<16xf32>
        %swap3A_286 = vector.shape_cast %max3A_281 : vector<16xf32> to vector<1x16xf32>
        tpu.vector_store %arg12[%swap3A_282, %swap3A_283], %swap3A_286 {strides = array<i32>} : memref<80x128xf32, #tpu.memory_space<vmem>>, vector<1x16xf32>,
        %get3A_287 = arith.index_cast %add3A_155 : i32 to index
        %get3A_288 = arith.constant 96 : index
        %get3A_289 = tpu.vector_load %arg12[%get3A_287, %get3A_288] {strides = array<i32>} : memref<80x128xf32, #tpu.memory_space<vmem>>, vector<1x16xf32>,
        %get3A_290 = vector.shape_cast %get3A_289 : vector<1x16xf32> to vector<16xf32>
        %get3A_291 = arith.index_cast %add3A_155 : i32 to index
        %get3A_292 = arith.constant 96 : index
        %get3A_293 = tpu.vector_load %arg13[%get3A_291, %get3A_292] {strides = array<i32>} : memref<80x128xf32, #tpu.memory_space<vmem>>, vector<1x16xf32>,
        %get3A_294 = vector.shape_cast %get3A_293 : vector<1x16xf32> to vector<16xf32>
        %add3A_295 = arith.addf %get3A_290, %get3A_294 : vector<16xf32>
        %get3A_296 = arith.index_cast %add3A_155 : i32 to index
        %get3A_297 = arith.constant 96 : index
        %get3A_298 = tpu.vector_load %arg14[%get3A_296, %get3A_297] {strides = array<i32>} : memref<80x128xf32, #tpu.memory_space<vmem>>, vector<1x16xf32>,
        %get3A_299 = vector.shape_cast %get3A_298 : vector<1x16xf32> to vector<16xf32>
        %add3A_300 = arith.addf %add3A_295, %get3A_299 : vector<16xf32>
        %max3A_301 = arith.constant 0.000000e+00 : f32
        %max3A_302 = vector.broadcast %max3A_301 : f32 to vector<16xf32>
        %max3A_303 = arith.maximumf %add3A_300, %max3A_302 : vector<16xf32>
        %swap3A_304 = arith.index_cast %add3A_155 : i32 to index
        %swap3A_305 = arith.constant 96 : index
        %swap3A_306 = tpu.vector_load %arg12[%swap3A_304, %swap3A_305] {strides = array<i32>} : memref<80x128xf32, #tpu.memory_space<vmem>>, vector<1x16xf32>,
        %swap3A_307 = vector.shape_cast %swap3A_306 : vector<1x16xf32> to vector<16xf32>
        %swap3A_308 = vector.shape_cast %max3A_303 : vector<16xf32> to vector<1x16xf32>
        tpu.vector_store %arg12[%swap3A_304, %swap3A_305], %swap3A_308 {strides = array<i32>} : memref<80x128xf32, #tpu.memory_space<vmem>>, vector<1x16xf32>,
        %get3A_309 = arith.index_cast %add3A_155 : i32 to index
        %get3A_310 = arith.constant 112 : index
        %get3A_311 = tpu.vector_load %arg12[%get3A_309, %get3A_310] {strides = array<i32>} : memref<80x128xf32, #tpu.memory_space<vmem>>, vector<1x16xf32>,
        %get3A_312 = vector.shape_cast %get3A_311 : vector<1x16xf32> to vector<16xf32>
        %get3A_313 = arith.index_cast %add3A_155 : i32 to index
        %get3A_314 = arith.constant 112 : index
        %get3A_315 = tpu.vector_load %arg13[%get3A_313, %get3A_314] {strides = array<i32>} : memref<80x128xf32, #tpu.memory_space<vmem>>, vector<1x16xf32>,
        %get3A_316 = vector.shape_cast %get3A_315 : vector<1x16xf32> to vector<16xf32>
        %add3A_317 = arith.addf %get3A_312, %get3A_316 : vector<16xf32>
        %get3A_318 = arith.index_cast %add3A_155 : i32 to index
        %get3A_319 = arith.constant 112 : index
        %get3A_320 = tpu.vector_load %arg14[%get3A_318, %get3A_319] {strides = array<i32>} : memref<80x128xf32, #tpu.memory_space<vmem>>, vector<1x16xf32>,
        %get3A_321 = vector.shape_cast %get3A_320 : vector<1x16xf32> to vector<16xf32>
        %add3A_322 = arith.addf %add3A_317, %get3A_321 : vector<16xf32>
        %max3A_323 = arith.constant 0.000000e+00 : f32
        %max3A_324 = vector.broadcast %max3A_323 : f32 to vector<16xf32>
        %max3A_325 = arith.maximumf %add3A_322, %max3A_324 : vector<16xf32>
        %swap3A_326 = arith.index_cast %add3A_155 : i32 to index
        %swap3A_327 = arith.constant 112 : index
        %swap3A_328 = tpu.vector_load %arg12[%swap3A_326, %swap3A_327] {strides = array<i32>} : memref<80x128xf32, #tpu.memory_space<vmem>>, vector<1x16xf32>,
        %swap3A_329 = vector.shape_cast %swap3A_328 : vector<1x16xf32> to vector<16xf32>
        %swap3A_330 = vector.shape_cast %max3A_325 : vector<16xf32> to vector<1x16xf32>
        tpu.vector_store %arg12[%swap3A_326, %swap3A_327], %swap3A_330 {strides = array<i32>} : memref<80x128xf32, #tpu.memory_space<vmem>>, vector<1x16xf32>,
        %mul3A_331 = arith.constant 4 : i32
        %mul3A_332 = arith.muli %scan3A_150, %mul3A_331 : i32
        %add3A_333 = arith.constant 1 : i32
        %add3A_334 = arith.addi %mul3A_332, %add3A_333 : i32
        %get3A_335 = arith.index_cast %add3A_334 : i32 to index
        %get3A_336 = arith.constant 0 : index
        %get3A_337 = tpu.vector_load %arg12[%get3A_335, %get3A_336] {strides = array<i32>} : memref<80x128xf32, #tpu.memory_space<vmem>>, vector<1x16xf32>,
        %get3A_338 = vector.shape_cast %get3A_337 : vector<1x16xf32> to vector<16xf32>
        %get3A_339 = arith.index_cast %add3A_334 : i32 to index
        %get3A_340 = arith.constant 0 : index
        %get3A_341 = tpu.vector_load %arg13[%get3A_339, %get3A_340] {strides = array<i32>} : memref<80x128xf32, #tpu.memory_space<vmem>>, vector<1x16xf32>,
        %get3A_342 = vector.shape_cast %get3A_341 : vector<1x16xf32> to vector<16xf32>
        %add3A_343 = arith.addf %get3A_338, %get3A_342 : vector<16xf32>
        %get3A_344 = arith.index_cast %add3A_334 : i32 to index
        %get3A_345 = arith.constant 0 : index
        %get3A_346 = tpu.vector_load %arg14[%get3A_344, %get3A_345] {strides = array<i32>} : memref<80x128xf32, #tpu.memory_space<vmem>>, vector<1x16xf32>,
        %get3A_347 = vector.shape_cast %get3A_346 : vector<1x16xf32> to vector<16xf32>
        %add3A_348 = arith.addf %add3A_343, %get3A_347 : vector<16xf32>
        %max3A_349 = arith.constant 0.000000e+00 : f32
        %max3A_350 = vector.broadcast %max3A_349 : f32 to vector<16xf32>
        %max3A_351 = arith.maximumf %add3A_348, %max3A_350 : vector<16xf32>
        %swap3A_352 = arith.index_cast %add3A_334 : i32 to index
        %swap3A_353 = arith.constant 0 : index
        %swap3A_354 = tpu.vector_load %arg12[%swap3A_352, %swap3A_353] {strides = array<i32>} : memref<80x128xf32, #tpu.memory_space<vmem>>, vector<1x16xf32>,
        %swap3A_355 = vector.shape_cast %swap3A_354 : vector<1x16xf32> to vector<16xf32>
        %swap3A_356 = vector.shape_cast %max3A_351 : vector<16xf32> to vector<1x16xf32>
        tpu.vector_store %arg12[%swap3A_352, %swap3A_353], %swap3A_356 {strides = array<i32>} : memref<80x128xf32, #tpu.memory_space<vmem>>, vector<1x16xf32>,
        %get3A_357 = arith.index_cast %add3A_334 : i32 to index
        %get3A_358 = arith.constant 16 : index
        %get3A_359 = tpu.vector_load %arg12[%get3A_357, %get3A_358] {strides = array<i32>} : memref<80x128xf32, #tpu.memory_space<vmem>>, vector<1x16xf32>,
        %get3A_360 = vector.shape_cast %get3A_359 : vector<1x16xf32> to vector<16xf32>
        %get3A_361 = arith.index_cast %add3A_334 : i32 to index
        %get3A_362 = arith.constant 16 : index
        %get3A_363 = tpu.vector_load %arg13[%get3A_361, %get3A_362] {strides = array<i32>} : memref<80x128xf32, #tpu.memory_space<vmem>>, vector<1x16xf32>,
        %get3A_364 = vector.shape_cast %get3A_363 : vector<1x16xf32> to vector<16xf32>
        %add3A_365 = arith.addf %get3A_360, %get3A_364 : vector<16xf32>
        %get3A_366 = arith.index_cast %add3A_334 : i32 to index
        %get3A_367 = arith.constant 16 : index
        %get3A_368 = tpu.vector_load %arg14[%get3A_366, %get3A_367] {strides = array<i32>} : memref<80x128xf32, #tpu.memory_space<vmem>>, vector<1x16xf32>,
        %get3A_369 = vector.shape_cast %get3A_368 : vector<1x16xf32> to vector<16xf32>
        %add3A_370 = arith.addf %add3A_365, %get3A_369 : vector<16xf32>
        %max3A_371 = arith.constant 0.000000e+00 : f32
        %max3A_372 = vector.broadcast %max3A_371 : f32 to vector<16xf32>
        %max3A_373 = arith.maximumf %add3A_370, %max3A_372 : vector<16xf32>
        %swap3A_374 = arith.index_cast %add3A_334 : i32 to index
        %swap3A_375 = arith.constant 16 : index
        %swap3A_376 = tpu.vector_load %arg12[%swap3A_374, %swap3A_375] {strides = array<i32>} : memref<80x128xf32, #tpu.memory_space<vmem>>, vector<1x16xf32>,
        %swap3A_377 = vector.shape_cast %swap3A_376 : vector<1x16xf32> to vector<16xf32>
        %swap3A_378 = vector.shape_cast %max3A_373 : vector<16xf32> to vector<1x16xf32>
        tpu.vector_store %arg12[%swap3A_374, %swap3A_375], %swap3A_378 {strides = array<i32>} : memref<80x128xf32, #tpu.memory_space<vmem>>, vector<1x16xf32>,
        %get3A_379 = arith.index_cast %add3A_334 : i32 to index
        %get3A_380 = arith.constant 32 : index
        %get3A_381 = tpu.vector_load %arg12[%get3A_379, %get3A_380] {strides = array<i32>} : memref<80x128xf32, #tpu.memory_space<vmem>>, vector<1x16xf32>,
        %get3A_382 = vector.shape_cast %get3A_381 : vector<1x16xf32> to vector<16xf32>
        %get3A_383 = arith.index_cast %add3A_334 : i32 to index
        %get3A_384 = arith.constant 32 : index
        %get3A_385 = tpu.vector_load %arg13[%get3A_383, %get3A_384] {strides = array<i32>} : memref<80x128xf32, #tpu.memory_space<vmem>>, vector<1x16xf32>,
        %get3A_386 = vector.shape_cast %get3A_385 : vector<1x16xf32> to vector<16xf32>
        %add3A_387 = arith.addf %get3A_382, %get3A_386 : vector<16xf32>
        %get3A_388 = arith.index_cast %add3A_334 : i32 to index
        %get3A_389 = arith.constant 32 : index
        %get3A_390 = tpu.vector_load %arg14[%get3A_388, %get3A_389] {strides = array<i32>} : memref<80x128xf32, #tpu.memory_space<vmem>>, vector<1x16xf32>,
        %get3A_391 = vector.shape_cast %get3A_390 : vector<1x16xf32> to vector<16xf32>
        %add3A_392 = arith.addf %add3A_387, %get3A_391 : vector<16xf32>
        %max3A_393 = arith.constant 0.000000e+00 : f32
        %max3A_394 = vector.broadcast %max3A_393 : f32 to vector<16xf32>
        %max3A_395 = arith.maximumf %add3A_392, %max3A_394 : vector<16xf32>
        %swap3A_396 = arith.index_cast %add3A_334 : i32 to index
        %swap3A_397 = arith.constant 32 : index
        %swap3A_398 = tpu.vector_load %arg12[%swap3A_396, %swap3A_397] {strides = array<i32>} : memref<80x128xf32, #tpu.memory_space<vmem>>, vector<1x16xf32>,
        %swap3A_399 = vector.shape_cast %swap3A_398 : vector<1x16xf32> to vector<16xf32>
        %swap3A_400 = vector.shape_cast %max3A_395 : vector<16xf32> to vector<1x16xf32>
        tpu.vector_store %arg12[%swap3A_396, %swap3A_397], %swap3A_400 {strides = array<i32>} : memref<80x128xf32, #tpu.memory_space<vmem>>, vector<1x16xf32>,
        %get3A_401 = arith.index_cast %add3A_334 : i32 to index
        %get3A_402 = arith.constant 48 : index
        %get3A_403 = tpu.vector_load %arg12[%get3A_401, %get3A_402] {strides = array<i32>} : memref<80x128xf32, #tpu.memory_space<vmem>>, vector<1x16xf32>,
        %get3A_404 = vector.shape_cast %get3A_403 : vector<1x16xf32> to vector<16xf32>
        %get3A_405 = arith.index_cast %add3A_334 : i32 to index
        %get3A_406 = arith.constant 48 : index
        %get3A_407 = tpu.vector_load %arg13[%get3A_405, %get3A_406] {strides = array<i32>} : memref<80x128xf32, #tpu.memory_space<vmem>>, vector<1x16xf32>,
        %get3A_408 = vector.shape_cast %get3A_407 : vector<1x16xf32> to vector<16xf32>
        %add3A_409 = arith.addf %get3A_404, %get3A_408 : vector<16xf32>
        %get3A_410 = arith.index_cast %add3A_334 : i32 to index
        %get3A_411 = arith.constant 48 : index
        %get3A_412 = tpu.vector_load %arg14[%get3A_410, %get3A_411] {strides = array<i32>} : memref<80x128xf32, #tpu.memory_space<vmem>>, vector<1x16xf32>,
        %get3A_413 = vector.shape_cast %get3A_412 : vector<1x16xf32> to vector<16xf32>
        %add3A_414 = arith.addf %add3A_409, %get3A_413 : vector<16xf32>
        %max3A_415 = arith.constant 0.000000e+00 : f32
        %max3A_416 = vector.broadcast %max3A_415 : f32 to vector<16xf32>
        %max3A_417 = arith.maximumf %add3A_414, %max3A_416 : vector<16xf32>
        %swap3A_418 = arith.index_cast %add3A_334 : i32 to index
        %swap3A_419 = arith.constant 48 : index
        %swap3A_420 = tpu.vector_load %arg12[%swap3A_418, %swap3A_419] {strides = array<i32>} : memref<80x128xf32, #tpu.memory_space<vmem>>, vector<1x16xf32>,
        %swap3A_421 = vector.shape_cast %swap3A_420 : vector<1x16xf32> to vector<16xf32>
        %swap3A_422 = vector.shape_cast %max3A_417 : vector<16xf32> to vector<1x16xf32>
        tpu.vector_store %arg12[%swap3A_418, %swap3A_419], %swap3A_422 {strides = array<i32>} : memref<80x128xf32, #tpu.memory_space<vmem>>, vector<1x16xf32>,
        %get3A_423 = arith.index_cast %add3A_334 : i32 to index
        %get3A_424 = arith.constant 64 : index
        %get3A_425 = tpu.vector_load %arg12[%get3A_423, %get3A_424] {strides = array<i32>} : memref<80x128xf32, #tpu.memory_space<vmem>>, vector<1x16xf32>,
        %get3A_426 = vector.shape_cast %get3A_425 : vector<1x16xf32> to vector<16xf32>
        %get3A_427 = arith.index_cast %add3A_334 : i32 to index
        %get3A_428 = arith.constant 64 : index
        %get3A_429 = tpu.vector_load %arg13[%get3A_427, %get3A_428] {strides = array<i32>} : memref<80x128xf32, #tpu.memory_space<vmem>>, vector<1x16xf32>,
        %get3A_430 = vector.shape_cast %get3A_429 : vector<1x16xf32> to vector<16xf32>
        %add3A_431 = arith.addf %get3A_426, %get3A_430 : vector<16xf32>
        %get3A_432 = arith.index_cast %add3A_334 : i32 to index
        %get3A_433 = arith.constant 64 : index
        %get3A_434 = tpu.vector_load %arg14[%get3A_432, %get3A_433] {strides = array<i32>} : memref<80x128xf32, #tpu.memory_space<vmem>>, vector<1x16xf32>,
        %get3A_435 = vector.shape_cast %get3A_434 : vector<1x16xf32> to vector<16xf32>
        %add3A_436 = arith.addf %add3A_431, %get3A_435 : vector<16xf32>
        %max3A_437 = arith.constant 0.000000e+00 : f32
        %max3A_438 = vector.broadcast %max3A_437 : f32 to vector<16xf32>
        %max3A_439 = arith.maximumf %add3A_436, %max3A_438 : vector<16xf32>
        %swap3A_440 = arith.index_cast %add3A_334 : i32 to index
        %swap3A_441 = arith.constant 64 : index
        %swap3A_442 = tpu.vector_load %arg12[%swap3A_440, %swap3A_441] {strides = array<i32>} : memref<80x128xf32, #tpu.memory_space<vmem>>, vector<1x16xf32>,
        %swap3A_443 = vector.shape_cast %swap3A_442 : vector<1x16xf32> to vector<16xf32>
        %swap3A_444 = vector.shape_cast %max3A_439 : vector<16xf32> to vector<1x16xf32>
        tpu.vector_store %arg12[%swap3A_440, %swap3A_441], %swap3A_444 {strides = array<i32>} : memref<80x128xf32, #tpu.memory_space<vmem>>, vector<1x16xf32>,
        %get3A_445 = arith.index_cast %add3A_334 : i32 to index
        %get3A_446 = arith.constant 80 : index
        %get3A_447 = tpu.vector_load %arg12[%get3A_445, %get3A_446] {strides = array<i32>} : memref<80x128xf32, #tpu.memory_space<vmem>>, vector<1x16xf32>,
        %get3A_448 = vector.shape_cast %get3A_447 : vector<1x16xf32> to vector<16xf32>
        %get3A_449 = arith.index_cast %add3A_334 : i32 to index
        %get3A_450 = arith.constant 80 : index
        %get3A_451 = tpu.vector_load %arg13[%get3A_449, %get3A_450] {strides = array<i32>} : memref<80x128xf32, #tpu.memory_space<vmem>>, vector<1x16xf32>,
        %get3A_452 = vector.shape_cast %get3A_451 : vector<1x16xf32> to vector<16xf32>
        %add3A_453 = arith.addf %get3A_448, %get3A_452 : vector<16xf32>
        %get3A_454 = arith.index_cast %add3A_334 : i32 to index
        %get3A_455 = arith.constant 80 : index
        %get3A_456 = tpu.vector_load %arg14[%get3A_454, %get3A_455] {strides = array<i32>} : memref<80x128xf32, #tpu.memory_space<vmem>>, vector<1x16xf32>,
        %get3A_457 = vector.shape_cast %get3A_456 : vector<1x16xf32> to vector<16xf32>
        %add3A_458 = arith.addf %add3A_453, %get3A_457 : vector<16xf32>
        %max3A_459 = arith.constant 0.000000e+00 : f32
        %max3A_460 = vector.broadcast %max3A_459 : f32 to vector<16xf32>
        %max3A_461 = arith.maximumf %add3A_458, %max3A_460 : vector<16xf32>
        %swap3A_462 = arith.index_cast %add3A_334 : i32 to index
        %swap3A_463 = arith.constant 80 : index
        %swap3A_464 = tpu.vector_load %arg12[%swap3A_462, %swap3A_463] {strides = array<i32>} : memref<80x128xf32, #tpu.memory_space<vmem>>, vector<1x16xf32>,
        %swap3A_465 = vector.shape_cast %swap3A_464 : vector<1x16xf32> to vector<16xf32>
        %swap3A_466 = vector.shape_cast %max3A_461 : vector<16xf32> to vector<1x16xf32>
        tpu.vector_store %arg12[%swap3A_462, %swap3A_463], %swap3A_466 {strides = array<i32>} : memref<80x128xf32, #tpu.memory_space<vmem>>, vector<1x16xf32>,
        %get3A_467 = arith.index_cast %add3A_334 : i32 to index
        %get3A_468 = arith.constant 96 : index
        %get3A_469 = tpu.vector_load %arg12[%get3A_467, %get3A_468] {strides = array<i32>} : memref<80x128xf32, #tpu.memory_space<vmem>>, vector<1x16xf32>,
        %get3A_470 = vector.shape_cast %get3A_469 : vector<1x16xf32> to vector<16xf32>
        %get3A_471 = arith.index_cast %add3A_334 : i32 to index
        %get3A_472 = arith.constant 96 : index
        %get3A_473 = tpu.vector_load %arg13[%get3A_471, %get3A_472] {strides = array<i32>} : memref<80x128xf32, #tpu.memory_space<vmem>>, vector<1x16xf32>,
        %get3A_474 = vector.shape_cast %get3A_473 : vector<1x16xf32> to vector<16xf32>
        %add3A_475 = arith.addf %get3A_470, %get3A_474 : vector<16xf32>
        %get3A_476 = arith.index_cast %add3A_334 : i32 to index
        %get3A_477 = arith.constant 96 : index
        %get3A_478 = tpu.vector_load %arg14[%get3A_476, %get3A_477] {strides = array<i32>} : memref<80x128xf32, #tpu.memory_space<vmem>>, vector<1x16xf32>,
        %get3A_479 = vector.shape_cast %get3A_478 : vector<1x16xf32> to vector<16xf32>
        %add3A_480 = arith.addf %add3A_475, %get3A_479 : vector<16xf32>
        %max3A_481 = arith.constant 0.000000e+00 : f32
        %max3A_482 = vector.broadcast %max3A_481 : f32 to vector<16xf32>
        %max3A_483 = arith.maximumf %add3A_480, %max3A_482 : vector<16xf32>
        %swap3A_484 = arith.index_cast %add3A_334 : i32 to index
        %swap3A_485 = arith.constant 96 : index
        %swap3A_486 = tpu.vector_load %arg12[%swap3A_484, %swap3A_485] {strides = array<i32>} : memref<80x128xf32, #tpu.memory_space<vmem>>, vector<1x16xf32>,
        %swap3A_487 = vector.shape_cast %swap3A_486 : vector<1x16xf32> to vector<16xf32>
        %swap3A_488 = vector.shape_cast %max3A_483 : vector<16xf32> to vector<1x16xf32>
        tpu.vector_store %arg12[%swap3A_484, %swap3A_485], %swap3A_488 {strides = array<i32>} : memref<80x128xf32, #tpu.memory_space<vmem>>, vector<1x16xf32>,
        %get3A_489 = arith.index_cast %add3A_334 : i32 to index
        %get3A_490 = arith.constant 112 : index
        %get3A_491 = tpu.vector_load %arg12[%get3A_489, %get3A_490] {strides = array<i32>} : memref<80x128xf32, #tpu.memory_space<vmem>>, vector<1x16xf32>,
        %get3A_492 = vector.shape_cast %get3A_491 : vector<1x16xf32> to vector<16xf32>
        %get3A_493 = arith.index_cast %add3A_334 : i32 to index
        %get3A_494 = arith.constant 112 : index
        %get3A_495 = tpu.vector_load %arg13[%get3A_493, %get3A_494] {strides = array<i32>} : memref<80x128xf32, #tpu.memory_space<vmem>>, vector<1x16xf32>,
        %get3A_496 = vector.shape_cast %get3A_495 : vector<1x16xf32> to vector<16xf32>
        %add3A_497 = arith.addf %get3A_492, %get3A_496 : vector<16xf32>
        %get3A_498 = arith.index_cast %add3A_334 : i32 to index
        %get3A_499 = arith.constant 112 : index
        %get3A_500 = tpu.vector_load %arg14[%get3A_498, %get3A_499] {strides = array<i32>} : memref<80x128xf32, #tpu.memory_space<vmem>>, vector<1x16xf32>,
        %get3A_501 = vector.shape_cast %get3A_500 : vector<1x16xf32> to vector<16xf32>
        %add3A_502 = arith.addf %add3A_497, %get3A_501 : vector<16xf32>
        %max3A_503 = arith.constant 0.000000e+00 : f32
        %max3A_504 = vector.broadcast %max3A_503 : f32 to vector<16xf32>
        %max3A_505 = arith.maximumf %add3A_502, %max3A_504 : vector<16xf32>
        %swap3A_506 = arith.index_cast %add3A_334 : i32 to index
        %swap3A_507 = arith.constant 112 : index
        %swap3A_508 = tpu.vector_load %arg12[%swap3A_506, %swap3A_507] {strides = array<i32>} : memref<80x128xf32, #tpu.memory_space<vmem>>, vector<1x16xf32>,
        %swap3A_509 = vector.shape_cast %swap3A_508 : vector<1x16xf32> to vector<16xf32>
        %swap3A_510 = vector.shape_cast %max3A_505 : vector<16xf32> to vector<1x16xf32>
        tpu.vector_store %arg12[%swap3A_506, %swap3A_507], %swap3A_510 {strides = array<i32>} : memref<80x128xf32, #tpu.memory_space<vmem>>, vector<1x16xf32>,
        %mul3A_511 = arith.constant 4 : i32
        %mul3A_512 = arith.muli %scan3A_150, %mul3A_511 : i32
        %add3A_513 = arith.constant 2 : i32
        %add3A_514 = arith.addi %mul3A_512, %add3A_513 : i32
        %get3A_515 = arith.index_cast %add3A_514 : i32 to index
        %get3A_516 = arith.constant 0 : index
        %get3A_517 = tpu.vector_load %arg12[%get3A_515, %get3A_516] {strides = array<i32>} : memref<80x128xf32, #tpu.memory_space<vmem>>, vector<1x16xf32>,
        %get3A_518 = vector.shape_cast %get3A_517 : vector<1x16xf32> to vector<16xf32>
        %get3A_519 = arith.index_cast %add3A_514 : i32 to index
        %get3A_520 = arith.constant 0 : index
        %get3A_521 = tpu.vector_load %arg13[%get3A_519, %get3A_520] {strides = array<i32>} : memref<80x128xf32, #tpu.memory_space<vmem>>, vector<1x16xf32>,
        %get3A_522 = vector.shape_cast %get3A_521 : vector<1x16xf32> to vector<16xf32>
        %add3A_523 = arith.addf %get3A_518, %get3A_522 : vector<16xf32>
        %get3A_524 = arith.index_cast %add3A_514 : i32 to index
        %get3A_525 = arith.constant 0 : index
        %get3A_526 = tpu.vector_load %arg14[%get3A_524, %get3A_525] {strides = array<i32>} : memref<80x128xf32, #tpu.memory_space<vmem>>, vector<1x16xf32>,
        %get3A_527 = vector.shape_cast %get3A_526 : vector<1x16xf32> to vector<16xf32>
        %add3A_528 = arith.addf %add3A_523, %get3A_527 : vector<16xf32>
        %max3A_529 = arith.constant 0.000000e+00 : f32
        %max3A_530 = vector.broadcast %max3A_529 : f32 to vector<16xf32>
        %max3A_531 = arith.maximumf %add3A_528, %max3A_530 : vector<16xf32>
        %swap3A_532 = arith.index_cast %add3A_514 : i32 to index
        %swap3A_533 = arith.constant 0 : index
        %swap3A_534 = tpu.vector_load %arg12[%swap3A_532, %swap3A_533] {strides = array<i32>} : memref<80x128xf32, #tpu.memory_space<vmem>>, vector<1x16xf32>,
        %swap3A_535 = vector.shape_cast %swap3A_534 : vector<1x16xf32> to vector<16xf32>
        %swap3A_536 = vector.shape_cast %max3A_531 : vector<16xf32> to vector<1x16xf32>
        tpu.vector_store %arg12[%swap3A_532, %swap3A_533], %swap3A_536 {strides = array<i32>} : memref<80x128xf32, #tpu.memory_space<vmem>>, vector<1x16xf32>,
        %get3A_537 = arith.index_cast %add3A_514 : i32 to index
        %get3A_538 = arith.constant 16 : index
        %get3A_539 = tpu.vector_load %arg12[%get3A_537, %get3A_538] {strides = array<i32>} : memref<80x128xf32, #tpu.memory_space<vmem>>, vector<1x16xf32>,
        %get3A_540 = vector.shape_cast %get3A_539 : vector<1x16xf32> to vector<16xf32>
        %get3A_541 = arith.index_cast %add3A_514 : i32 to index
        %get3A_542 = arith.constant 16 : index
        %get3A_543 = tpu.vector_load %arg13[%get3A_541, %get3A_542] {strides = array<i32>} : memref<80x128xf32, #tpu.memory_space<vmem>>, vector<1x16xf32>,
        %get3A_544 = vector.shape_cast %get3A_543 : vector<1x16xf32> to vector<16xf32>
        %add3A_545 = arith.addf %get3A_540, %get3A_544 : vector<16xf32>
        %get3A_546 = arith.index_cast %add3A_514 : i32 to index
        %get3A_547 = arith.constant 16 : index
        %get3A_548 = tpu.vector_load %arg14[%get3A_546, %get3A_547] {strides = array<i32>} : memref<80x128xf32, #tpu.memory_space<vmem>>, vector<1x16xf32>,
        %get3A_549 = vector.shape_cast %get3A_548 : vector<1x16xf32> to vector<16xf32>
        %add3A_550 = arith.addf %add3A_545, %get3A_549 : vector<16xf32>
        %max3A_551 = arith.constant 0.000000e+00 : f32
        %max3A_552 = vector.broadcast %max3A_551 : f32 to vector<16xf32>
        %max3A_553 = arith.maximumf %add3A_550, %max3A_552 : vector<16xf32>
        %swap3A_554 = arith.index_cast %add3A_514 : i32 to index
        %swap3A_555 = arith.constant 16 : index
        %swap3A_556 = tpu.vector_load %arg12[%swap3A_554, %swap3A_555] {strides = array<i32>} : memref<80x128xf32, #tpu.memory_space<vmem>>, vector<1x16xf32>,
        %swap3A_557 = vector.shape_cast %swap3A_556 : vector<1x16xf32> to vector<16xf32>
        %swap3A_558 = vector.shape_cast %max3A_553 : vector<16xf32> to vector<1x16xf32>
        tpu.vector_store %arg12[%swap3A_554, %swap3A_555], %swap3A_558 {strides = array<i32>} : memref<80x128xf32, #tpu.memory_space<vmem>>, vector<1x16xf32>,
        %get3A_559 = arith.index_cast %add3A_514 : i32 to index
        %get3A_560 = arith.constant 32 : index
        %get3A_561 = tpu.vector_load %arg12[%get3A_559, %get3A_560] {strides = array<i32>} : memref<80x128xf32, #tpu.memory_space<vmem>>, vector<1x16xf32>,
        %get3A_562 = vector.shape_cast %get3A_561 : vector<1x16xf32> to vector<16xf32>
        %get3A_563 = arith.index_cast %add3A_514 : i32 to index
        %get3A_564 = arith.constant 32 : index
        %get3A_565 = tpu.vector_load %arg13[%get3A_563, %get3A_564] {strides = array<i32>} : memref<80x128xf32, #tpu.memory_space<vmem>>, vector<1x16xf32>,
        %get3A_566 = vector.shape_cast %get3A_565 : vector<1x16xf32> to vector<16xf32>
        %add3A_567 = arith.addf %get3A_562, %get3A_566 : vector<16xf32>
        %get3A_568 = arith.index_cast %add3A_514 : i32 to index
        %get3A_569 = arith.constant 32 : index
        %get3A_570 = tpu.vector_load %arg14[%get3A_568, %get3A_569] {strides = array<i32>} : memref<80x128xf32, #tpu.memory_space<vmem>>, vector<1x16xf32>,
        %get3A_571 = vector.shape_cast %get3A_570 : vector<1x16xf32> to vector<16xf32>
        %add3A_572 = arith.addf %add3A_567, %get3A_571 : vector<16xf32>
        %max3A_573 = arith.constant 0.000000e+00 : f32
        %max3A_574 = vector.broadcast %max3A_573 : f32 to vector<16xf32>
        %max3A_575 = arith.maximumf %add3A_572, %max3A_574 : vector<16xf32>
        %swap3A_576 = arith.index_cast %add3A_514 : i32 to index
        %swap3A_577 = arith.constant 32 : index
        %swap3A_578 = tpu.vector_load %arg12[%swap3A_576, %swap3A_577] {strides = array<i32>} : memref<80x128xf32, #tpu.memory_space<vmem>>, vector<1x16xf32>,
        %swap3A_579 = vector.shape_cast %swap3A_578 : vector<1x16xf32> to vector<16xf32>
        %swap3A_580 = vector.shape_cast %max3A_575 : vector<16xf32> to vector<1x16xf32>
        tpu.vector_store %arg12[%swap3A_576, %swap3A_577], %swap3A_580 {strides = array<i32>} : memref<80x128xf32, #tpu.memory_space<vmem>>, vector<1x16xf32>,
        %get3A_581 = arith.index_cast %add3A_514 : i32 to index
        %get3A_582 = arith.constant 48 : index
        %get3A_583 = tpu.vector_load %arg12[%get3A_581, %get3A_582] {strides = array<i32>} : memref<80x128xf32, #tpu.memory_space<vmem>>, vector<1x16xf32>,
        %get3A_584 = vector.shape_cast %get3A_583 : vector<1x16xf32> to vector<16xf32>
        %get3A_585 = arith.index_cast %add3A_514 : i32 to index
        %get3A_586 = arith.constant 48 : index
        %get3A_587 = tpu.vector_load %arg13[%get3A_585, %get3A_586] {strides = array<i32>} : memref<80x128xf32, #tpu.memory_space<vmem>>, vector<1x16xf32>,
        %get3A_588 = vector.shape_cast %get3A_587 : vector<1x16xf32> to vector<16xf32>
        %add3A_589 = arith.addf %get3A_584, %get3A_588 : vector<16xf32>
        %get3A_590 = arith.index_cast %add3A_514 : i32 to index
        %get3A_591 = arith.constant 48 : index
        %get3A_592 = tpu.vector_load %arg14[%get3A_590, %get3A_591] {strides = array<i32>} : memref<80x128xf32, #tpu.memory_space<vmem>>, vector<1x16xf32>,
        %get3A_593 = vector.shape_cast %get3A_592 : vector<1x16xf32> to vector<16xf32>
        %add3A_594 = arith.addf %add3A_589, %get3A_593 : vector<16xf32>
        %max3A_595 = arith.constant 0.000000e+00 : f32
        %max3A_596 = vector.broadcast %max3A_595 : f32 to vector<16xf32>
        %max3A_597 = arith.maximumf %add3A_594, %max3A_596 : vector<16xf32>
        %swap3A_598 = arith.index_cast %add3A_514 : i32 to index
        %swap3A_599 = arith.constant 48 : index
        %swap3A_600 = tpu.vector_load %arg12[%swap3A_598, %swap3A_599] {strides = array<i32>} : memref<80x128xf32, #tpu.memory_space<vmem>>, vector<1x16xf32>,
        %swap3A_601 = vector.shape_cast %swap3A_600 : vector<1x16xf32> to vector<16xf32>
        %swap3A_602 = vector.shape_cast %max3A_597 : vector<16xf32> to vector<1x16xf32>
        tpu.vector_store %arg12[%swap3A_598, %swap3A_599], %swap3A_602 {strides = array<i32>} : memref<80x128xf32, #tpu.memory_space<vmem>>, vector<1x16xf32>,
        %get3A_603 = arith.index_cast %add3A_514 : i32 to index
        %get3A_604 = arith.constant 64 : index
        %get3A_605 = tpu.vector_load %arg12[%get3A_603, %get3A_604] {strides = array<i32>} : memref<80x128xf32, #tpu.memory_space<vmem>>, vector<1x16xf32>,
        %get3A_606 = vector.shape_cast %get3A_605 : vector<1x16xf32> to vector<16xf32>
        %get3A_607 = arith.index_cast %add3A_514 : i32 to index
        %get3A_608 = arith.constant 64 : index
        %get3A_609 = tpu.vector_load %arg13[%get3A_607, %get3A_608] {strides = array<i32>} : memref<80x128xf32, #tpu.memory_space<vmem>>, vector<1x16xf32>,
        %get3A_610 = vector.shape_cast %get3A_609 : vector<1x16xf32> to vector<16xf32>
        %add3A_611 = arith.addf %get3A_606, %get3A_610 : vector<16xf32>
        %get3A_612 = arith.index_cast %add3A_514 : i32 to index
        %get3A_613 = arith.constant 64 : index
        %get3A_614 = tpu.vector_load %arg14[%get3A_612, %get3A_613] {strides = array<i32>} : memref<80x128xf32, #tpu.memory_space<vmem>>, vector<1x16xf32>,
        %get3A_615 = vector.shape_cast %get3A_614 : vector<1x16xf32> to vector<16xf32>
        %add3A_616 = arith.addf %add3A_611, %get3A_615 : vector<16xf32>
        %max3A_617 = arith.constant 0.000000e+00 : f32
        %max3A_618 = vector.broadcast %max3A_617 : f32 to vector<16xf32>
        %max3A_619 = arith.maximumf %add3A_616, %max3A_618 : vector<16xf32>
        %swap3A_620 = arith.index_cast %add3A_514 : i32 to index
        %swap3A_621 = arith.constant 64 : index
        %swap3A_622 = tpu.vector_load %arg12[%swap3A_620, %swap3A_621] {strides = array<i32>} : memref<80x128xf32, #tpu.memory_space<vmem>>, vector<1x16xf32>,
        %swap3A_623 = vector.shape_cast %swap3A_622 : vector<1x16xf32> to vector<16xf32>
        %swap3A_624 = vector.shape_cast %max3A_619 : vector<16xf32> to vector<1x16xf32>
        tpu.vector_store %arg12[%swap3A_620, %swap3A_621], %swap3A_624 {strides = array<i32>} : memref<80x128xf32, #tpu.memory_space<vmem>>, vector<1x16xf32>,
        %get3A_625 = arith.index_cast %add3A_514 : i32 to index
        %get3A_626 = arith.constant 80 : index
        %get3A_627 = tpu.vector_load %arg12[%get3A_625, %get3A_626] {strides = array<i32>} : memref<80x128xf32, #tpu.memory_space<vmem>>, vector<1x16xf32>,
        %get3A_628 = vector.shape_cast %get3A_627 : vector<1x16xf32> to vector<16xf32>
        %get3A_629 = arith.index_cast %add3A_514 : i32 to index
        %get3A_630 = arith.constant 80 : index
        %get3A_631 = tpu.vector_load %arg13[%get3A_629, %get3A_630] {strides = array<i32>} : memref<80x128xf32, #tpu.memory_space<vmem>>, vector<1x16xf32>,
        %get3A_632 = vector.shape_cast %get3A_631 : vector<1x16xf32> to vector<16xf32>
        %add3A_633 = arith.addf %get3A_628, %get3A_632 : vector<16xf32>
        %get3A_634 = arith.index_cast %add3A_514 : i32 to index
        %get3A_635 = arith.constant 80 : index
        %get3A_636 = tpu.vector_load %arg14[%get3A_634, %get3A_635] {strides = array<i32>} : memref<80x128xf32, #tpu.memory_space<vmem>>, vector<1x16xf32>,
        %get3A_637 = vector.shape_cast %get3A_636 : vector<1x16xf32> to vector<16xf32>
        %add3A_638 = arith.addf %add3A_633, %get3A_637 : vector<16xf32>
        %max3A_639 = arith.constant 0.000000e+00 : f32
        %max3A_640 = vector.broadcast %max3A_639 : f32 to vector<16xf32>
        %max3A_641 = arith.maximumf %add3A_638, %max3A_640 : vector<16xf32>
        %swap3A_642 = arith.index_cast %add3A_514 : i32 to index
        %swap3A_643 = arith.constant 80 : index
        %swap3A_644 = tpu.vector_load %arg12[%swap3A_642, %swap3A_643] {strides = array<i32>} : memref<80x128xf32, #tpu.memory_space<vmem>>, vector<1x16xf32>,
        %swap3A_645 = vector.shape_cast %swap3A_644 : vector<1x16xf32> to vector<16xf32>
        %swap3A_646 = vector.shape_cast %max3A_641 : vector<16xf32> to vector<1x16xf32>
        tpu.vector_store %arg12[%swap3A_642, %swap3A_643], %swap3A_646 {strides = array<i32>} : memref<80x128xf32, #tpu.memory_space<vmem>>, vector<1x16xf32>,
        %get3A_647 = arith.index_cast %add3A_514 : i32 to index
        %get3A_648 = arith.constant 96 : index
        %get3A_649 = tpu.vector_load %arg12[%get3A_647, %get3A_648] {strides = array<i32>} : memref<80x128xf32, #tpu.memory_space<vmem>>, vector<1x16xf32>,
        %get3A_650 = vector.shape_cast %get3A_649 : vector<1x16xf32> to vector<16xf32>
        %get3A_651 = arith.index_cast %add3A_514 : i32 to index
        %get3A_652 = arith.constant 96 : index
        %get3A_653 = tpu.vector_load %arg13[%get3A_651, %get3A_652] {strides = array<i32>} : memref<80x128xf32, #tpu.memory_space<vmem>>, vector<1x16xf32>,
        %get3A_654 = vector.shape_cast %get3A_653 : vector<1x16xf32> to vector<16xf32>
        %add3A_655 = arith.addf %get3A_650, %get3A_654 : vector<16xf32>
        %get3A_656 = arith.index_cast %add3A_514 : i32 to index
        %get3A_657 = arith.constant 96 : index
        %get3A_658 = tpu.vector_load %arg14[%get3A_656, %get3A_657] {strides = array<i32>} : memref<80x128xf32, #tpu.memory_space<vmem>>, vector<1x16xf32>,
        %get3A_659 = vector.shape_cast %get3A_658 : vector<1x16xf32> to vector<16xf32>
        %add3A_660 = arith.addf %add3A_655, %get3A_659 : vector<16xf32>
        %max3A_661 = arith.constant 0.000000e+00 : f32
        %max3A_662 = vector.broadcast %max3A_661 : f32 to vector<16xf32>
        %max3A_663 = arith.maximumf %add3A_660, %max3A_662 : vector<16xf32>
        %swap3A_664 = arith.index_cast %add3A_514 : i32 to index
        %swap3A_665 = arith.constant 96 : index
        %swap3A_666 = tpu.vector_load %arg12[%swap3A_664, %swap3A_665] {strides = array<i32>} : memref<80x128xf32, #tpu.memory_space<vmem>>, vector<1x16xf32>,
        %swap3A_667 = vector.shape_cast %swap3A_666 : vector<1x16xf32> to vector<16xf32>
        %swap3A_668 = vector.shape_cast %max3A_663 : vector<16xf32> to vector<1x16xf32>
        tpu.vector_store %arg12[%swap3A_664, %swap3A_665], %swap3A_668 {strides = array<i32>} : memref<80x128xf32, #tpu.memory_space<vmem>>, vector<1x16xf32>,
        %get3A_669 = arith.index_cast %add3A_514 : i32 to index
        %get3A_670 = arith.constant 112 : index
        %get3A_671 = tpu.vector_load %arg12[%get3A_669, %get3A_670] {strides = array<i32>} : memref<80x128xf32, #tpu.memory_space<vmem>>, vector<1x16xf32>,
        %get3A_672 = vector.shape_cast %get3A_671 : vector<1x16xf32> to vector<16xf32>
        %get3A_673 = arith.index_cast %add3A_514 : i32 to index
        %get3A_674 = arith.constant 112 : index
        %get3A_675 = tpu.vector_load %arg13[%get3A_673, %get3A_674] {strides = array<i32>} : memref<80x128xf32, #tpu.memory_space<vmem>>, vector<1x16xf32>,
        %get3A_676 = vector.shape_cast %get3A_675 : vector<1x16xf32> to vector<16xf32>
        %add3A_677 = arith.addf %get3A_672, %get3A_676 : vector<16xf32>
        %get3A_678 = arith.index_cast %add3A_514 : i32 to index
        %get3A_679 = arith.constant 112 : index
        %get3A_680 = tpu.vector_load %arg14[%get3A_678, %get3A_679] {strides = array<i32>} : memref<80x128xf32, #tpu.memory_space<vmem>>, vector<1x16xf32>,
        %get3A_681 = vector.shape_cast %get3A_680 : vector<1x16xf32> to vector<16xf32>
        %add3A_682 = arith.addf %add3A_677, %get3A_681 : vector<16xf32>
        %max3A_683 = arith.constant 0.000000e+00 : f32
        %max3A_684 = vector.broadcast %max3A_683 : f32 to vector<16xf32>
        %max3A_685 = arith.maximumf %add3A_682, %max3A_684 : vector<16xf32>
        %swap3A_686 = arith.index_cast %add3A_514 : i32 to index
        %swap3A_687 = arith.constant 112 : index
        %swap3A_688 = tpu.vector_load %arg12[%swap3A_686, %swap3A_687] {strides = array<i32>} : memref<80x128xf32, #tpu.memory_space<vmem>>, vector<1x16xf32>,
        %swap3A_689 = vector.shape_cast %swap3A_688 : vector<1x16xf32> to vector<16xf32>
        %swap3A_690 = vector.shape_cast %max3A_685 : vector<16xf32> to vector<1x16xf32>
        tpu.vector_store %arg12[%swap3A_686, %swap3A_687], %swap3A_690 {strides = array<i32>} : memref<80x128xf32, #tpu.memory_space<vmem>>, vector<1x16xf32>,
        %mul3A_691 = arith.constant 4 : i32
        %mul3A_692 = arith.muli %scan3A_150, %mul3A_691 : i32
        %add3A_693 = arith.constant 3 : i32
        %add3A_694 = arith.addi %mul3A_692, %add3A_693 : i32
        %get3A_695 = arith.index_cast %add3A_694 : i32 to index
        %get3A_696 = arith.constant 0 : index
        %get3A_697 = tpu.vector_load %arg12[%get3A_695, %get3A_696] {strides = array<i32>} : memref<80x128xf32, #tpu.memory_space<vmem>>, vector<1x16xf32>,
        %get3A_698 = vector.shape_cast %get3A_697 : vector<1x16xf32> to vector<16xf32>
        %get3A_699 = arith.index_cast %add3A_694 : i32 to index
        %get3A_700 = arith.constant 0 : index
        %get3A_701 = tpu.vector_load %arg13[%get3A_699, %get3A_700] {strides = array<i32>} : memref<80x128xf32, #tpu.memory_space<vmem>>, vector<1x16xf32>,
        %get3A_702 = vector.shape_cast %get3A_701 : vector<1x16xf32> to vector<16xf32>
        %add3A_703 = arith.addf %get3A_698, %get3A_702 : vector<16xf32>
        %get3A_704 = arith.index_cast %add3A_694 : i32 to index
        %get3A_705 = arith.constant 0 : index
        %get3A_706 = tpu.vector_load %arg14[%get3A_704, %get3A_705] {strides = array<i32>} : memref<80x128xf32, #tpu.memory_space<vmem>>, vector<1x16xf32>,
        %get3A_707 = vector.shape_cast %get3A_706 : vector<1x16xf32> to vector<16xf32>
        %add3A_708 = arith.addf %add3A_703, %get3A_707 : vector<16xf32>
        %max3A_709 = arith.constant 0.000000e+00 : f32
        %max3A_710 = vector.broadcast %max3A_709 : f32 to vector<16xf32>
        %max3A_711 = arith.maximumf %add3A_708, %max3A_710 : vector<16xf32>
        %swap3A_712 = arith.index_cast %add3A_694 : i32 to index
        %swap3A_713 = arith.constant 0 : index
        %swap3A_714 = tpu.vector_load %arg12[%swap3A_712, %swap3A_713] {strides = array<i32>} : memref<80x128xf32, #tpu.memory_space<vmem>>, vector<1x16xf32>,
        %swap3A_715 = vector.shape_cast %swap3A_714 : vector<1x16xf32> to vector<16xf32>
        %swap3A_716 = vector.shape_cast %max3A_711 : vector<16xf32> to vector<1x16xf32>
        tpu.vector_store %arg12[%swap3A_712, %swap3A_713], %swap3A_716 {strides = array<i32>} : memref<80x128xf32, #tpu.memory_space<vmem>>, vector<1x16xf32>,
        %get3A_717 = arith.index_cast %add3A_694 : i32 to index
        %get3A_718 = arith.constant 16 : index
        %get3A_719 = tpu.vector_load %arg12[%get3A_717, %get3A_718] {strides = array<i32>} : memref<80x128xf32, #tpu.memory_space<vmem>>, vector<1x16xf32>,
        %get3A_720 = vector.shape_cast %get3A_719 : vector<1x16xf32> to vector<16xf32>
        %get3A_721 = arith.index_cast %add3A_694 : i32 to index
        %get3A_722 = arith.constant 16 : index
        %get3A_723 = tpu.vector_load %arg13[%get3A_721, %get3A_722] {strides = array<i32>} : memref<80x128xf32, #tpu.memory_space<vmem>>, vector<1x16xf32>,
        %get3A_724 = vector.shape_cast %get3A_723 : vector<1x16xf32> to vector<16xf32>
        %add3A_725 = arith.addf %get3A_720, %get3A_724 : vector<16xf32>
        %get3A_726 = arith.index_cast %add3A_694 : i32 to index
        %get3A_727 = arith.constant 16 : index
        %get3A_728 = tpu.vector_load %arg14[%get3A_726, %get3A_727] {strides = array<i32>} : memref<80x128xf32, #tpu.memory_space<vmem>>, vector<1x16xf32>,
        %get3A_729 = vector.shape_cast %get3A_728 : vector<1x16xf32> to vector<16xf32>
        %add3A_730 = arith.addf %add3A_725, %get3A_729 : vector<16xf32>
        %max3A_731 = arith.constant 0.000000e+00 : f32
        %max3A_732 = vector.broadcast %max3A_731 : f32 to vector<16xf32>
        %max3A_733 = arith.maximumf %add3A_730, %max3A_732 : vector<16xf32>
        %swap3A_734 = arith.index_cast %add3A_694 : i32 to index
        %swap3A_735 = arith.constant 16 : index
        %swap3A_736 = tpu.vector_load %arg12[%swap3A_734, %swap3A_735] {strides = array<i32>} : memref<80x128xf32, #tpu.memory_space<vmem>>, vector<1x16xf32>,
        %swap3A_737 = vector.shape_cast %swap3A_736 : vector<1x16xf32> to vector<16xf32>
        %swap3A_738 = vector.shape_cast %max3A_733 : vector<16xf32> to vector<1x16xf32>
        tpu.vector_store %arg12[%swap3A_734, %swap3A_735], %swap3A_738 {strides = array<i32>} : memref<80x128xf32, #tpu.memory_space<vmem>>, vector<1x16xf32>,
        %get3A_739 = arith.index_cast %add3A_694 : i32 to index
        %get3A_740 = arith.constant 32 : index
        %get3A_741 = tpu.vector_load %arg12[%get3A_739, %get3A_740] {strides = array<i32>} : memref<80x128xf32, #tpu.memory_space<vmem>>, vector<1x16xf32>,
        %get3A_742 = vector.shape_cast %get3A_741 : vector<1x16xf32> to vector<16xf32>
        %get3A_743 = arith.index_cast %add3A_694 : i32 to index
        %get3A_744 = arith.constant 32 : index
        %get3A_745 = tpu.vector_load %arg13[%get3A_743, %get3A_744] {strides = array<i32>} : memref<80x128xf32, #tpu.memory_space<vmem>>, vector<1x16xf32>,
        %get3A_746 = vector.shape_cast %get3A_745 : vector<1x16xf32> to vector<16xf32>
        %add3A_747 = arith.addf %get3A_742, %get3A_746 : vector<16xf32>
        %get3A_748 = arith.index_cast %add3A_694 : i32 to index
        %get3A_749 = arith.constant 32 : index
        %get3A_750 = tpu.vector_load %arg14[%get3A_748, %get3A_749] {strides = array<i32>} : memref<80x128xf32, #tpu.memory_space<vmem>>, vector<1x16xf32>,
        %get3A_751 = vector.shape_cast %get3A_750 : vector<1x16xf32> to vector<16xf32>
        %add3A_752 = arith.addf %add3A_747, %get3A_751 : vector<16xf32>
        %max3A_753 = arith.constant 0.000000e+00 : f32
        %max3A_754 = vector.broadcast %max3A_753 : f32 to vector<16xf32>
        %max3A_755 = arith.maximumf %add3A_752, %max3A_754 : vector<16xf32>
        %swap3A_756 = arith.index_cast %add3A_694 : i32 to index
        %swap3A_757 = arith.constant 32 : index
        %swap3A_758 = tpu.vector_load %arg12[%swap3A_756, %swap3A_757] {strides = array<i32>} : memref<80x128xf32, #tpu.memory_space<vmem>>, vector<1x16xf32>,
        %swap3A_759 = vector.shape_cast %swap3A_758 : vector<1x16xf32> to vector<16xf32>
        %swap3A_760 = vector.shape_cast %max3A_755 : vector<16xf32> to vector<1x16xf32>
        tpu.vector_store %arg12[%swap3A_756, %swap3A_757], %swap3A_760 {strides = array<i32>} : memref<80x128xf32, #tpu.memory_space<vmem>>, vector<1x16xf32>,
        %get3A_761 = arith.index_cast %add3A_694 : i32 to index
        %get3A_762 = arith.constant 48 : index
        %get3A_763 = tpu.vector_load %arg12[%get3A_761, %get3A_762] {strides = array<i32>} : memref<80x128xf32, #tpu.memory_space<vmem>>, vector<1x16xf32>,
        %get3A_764 = vector.shape_cast %get3A_763 : vector<1x16xf32> to vector<16xf32>
        %get3A_765 = arith.index_cast %add3A_694 : i32 to index
        %get3A_766 = arith.constant 48 : index
        %get3A_767 = tpu.vector_load %arg13[%get3A_765, %get3A_766] {strides = array<i32>} : memref<80x128xf32, #tpu.memory_space<vmem>>, vector<1x16xf32>,
        %get3A_768 = vector.shape_cast %get3A_767 : vector<1x16xf32> to vector<16xf32>
        %add3A_769 = arith.addf %get3A_764, %get3A_768 : vector<16xf32>
        %get3A_770 = arith.index_cast %add3A_694 : i32 to index
        %get3A_771 = arith.constant 48 : index
        %get3A_772 = tpu.vector_load %arg14[%get3A_770, %get3A_771] {strides = array<i32>} : memref<80x128xf32, #tpu.memory_space<vmem>>, vector<1x16xf32>,
        %get3A_773 = vector.shape_cast %get3A_772 : vector<1x16xf32> to vector<16xf32>
        %add3A_774 = arith.addf %add3A_769, %get3A_773 : vector<16xf32>
        %max3A_775 = arith.constant 0.000000e+00 : f32
        %max3A_776 = vector.broadcast %max3A_775 : f32 to vector<16xf32>
        %max3A_777 = arith.maximumf %add3A_774, %max3A_776 : vector<16xf32>
        %swap3A_778 = arith.index_cast %add3A_694 : i32 to index
        %swap3A_779 = arith.constant 48 : index
        %swap3A_780 = tpu.vector_load %arg12[%swap3A_778, %swap3A_779] {strides = array<i32>} : memref<80x128xf32, #tpu.memory_space<vmem>>, vector<1x16xf32>,
        %swap3A_781 = vector.shape_cast %swap3A_780 : vector<1x16xf32> to vector<16xf32>
        %swap3A_782 = vector.shape_cast %max3A_777 : vector<16xf32> to vector<1x16xf32>
        tpu.vector_store %arg12[%swap3A_778, %swap3A_779], %swap3A_782 {strides = array<i32>} : memref<80x128xf32, #tpu.memory_space<vmem>>, vector<1x16xf32>,
        %get3A_783 = arith.index_cast %add3A_694 : i32 to index
        %get3A_784 = arith.constant 64 : index
        %get3A_785 = tpu.vector_load %arg12[%get3A_783, %get3A_784] {strides = array<i32>} : memref<80x128xf32, #tpu.memory_space<vmem>>, vector<1x16xf32>,
        %get3A_786 = vector.shape_cast %get3A_785 : vector<1x16xf32> to vector<16xf32>
        %get3A_787 = arith.index_cast %add3A_694 : i32 to index
        %get3A_788 = arith.constant 64 : index
        %get3A_789 = tpu.vector_load %arg13[%get3A_787, %get3A_788] {strides = array<i32>} : memref<80x128xf32, #tpu.memory_space<vmem>>, vector<1x16xf32>,
        %get3A_790 = vector.shape_cast %get3A_789 : vector<1x16xf32> to vector<16xf32>
        %add3A_791 = arith.addf %get3A_786, %get3A_790 : vector<16xf32>
        %get3A_792 = arith.index_cast %add3A_694 : i32 to index
        %get3A_793 = arith.constant 64 : index
        %get3A_794 = tpu.vector_load %arg14[%get3A_792, %get3A_793] {strides = array<i32>} : memref<80x128xf32, #tpu.memory_space<vmem>>, vector<1x16xf32>,
        %get3A_795 = vector.shape_cast %get3A_794 : vector<1x16xf32> to vector<16xf32>
        %add3A_796 = arith.addf %add3A_791, %get3A_795 : vector<16xf32>
        %max3A_797 = arith.constant 0.000000e+00 : f32
        %max3A_798 = vector.broadcast %max3A_797 : f32 to vector<16xf32>
        %max3A_799 = arith.maximumf %add3A_796, %max3A_798 : vector<16xf32>
        %swap3A_800 = arith.index_cast %add3A_694 : i32 to index
        %swap3A_801 = arith.constant 64 : index
        %swap3A_802 = tpu.vector_load %arg12[%swap3A_800, %swap3A_801] {strides = array<i32>} : memref<80x128xf32, #tpu.memory_space<vmem>>, vector<1x16xf32>,
        %swap3A_803 = vector.shape_cast %swap3A_802 : vector<1x16xf32> to vector<16xf32>
        %swap3A_804 = vector.shape_cast %max3A_799 : vector<16xf32> to vector<1x16xf32>
        tpu.vector_store %arg12[%swap3A_800, %swap3A_801], %swap3A_804 {strides = array<i32>} : memref<80x128xf32, #tpu.memory_space<vmem>>, vector<1x16xf32>,
        %get3A_805 = arith.index_cast %add3A_694 : i32 to index
        %get3A_806 = arith.constant 80 : index
        %get3A_807 = tpu.vector_load %arg12[%get3A_805, %get3A_806] {strides = array<i32>} : memref<80x128xf32, #tpu.memory_space<vmem>>, vector<1x16xf32>,
        %get3A_808 = vector.shape_cast %get3A_807 : vector<1x16xf32> to vector<16xf32>
        %get3A_809 = arith.index_cast %add3A_694 : i32 to index
        %get3A_810 = arith.constant 80 : index
        %get3A_811 = tpu.vector_load %arg13[%get3A_809, %get3A_810] {strides = array<i32>} : memref<80x128xf32, #tpu.memory_space<vmem>>, vector<1x16xf32>,
        %get3A_812 = vector.shape_cast %get3A_811 : vector<1x16xf32> to vector<16xf32>
        %add3A_813 = arith.addf %get3A_808, %get3A_812 : vector<16xf32>
        %get3A_814 = arith.index_cast %add3A_694 : i32 to index
        %get3A_815 = arith.constant 80 : index
        %get3A_816 = tpu.vector_load %arg14[%get3A_814, %get3A_815] {strides = array<i32>} : memref<80x128xf32, #tpu.memory_space<vmem>>, vector<1x16xf32>,
        %get3A_817 = vector.shape_cast %get3A_816 : vector<1x16xf32> to vector<16xf32>
        %add3A_818 = arith.addf %add3A_813, %get3A_817 : vector<16xf32>
        %max3A_819 = arith.constant 0.000000e+00 : f32
        %max3A_820 = vector.broadcast %max3A_819 : f32 to vector<16xf32>
        %max3A_821 = arith.maximumf %add3A_818, %max3A_820 : vector<16xf32>
        %swap3A_822 = arith.index_cast %add3A_694 : i32 to index
        %swap3A_823 = arith.constant 80 : index
        %swap3A_824 = tpu.vector_load %arg12[%swap3A_822, %swap3A_823] {strides = array<i32>} : memref<80x128xf32, #tpu.memory_space<vmem>>, vector<1x16xf32>,
        %swap3A_825 = vector.shape_cast %swap3A_824 : vector<1x16xf32> to vector<16xf32>
        %swap3A_826 = vector.shape_cast %max3A_821 : vector<16xf32> to vector<1x16xf32>
        tpu.vector_store %arg12[%swap3A_822, %swap3A_823], %swap3A_826 {strides = array<i32>} : memref<80x128xf32, #tpu.memory_space<vmem>>, vector<1x16xf32>,
        %get3A_827 = arith.index_cast %add3A_694 : i32 to index
        %get3A_828 = arith.constant 96 : index
        %get3A_829 = tpu.vector_load %arg12[%get3A_827, %get3A_828] {strides = array<i32>} : memref<80x128xf32, #tpu.memory_space<vmem>>, vector<1x16xf32>,
        %get3A_830 = vector.shape_cast %get3A_829 : vector<1x16xf32> to vector<16xf32>
        %get3A_831 = arith.index_cast %add3A_694 : i32 to index
        %get3A_832 = arith.constant 96 : index
        %get3A_833 = tpu.vector_load %arg13[%get3A_831, %get3A_832] {strides = array<i32>} : memref<80x128xf32, #tpu.memory_space<vmem>>, vector<1x16xf32>,
        %get3A_834 = vector.shape_cast %get3A_833 : vector<1x16xf32> to vector<16xf32>
        %add3A_835 = arith.addf %get3A_830, %get3A_834 : vector<16xf32>
        %get3A_836 = arith.index_cast %add3A_694 : i32 to index
        %get3A_837 = arith.constant 96 : index
        %get3A_838 = tpu.vector_load %arg14[%get3A_836, %get3A_837] {strides = array<i32>} : memref<80x128xf32, #tpu.memory_space<vmem>>, vector<1x16xf32>,
        %get3A_839 = vector.shape_cast %get3A_838 : vector<1x16xf32> to vector<16xf32>
        %add3A_840 = arith.addf %add3A_835, %get3A_839 : vector<16xf32>
        %max3A_841 = arith.constant 0.000000e+00 : f32
        %max3A_842 = vector.broadcast %max3A_841 : f32 to vector<16xf32>
        %max3A_843 = arith.maximumf %add3A_840, %max3A_842 : vector<16xf32>
        %swap3A_844 = arith.index_cast %add3A_694 : i32 to index
        %swap3A_845 = arith.constant 96 : index
        %swap3A_846 = tpu.vector_load %arg12[%swap3A_844, %swap3A_845] {strides = array<i32>} : memref<80x128xf32, #tpu.memory_space<vmem>>, vector<1x16xf32>,
        %swap3A_847 = vector.shape_cast %swap3A_846 : vector<1x16xf32> to vector<16xf32>
        %swap3A_848 = vector.shape_cast %max3A_843 : vector<16xf32> to vector<1x16xf32>
        tpu.vector_store %arg12[%swap3A_844, %swap3A_845], %swap3A_848 {strides = array<i32>} : memref<80x128xf32, #tpu.memory_space<vmem>>, vector<1x16xf32>,
        %get3A_849 = arith.index_cast %add3A_694 : i32 to index
        %get3A_850 = arith.constant 112 : index
        %get3A_851 = tpu.vector_load %arg12[%get3A_849, %get3A_850] {strides = array<i32>} : memref<80x128xf32, #tpu.memory_space<vmem>>, vector<1x16xf32>,
        %get3A_852 = vector.shape_cast %get3A_851 : vector<1x16xf32> to vector<16xf32>
        %get3A_853 = arith.index_cast %add3A_694 : i32 to index
        %get3A_854 = arith.constant 112 : index
        %get3A_855 = tpu.vector_load %arg13[%get3A_853, %get3A_854] {strides = array<i32>} : memref<80x128xf32, #tpu.memory_space<vmem>>, vector<1x16xf32>,
        %get3A_856 = vector.shape_cast %get3A_855 : vector<1x16xf32> to vector<16xf32>
        %add3A_857 = arith.addf %get3A_852, %get3A_856 : vector<16xf32>
        %get3A_858 = arith.index_cast %add3A_694 : i32 to index
        %get3A_859 = arith.constant 112 : index
        %get3A_860 = tpu.vector_load %arg14[%get3A_858, %get3A_859] {strides = array<i32>} : memref<80x128xf32, #tpu.memory_space<vmem>>, vector<1x16xf32>,
        %get3A_861 = vector.shape_cast %get3A_860 : vector<1x16xf32> to vector<16xf32>
        %add3A_862 = arith.addf %add3A_857, %get3A_861 : vector<16xf32>
        %max3A_863 = arith.constant 0.000000e+00 : f32
        %max3A_864 = vector.broadcast %max3A_863 : f32 to vector<16xf32>
        %max3A_865 = arith.maximumf %add3A_862, %max3A_864 : vector<16xf32>
        %swap3A_866 = arith.index_cast %add3A_694 : i32 to index
        %swap3A_867 = arith.constant 112 : index
        %swap3A_868 = tpu.vector_load %arg12[%swap3A_866, %swap3A_867] {strides = array<i32>} : memref<80x128xf32, #tpu.memory_space<vmem>>, vector<1x16xf32>,
        %swap3A_869 = vector.shape_cast %swap3A_868 : vector<1x16xf32> to vector<16xf32>
        %swap3A_870 = vector.shape_cast %max3A_865 : vector<16xf32> to vector<1x16xf32>
        tpu.vector_store %arg12[%swap3A_866, %swap3A_867], %swap3A_870 {strides = array<i32>} : memref<80x128xf32, #tpu.memory_space<vmem>>, vector<1x16xf32>,
        %scan3A_871 = arith.constant 0 : i32
        scf.yield %scan3A_871 : i32
      }
      %scan3A_148 = arith.constant 20 : i32
      "tpu.region"() ({
        %run_scoped3A = tpu.sem_alloc : memref<!tpu.dma_semaphore, #tpu.memory_space<semaphore_mem>>
        %dma_start3A_150 = arith.constant 0 : i32
        %dma_start3A_151 = arith.constant 0 : i32
        %dma_start3A_152 = tpu.memref_slice %arg7[%dma_start3A_150, %dma_start3A_151] : memref<10240x128xf32, #tpu.memory_space<vmem_shared>> -> memref<10240x128xf32, #tpu.memory_space<vmem_shared>>
        tpu.enqueue_indirect_dma source(%arg12 : memref<80x128xf32, #tpu.memory_space<vmem>>) target(%dma_start3A_152 : memref<10240x128xf32, #tpu.memory_space<vmem_shared>>) offsets(%arg9 : memref<80xi32, #tpu.memory_space<vmem>>) semaphore(%run_scoped3A : memref<!tpu.dma_semaphore, #tpu.memory_space<semaphore_mem>>) {add = true}
        %dma_wait3A_153 = arith.constant 0 : i32
        %dma_wait3A_154 = arith.constant 0 : i32
        %dma_wait3A_155 = tpu.memref_slice %arg7[%dma_wait3A_153, %dma_wait3A_154] : memref<10240x128xf32, #tpu.memory_space<vmem_shared>> -> memref<10240x128xf32, #tpu.memory_space<vmem_shared>>
        tpu.wait_indirect_dma semaphore(%run_scoped3A : memref<!tpu.dma_semaphore, #tpu.memory_space<semaphore_mem>>) src(%arg12 : memref<80x128xf32, #tpu.memory_space<vmem>>) dst(%dma_wait3A_155 : memref<10240x128xf32, #tpu.memory_space<vmem_shared>>)
        tpu.yield
      }) : () -> ()
      %scan3A_149 = arith.constant 0 : i32
      scf.yield %scan3A_149 : i32
    }
    %scan3A_31 = arith.constant 125 : i32
    %barrier3A_32 = arith.constant 0 : index
    tpu.barrier barrier_id(%barrier3A_32)
    %mul3A_33 = arith.constant 10240 : i32
    %mul3A_34 = arith.muli %arg0, %mul3A_33 : i32
    %add3A_35 = arith.addi %mul3A_34, %mul3A_7 : i32
    "tpu.region"() ({
      %run_scoped3A = tpu.sem_alloc : memref<!tpu.dma_semaphore, #tpu.memory_space<semaphore_mem>>
      %dma_start3A = arith.constant 0 : i32
      %dma_start3A_36 = tpu.memref_slice %arg6[%add3A_35, %dma_start3A] : memref<20480x128xf32, #tpu.memory_space<hbm>> -> memref<640x128xf32, #tpu.memory_space<hbm>>
      %dma_start3A_37 = arith.constant 0 : i32
      %dma_start3A_38 = tpu.memref_slice %arg7[%mul3A_7, %dma_start3A_37] : memref<10240x128xf32, #tpu.memory_space<vmem_shared>> -> memref<640x128xf32, #tpu.memory_space<vmem_shared>>
      tpu.enqueue_dma source(%dma_start3A_38 : memref<640x128xf32, #tpu.memory_space<vmem_shared>>) target(%dma_start3A_36 : memref<640x128xf32, #tpu.memory_space<hbm>>) target_semaphore(%run_scoped3A : memref<!tpu.dma_semaphore, #tpu.memory_space<semaphore_mem>>)
      %dma_wait3A = arith.constant 0 : i32
      %dma_wait3A_39 = tpu.memref_slice %arg6[%add3A_35, %dma_wait3A] : memref<20480x128xf32, #tpu.memory_space<hbm>> -> memref<640x128xf32, #tpu.memory_space<hbm>>
      %dma_wait3A_40 = arith.constant 0 : i32
      %dma_wait3A_41 = tpu.memref_slice %arg7[%mul3A_7, %dma_wait3A_40] : memref<10240x128xf32, #tpu.memory_space<vmem_shared>> -> memref<640x128xf32, #tpu.memory_space<vmem_shared>>
      tpu.wait_dma2 semaphore(%run_scoped3A : memref<!tpu.dma_semaphore, #tpu.memory_space<semaphore_mem>>) src(%dma_wait3A_41 : memref<640x128xf32, #tpu.memory_space<vmem_shared>>) dst(%dma_wait3A_39 : memref<640x128xf32, #tpu.memory_space<hbm>>)
      tpu.yield
    }) : () -> ()
    return
  }
}

module attributes {stable_mosaic.version = 14 : i64} {
  func.func @_q_body(%arg0: i32, %arg1: i32, %arg2: memref<2000x16xf32, #tpu.memory_space<vmem>>, %arg3: memref<16x128xf32, #tpu.memory_space<vmem>>, %arg4: memref<1x128xf32, #tpu.memory_space<vmem>>, %arg5: memref<2000x128xf32, #tpu.memory_space<vmem>>) attributes {dimension_semantics = [#tpu.dimension_semantics<arbitrary>, #tpu.dimension_semantics<arbitrary>], iteration_bounds = array<i64: 2, 80>, scalar_prefetch = 0 : i64, scratch_operands = 0 : i64, tpu.core_type = #tpu.core_type<tc>, window_params = [{transform_indices = @transform_0, window_bounds = array<i64: 2000, 16>}, {transform_indices = @transform_1, window_bounds = array<i64: 16, 128>}, {transform_indices = @transform_2, window_bounds = array<i64: 1, 128>}, {transform_indices = @transform_3, window_bounds = array<i64: 2000, 128>}]} {
    %get3A = arith.constant 0 : index
    %get3A_0 = arith.constant 0 : index
    %get3A_1 = vector.load %arg2[%get3A, %get3A_0] : memref<2000x16xf32, #tpu.memory_space<vmem>>, vector<2000x16xf32>
    %get3A_2 = arith.constant 0 : index
    %get3A_3 = arith.constant 0 : index
    %get3A_4 = vector.load %arg3[%get3A_2, %get3A_3] : memref<16x128xf32, #tpu.memory_space<vmem>>, vector<16x128xf32>
    %dot_general3A = arith.constant dense<0.000000e+00> : vector<2000x128xf32>
    %dot_general3A_5 = tpu.matmul %get3A_1, %get3A_4, %dot_general3A {dimension_numbers = #tpu.dot_dimension_numbers<[1], [0], [0], [1], [0, 0, 1, 1], [], []>, transpose_lhs_hint = false} : vector<2000x16xf32>, vector<16x128xf32>, vector<2000x128xf32> -> vector<2000x128xf32>
    %get3A_6 = arith.constant 0 : index
    %get3A_7 = arith.constant 0 : index
    %get3A_8 = vector.load %arg4[%get3A_6, %get3A_7] : memref<1x128xf32, #tpu.memory_space<vmem>>, vector<1x128xf32>
    %add3A = vector.broadcast %get3A_8 : vector<1x128xf32> to vector<2000x128xf32>
    %add3A_9 = arith.addf %dot_general3A_5, %add3A : vector<2000x128xf32>
    %swap3A = arith.constant 0 : index
    %swap3A_10 = arith.constant 0 : index
    %swap3A_11 = vector.load %arg5[%swap3A, %swap3A_10] : memref<2000x128xf32, #tpu.memory_space<vmem>>, vector<2000x128xf32>
    tpu.vector_store %arg5[%swap3A, %swap3A_10], %add3A_9 {strides = array<i32>} : memref<2000x128xf32, #tpu.memory_space<vmem>>, vector<2000x128xf32>,
    return
  }
  func.func @transform_0(%arg0: i32, %arg1: i32) -> (i32, i32) {
    %c0_i32 = arith.constant 0 : i32
    %c0_i32_0 = arith.constant 0 : i32
    return %arg1, %c0_i32 : i32, i32
  }
  func.func @transform_1(%arg0: i32, %arg1: i32) -> (i32, i32) {
    %c32_i32 = arith.constant 32 : i32
    %c0_i32 = arith.constant 0 : i32
    return %c32_i32, %arg0 : i32, i32
  }
  func.func @transform_2(%arg0: i32, %arg1: i32) -> (i32, i32) {
    %c0_i32 = arith.constant 0 : i32
    %c0_i32_0 = arith.constant 0 : i32
    return %c0_i32, %arg0 : i32, i32
  }
  func.func @transform_3(%arg0: i32, %arg1: i32) -> (i32, i32) {
    %mul3A = arith.constant 80 : i32
    %mul3A_0 = arith.muli %arg0, %mul3A : i32
    %add3A = arith.addi %mul3A_0, %arg1 : i32
    %c0_i32 = arith.constant 0 : i32
    %c0_i32_1 = arith.constant 0 : i32
    return %add3A, %c0_i32 : i32, i32
  }
}

module attributes {stable_mosaic.version = 14 : i64} {
  func.func @_proj_body(%arg0: i32, %arg1: i32, %arg2: memref<400x256xf32, #tpu.memory_space<vmem>>, %arg3: memref<256x128xf32, #tpu.memory_space<vmem>>, %arg4: memref<400x128xf32, #tpu.memory_space<vmem>>) attributes {dimension_semantics = [#tpu.dimension_semantics<arbitrary>, #tpu.dimension_semantics<arbitrary>], iteration_bounds = array<i64: 4, 25>, scalar_prefetch = 0 : i64, scratch_operands = 0 : i64, tpu.core_type = #tpu.core_type<tc>, window_params = [{transform_indices = @transform_0, window_bounds = array<i64: 400, 256>}, {transform_indices = @transform_1, window_bounds = array<i64: 256, 128>}, {transform_indices = @transform_2, window_bounds = array<i64: 400, 128>}]} {
    %get3A = arith.constant 0 : index
    %get3A_0 = arith.constant 0 : index
    %get3A_1 = vector.load %arg2[%get3A, %get3A_0] : memref<400x256xf32, #tpu.memory_space<vmem>>, vector<400x256xf32>
    %get3A_2 = arith.constant 0 : index
    %get3A_3 = arith.constant 0 : index
    %get3A_4 = vector.load %arg3[%get3A_2, %get3A_3] : memref<256x128xf32, #tpu.memory_space<vmem>>, vector<256x128xf32>
    %dot_general3A = arith.constant dense<0.000000e+00> : vector<400x128xf32>
    %dot_general3A_5 = tpu.matmul %get3A_1, %get3A_4, %dot_general3A {dimension_numbers = #tpu.dot_dimension_numbers<[1], [0], [0], [1], [0, 0, 1, 1], [], []>, transpose_lhs_hint = false} : vector<400x256xf32>, vector<256x128xf32>, vector<400x128xf32> -> vector<400x128xf32>
    %swap3A = arith.constant 0 : index
    %swap3A_6 = arith.constant 0 : index
    %swap3A_7 = vector.load %arg4[%swap3A, %swap3A_6] : memref<400x128xf32, #tpu.memory_space<vmem>>, vector<400x128xf32>
    tpu.vector_store %arg4[%swap3A, %swap3A_6], %dot_general3A_5 {strides = array<i32>} : memref<400x128xf32, #tpu.memory_space<vmem>>, vector<400x128xf32>,
    return
  }
  func.func @transform_0(%arg0: i32, %arg1: i32) -> (i32, i32) {
    %c0_i32 = arith.constant 0 : i32
    %c0_i32_0 = arith.constant 0 : i32
    return %arg1, %c0_i32 : i32, i32
  }
  func.func @transform_1(%arg0: i32, %arg1: i32) -> (i32, i32) {
    %jit3A = arith.constant 2 : i32
    %eq3A = arith.constant 0 : i32
    %eq3A_0 = arith.cmpi eq, %jit3A, %eq3A : i32
    %jit3A_1 = arith.constant 1 : i32
    %select_n3A = arith.select %eq3A_0, %jit3A_1, %jit3A : i32
    %rem3A = arith.remsi %arg0, %select_n3A : i32
    %ne3A = arith.constant 0 : i32
    %ne3A_2 = arith.cmpi ne, %rem3A, %ne3A : i32
    %lt3A = arith.constant 0 : i32
    %lt3A_3 = arith.cmpi slt, %rem3A, %lt3A : i32
    %lt3A_4 = arith.constant 0 : i32
    %lt3A_5 = arith.cmpi slt, %select_n3A, %lt3A_4 : i32
    %ne3A_6 = arith.xori %lt3A_3, %lt3A_5 : i1
    %and3A = arith.andi %ne3A_6, %ne3A_2 : i1
    %add3A = arith.addi %rem3A, %select_n3A : i32
    %select_n3A_7 = arith.select %and3A, %add3A, %rem3A : i32
    %jit3A_8 = arith.constant 2 : i32
    %div3A = arith.divsi %arg0, %jit3A_8 : i32
    %sign3A = arith.constant 0 : i32
    %sign3A_9 = arith.cmpi sgt, %arg0, %sign3A : i32
    %sign3A_10 = arith.extui %sign3A_9 : i1 to i32
    %sign3A_11 = arith.constant 0 : i32
    %sign3A_12 = arith.cmpi slt, %arg0, %sign3A_11 : i32
    %sign3A_13 = arith.extui %sign3A_12 : i1 to i32
    %sign3A_14 = arith.subi %sign3A_10, %sign3A_13 : i32
    %sign3A_15 = arith.constant 0 : i32
    %sign3A_16 = arith.cmpi sgt, %jit3A_8, %sign3A_15 : i32
    %sign3A_17 = arith.extui %sign3A_16 : i1 to i32
    %sign3A_18 = arith.constant 0 : i32
    %sign3A_19 = arith.cmpi slt, %jit3A_8, %sign3A_18 : i32
    %sign3A_20 = arith.extui %sign3A_19 : i1 to i32
    %sign3A_21 = arith.subi %sign3A_17, %sign3A_20 : i32
    %ne3A_22 = arith.cmpi ne, %sign3A_14, %sign3A_21 : i32
    %rem3A_23 = arith.remsi %arg0, %jit3A_8 : i32
    %ne3A_24 = arith.constant 0 : i32
    %ne3A_25 = arith.cmpi ne, %rem3A_23, %ne3A_24 : i32
    %and3A_26 = arith.andi %ne3A_22, %ne3A_25 : i1
    %sub3A = arith.constant 1 : i32
    %sub3A_27 = arith.subi %div3A, %sub3A : i32
    %select_n3A_28 = arith.select %and3A_26, %sub3A_27, %div3A : i32
    %c0_i32 = arith.constant 0 : i32
    return %select_n3A_7, %select_n3A_28 : i32, i32
  }
  func.func @transform_2(%arg0: i32, %arg1: i32) -> (i32, i32) {
    %mul3A = arith.constant 25 : i32
    %mul3A_0 = arith.muli %arg0, %mul3A : i32
    %add3A = arith.addi %mul3A_0, %arg1 : i32
    %c0_i32 = arith.constant 0 : i32
    %c0_i32_1 = arith.constant 0 : i32
    return %add3A, %c0_i32 : i32, i32
  }
}

module attributes {stable_mosaic.version = 14 : i64} {
  func.func @_update_body(%arg0: i32, %arg1: memref<80x256xf32, #tpu.memory_space<vmem>>, %arg2: memref<80x128xf32, #tpu.memory_space<vmem>>, %arg3: memref<80x128xf32, #tpu.memory_space<vmem>>, %arg4: memref<80x128xf32, #tpu.memory_space<vmem>>, %arg5: memref<80x128xf32, #tpu.memory_space<vmem>>, %arg6: memref<512x256xf32, #tpu.memory_space<vmem>>, %arg7: memref<1x256xf32, #tpu.memory_space<vmem>>, %arg8: memref<80x256xf32, #tpu.memory_space<vmem>>) attributes {dimension_semantics = [#tpu.dimension_semantics<arbitrary>], iteration_bounds = array<i64: 125>, scalar_prefetch = 0 : i64, scratch_operands = 0 : i64, tpu.core_type = #tpu.core_type<tc>, window_params = [{transform_indices = @transform_0, window_bounds = array<i64: 80, 256>}, {transform_indices = @transform_1, window_bounds = array<i64: 80, 128>}, {transform_indices = @transform_2, window_bounds = array<i64: 80, 128>}, {transform_indices = @transform_3, window_bounds = array<i64: 80, 128>}, {transform_indices = @transform_4, window_bounds = array<i64: 80, 128>}, {pipeline_mode = #tpu.pipeline_mode<synchronous>, transform_indices = @transform_5, window_bounds = array<i64: 512, 256>}, {pipeline_mode = #tpu.pipeline_mode<synchronous>, transform_indices = @transform_6, window_bounds = array<i64: 1, 256>}, {transform_indices = @transform_7, window_bounds = array<i64: 80, 256>}]} {
    %get3A = arith.constant 0 : index
    %get3A_0 = arith.constant 0 : index
    %get3A_1 = vector.load %arg4[%get3A, %get3A_0] : memref<80x128xf32, #tpu.memory_space<vmem>>, vector<80x1xf32>
    %get3A_2 = arith.constant 0 : index
    %get3A_3 = arith.constant 0 : index
    %get3A_4 = vector.load %arg5[%get3A_2, %get3A_3] : memref<80x128xf32, #tpu.memory_space<vmem>>, vector<80x1xf32>
    %add3A = arith.addf %get3A_1, %get3A_4 : vector<80x1xf32>
    %max3A = arith.constant 1.000000e+00 : f32
    %max3A_5 = vector.broadcast %max3A : f32 to vector<80x1xf32>
    %max3A_6 = arith.maximumf %add3A, %max3A_5 : vector<80x1xf32>
    %div3A = arith.constant 1.000000e+00 : f32
    %div3A_7 = vector.broadcast %div3A : f32 to vector<80x1xf32>
    %div3A_8 = arith.divf %div3A_7, %max3A_6 : vector<80x1xf32>
    %get3A_9 = arith.constant 0 : index
    %get3A_10 = arith.constant 0 : index
    %get3A_11 = vector.load %arg1[%get3A_9, %get3A_10] : memref<80x256xf32, #tpu.memory_space<vmem>>, vector<80x256xf32>
    %get3A_12 = arith.constant 0 : index
    %get3A_13 = arith.constant 0 : index
    %get3A_14 = vector.load %arg6[%get3A_12, %get3A_13] : memref<512x256xf32, #tpu.memory_space<vmem>>, vector<256x256xf32>
    %dot_general3A = arith.constant dense<0.000000e+00> : vector<80x256xf32>
    %dot_general3A_15 = tpu.matmul %get3A_11, %get3A_14, %dot_general3A {dimension_numbers = #tpu.dot_dimension_numbers<[1], [0], [0], [1], [0, 0, 1, 1], [], []>, transpose_lhs_hint = false} : vector<80x256xf32>, vector<256x256xf32>, vector<80x256xf32> -> vector<80x256xf32>
    %get3A_16 = arith.constant 0 : index
    %get3A_17 = arith.constant 0 : index
    %get3A_18 = vector.load %arg2[%get3A_16, %get3A_17] : memref<80x128xf32, #tpu.memory_space<vmem>>, vector<80x128xf32>
    %mul3A = vector.broadcast %div3A_8 : vector<80x1xf32> to vector<80x128xf32>
    %mul3A_19 = arith.mulf %get3A_18, %mul3A : vector<80x128xf32>
    %get3A_20 = arith.constant 256 : index
    %get3A_21 = arith.constant 0 : index
    %get3A_22 = vector.load %arg6[%get3A_20, %get3A_21] : memref<512x256xf32, #tpu.memory_space<vmem>>, vector<128x256xf32>
    %dot_general3A_23 = arith.constant dense<0.000000e+00> : vector<80x256xf32>
    %dot_general3A_24 = tpu.matmul %mul3A_19, %get3A_22, %dot_general3A_23 {dimension_numbers = #tpu.dot_dimension_numbers<[1], [0], [0], [1], [0, 0, 1, 1], [], []>, transpose_lhs_hint = false} : vector<80x128xf32>, vector<128x256xf32>, vector<80x256xf32> -> vector<80x256xf32>
    %add3A_25 = arith.addf %dot_general3A_15, %dot_general3A_24 : vector<80x256xf32>
    %get3A_26 = arith.constant 0 : index
    %get3A_27 = arith.constant 0 : index
    %get3A_28 = vector.load %arg3[%get3A_26, %get3A_27] : memref<80x128xf32, #tpu.memory_space<vmem>>, vector<80x128xf32>
    %mul3A_29 = vector.broadcast %div3A_8 : vector<80x1xf32> to vector<80x128xf32>
    %mul3A_30 = arith.mulf %get3A_28, %mul3A_29 : vector<80x128xf32>
    %get3A_31 = arith.constant 384 : index
    %get3A_32 = arith.constant 0 : index
    %get3A_33 = vector.load %arg6[%get3A_31, %get3A_32] : memref<512x256xf32, #tpu.memory_space<vmem>>, vector<128x256xf32>
    %dot_general3A_34 = arith.constant dense<0.000000e+00> : vector<80x256xf32>
    %dot_general3A_35 = tpu.matmul %mul3A_30, %get3A_33, %dot_general3A_34 {dimension_numbers = #tpu.dot_dimension_numbers<[1], [0], [0], [1], [0, 0, 1, 1], [], []>, transpose_lhs_hint = false} : vector<80x128xf32>, vector<128x256xf32>, vector<80x256xf32> -> vector<80x256xf32>
    %add3A_36 = arith.addf %add3A_25, %dot_general3A_35 : vector<80x256xf32>
    %get3A_37 = arith.constant 0 : index
    %get3A_38 = arith.constant 0 : index
    %get3A_39 = vector.load %arg7[%get3A_37, %get3A_38] : memref<1x256xf32, #tpu.memory_space<vmem>>, vector<1x256xf32>
    %add3A_40 = vector.broadcast %get3A_39 : vector<1x256xf32> to vector<80x256xf32>
    %add3A_41 = arith.addf %add3A_36, %add3A_40 : vector<80x256xf32>
    %max3A_42 = arith.constant 0.000000e+00 : f32
    %max3A_43 = vector.broadcast %max3A_42 : f32 to vector<80x256xf32>
    %max3A_44 = arith.maximumf %add3A_41, %max3A_43 : vector<80x256xf32>
    %swap3A = arith.constant 0 : index
    %swap3A_45 = arith.constant 0 : index
    %swap3A_46 = vector.load %arg8[%swap3A, %swap3A_45] : memref<80x256xf32, #tpu.memory_space<vmem>>, vector<80x256xf32>
    tpu.vector_store %arg8[%swap3A, %swap3A_45], %max3A_44 {strides = array<i32>} : memref<80x256xf32, #tpu.memory_space<vmem>>, vector<80x256xf32>,
    return
  }
  func.func @transform_0(%arg0: i32) -> (i32, i32) {
    %c0_i32 = arith.constant 0 : i32
    %c0_i32_0 = arith.constant 0 : i32
    return %arg0, %c0_i32 : i32, i32
  }
  func.func @transform_1(%arg0: i32) -> (i32, i32) {
    %c0_i32 = arith.constant 0 : i32
    %c0_i32_0 = arith.constant 0 : i32
    return %arg0, %c0_i32 : i32, i32
  }
  func.func @transform_2(%arg0: i32) -> (i32, i32) {
    %add3A = arith.constant 128 : i32
    %add3A_0 = arith.addi %add3A, %arg0 : i32
    %c0_i32 = arith.constant 0 : i32
    %c0_i32_1 = arith.constant 0 : i32
    return %add3A_0, %c0_i32 : i32, i32
  }
  func.func @transform_3(%arg0: i32) -> (i32, i32) {
    %c0_i32 = arith.constant 0 : i32
    %c0_i32_0 = arith.constant 0 : i32
    return %arg0, %c0_i32 : i32, i32
  }
  func.func @transform_4(%arg0: i32) -> (i32, i32) {
    %add3A = arith.constant 128 : i32
    %add3A_0 = arith.addi %add3A, %arg0 : i32
    %c0_i32 = arith.constant 0 : i32
    %c0_i32_1 = arith.constant 0 : i32
    return %add3A_0, %c0_i32 : i32, i32
  }
  func.func @transform_5(%arg0: i32) -> (i32, i32) {
    %c0_i32 = arith.constant 0 : i32
    %c0_i32_0 = arith.constant 0 : i32
    %c0_i32_1 = arith.constant 0 : i32
    return %c0_i32, %c0_i32_0 : i32, i32
  }
  func.func @transform_6(%arg0: i32) -> (i32, i32) {
    %c0_i32 = arith.constant 0 : i32
    %c0_i32_0 = arith.constant 0 : i32
    %c0_i32_1 = arith.constant 0 : i32
    return %c0_i32, %c0_i32_0 : i32, i32
  }
  func.func @transform_7(%arg0: i32) -> (i32, i32) {
    %c0_i32 = arith.constant 0 : i32
    %c0_i32_0 = arith.constant 0 : i32
    return %arg0, %c0_i32 : i32, i32
  }
}

module attributes {stable_mosaic.version = 14 : i64} {
  func.func @_pool_body(%arg0: memref<10000x256xf32, #tpu.memory_space<vmem>>, %arg1: memref<1x10000xi32, #tpu.memory_space<vmem>>, %arg2: memref<256x128xf32, #tpu.memory_space<vmem>>, %arg3: memref<1x128xf32, #tpu.memory_space<vmem>>, %arg4: memref<64x128xf32, #tpu.memory_space<vmem>>) attributes {dimension_semantics = [], scalar_prefetch = 0 : i64, scratch_operands = 0 : i64, tpu.core_type = #tpu.core_type<tc>} {
    %iota3A = tpu.iota {dimensions = array<i32: 0>} : vector<64x10000xi32>
    %get3A = arith.constant 0 : index
    %get3A_0 = arith.constant 0 : index
    %get3A_1 = vector.load %arg1[%get3A, %get3A_0] : memref<1x10000xi32, #tpu.memory_space<vmem>>, vector<1x10000xi32>
    %eq3A = vector.broadcast %get3A_1 : vector<1x10000xi32> to vector<64x10000xi32>
    %eq3A_2 = arith.cmpi eq, %iota3A, %eq3A : vector<64x10000xi32>
    %convert_element_type3A = arith.extui %eq3A_2 : vector<64x10000xi1> to vector<64x10000xi32>
    %convert_element_type3A_3 = arith.sitofp %convert_element_type3A : vector<64x10000xi32> to vector<64x10000xf32>
    %get3A_4 = arith.constant 0 : index
    %get3A_5 = arith.constant 0 : index
    %get3A_6 = vector.load %arg0[%get3A_4, %get3A_5] : memref<10000x256xf32, #tpu.memory_space<vmem>>, vector<10000x256xf32>
    %dot_general3A = arith.constant dense<0.000000e+00> : vector<64x256xf32>
    %dot_general3A_7 = tpu.matmul %convert_element_type3A_3, %get3A_6, %dot_general3A {dimension_numbers = #tpu.dot_dimension_numbers<[1], [0], [0], [1], [0, 0, 1, 1], [], []>, transpose_lhs_hint = false} : vector<64x10000xf32>, vector<10000x256xf32>, vector<64x256xf32> -> vector<64x256xf32>
    %reduce_sum3A = arith.constant dense<0.000000e+00> : vector<64xf32>
    %reduce_sum3A_8 = vector.multi_reduction <add>, %convert_element_type3A_3, %reduce_sum3A [1] : vector<64x10000xf32> to vector<64xf32>
    %broadcast_in_dim3A = vector.shape_cast %reduce_sum3A_8 : vector<64xf32> to vector<64x1xf32>
    %max3A = arith.constant 1.000000e+00 : f32
    %max3A_9 = vector.broadcast %max3A : f32 to vector<64x1xf32>
    %max3A_10 = arith.maximumf %broadcast_in_dim3A, %max3A_9 : vector<64x1xf32>
    %div3A = vector.broadcast %max3A_10 : vector<64x1xf32> to vector<64x256xf32>
    %div3A_11 = arith.divf %dot_general3A_7, %div3A : vector<64x256xf32>
    %get3A_12 = arith.constant 0 : index
    %get3A_13 = arith.constant 0 : index
    %get3A_14 = vector.load %arg2[%get3A_12, %get3A_13] : memref<256x128xf32, #tpu.memory_space<vmem>>, vector<256x128xf32>
    %dot_general3A_15 = arith.constant dense<0.000000e+00> : vector<64x128xf32>
    %dot_general3A_16 = tpu.matmul %div3A_11, %get3A_14, %dot_general3A_15 {dimension_numbers = #tpu.dot_dimension_numbers<[1], [0], [0], [1], [0, 0, 1, 1], [], []>, transpose_lhs_hint = false} : vector<64x256xf32>, vector<256x128xf32>, vector<64x128xf32> -> vector<64x128xf32>
    %get3A_17 = arith.constant 0 : index
    %get3A_18 = arith.constant 0 : index
    %get3A_19 = vector.load %arg3[%get3A_17, %get3A_18] : memref<1x128xf32, #tpu.memory_space<vmem>>, vector<1x128xf32>
    %add3A = vector.broadcast %get3A_19 : vector<1x128xf32> to vector<64x128xf32>
    %add3A_20 = arith.addf %dot_general3A_16, %add3A : vector<64x128xf32>
    %swap3A = arith.constant 0 : index
    %swap3A_21 = arith.constant 0 : index
    %swap3A_22 = vector.load %arg4[%swap3A, %swap3A_21] : memref<64x128xf32, #tpu.memory_space<vmem>>, vector<64x128xf32>
    tpu.vector_store %arg4[%swap3A, %swap3A_21], %add3A_20 {strides = array<i32>} : memref<64x128xf32, #tpu.memory_space<vmem>>, vector<64x128xf32>,
    return
  }
}

</mosaic_0001>

<sc_bundles>
// kernel: kernel.16.cloned.1.call-start
scs
__scs_entry_jumppad:
0x0: {  	(pc) =	sbr.rel $0x88, $3  }
0x1: {  	(tag) =	ssettag $0x0;
	lr =	simm.s32 $0x1  }
0x2: {  	[smem:$0x3F8F] =	sst lr;
	_ =	strace $0xD0000000  }
0x3: {  	_ = 	snop  }
0x4: {  	_ = 	snop  }
0x5: {  	_ = 	snop  }
0x6: {  	_ = 	snop  }
0x7: {  	_ = 	snop  }
__scs_overlays_trampoline_lowered:
0x8: {  	[smem:$0x3F9E] =	sst s0  }
0x9: {  	[smem:$0x3F9F] =	sst s1  }
0xa: {  	[smem:$0x3FA0] =	sst s2  }
0xb: {  	[smem:$0x3FA1] =	sst s3  }
0xc: {  	[smem:$0x3FA2] =	sst s4  }
0xd: {  	[smem:$0x3FA3] =	sst s5  }
0xe: {  	[smem:$0x3FA4] =	sst s6  }
0xf: {  	[smem:$0x3FA5] =	sst s7  }
0x10: {  	[smem:$0x3FA6] =	sst s8  }
0x11: {  	[smem:$0x3FA7] =	sst s9;
	s0 =	simm.s32 @!p0 $0x0  }
0x12: {  	s1 =	sld [smem:$0x3F8D];
	s0 =	simm.s32 @p0 $0x1  }
0x13: {  	[smem:$0x3FA8] =	sst s0;
	s0 =	simm.s32 @!p1 $0x0  }
0x14: {  	s2 =	sld [smem:$0x3F8C];
	s0 =	simm.s32 @p1 $0x1  }
0x15: {  	[smem:$0x3FA9] =	sst s0;
	s0 =	simm.s32 @!p2 $0x0  }
0x16: {  	s3 =	sld [smem:$0x3FDB];
	s0 =	simm.s32 @p2 $0x1  }
0x17: {  	s4 =	simm.s32 $0x1BF5;
	[smem:$0x3FAB] =	sst s0  }
0x18: {  	s0 =	sld [smem:$0x3F8E];
	_ =	swait.ge [sflag:s4], $0x0  }
0x19: {  	s7 =	sld [smem:$0x3F8F]  }
0x1a: {  	s8 =	sadd.s32 $0xFFFFE003, lr  }
0x1b: {  	s9 =	sadd.s32 $0xFFFFFEF7, lr;
	s5 =	simm.s32 $0xFFFFFFFF;
	p2 =	slt.u32 s8, $0xFFFFF086  }
0x1c: {  	p1 =	slt.u32 s9, $0xF7A;
	s5 =	simm.s32 @!p2 $0x0  }
0x1d: {  	s5 =	simm.s32 @p1 $0x1;
	p0 =	seq.s32 s7, s2  }
0x1e: {  	s7 =	smul.u32 @!p0 $0xF7A, s2;
	p2 =	seq.s32 @!p0 s5, $0x0  }
0x1f: {  	s9 =	smul.u32 $0xF7A, s1;
	s8 =	simm.s32 @!p0 $0x1BF5;
	p2 =	por !p2, p0  }
0x20: {  	[sflag:s8] =	ssyncset.s32 @!p0 $0xFFFFF086;
	s6 =	sadd.s32 @!p0 s3, s7;
	s7 =	simm.s32 @!p0 $0x108  }
0x21: {  	s3 =	sadd.s32 s3, s9;
	s6 =	sadd.s32 @!p0 $0x88, s6;
	s7 =	simm.s32 @p2 $0x1082  }
0x22: {  	[simem:s7], [sflag:s8] =	dma.local @!p0 [hbm:s6], $0xF7A  }
0x23: {  	s9 =	sor.u32 $0xD0000000, s2;
	s6 =	simm.s32 $0x108;
	_ =	swait.ge @!p0 [sflag:s8], $0x0  }
0x24: {  	s3 =	sadd.s32 $0x88, s3;
	s6 =	simm.s32 @!p1 $0x1082;
	[sflag:s4] =	ssyncset.s32 $0xFFFFF086  }
0x25: {  	[simem:s6], [sflag:s4] =	dma.local [hbm:s3], $0xF7A  }
0x26: {  	[smem:$0x3F8F] =	sst s1;
	(tag) =	ssettag s2;
	_ =	strace s9  }
0x27: {  	s1 =	sld [smem:$0x3F9F]  }
0x28: {  	s2 =	sld [smem:$0x3FA0]  }
0x29: {  	s4 =	sld [smem:$0x3FA2]  }
0x2a: {  	p0 =	seq.s32 s5, $0x0;
	s5 =	sld [smem:$0x3FA3]  }
0x2b: {  	s6 =	sld [smem:$0x3FA4]  }
0x2c: {  	s7 =	sld [smem:$0x3FA5]  }
0x2d: {  	s3 =	simm.s32 $0x108;
	s8 =	sld [smem:$0x3FA6]  }
0x2e: {  	s3 =	simm.s32 @!p0 $0x1082;
	s9 =	sld [smem:$0x3FA7]  }
0x2f: {  	lr =	sadd.s32 s0, s3;
	s0 =	sld [smem:$0x3F9E]  }
0x30: {  	s3 =	sld [smem:$0x3FA1]  }
0x31: {  	[smem:$0x3FAA] =	sst s10  }
0x32: {  	s10 =	sld [smem:$0x3FA8];
	_ =	sdelay $0x3  }
0x33: {  	p0 =	seq.s32 s10, $0x1;
	s10 =	sld [smem:$0x3FAA];
	_ =	sdelay $0x3  }
0x34: {  	[smem:$0x3FAA] =	sst s10  }
0x35: {  	s10 =	sld [smem:$0x3FA9];
	_ =	sdelay $0x3  }
0x36: {  	p1 =	seq.s32 s10, $0x1;
	s10 =	sld [smem:$0x3FAA];
	_ =	sdelay $0x3  }
0x37: {  	[smem:$0x3FAA] =	sst s10  }
0x38: {  	s10 =	sld [smem:$0x3FAB]  }
0x39: {  	_ = 	snop;
	(pc) =	sbr.ind lr, $3  }
0x3a: {  	_ = 	snop  }
0x3b: {  	_ = 	snop  }
0x3c: {  	p2 =	seq.s32 s10, $0x1;
	s10 =	sld [smem:$0x3FAA]  }
0x3d: {  	_ =	shalt  }
0x3e: {  	_ =	shalt  }
0x3f: {  	_ =	shalt  }
0x40: {  	_ =	shalt  }
0x41: {  	_ =	shalt  }
0x42: {  	_ =	shalt  }
0x43: {  	_ =	shalt  }
0x44: {  	_ =	shalt  }
0x45: {  	_ =	shalt  }
0x46: {  	_ =	shalt  }
0x47: {  	_ =	shalt  }
0x48: {  	_ =	shalt  }
0x49: {  	_ =	shalt  }
0x4a: {  	_ =	shalt  }
0x4b: {  	_ =	shalt  }
0x4c: {  	_ =	shalt  }
0x4d: {  	_ =	shalt  }
0x4e: {  	_ =	shalt  }
0x4f: {  	_ =	shalt  }
0x50: {  	_ =	shalt  }
0x51: {  	_ =	shalt  }
0x52: {  	_ =	shalt  }
0x53: {  	_ =	shalt  }
0x54: {  	_ =	shalt  }
0x55: {  	_ =	shalt  }
0x56: {  	_ =	shalt  }
0x57: {  	_ =	shalt  }
0x58: {  	_ =	shalt  }
0x59: {  	_ =	shalt  }
0x5a: {  	_ =	shalt  }
0x5b: {  	_ =	shalt  }
0x5c: {  	_ =	shalt  }
0x5d: {  	_ =	shalt  }
0x5e: {  	_ =	shalt  }
0x5f: {  	_ =	shalt  }
0x60: {  	_ =	shalt  }
0x61: {  	_ =	shalt  }
0x62: {  	_ =	shalt  }
0x63: {  	_ =	shalt  }
0x64: {  	_ =	shalt  }
0x65: {  	_ =	shalt  }
0x66: {  	_ =	shalt  }
0x67: {  	_ =	shalt  }
0x68: {  	_ =	shalt  }
0x69: {  	_ =	shalt  }
0x6a: {  	_ =	shalt  }
0x6b: {  	_ =	shalt  }
0x6c: {  	_ =	shalt  }
0x6d: {  	_ =	shalt  }
0x6e: {  	_ =	shalt  }
0x6f: {  	_ =	shalt  }
0x70: {  	_ =	shalt  }
0x71: {  	_ =	shalt  }
0x72: {  	_ =	shalt  }
0x73: {  	_ =	shalt  }
0x74: {  	_ =	shalt  }
0x75: {  	_ =	shalt  }
0x76: {  	_ =	shalt  }
0x77: {  	_ =	shalt  }
0x78: {  	_ =	shalt  }
0x79: {  	_ =	shalt  }
0x7a: {  	_ =	shalt  }
0x7b: {  	_ =	shalt  }
0x7c: {  	_ =	shalt  }
0x7d: {  	_ =	shalt  }
0x7e: {  	_ =	shalt  }
0x7f: {  	_ =	shalt  }
0x80: {  	_ =	shalt  }
0x81: {  	_ =	shalt  }
0x82: {  	_ =	shalt  }
0x83: {  	_ =	shalt  }
0x84: {  	_ =	shalt  }
0x85: {  	_ =	shalt  }
0x86: {  	_ =	shalt  }
0x87: {  	_ =	shalt  }
.Lfunc_end0:
.L_simem_size_0:
called_computation_lowered:
.L_overlay_start_0:
0x88: {  	s2 =	sld [smem:$0x3FD9]  }
0x89: {  	s3 =	sld [smem:$0x3FFE];
	_ =	sdelay $0x1  }
0x8a: {  	s1 =	srdreg.scid  }
0x8b: {  	s0 =	sand.u32 $0x1, s1  }
0x8c: {  	s17 =	sshll.u32 s0, $0xA;
	s2 =	sadd.s32 s3, s2  }
0x8d: {  	s2 =	sadd.s32 s2, s17  }
0x8e: {  	[smem:$0x3FB6] =	sst s2  }
0x8f: {  	_ = 	snop  }
0x90: {  	(tm) =	ssettm $0x1  }
0x91: {  	s18 =	sld [smem:$0x3FFB];
	_ =	sdelay $0x3  }
0x92: {  	_ =	strace s18  }
0x93: {  	s2 =	sld [smem:$0x3FFC];
	_ =	sdelay $0x3  }
0x94: {  	_ =	strace s2  }
0x95: {  	s2 =	sld [smem:$0x3FFD];
	_ =	sdelay $0x3  }
0x96: {  	_ =	strace s2  }
0x97: {  	_ =	strace $0x8FFFFFFF  }
0x98: {  	s19 =	sld [smem:$0x3FDB];
	_ =	sdelay $0x1  }
0x99: {  	s20 =	simm.s32 $_scs_section_size  }
0x9a: {  	s4 =	simm.s32 $_size__tile_overlayer_lowered;
	s5 =	simm.s32 $_tile_overlayer_lowered  }
0x9b: {  	s6 =	simm.s32 $0x1BFF;
	s21 =	sshll.u32 s5, $0x1;
	s3 =	sadd.s32 s20, s19  }
0x9c: {  	s22 =	simm.s32 $0x0;
	s4 =	sshll.u32 s4, $0x1;
	s5 =	sadd.s32 s21, s3  }
0x9d: {  	[timem:s22], [sflag:s6] =	dma.local [hbm:s5], s4  }
0x9e: {  	_ =	swait.ge [sflag:s6], s4  }
0x9f: {  	s4 =	ssub.s32 $0x0, s4;
	[sflag:s6] =	ssyncset.done $0x0  }
0xa0: {  	[sflag:s6] =	ssyncadd.s32 s4;
	_ =	sdelay $0x1  }
0xa1: {  	s23 =	simm.s32 $0x1B8B  }
0xa2: {  	_ =	swait.ge [sflag:s23], $0x1  }
0xa3: {  	[sflag:s23] =	ssyncset.done $0x0  }
0xa4: {  	[sflag:s23] =	ssyncadd.s32 $0xFFFFFFFF  }
0xa5: {  	s4 =	sld [smem:$0x0]  }
0xa6: {  	s5 =	sand.u32 $0xFFFFFFFE, s1  }
0xa7: {  	p0 =	sne.s32 s1, s5  }
0xa8: {  	s5 =	sshll.u32 @p0 s5, $0xE  }
0xa9: {  	s5 =	sadd.s32 @p0 $0x11B8D, s5;
	s6 =	sshll.u32 @p0 s4, $0x11  }
0xaa: {  	s5 =	sor.u32 @p0 s6, s5  }
0xab: {  	[sflag:s5] =	ssyncadd.remote.s32 @p0 $0x1;
	_ =	sdelay $0x1  }
0xac: {  	s5 =	simm.s32 @p0 $0x1B8D  }
0xad: {  	_ =	swait.eq @p0 [sflag:s5], $0x1  }
0xae: {  	[sflag:s5] =	ssyncadd.s32 @p0 $0xFFFFFFFF  }
0xaf: {  	s6 =	sshll.u32 @!p0 s1, $0xE  }
0xb0: {  	s6 =	sor.u32 @!p0 $0x4000, s6;
	s5 =	simm.s32 @!p0 $0x1B8D  }
0xb1: {  	s4 =	sshll.u32 @!p0 s4, $0x11;
	s6 =	sadd.s32 @!p0 $0x11B8D, s6;
	_ =	swait.eq @!p0 [sflag:s5], $0x1  }
0xb2: {  	s4 =	sor.u32 @!p0 s4, s6;
	[sflag:s5] =	ssyncadd.s32 @!p0 $0xFFFFFFFF  }
0xb3: {  	s25 =	simm.s32 $0x1B8E;
	s24 =	sld [smem:$0x3FFE];
	[sflag:s4] =	ssyncadd.remote.s32 @!p0 $0x1  }
0xb4: {  	s26 =	simm.s32 $execute0_lowered;
	[smem:$0x3FD2] =	sst s25  }
0xb5: {  	s5 =	sshll.u32 s26, $0x1;
	_ =	strace $0x80000049;
	[dreg:$0x1] =	wrdreg $0xFFFFFFFF  }
0xb6: {  	s28 =	simm.s32 $_size_execute0_lowered;
	s3 =	sadd.s32 s3, s5;
	[dreg:$0x0] =	wrdreg $0x0  }
0xb7: {  	s5 =	sshll.u32 s28, $0x1;
	[dreg:$0x2] =	wrdreg s3  }
0xb8: {  	[dreg:$0x3] =	wrdreg s5  }
0xb9: {  	[dreg:$0x4] =	wrdreg $0xC0  }
0xba: {  	_ =	task [dreg:s22], $0x5FFFF  }
0xbb: {  	[dreg:$0x1] =	wrdreg $0xFFFFFFFF  }
0xbc: {  	[dreg:$0x0] =	wrdreg $0x60  }
0xbd: {  	[dreg:$0x2] =	wrdreg s24  }
0xbe: {  	[dreg:$0x3] =	wrdreg $0x0  }
0xbf: {  	[dreg:$0x4] =	wrdreg $0x9  }
0xc0: {  	_ =	task.clear_ibuf [dreg:s22], $0x5FFFF;
	_ =	strace $0x90000049  }
0xc1: {  	s29 =	simm.s32 $0x9;
	_ =	strace $0x8000004B  }
0xc2: {  	_ =	swait.ge [sflag:s29], $0x1  }
0xc3: {  	[sflag:s29] =	ssyncadd.s32 $0xFFFFFFFF  }
0xc4: {  	_ =	strace $0x9000004B  }
0xc5: {  	_ =	sfence  }
0xc6: {  	s30 =	sld [smem:$0x0];
	_ =	sdelay $0x2  }
0xc7: {  	s31 =	sshll.u32 s1, $0xD;
	s1 =	sshrl.u32 s1, $0x2  }
0xc8: {  	s4 =	sand.u32 $0x4000, s31;
	s1 =	sadd.s32 s1, s30  }
0xc9: {  	s0 =	sor.u32 s4, s0;
	s1 =	sshll.u32 s1, $0x11  }
0xca: {  	s0 =	sor.u32 s1, s0  }
0xcb: {  	s0 =	sadd.s32 $0x8F2B, s0  }
0xcc: {  	[sflag:s0] =	ssyncadd.remote.s32 $0x1  }
0xcd: {  	_ =	sfence.sel $0xFFFF  }
0xce: {  	[dreg:$0x0] =	wrdreg $0xFFFFFFFF;
	(pc) =	sbr.abs _section_cstart, $3  }
0xcf: {  	[dreg:$0x1] =	wrdreg $0xFFFFFFFF  }
0xd0: {  	_ =	task.clear_ibuf [dreg:s22], $0x2FFFF;
	_ =	strace $0x9FFFFFFF  }
0xd1: {  	(tm) =	ssettm $0x7FFFFFFF  }
tec
execute0_lowered:
.L_overlay_start_1:
0x0: {  	(tag) =	ssettag $0x1  }
0x1: {  	s4 =	rddreg [dreg:$0x0]  }
0x2: {  	s0 =	srdreg.scid;
	s2 =	rddreg [dreg:$0x1]  }
0x3: {  	s1 =	rddreg [dreg:$0x2];
	s3 =	simm.s32 $0x0;
	s5 =	sand.u32 $0x1, s0  }
0x4: {  	s11 =	simm.s32 $0x14100;
	s0 =	stileid.u32;
	s6 =	smul.u32 $0x13880, s5  }
0x5: {  	s12 =	simm.s32 $0x1;
	s13 =	simm.s32 $0x14000;
	s7 =	smul.u32 $0x1388, s0  }
0x6: {  	s14 =	simm.s32 $0xC8;
	[smem:$0x7FF] =	sst s3;
	s8 =	smul.u32 $0x280, s0  }
0x7: {  	s17 =	simm.s32 $0x0;
	s26 =	smul.u32 $0x2800, s5;
	_ =	strace $0x8000004A  }
0x8: {  	s5 =	ssub.s32 $0x2, s5;
	s28 =	smul.u32 $0x50000, s0;
	s15 =	sshll.u32 s0, $0x6  }
0x9: {  	s30 =	sshrl.u32 s5, $0x1;
	s6 =	sadd.s32 s7, s6;
	s7 =	sadd.s32 s8, s26  }
0xa: {  	s15 =	sor.u32 $0x1C01, s15;
	s6 =	sshrl.u32 s6, $0x3;
	s29 =	sshll.u32 s7, $0x4  }
0xb: {  	s31 =	sshrl.u32 s28, $0x2;
	s10 =	sadd.s32 s6, s4;
	s6 =	sadd.s32 s29, s4  }
0xc: {  	s7 =	ssub.s32 s5, s30;
	s4 =	sadd.s32 s31, s2;
	s5 =	sadd.s32 $0x84DA00, s6  }
0xd: {  	s6 =	smax.u32 s7, $0x1;
	s7 =	sadd.s32 $0x5000, s4;
	s8 =	sadd.s32 $0xA000, s4  }
0xe: {  	v0 =	vimm.f32 $0.0e+00;
	v1 =	vimm.f32 $1.000000000e+00;
	s9 =	sadd.s32 $0xF000, s4;
	s10 =	sadd.s32 $0x4600, s10;
	s16 =	sshrl.u32 s4, $0x3  }
.LBB2_1:
0xf: {  	s18 =	simm.s32 $0x0;
	s19 =	simm.s32 $0x200  }
.LBB2_2:
0x10: {  	p0 =	sne.s32 s19, $0x18E00;
	[tilespmem:s18+$0x14170] =	vst v0  }
0x11: {  	[tilespmem:s18+$0x14100] =	vst v0  }
0x12: {  	[tilespmem:s18+$0x14110] =	vst v0  }
.Ltmp0:
0x13: {  	[tilespmem:s18+$0x14120] =	vst v0;
	(pc) =	sbr.rel @p0 .LBB2_2-.Ltmp0, $4  }
0x14: {  	[tilespmem:s18+$0x14130] =	vst v0  }
0x15: {  	[tilespmem:s18+$0x14140] =	vst v0  }
0x16: {  	[tilespmem:s18+$0x14150] =	vst v0  }
0x17: {  	[tilespmem:s18+$0x14160] =	vst v0;
	s18 =	sshra.s32 s19, $0x2;
	s19 =	sadd.s32 $0x200, s19  }
0x18: {  	[tilespmem:s18+$0x14170] =	vst v0  }
0x19: {  	[tilespmem:s18+$0x14100] =	vst v0  }
0x1a: {  	[tilespmem:s18+$0x14110] =	vst v0  }
0x1b: {  	[tilespmem:s18+$0x14120] =	vst v0  }
0x1c: {  	[tilespmem:s18+$0x14130] =	vst v0  }
0x1d: {  	[tilespmem:s18+$0x14140] =	vst v0  }
0x1e: {  	[tilespmem:s18+$0x14150] =	vst v0  }
0x1f: {  	[tilespmem:s18+$0x14160] =	vst v0  }
0x20: {  	[spmem:s4] =	stream.linear.scatter [tilespmem:s11], [sflag:$0x1], $0x5000, $0x38;
	[tilespmem:$0x1A500] =	vst v63  }
0x21: {  	_ =	swait.ge [sflag:s12], $0x5000  }
0x22: {  	[sflag:s12] =	ssyncset.done $0x0  }
0x23: {  	[sflag:s12] =	ssyncadd.s32 $0xFFFFB000  }
0x24: {  	[spmem:s7] =	stream.linear.scatter [tilespmem:s11], [sflag:$0x1], $0x5000, $0x38;
	[tilespmem:$0x1A500] =	vst v63  }
0x25: {  	_ =	swait.ge [sflag:s12], $0x5000  }
0x26: {  	[sflag:s12] =	ssyncset.done $0x0  }
0x27: {  	[sflag:s12] =	ssyncadd.s32 $0xFFFFB000  }
0x28: {  	[spmem:s8] =	stream.linear.scatter [tilespmem:s11], [sflag:$0x1], $0x5000, $0x38;
	[tilespmem:$0x1A500] =	vst v63  }
0x29: {  	_ =	swait.ge [sflag:s12], $0x5000  }
0x2a: {  	[sflag:s12] =	ssyncset.done $0x0  }
0x2b: {  	[sflag:s12] =	ssyncadd.s32 $0xFFFFB000  }
0x2c: {  	[spmem:s9] =	stream.linear.scatter [tilespmem:s11], [sflag:$0x1], $0x5000, $0x38;
	[tilespmem:$0x1A500] =	vst v63  }
0x2d: {  	_ =	swait.ge [sflag:s12], $0x5000  }
0x2e: {  	[sflag:s12] =	ssyncset.done $0x0  }
0x2f: {  	s18 =	simm.s32 $0x0;
	s19 =	simm.s32 $0x200;
	[sflag:s12] =	ssyncadd.s32 $0xFFFFB000  }
.LBB2_4:
0x30: {  	p0 =	sne.s32 s19, $0x18E00;
	[tilespmem:s18+$0x14170] =	vst v1  }
0x31: {  	[tilespmem:s18+$0x14100] =	vst v1  }
0x32: {  	[tilespmem:s18+$0x14110] =	vst v1  }
.Ltmp1:
0x33: {  	[tilespmem:s18+$0x14120] =	vst v1;
	(pc) =	sbr.rel @p0 .LBB2_4-.Ltmp1, $4  }
0x34: {  	[tilespmem:s18+$0x14130] =	vst v1  }
0x35: {  	[tilespmem:s18+$0x14140] =	vst v1  }
0x36: {  	[tilespmem:s18+$0x14150] =	vst v1  }
0x37: {  	[tilespmem:s18+$0x14160] =	vst v1;
	s18 =	sshra.s32 s19, $0x2;
	s19 =	sadd.s32 $0x200, s19  }
0x38: {  	[tilespmem:s18+$0x14170] =	vst v1  }
0x39: {  	[tilespmem:s18+$0x14100] =	vst v1  }
0x3a: {  	[tilespmem:s18+$0x14110] =	vst v1  }
0x3b: {  	[tilespmem:s18+$0x14120] =	vst v1  }
0x3c: {  	[tilespmem:s18+$0x14130] =	vst v1  }
0x3d: {  	[tilespmem:s18+$0x14140] =	vst v1  }
0x3e: {  	[tilespmem:s18+$0x14150] =	vst v1  }
0x3f: {  	[tilespmem:s18+$0x14160] =	vst v1  }
0x40: {  	s31 =	sadd.s32 $0x0, s10;
	[bflag:$0x0] =	sbarrier.arrive $0xFFFF  }
0x41: {  	[tilespmem:s13], [sflag:$0x1] =	stream.linear.gather [hbm4b:s31+s3], $0xC8, $0x38;
	[tilespmem:$0x1A500] =	vst v63  }
0x42: {  	_ =	swait.ge [sflag:s12], $0xC8  }
0x43: {  	[sflag:s12] =	ssyncset.done $0x0  }
0x44: {  	[sflag:s12] =	ssyncadd.s32 $0xFFFFFF38  }
0x45: {  	[spmem:s2] =	stream.indirect.scatter.add.f32 [tilespmem:s11], [sflag:$0x1], $0x80, s13, s14, $0xb8;
	[tilespmem:$0x1A500] =	vst v63  }
0x46: {  	_ =	swait.ge [sflag:s12], $0x6400  }
0x47: {  	s18 =	simm.s32 $0x19;
	s19 =	simm.s32 $0x32;
	[sflag:s12] =	ssyncset.done $0x0  }
.LBB2_6:
0x48: {  	s20 =	sadd.s32 s18, s10  }
0x49: {  	[sflag:s12] =	ssyncadd.s32 $0xFFFF9C00;
	s18 =	smov.u32 s19;
	s21 =	sadd.s32 $0x19, s19  }
0x4a: {  	[tilespmem:s13], [sflag:$0x1] =	stream.linear.gather [hbm4b:s20+s3], $0xC8, $0x38;
	[tilespmem:$0x1A500] =	vst v63  }
0x4b: {  	p0 =	sne.s32 s19, $0x258;
	_ =	swait.ge [sflag:s12], $0xC8  }
.Ltmp2:
0x4c: {  	[sflag:s12] =	ssyncset.done $0x0;
	(pc) =	sbr.rel @p0 .LBB2_6-.Ltmp2, $4  }
0x4d: {  	[sflag:s12] =	ssyncadd.s32 $0xFFFFFF38  }
0x4e: {  	[spmem:s2] =	stream.indirect.scatter.add.f32 [tilespmem:s11], [sflag:$0x1], $0x80, s13, s14, $0xb8;
	[tilespmem:$0x1A500] =	vst v63  }
0x4f: {  	_ =	swait.ge [sflag:s12], $0x6400  }
0x50: {  	s19 =	smov.u32 s21;
	[sflag:s12] =	ssyncset.done $0x0  }
0x51: {  	s18 =	sadd.s32 s18, s10;
	[sflag:s12] =	ssyncadd.s32 $0xFFFF9C00  }
0x52: {  	[tilespmem:s13], [sflag:$0x1] =	stream.linear.gather [hbm4b:s18+s3], $0xC8, $0x38;
	[tilespmem:$0x1A500] =	vst v63  }
0x53: {  	_ =	swait.ge [sflag:s12], $0xC8  }
0x54: {  	[sflag:s12] =	ssyncset.done $0x0  }
0x55: {  	[sflag:s12] =	ssyncadd.s32 $0xFFFFFF38  }
0x56: {  	[spmem:s2] =	stream.indirect.scatter.add.f32 [tilespmem:s11], [sflag:$0x1], $0x80, s13, s14, $0xb8;
	[tilespmem:$0x1A500] =	vst v63  }
0x57: {  	_ =	swait.ge [sflag:s12], $0x6400  }
0x58: {  	s17 =	sadd.s32 $0x1, s17;
	[sflag:s12] =	ssyncset.done $0x0  }
0x59: {  	p0 =	sne.s32 s17, s6;
	[sflag:s12] =	ssyncadd.s32 $0xFFFF9C00  }
.Ltmp3:
0x5a: {  	[bflag:$0x0] =	sbarrier.arrive $0xFFFF;
	(pc) =	sbr.rel @p0 .LBB2_1-.Ltmp3, $4  }
0x5b: {  	[hbm:s5], [sflag:s15] =	dma.local [spmem:s16], $0x2800  }
0x5c: {  	_ =	swait.ge [sflag:s12], $0x2800  }
0x5d: {  	[sflag:s12] =	ssyncset.done $0x0  }
0x5e: {  	[sflag:s12] =	ssyncadd.s32 $0xFFFFD800  }
0x5f: {  	_ =	sfence.sel $0x180000  }
0x60: {  	[bflag:$0x0] =	sbarrier.arrive $0xFFFF  }
0x61: {  	p0 =	sne.s32 s0, $0x0;
	_ =	strace $0x9000004A  }
0x62: {  	s0 =	sadd.s32 @!p0 $0x100000, s1;
	[bflag:$0x2] =	sbarrier.arrive $0xFFFF  }
0x63: {  	[sflag:s0] =	ssyncadd.tile.s32 @!p0 $0x1;
	_ =	shalt  }
.Lfunc_end2:
_tile_overlayer_lowered:
.L_overlay_start_2:
0x64: {  	(tag) =	ssettag $0x2  }
0x65: {  	s0 =	rddreg [dreg:$0x0];
	s2 =	stileid.u32  }
0x66: {  	s1 =	rddreg [dreg:$0x1];
	p0 =	sne.s32 s2, $0x0  }
0x67: {  	s3 =	rddreg [dreg:$0x2];
	[bflag:$0x3] =	sbarrier.arrive $0xFFFF;
	s2 =	simm.s32 @!p0 $0x1C01  }
0x68: {  	[timem:s3], [sflag:s2] =	dma.local @!p0 [hbm:s0], s1  }
0x69: {  	s0 =	simm.s32 @!p0 $0x1  }
0x6a: {  	_ =	swait.ge @!p0 [sflag:s0], s1  }
0x6b: {  	s1 =	ssub.s32 @!p0 $0x0, s1;
	[sflag:s0] =	ssyncset.done @!p0 $0x0  }
0x6c: {  	[sflag:s0] =	ssyncadd.s32 @!p0 s1  }
0x6d: {  	[bflag:$0x3] =	sbarrier.arrive $0xFFFF  }
0x6e: {  	_ =	shalt  }

// kernel: kernel.19.cloned.1.call-start
scs
__scs_entry_jumppad:
0x0: {  	(pc) =	sbr.rel $0x88, $3  }
0x1: {  	(tag) =	ssettag $0x0;
	lr =	simm.s32 $0x1  }
0x2: {  	[smem:$0x3F8F] =	sst lr;
	_ =	strace $0xD0000000  }
0x3: {  	_ = 	snop  }
0x4: {  	_ = 	snop  }
0x5: {  	_ = 	snop  }
0x6: {  	_ = 	snop  }
0x7: {  	_ = 	snop  }
__scs_overlays_trampoline_lowered:
0x8: {  	[smem:$0x3F9E] =	sst s0  }
0x9: {  	[smem:$0x3F9F] =	sst s1  }
0xa: {  	[smem:$0x3FA0] =	sst s2  }
0xb: {  	[smem:$0x3FA1] =	sst s3  }
0xc: {  	[smem:$0x3FA2] =	sst s4  }
0xd: {  	[smem:$0x3FA3] =	sst s5  }
0xe: {  	[smem:$0x3FA4] =	sst s6  }
0xf: {  	[smem:$0x3FA5] =	sst s7  }
0x10: {  	[smem:$0x3FA6] =	sst s8  }
0x11: {  	[smem:$0x3FA7] =	sst s9;
	s0 =	simm.s32 @!p0 $0x0  }
0x12: {  	s1 =	sld [smem:$0x3F8D];
	s0 =	simm.s32 @p0 $0x1  }
0x13: {  	[smem:$0x3FA8] =	sst s0;
	s0 =	simm.s32 @!p1 $0x0  }
0x14: {  	s2 =	sld [smem:$0x3F8C];
	s0 =	simm.s32 @p1 $0x1  }
0x15: {  	[smem:$0x3FA9] =	sst s0;
	s0 =	simm.s32 @!p2 $0x0  }
0x16: {  	s3 =	sld [smem:$0x3FDB];
	s0 =	simm.s32 @p2 $0x1  }
0x17: {  	s4 =	simm.s32 $0x1BF5;
	[smem:$0x3FAB] =	sst s0  }
0x18: {  	s0 =	sld [smem:$0x3F8E];
	_ =	swait.ge [sflag:s4], $0x0  }
0x19: {  	s7 =	sld [smem:$0x3F8F]  }
0x1a: {  	s8 =	sadd.s32 $0xFFFFE003, lr  }
0x1b: {  	s9 =	sadd.s32 $0xFFFFFEF7, lr;
	s5 =	simm.s32 $0xFFFFFFFF;
	p2 =	slt.u32 s8, $0xFFFFF086  }
0x1c: {  	p1 =	slt.u32 s9, $0xF7A;
	s5 =	simm.s32 @!p2 $0x0  }
0x1d: {  	s5 =	simm.s32 @p1 $0x1;
	p0 =	seq.s32 s7, s2  }
0x1e: {  	s7 =	smul.u32 @!p0 $0xF7A, s2;
	p2 =	seq.s32 @!p0 s5, $0x0  }
0x1f: {  	s9 =	smul.u32 $0xF7A, s1;
	s8 =	simm.s32 @!p0 $0x1BF5;
	p2 =	por !p2, p0  }
0x20: {  	[sflag:s8] =	ssyncset.s32 @!p0 $0xFFFFF086;
	s6 =	sadd.s32 @!p0 s3, s7;
	s7 =	simm.s32 @!p0 $0x108  }
0x21: {  	s3 =	sadd.s32 s3, s9;
	s6 =	sadd.s32 @!p0 $0x88, s6;
	s7 =	simm.s32 @p2 $0x1082  }
0x22: {  	[simem:s7], [sflag:s8] =	dma.local @!p0 [hbm:s6], $0xF7A  }
0x23: {  	s9 =	sor.u32 $0xD0000000, s2;
	s6 =	simm.s32 $0x108;
	_ =	swait.ge @!p0 [sflag:s8], $0x0  }
0x24: {  	s3 =	sadd.s32 $0x88, s3;
	s6 =	simm.s32 @!p1 $0x1082;
	[sflag:s4] =	ssyncset.s32 $0xFFFFF086  }
0x25: {  	[simem:s6], [sflag:s4] =	dma.local [hbm:s3], $0xF7A  }
0x26: {  	[smem:$0x3F8F] =	sst s1;
	(tag) =	ssettag s2;
	_ =	strace s9  }
0x27: {  	s1 =	sld [smem:$0x3F9F]  }
0x28: {  	s2 =	sld [smem:$0x3FA0]  }
0x29: {  	s4 =	sld [smem:$0x3FA2]  }
0x2a: {  	p0 =	seq.s32 s5, $0x0;
	s5 =	sld [smem:$0x3FA3]  }
0x2b: {  	s6 =	sld [smem:$0x3FA4]  }
0x2c: {  	s7 =	sld [smem:$0x3FA5]  }
0x2d: {  	s3 =	simm.s32 $0x108;
	s8 =	sld [smem:$0x3FA6]  }
0x2e: {  	s3 =	simm.s32 @!p0 $0x1082;
	s9 =	sld [smem:$0x3FA7]  }
0x2f: {  	lr =	sadd.s32 s0, s3;
	s0 =	sld [smem:$0x3F9E]  }
0x30: {  	s3 =	sld [smem:$0x3FA1]  }
0x31: {  	[smem:$0x3FAA] =	sst s10  }
0x32: {  	s10 =	sld [smem:$0x3FA8];
	_ =	sdelay $0x3  }
0x33: {  	p0 =	seq.s32 s10, $0x1;
	s10 =	sld [smem:$0x3FAA];
	_ =	sdelay $0x3  }
0x34: {  	[smem:$0x3FAA] =	sst s10  }
0x35: {  	s10 =	sld [smem:$0x3FA9];
	_ =	sdelay $0x3  }
0x36: {  	p1 =	seq.s32 s10, $0x1;
	s10 =	sld [smem:$0x3FAA];
	_ =	sdelay $0x3  }
0x37: {  	[smem:$0x3FAA] =	sst s10  }
0x38: {  	s10 =	sld [smem:$0x3FAB]  }
0x39: {  	_ = 	snop;
	(pc) =	sbr.ind lr, $3  }
0x3a: {  	_ = 	snop  }
0x3b: {  	_ = 	snop  }
0x3c: {  	p2 =	seq.s32 s10, $0x1;
	s10 =	sld [smem:$0x3FAA]  }
0x3d: {  	_ =	shalt  }
0x3e: {  	_ =	shalt  }
0x3f: {  	_ =	shalt  }
0x40: {  	_ =	shalt  }
0x41: {  	_ =	shalt  }
0x42: {  	_ =	shalt  }
0x43: {  	_ =	shalt  }
0x44: {  	_ =	shalt  }
0x45: {  	_ =	shalt  }
0x46: {  	_ =	shalt  }
0x47: {  	_ =	shalt  }
0x48: {  	_ =	shalt  }
0x49: {  	_ =	shalt  }
0x4a: {  	_ =	shalt  }
0x4b: {  	_ =	shalt  }
0x4c: {  	_ =	shalt  }
0x4d: {  	_ =	shalt  }
0x4e: {  	_ =	shalt  }
0x4f: {  	_ =	shalt  }
0x50: {  	_ =	shalt  }
0x51: {  	_ =	shalt  }
0x52: {  	_ =	shalt  }
0x53: {  	_ =	shalt  }
0x54: {  	_ =	shalt  }
0x55: {  	_ =	shalt  }
0x56: {  	_ =	shalt  }
0x57: {  	_ =	shalt  }
0x58: {  	_ =	shalt  }
0x59: {  	_ =	shalt  }
0x5a: {  	_ =	shalt  }
0x5b: {  	_ =	shalt  }
0x5c: {  	_ =	shalt  }
0x5d: {  	_ =	shalt  }
0x5e: {  	_ =	shalt  }
0x5f: {  	_ =	shalt  }
0x60: {  	_ =	shalt  }
0x61: {  	_ =	shalt  }
0x62: {  	_ =	shalt  }
0x63: {  	_ =	shalt  }
0x64: {  	_ =	shalt  }
0x65: {  	_ =	shalt  }
0x66: {  	_ =	shalt  }
0x67: {  	_ =	shalt  }
0x68: {  	_ =	shalt  }
0x69: {  	_ =	shalt  }
0x6a: {  	_ =	shalt  }
0x6b: {  	_ =	shalt  }
0x6c: {  	_ =	shalt  }
0x6d: {  	_ =	shalt  }
0x6e: {  	_ =	shalt  }
0x6f: {  	_ =	shalt  }
0x70: {  	_ =	shalt  }
0x71: {  	_ =	shalt  }
0x72: {  	_ =	shalt  }
0x73: {  	_ =	shalt  }
0x74: {  	_ =	shalt  }
0x75: {  	_ =	shalt  }
0x76: {  	_ =	shalt  }
0x77: {  	_ =	shalt  }
0x78: {  	_ =	shalt  }
0x79: {  	_ =	shalt  }
0x7a: {  	_ =	shalt  }
0x7b: {  	_ =	shalt  }
0x7c: {  	_ =	shalt  }
0x7d: {  	_ =	shalt  }
0x7e: {  	_ =	shalt  }
0x7f: {  	_ =	shalt  }
0x80: {  	_ =	shalt  }
0x81: {  	_ =	shalt  }
0x82: {  	_ =	shalt  }
0x83: {  	_ =	shalt  }
0x84: {  	_ =	shalt  }
0x85: {  	_ =	shalt  }
0x86: {  	_ =	shalt  }
0x87: {  	_ =	shalt  }
.Lfunc_end0:
.L_simem_size_0:
called_computation.1_lowered:
.L_overlay_start_0:
0x88: {  	s2 =	sld [smem:$0x3FD9]  }
0x89: {  	s3 =	sld [smem:$0x3FFE];
	_ =	sdelay $0x1  }
0x8a: {  	s1 =	srdreg.scid  }
0x8b: {  	s0 =	sand.u32 $0x1, s1  }
0x8c: {  	s16 =	sshll.u32 s0, $0xA;
	s2 =	sadd.s32 s3, s2  }
0x8d: {  	s2 =	sadd.s32 s2, s16  }
0x8e: {  	[smem:$0x3FB6] =	sst s2  }
0x8f: {  	_ = 	snop  }
0x90: {  	(tm) =	ssettm $0x1  }
0x91: {  	s17 =	sld [smem:$0x3FFB];
	_ =	sdelay $0x3  }
0x92: {  	_ =	strace s17  }
0x93: {  	s2 =	sld [smem:$0x3FFC];
	_ =	sdelay $0x3  }
0x94: {  	_ =	strace s2  }
0x95: {  	s2 =	sld [smem:$0x3FFD];
	_ =	sdelay $0x3  }
0x96: {  	_ =	strace s2  }
0x97: {  	_ =	strace $0x8FFFFFFF  }
0x98: {  	s18 =	sld [smem:$0x3FDB];
	_ =	sdelay $0x1  }
0x99: {  	s19 =	simm.s32 $_scs_section_size  }
0x9a: {  	s4 =	simm.s32 $_size__tile_overlayer_lowered;
	s5 =	simm.s32 $_tile_overlayer_lowered  }
0x9b: {  	s22 =	simm.s32 $0x1BFF;
	s21 =	sshll.u32 s5, $0x1;
	s2 =	sadd.s32 s19, s18  }
0x9c: {  	s6 =	simm.s32 $0x0;
	s20 =	sshll.u32 s4, $0x1;
	s4 =	sadd.s32 s21, s2  }
0x9d: {  	[timem:s6], [sflag:s22] =	dma.local [hbm:s4], s20  }
0x9e: {  	_ =	swait.ge [sflag:s22], s20  }
0x9f: {  	s3 =	ssub.s32 $0x0, s20;
	[sflag:s22] =	ssyncset.done $0x0  }
0xa0: {  	[sflag:s22] =	ssyncadd.s32 s3;
	_ =	sdelay $0x1  }
0xa1: {  	s23 =	simm.s32 $0x1B8B  }
0xa2: {  	_ =	swait.ge [sflag:s23], $0x1  }
0xa3: {  	[sflag:s23] =	ssyncset.done $0x0  }
0xa4: {  	s25 =	simm.s32 $0x1B8E;
	s24 =	sld [smem:$0x3FFE];
	[sflag:s23] =	ssyncadd.s32 $0xFFFFFFFF  }
0xa5: {  	s26 =	simm.s32 $execute0_lowered;
	[smem:$0x3FD2] =	sst s25  }
0xa6: {  	s4 =	sshll.u32 s26, $0x1;
	_ =	strace $0x80000046;
	[dreg:$0x1] =	wrdreg $0xFFFFFFFF  }
0xa7: {  	s28 =	simm.s32 $_size_execute0_lowered;
	s2 =	sadd.s32 s2, s4;
	[dreg:$0x0] =	wrdreg $0x0  }
0xa8: {  	s4 =	sshll.u32 s28, $0x1;
	[dreg:$0x2] =	wrdreg s2  }
0xa9: {  	[dreg:$0x3] =	wrdreg s4  }
0xaa: {  	[dreg:$0x4] =	wrdreg $0xC0  }
0xab: {  	_ =	task [dreg:s6], $0x5FFFF  }
0xac: {  	[dreg:$0x1] =	wrdreg $0xFFFFFFFF  }
0xad: {  	[dreg:$0x0] =	wrdreg $0x60  }
0xae: {  	[dreg:$0x2] =	wrdreg s24  }
0xaf: {  	[dreg:$0x3] =	wrdreg $0x0  }
0xb0: {  	[dreg:$0x4] =	wrdreg $0xA  }
0xb1: {  	_ =	task.clear_ibuf [dreg:s6], $0x5FFFF;
	_ =	strace $0x90000046  }
0xb2: {  	s29 =	simm.s32 $0xA;
	_ =	strace $0x80000048  }
0xb3: {  	_ =	swait.ge [sflag:s29], $0x1  }
0xb4: {  	[sflag:s29] =	ssyncadd.s32 $0xFFFFFFFF  }
0xb5: {  	_ =	strace $0x90000048  }
0xb6: {  	_ =	sfence  }
0xb7: {  	s30 =	sld [smem:$0x0];
	_ =	sdelay $0x2  }
0xb8: {  	s31 =	sshll.u32 s1, $0xD;
	s1 =	sshrl.u32 s1, $0x2  }
0xb9: {  	s3 =	sand.u32 $0x4000, s31;
	s1 =	sadd.s32 s1, s30  }
0xba: {  	s0 =	sor.u32 s3, s0;
	s1 =	sshll.u32 s1, $0x11  }
0xbb: {  	s0 =	sor.u32 s1, s0  }
0xbc: {  	s0 =	sadd.s32 $0x8F2B, s0  }
0xbd: {  	[sflag:s0] =	ssyncadd.remote.s32 $0x1  }
0xbe: {  	_ =	sfence.sel $0xFFFF  }
0xbf: {  	[dreg:$0x0] =	wrdreg $0xFFFFFFFF;
	(pc) =	sbr.abs _section_cstart, $3  }
0xc0: {  	[dreg:$0x1] =	wrdreg $0xFFFFFFFF  }
0xc1: {  	_ =	task.clear_ibuf [dreg:s6], $0x2FFFF;
	_ =	strace $0x9FFFFFFF  }
0xc2: {  	(tm) =	ssettm $0x7FFFFFFF  }
0xc3: {  	_ =	shalt  }
tec
execute0_lowered:
.L_overlay_start_1:
0x0: {  	(tag) =	ssettag $0x1  }
0x1: {  	s0 =	rddreg [dreg:$0x0]  }
0x2: {  	s2 =	rddreg [dreg:$0x1];
	s1 =	srdreg.scid  }
0x3: {  	s13 =	stileid.u32;
	s3 =	simm.s32 $0x0;
	s20 =	simm.s32 $0x14200  }
0x4: {  	s21 =	simm.s32 $0x3;
	s22 =	simm.s32 $0x14000;
	s8 =	smul.u32 $0x280, s13  }
0x5: {  	s28 =	simm.s32 $0x16A00;
	s30 =	simm.s32 $0x1;
	s5 =	smul.u32 $0x2710, s13  }
0x6: {  	s31 =	simm.s32 $0x2;
	s1 =	sand.u32 $0x1, s1;
	s13 =	smul.u32 $0x50000, s13  }
0x7: {  	[smem:$0x7FF] =	sst s3;
	s4 =	sadd.s32 $0x9600, s0;
	s9 =	smul.u32 $0x2800, s1  }
0x8: {  	s6 =	sadd.s32 $0x4600, s0;
	s7 =	sadd.s32 $0x27F600, s0;
	s11 =	smul.u32 $0x4E20, s1  }
0x9: {  	_ =	strace $0x80000047;
	s23 =	ssub.s32 $0x2, s1;
	s1 =	smul.u32 $0x27100, s1  }
0xa: {  	s12 =	sshrl.u32 s23, $0x1;
	s24 =	sshrl.u32 s13, $0x2;
	s8 =	sadd.s32 s8, s9  }
0xb: {  	s12 =	ssub.s32 s23, s12;
	s29 =	sadd.s32 $0x2710, s11;
	s9 =	sadd.s32 s5, s1  }
0xc: {  	s23 =	simm.s32 $0x14080;
	v0 =	vmov s11;
	s10 =	sshll.u32 s8, $0x4;
	s8 =	sadd.s32 $0x31BA00, s0  }
0xd: {  	s25 =	smax.u32 s12, $0x1;
	[tilespmem:$0x1FFE0] =	vst v0;
	v0 =	vmov s29;
	s29 =	simm.s32 $0x19200;
	s0 =	sadd.s32 s10, s0  }
0xe: {  	s10 =	sadd.s32 s24, s2;
	[dreg:$0x4] =	wrdreg s25;
	s24 =	simm.s32 $0x50  }
0xf: {  	s25 =	simm.s32 $0x14100;
	s0 =	sadd.s32 $0x7FDA00, s0;
	s26 =	sadd.s32 $0x2800, s10  }
0x10: {  	s14 =	sadd.s32 $0x5000, s10;
	s15 =	sadd.s32 $0x7800, s10;
	s16 =	sadd.s32 $0xA000, s10  }
0x11: {  	s17 =	sadd.s32 $0xC800, s10;
	s18 =	sadd.s32 $0xF000, s10;
	[dreg:$0x3] =	wrdreg s0  }
0x12: {  	[tilespmem:$0x1FFF0] =	vst v0;
	v0 =	vimm.f32 $0.0e+00;
	s19 =	sadd.s32 $0x11800, s10;
	[dreg:$0x5] =	wrdreg s26;
	s26 =	simm.s32 $0x14180  }
.LBB2_1:
0x13: {  	s0 =	simm.s32 $0x0;
	s1 =	simm.s32 $0x200  }
.LBB2_2:
0x14: {  	p0 =	sne.s32 s1, $0x9E00;
	[tilespmem:s0+$0x14270] =	vst v0  }
0x15: {  	[tilespmem:s0+$0x14200] =	vst v0  }
0x16: {  	[tilespmem:s0+$0x14210] =	vst v0  }
.Ltmp0:
0x17: {  	[tilespmem:s0+$0x14220] =	vst v0;
	(pc) =	sbr.rel @p0 .LBB2_2-.Ltmp0, $4  }
0x18: {  	[tilespmem:s0+$0x14230] =	vst v0  }
0x19: {  	[tilespmem:s0+$0x14240] =	vst v0  }
0x1a: {  	[tilespmem:s0+$0x14250] =	vst v0  }
0x1b: {  	[tilespmem:s0+$0x14260] =	vst v0;
	s0 =	sshra.s32 s1, $0x2;
	s1 =	sadd.s32 $0x200, s1  }
0x1c: {  	[tilespmem:s0+$0x14270] =	vst v0  }
0x1d: {  	[tilespmem:s0+$0x14200] =	vst v0  }
0x1e: {  	[tilespmem:s0+$0x14210] =	vst v0  }
0x1f: {  	[tilespmem:s0+$0x14220] =	vst v0  }
0x20: {  	[tilespmem:s0+$0x14230] =	vst v0  }
0x21: {  	[tilespmem:s0+$0x14240] =	vst v0  }
0x22: {  	[tilespmem:s0+$0x14250] =	vst v0  }
0x23: {  	[tilespmem:s0+$0x14260] =	vst v0  }
0x24: {  	[spmem:s10] =	stream.linear.scatter [tilespmem:s20], [sflag:$0x3], $0x2800, $0x38;
	[tilespmem:$0x1BA00] =	vst v63  }
0x25: {  	_ =	swait.ge [sflag:s21], $0x2800  }
0x26: {  	[sflag:s21] =	ssyncset.done $0x0  }
0x27: {  	s13 =	rddreg [dreg:$0x5];
	[sflag:s21] =	ssyncadd.s32 $0xFFFFD800  }
0x28: {  	[spmem:s13] =	stream.linear.scatter [tilespmem:s20], [sflag:$0x3], $0x2800, $0x38;
	[tilespmem:$0x1BA00] =	vst v63  }
0x29: {  	_ =	swait.ge [sflag:s21], $0x2800  }
0x2a: {  	[sflag:s21] =	ssyncset.done $0x0  }
0x2b: {  	[sflag:s21] =	ssyncadd.s32 $0xFFFFD800  }
0x2c: {  	[spmem:s14] =	stream.linear.scatter [tilespmem:s20], [sflag:$0x3], $0x2800, $0x38;
	[tilespmem:$0x1BA00] =	vst v63  }
0x2d: {  	_ =	swait.ge [sflag:s21], $0x2800  }
0x2e: {  	[sflag:s21] =	ssyncset.done $0x0  }
0x2f: {  	[sflag:s21] =	ssyncadd.s32 $0xFFFFD800  }
0x30: {  	[spmem:s15] =	stream.linear.scatter [tilespmem:s20], [sflag:$0x3], $0x2800, $0x38;
	[tilespmem:$0x1BA00] =	vst v63  }
0x31: {  	_ =	swait.ge [sflag:s21], $0x2800  }
0x32: {  	[sflag:s21] =	ssyncset.done $0x0  }
0x33: {  	[sflag:s21] =	ssyncadd.s32 $0xFFFFD800  }
0x34: {  	[spmem:s16] =	stream.linear.scatter [tilespmem:s20], [sflag:$0x3], $0x2800, $0x38;
	[tilespmem:$0x1BA00] =	vst v63  }
0x35: {  	_ =	swait.ge [sflag:s21], $0x2800  }
0x36: {  	[sflag:s21] =	ssyncset.done $0x0  }
0x37: {  	[sflag:s21] =	ssyncadd.s32 $0xFFFFD800  }
0x38: {  	[spmem:s17] =	stream.linear.scatter [tilespmem:s20], [sflag:$0x3], $0x2800, $0x38;
	[tilespmem:$0x1BA00] =	vst v63  }
0x39: {  	_ =	swait.ge [sflag:s21], $0x2800  }
0x3a: {  	[sflag:s21] =	ssyncset.done $0x0  }
0x3b: {  	[sflag:s21] =	ssyncadd.s32 $0xFFFFD800  }
0x3c: {  	[spmem:s18] =	stream.linear.scatter [tilespmem:s20], [sflag:$0x3], $0x2800, $0x38;
	[tilespmem:$0x1BA00] =	vst v63  }
0x3d: {  	_ =	swait.ge [sflag:s21], $0x2800  }
0x3e: {  	[sflag:s21] =	ssyncset.done $0x0  }
0x3f: {  	[sflag:s21] =	ssyncadd.s32 $0xFFFFD800  }
0x40: {  	[spmem:s19] =	stream.linear.scatter [tilespmem:s20], [sflag:$0x3], $0x2800, $0x38;
	[tilespmem:$0x1BA00] =	vst v63  }
0x41: {  	_ =	swait.ge [sflag:s21], $0x2800  }
0x42: {  	[sflag:s21] =	ssyncset.done $0x0  }
0x43: {  	[sflag:s21] =	ssyncadd.s32 $0xFFFFD800  }
0x44: {  	s0 =	simm.s32 $0x0;
	s1 =	simm.s32 $0x0;
	[bflag:$0x0] =	sbarrier.arrive $0xFFFF  }
.LBB2_4:
0x45: {  	s11 =	smul.u32 $0x50, s1;
	_ =	sdelay $0x1  }
0x46: {  	s12 =	sadd.s32 s5, s11  }
0x47: {  	s12 =	sshrl.u32 s12, $0x3  }
0x48: {  	s13 =	sadd.s32 s4, s12  }
0x49: {  	[tilespmem:s22], [sflag:$0x3] =	stream.linear.gather [hbm4b:s13+s0], $0x50, $0x38;
	[tilespmem:$0x1BA00] =	vst v63  }
0x4a: {  	_ =	swait.ge [sflag:s21], $0x50  }
0x4b: {  	[sflag:s21] =	ssyncset.done $0x0  }
0x4c: {  	s12 =	sadd.s32 s6, s12;
	[sflag:s21] =	ssyncadd.s32 $0xFFFFFFB0  }
0x4d: {  	[tilespmem:s23], [sflag:$0x3] =	stream.linear.gather [hbm4b:s12+s0], $0x50, $0x38;
	[tilespmem:$0x1BA00] =	vst v63  }
0x4e: {  	_ =	swait.ge [sflag:s21], $0x50  }
0x4f: {  	[sflag:s21] =	ssyncset.done $0x0;
	v0 =	vld [tilespmem:$0x1FFE0]  }
0x50: {  	v1 =	vld [tilespmem:$0x1FFF0];
	[sflag:s21] =	ssyncadd.s32 $0xFFFFFFB0  }
0x51: {  	v3 =	vld [tilespmem:$0x14000]  }
0x52: {  	v4 =	vld [tilespmem:$0x14080]  }
0x53: {  	v5 =	vld [tilespmem:$0x14010]  }
0x54: {  	v6 =	vld [tilespmem:$0x14090]  }
0x55: {  	v7 =	vld [tilespmem:$0x14020]  }
0x56: {  	v8 =	vld [tilespmem:$0x140A0];
	v3 =	vadd.s32 v0, v3  }
0x57: {  	v54 =	vadd.s32 v1, v4;
	v4 =	vld [tilespmem:$0x14030];
	[tilespmem:$0x14100] =	vst v3  }
0x58: {  	v55 =	vadd.s32 v0, v5;
	v5 =	vld [tilespmem:$0x140B0];
	[tilespmem:$0x14180] =	vst v54  }
0x59: {  	v56 =	vadd.s32 v1, v6;
	v6 =	vld [tilespmem:$0x14040];
	[tilespmem:$0x14110] =	vst v55  }
0x5a: {  	v57 =	vadd.s32 v0, v7;
	v7 =	vld [tilespmem:$0x140C0];
	[tilespmem:$0x14190] =	vst v56  }
0x5b: {  	v58 =	vadd.s32 v1, v8;
	[tilespmem:$0x14120] =	vst v57  }
0x5c: {  	[tilespmem:$0x141A0] =	vst v58;
	v59 =	vadd.s32 v0, v4  }
0x5d: {  	v60 =	vadd.s32 v1, v5;
	[tilespmem:$0x14130] =	vst v59  }
0x5e: {  	v61 =	vadd.s32 v0, v6;
	[tilespmem:$0x141B0] =	vst v60  }
0x5f: {  	v62 =	vadd.s32 v1, v7;
	[tilespmem:$0x14140] =	vst v61  }
0x60: {  	s11 =	sadd.s32 s11, s9;
	[tilespmem:$0x141C0] =	vst v62  }
0x61: {  	[tilespmem:s20], [sflag:$0x1] =	stream.indirect.gather [hbm4b:s7+s24], $0x80, s25, s24, $0xb8;
	[tilespmem:$0x1BA00] =	vst v63  }
0x62: {  	s11 =	sshll.u32 s11, $0x4  }
0x63: {  	[tilespmem:s28], [sflag:$0x2] =	stream.indirect.gather [hbm4b:s7+s24], $0x80, s26, s24, $0xb8;
	[tilespmem:$0x1BA00] =	vst v63  }
0x64: {  	s11 =	sadd.s32 s8, s11  }
0x65: {  	[tilespmem:s29], [sflag:$0x3] =	stream.linear.gather [hbm4b:s11+s0], $0x2800, $0x38;
	[tilespmem:$0x1BA00] =	vst v63  }
0x66: {  	_ =	swait.ge [sflag:s21], $0x2800  }
0x67: {  	[sflag:s21] =	ssyncset.done $0x0  }
0x68: {  	[sflag:s21] =	ssyncadd.s32 $0xFFFFD800  }
0x69: {  	_ =	swait.ge [sflag:s30], $0x2800  }
0x6a: {  	[sflag:s30] =	ssyncset.done $0x0  }
0x6b: {  	[sflag:s30] =	ssyncadd.s32 $0xFFFFD800  }
0x6c: {  	_ =	swait.ge [sflag:s31], $0x2800  }
0x6d: {  	[sflag:s31] =	ssyncset.done $0x0  }
0x6e: {  	s11 =	simm.s32 $0x0;
	[sflag:s31] =	ssyncadd.s32 $0xFFFFD800  }
0x6f: {  	v25 =	vld [tilespmem:s11+$0x19200]  }
0x70: {  	v26 =	vld [tilespmem:s11+$0x19210]  }
0x71: {  	v27 =	vld [tilespmem:s11+$0x19220]  }
0x72: {  	v28 =	vld [tilespmem:s11+$0x19230]  }
0x73: {  	v29 =	vld [tilespmem:s11+$0x19240]  }
0x74: {  	v30 =	vld [tilespmem:s11+$0x19250]  }
0x75: {  	v31 =	vld [tilespmem:s11+$0x19260]  }
0x76: {  	v32 =	vld [tilespmem:s11+$0x19270]  }
0x77: {  	v33 =	vld [tilespmem:s11+$0x19280]  }
0x78: {  	v34 =	vld [tilespmem:s11+$0x19290]  }
0x79: {  	v35 =	vld [tilespmem:s11+$0x192A0]  }
0x7a: {  	v36 =	vld [tilespmem:s11+$0x192B0]  }
0x7b: {  	v37 =	vld [tilespmem:s11+$0x192C0]  }
0x7c: {  	v38 =	vld [tilespmem:s11+$0x192D0]  }
0x7d: {  	v39 =	vld [tilespmem:s11+$0x192E0]  }
0x7e: {  	v23 =	vld [tilespmem:s11+$0x192F0]  }
0x7f: {  	v22 =	vld [tilespmem:s11+$0x19300]  }
0x80: {  	v19 =	vld [tilespmem:s11+$0x19310]  }
0x81: {  	v20 =	vld [tilespmem:s11+$0x19320]  }
0x82: {  	v63 =	vld [tilespmem:s11+$0x19330]  }
0x83: {  	v5 =	vld [tilespmem:s11+$0x19340]  }
0x84: {  	v4 =	vld [tilespmem:s11+$0x19350]  }
0x85: {  	v3 =	vld [tilespmem:s11+$0x19360]  }
0x86: {  	v2 =	vld [tilespmem:s11+$0x19370]  }
0x87: {  	v8 =	vld [tilespmem:s11+$0x19380]  }
0x88: {  	v7 =	vld [tilespmem:s11+$0x19390]  }
0x89: {  	v6 =	vld [tilespmem:s11+$0x193A0]  }
0x8a: {  	v40 =	vld [tilespmem:s11+$0x193B0]  }
0x8b: {  	v41 =	vld [tilespmem:s11+$0x193C0]  }
0x8c: {  	v42 =	vld [tilespmem:s11+$0x193D0]  }
0x8d: {  	v43 =	vld [tilespmem:s11+$0x16A30]  }
0x8e: {  	v44 =	vld [tilespmem:s11+$0x16A40]  }
0x8f: {  	v45 =	vld [tilespmem:s11+$0x16A50]  }
0x90: {  	v46 =	vld [tilespmem:s11+$0x16A60]  }
0x91: {  	v47 =	vld [tilespmem:s11+$0x16A70]  }
0x92: {  	v48 =	vld [tilespmem:s11+$0x16A80]  }
0x93: {  	v49 =	vld [tilespmem:s11+$0x16A90]  }
0x94: {  	v50 =	vld [tilespmem:s11+$0x16AA0]  }
0x95: {  	v51 =	vld [tilespmem:s11+$0x16AB0]  }
0x96: {  	v52 =	vld [tilespmem:s11+$0x16AC0]  }
0x97: {  	v53 =	vld [tilespmem:s11+$0x16AD0]  }
0x98: {  	v54 =	vld [tilespmem:s11+$0x16AE0]  }
0x99: {  	v55 =	vld [tilespmem:s11+$0x16AF0]  }
0x9a: {  	v56 =	vld [tilespmem:s11+$0x16B00]  }
0x9b: {  	v57 =	vld [tilespmem:s11+$0x16B10]  }
0x9c: {  	v58 =	vld [tilespmem:s11+$0x16B20]  }
0x9d: {  	v59 =	vld [tilespmem:s11+$0x16B30]  }
0x9e: {  	v60 =	vld [tilespmem:s11+$0x16B40]  }
0x9f: {  	v61 =	vld [tilespmem:s11+$0x16B50]  }
0xa0: {  	v62 =	vld [tilespmem:s11+$0x16B60]  }
0xa1: {  	v1 =	vld [tilespmem:s11+$0x14200]  }
0xa2: {  	v15 =	vld [tilespmem:s11+$0x14220]  }
0xa3: {  	[tilespmem:$0x1FFA0] =	vst v40;
	v40 =	vld [tilespmem:s11+$0x16A00]  }
0xa4: {  	[tilespmem:$0x1FFC0] =	vst v42;
	v42 =	vld [tilespmem:s11+$0x16A20]  }
0xa5: {  	v21 =	vld [tilespmem:s11+$0x16B80]  }
0xa6: {  	v24 =	vld [tilespmem:s11+$0x16B90]  }
0xa7: {  	v0 =	vld [tilespmem:s11+$0x14210]  }
0xa8: {  	[tilespmem:$0x1FFB0] =	vst v41;
	v41 =	vld [tilespmem:s11+$0x16A10]  }
0xa9: {  	v1 =	vadd.f32 v40, v1;
	v40 =	vld [tilespmem:s11+$0x14250];
	v15 =	vadd.f32 v42, v15  }
0xaa: {  	v14 =	vld [tilespmem:s11+$0x16BA0]  }
0xab: {  	v13 =	vld [tilespmem:s11+$0x16BB0];
	v15 =	vadd.f32 v27, v15  }
0xac: {  	v12 =	vld [tilespmem:s11+$0x16BC0]  }
0xad: {  	v17 =	vld [tilespmem:s11+$0x14240];
	v15 =	vmax.f32 v15, $0.0e+00  }
0xae: {  	v0 =	vadd.f32 v41, v0;
	v41 =	vld [tilespmem:s11+$0x14280];
	[tilespmem:s11+$0x14220] =	vst v15;
	v15 =	vadd.f32 v45, v40  }
0xaf: {  	v16 =	vld [tilespmem:s11+$0x14230]  }
0xb0: {  	v11 =	vld [tilespmem:s11+$0x16BD0];
	v15 =	vadd.f32 v30, v15  }
0xb1: {  	v18 =	vld [tilespmem:s11+$0x14260]  }
0xb2: {  	v44 =	vadd.f32 v44, v17;
	v17 =	vld [tilespmem:s11+$0x142B0];
	v15 =	vmax.f32 v15, $0.0e+00  }
0xb3: {  	v1 =	vadd.f32 v25, v1;
	v25 =	vld [tilespmem:s11+$0x14270];
	[tilespmem:s11+$0x14250] =	vst v15;
	v15 =	vadd.f32 v48, v41  }
0xb4: {  	v10 =	vld [tilespmem:s11+$0x16BE0];
	v43 =	vadd.f32 v43, v16;
	v0 =	vadd.f32 v26, v0  }
0xb5: {  	v9 =	vld [tilespmem:s11+$0x16BF0];
	v1 =	vmax.f32 v1, $0.0e+00;
	v15 =	vadd.f32 v33, v15  }
0xb6: {  	v26 =	vld [tilespmem:s11+$0x14290];
	v0 =	vmax.f32 v0, $0.0e+00;
	[tilespmem:s11+$0x14200] =	vst v1;
	v1 =	vadd.f32 v28, v43  }
0xb7: {  	v16 =	vld [tilespmem:s11+$0x142A0];
	v46 =	vadd.f32 v46, v18;
	[tilespmem:s11+$0x14210] =	vst v0;
	v0 =	vadd.f32 v29, v44;
	v15 =	vmax.f32 v15, $0.0e+00  }
0xb8: {  	v1 =	vmax.f32 v1, $0.0e+00;
	v47 =	vadd.f32 v47, v25;
	v25 =	vld [tilespmem:s11+$0x142E0];
	[tilespmem:s11+$0x14280] =	vst v15;
	v15 =	vadd.f32 v51, v17  }
0xb9: {  	v27 =	vld [tilespmem:s11+$0x142C0];
	[tilespmem:s11+$0x14230] =	vst v1;
	v1 =	vadd.f32 v31, v46  }
0xba: {  	v18 =	vld [tilespmem:s11+$0x142D0];
	v0 =	vmax.f32 v0, $0.0e+00;
	v15 =	vadd.f32 v36, v15  }
0xbb: {  	v49 =	vadd.f32 v49, v26;
	v26 =	vld [tilespmem:s11+$0x14300];
	[tilespmem:s11+$0x14240] =	vst v0;
	v0 =	vadd.f32 v32, v47;
	v1 =	vmax.f32 v1, $0.0e+00  }
0xbc: {  	v50 =	vadd.f32 v50, v16;
	v48 =	vld [tilespmem:s11+$0x142F0];
	[tilespmem:s11+$0x14260] =	vst v1;
	v15 =	vmax.f32 v15, $0.0e+00  }
0xbd: {  	v16 =	vld [tilespmem:s11+$0x14310];
	v0 =	vmax.f32 v0, $0.0e+00;
	v1 =	vadd.f32 v34, v49;
	[tilespmem:s11+$0x142B0] =	vst v15;
	v15 =	vadd.f32 v54, v25  }
0xbe: {  	v52 =	vadd.f32 v52, v27;
	[tilespmem:s11+$0x14270] =	vst v0;
	v0 =	vadd.f32 v35, v50;
	v17 =	vld [tilespmem:s11+$0x14320]  }
0xbf: {  	[tilespmem:$0x1FFD0] =	vst v63;
	v63 =	vld [tilespmem:s11+$0x16B70];
	v1 =	vmax.f32 v1, $0.0e+00;
	v15 =	vadd.f32 v39, v15  }
0xc0: {  	v53 =	vadd.f32 v53, v18;
	v18 =	vld [tilespmem:s11+$0x14340];
	[tilespmem:s11+$0x14290] =	vst v1;
	v0 =	vmax.f32 v0, $0.0e+00;
	v1 =	vadd.f32 v37, v52  }
0xc1: {  	v27 =	vld [tilespmem:s11+$0x14330];
	v56 =	vadd.f32 v56, v26;
	[tilespmem:s11+$0x142A0] =	vst v0;
	v54 =	vadd.f32 v55, v48;
	v15 =	vmax.f32 v15, $0.0e+00  }
0xc2: {  	v0 =	vadd.f32 v38, v53;
	v1 =	vmax.f32 v1, $0.0e+00;
	v25 =	vld [tilespmem:s11+$0x14350];
	[tilespmem:s11+$0x142E0] =	vst v15;
	v15 =	vadd.f32 v57, v16  }
0xc3: {  	[tilespmem:s11+$0x142C0] =	vst v1;
	v58 =	vadd.f32 v58, v17;
	v17 =	vld [tilespmem:$0x1FFD0];
	v1 =	vadd.f32 v23, v54  }
0xc4: {  	v0 =	vmax.f32 v0, $0.0e+00;
	v55 =	vld [tilespmem:s11+$0x14360];
	v15 =	vadd.f32 v19, v15  }
0xc5: {  	[tilespmem:s11+$0x142D0] =	vst v0;
	v0 =	vadd.f32 v22, v56;
	v23 =	vld [tilespmem:s11+$0x14370];
	v1 =	vmax.f32 v1, $0.0e+00  }
0xc6: {  	v59 =	vadd.f32 v59, v27;
	v22 =	vld [tilespmem:s11+$0x14390];
	[tilespmem:s11+$0x142F0] =	vst v1;
	v15 =	vmax.f32 v15, $0.0e+00  }
0xc7: {  	v0 =	vmax.f32 v0, $0.0e+00;
	v16 =	vld [tilespmem:s11+$0x14380];
	v1 =	vadd.f32 v20, v58;
	[tilespmem:s11+$0x14310] =	vst v15;
	v15 =	vadd.f32 v60, v18  }
0xc8: {  	[tilespmem:s11+$0x14300] =	vst v0;
	v20 =	vld [tilespmem:s11+$0x143A0];
	v0 =	vadd.f32 v17, v59;
	v61 =	vadd.f32 v61, v25  }
0xc9: {  	v25 =	vadd.f32 v62, v55;
	v17 =	vld [tilespmem:s11+$0x143D0];
	v1 =	vmax.f32 v1, $0.0e+00;
	v15 =	vadd.f32 v5, v15  }
0xca: {  	v19 =	vld [tilespmem:s11+$0x143B0];
	v0 =	vmax.f32 v0, $0.0e+00;
	v62 =	vadd.f32 v4, v61;
	v63 =	vadd.f32 v63, v23;
	[tilespmem:s11+$0x14320] =	vst v1  }
0xcb: {  	v22 =	vadd.f32 v24, v22;
	v23 =	vadd.f32 v3, v25;
	[tilespmem:s11+$0x14330] =	vst v0;
	v18 =	vld [tilespmem:s11+$0x143C0];
	v15 =	vmax.f32 v15, $0.0e+00  }
0xcc: {  	s12 =	simm.s32 $0x800;
	v25 =	vmax.f32 v62, $0.0e+00;
	v16 =	vadd.f32 v21, v16;
	v21 =	vadd.f32 v2, v63;
	[tilespmem:s11+$0x14340] =	vst v15;
	v15 =	vld [tilespmem:s11+$0x143E0]  }
.LBB2_5:
0xcd: {  	v2 =	vld [tilespmem:$0x1FFA0]  }
0xce: {  	v37 =	vld [tilespmem:$0x1FFB0]  }
0xcf: {  	v42 =	vld [tilespmem:$0x1FFC0]  }
0xd0: {  	[tilespmem:s11+$0x14350] =	vst v25;
	v0 =	vmax.f32 v23, $0.0e+00;
	v1 =	vadd.f32 v8, v16;
	v8 =	vadd.f32 v14, v20;
	v14 =	vld [tilespmem:s11+$0x143F0]  }
0xd1: {  	v29 =	vmax.f32 v21, $0.0e+00;
	[tilespmem:s11+$0x14360] =	vst v0;
	v7 =	vadd.f32 v7, v22;
	v13 =	vadd.f32 v13, v19;
	v16 =	vld [tilespmem:s11+$0x193E0]  }
0xd2: {  	s13 =	sshra.s32 s12, $0x2;
	[tilespmem:s11+$0x14370] =	vst v29;
	v30 =	vmax.f32 v1, $0.0e+00;
	v31 =	vadd.f32 v6, v8;
	v6 =	vadd.f32 v12, v18;
	v8 =	vld [tilespmem:s11+$0x193F0]  }
0xd3: {  	v34 =	vld [tilespmem:s13+$0x19200];
	v33 =	vmax.f32 v7, $0.0e+00;
	v5 =	vadd.f32 v2, v13;
	v7 =	vadd.f32 v11, v17;
	[tilespmem:s11+$0x14380] =	vst v30  }
0xd4: {  	v4 =	vadd.f32 v10, v15;
	v36 =	vld [tilespmem:s13+$0x19210];
	[tilespmem:s11+$0x14390] =	vst v33;
	v35 =	vmax.f32 v31, $0.0e+00;
	v1 =	vadd.f32 v37, v6  }
0xd5: {  	v38 =	vmax.f32 v5, $0.0e+00;
	v3 =	vadd.f32 v42, v7;
	v39 =	vld [tilespmem:s13+$0x19220];
	[tilespmem:s11+$0x143A0] =	vst v35;
	v5 =	vadd.f32 v9, v14  }
0xd6: {  	v44 =	vadd.f32 v16, v4;
	v40 =	vld [tilespmem:s13+$0x19230];
	[tilespmem:s11+$0x143B0] =	vst v38;
	v43 =	vmax.f32 v1, $0.0e+00  }
0xd7: {  	v45 =	vmax.f32 v3, $0.0e+00;
	v37 =	vld [tilespmem:s13+$0x19240];
	[tilespmem:s11+$0x143C0] =	vst v43;
	v46 =	vadd.f32 v8, v5  }
0xd8: {  	v47 =	vmax.f32 v44, $0.0e+00;
	v35 =	vld [tilespmem:s13+$0x19250];
	[tilespmem:s11+$0x143D0] =	vst v45  }
0xd9: {  	v33 =	vld [tilespmem:s13+$0x19260];
	[tilespmem:s11+$0x143E0] =	vst v47;
	v48 =	vmax.f32 v46, $0.0e+00  }
0xda: {  	v31 =	vld [tilespmem:s13+$0x19270];
	[tilespmem:s11+$0x143F0] =	vst v48;
	s11 =	smov.u32 s13  }
0xdb: {  	v30 =	vld [tilespmem:s11+$0x19280]  }
0xdc: {  	v29 =	vld [tilespmem:s11+$0x19290]  }
0xdd: {  	v28 =	vld [tilespmem:s11+$0x192A0]  }
0xde: {  	v27 =	vld [tilespmem:s11+$0x192B0]  }
0xdf: {  	v26 =	vld [tilespmem:s11+$0x192C0]  }
0xe0: {  	v25 =	vld [tilespmem:s11+$0x192D0]  }
0xe1: {  	v24 =	vld [tilespmem:s11+$0x192E0]  }
0xe2: {  	v23 =	vld [tilespmem:s11+$0x192F0]  }
0xe3: {  	v22 =	vld [tilespmem:s11+$0x19300]  }
0xe4: {  	v21 =	vld [tilespmem:s11+$0x19310]  }
0xe5: {  	v20 =	vld [tilespmem:s11+$0x19320]  }
0xe6: {  	v19 =	vld [tilespmem:s11+$0x19330]  }
0xe7: {  	v18 =	vld [tilespmem:s11+$0x19340]  }
0xe8: {  	v17 =	vld [tilespmem:s11+$0x19350]  }
0xe9: {  	v16 =	vld [tilespmem:s11+$0x19360]  }
0xea: {  	v15 =	vld [tilespmem:s11+$0x19370]  }
0xeb: {  	v8 =	vld [tilespmem:s11+$0x19380]  }
0xec: {  	v7 =	vld [tilespmem:s11+$0x19390]  }
0xed: {  	v6 =	vld [tilespmem:s11+$0x193A0]  }
0xee: {  	v0 =	vld [tilespmem:s11+$0x193B0]  }
0xef: {  	v49 =	vld [tilespmem:s11+$0x193C0]  }
0xf0: {  	v50 =	vld [tilespmem:s11+$0x193D0]  }
0xf1: {  	v1 =	vld [tilespmem:s11+$0x16A10]  }
0xf2: {  	v51 =	vld [tilespmem:s11+$0x16A40]  }
0xf3: {  	v52 =	vld [tilespmem:s11+$0x16A50]  }
0xf4: {  	v53 =	vld [tilespmem:s11+$0x16A60]  }
0xf5: {  	v54 =	vld [tilespmem:s11+$0x16A70]  }
0xf6: {  	v55 =	vld [tilespmem:s11+$0x16A80]  }
0xf7: {  	v56 =	vld [tilespmem:s11+$0x16A90]  }
0xf8: {  	v57 =	vld [tilespmem:s11+$0x16AA0]  }
0xf9: {  	v58 =	vld [tilespmem:s11+$0x16AB0]  }
0xfa: {  	v59 =	vld [tilespmem:s11+$0x16AC0]  }
0xfb: {  	v60 =	vld [tilespmem:s11+$0x16AD0]  }
0xfc: {  	v61 =	vld [tilespmem:s11+$0x16AE0]  }
0xfd: {  	v62 =	vld [tilespmem:s11+$0x16AF0]  }
0xfe: {  	v48 =	vld [tilespmem:s11+$0x16B00]  }
0xff: {  	v47 =	vld [tilespmem:s11+$0x16B10]  }
0x100: {  	v46 =	vld [tilespmem:s11+$0x16B20]  }
0x101: {  	v45 =	vld [tilespmem:s11+$0x16B30]  }
0x102: {  	v44 =	vld [tilespmem:s11+$0x16B40]  }
0x103: {  	v43 =	vld [tilespmem:s11+$0x16B50]  }
0x104: {  	v42 =	vld [tilespmem:s11+$0x16B60]  }
0x105: {  	v41 =	vld [tilespmem:s11+$0x16B70]  }
0x106: {  	v38 =	vld [tilespmem:s11+$0x16B80]  }
0x107: {  	v32 =	vld [tilespmem:s11+$0x16B90]  }
0x108: {  	v14 =	vld [tilespmem:s11+$0x16BA0]  }
0x109: {  	v13 =	vld [tilespmem:s11+$0x16BB0]  }
0x10a: {  	v12 =	vld [tilespmem:s11+$0x16BC0]  }
0x10b: {  	v11 =	vld [tilespmem:s11+$0x16BD0]  }
0x10c: {  	v63 =	vld [tilespmem:s11+$0x14200]  }
0x10d: {  	v2 =	vld [tilespmem:s11+$0x14210]  }
0x10e: {  	v3 =	vld [tilespmem:s11+$0x14220]  }
0x10f: {  	v4 =	vld [tilespmem:s11+$0x14230]  }
0x110: {  	v5 =	vld [tilespmem:s11+$0x14240]  }
0x111: {  	[tilespmem:$0x1FFA0] =	vst v0;
	v0 =	vld [tilespmem:s11+$0x16A00]  }
0x112: {  	[tilespmem:$0x1FFC0] =	vst v50;
	v50 =	vld [tilespmem:s11+$0x16A30]  }
0x113: {  	[tilespmem:$0x1FFB0] =	vst v49;
	v49 =	vld [tilespmem:s11+$0x16A20];
	v1 =	vadd.f32 v1, v2  }
0x114: {  	v2 =	vld [tilespmem:s11+$0x14260]  }
0x115: {  	v1 =	vadd.f32 v36, v1;
	v36 =	vld [tilespmem:s11+$0x14280]  }
0x116: {  	v0 =	vadd.f32 v0, v63;
	v63 =	vld [tilespmem:s11+$0x14250]  }
0x117: {  	v10 =	vld [tilespmem:s11+$0x16BE0];
	v5 =	vadd.f32 v51, v5;
	v4 =	vadd.f32 v50, v4  }
0x118: {  	v51 =	vmax.f32 v1, $0.0e+00;
	v3 =	vadd.f32 v49, v3;
	v0 =	vadd.f32 v34, v0;
	v34 =	vld [tilespmem:s11+$0x14270]  }
0x119: {  	[tilespmem:s11+$0x14210] =	vst v51;
	v51 =	vadd.f32 v37, v5;
	v49 =	vadd.f32 v40, v4;
	v40 =	vld [tilespmem:s11+$0x142A0]  }
0x11a: {  	v3 =	vadd.f32 v39, v3;
	v39 =	vld [tilespmem:s11+$0x14290];
	v55 =	vadd.f32 v55, v36  }
0x11b: {  	v2 =	vadd.f32 v53, v2;
	v5 =	vld [tilespmem:s11+$0x142B0];
	v0 =	vmax.f32 v0, $0.0e+00;
	v4 =	vadd.f32 v52, v63  }
0x11c: {  	v37 =	vld [tilespmem:s11+$0x142E0];
	v50 =	vmax.f32 v3, $0.0e+00;
	[tilespmem:s11+$0x14200] =	vst v0;
	v52 =	vmax.f32 v49, $0.0e+00;
	v49 =	vadd.f32 v30, v55  }
0x11d: {  	[tilespmem:s11+$0x14220] =	vst v50;
	v53 =	vadd.f32 v35, v4;
	v4 =	vadd.f32 v54, v34;
	v34 =	vld [tilespmem:s11+$0x142C0]  }
0x11e: {  	v2 =	vadd.f32 v33, v2;
	v63 =	vld [tilespmem:s11+$0x142D0];
	[tilespmem:s11+$0x14230] =	vst v52;
	v54 =	vmax.f32 v51, $0.0e+00;
	v50 =	vadd.f32 v57, v40  }
0x11f: {  	v9 =	vld [tilespmem:s11+$0x16BF0];
	[tilespmem:s11+$0x14240] =	vst v54;
	v54 =	vmax.f32 v49, $0.0e+00;
	v36 =	vadd.f32 v31, v4;
	v4 =	vadd.f32 v56, v39  }
0x120: {  	v51 =	vld [tilespmem:s11+$0x142F0];
	v35 =	vmax.f32 v53, $0.0e+00;
	v55 =	vadd.f32 v28, v50;
	[tilespmem:s11+$0x14280] =	vst v54  }
0x121: {  	v39 =	vmax.f32 v2, $0.0e+00;
	[tilespmem:s11+$0x14250] =	vst v35;
	v53 =	vadd.f32 v29, v4;
	v4 =	vadd.f32 v58, v5;
	v5 =	vld [tilespmem:s11+$0x14300]  }
0x122: {  	v57 =	vld [tilespmem:s11+$0x14310];
	v31 =	vadd.f32 v61, v37;
	[tilespmem:s11+$0x14260] =	vst v39;
	v52 =	vmax.f32 v36, $0.0e+00;
	v56 =	vadd.f32 v59, v34  }
0x123: {  	[tilespmem:s11+$0x14270] =	vst v52;
	v58 =	vmax.f32 v53, $0.0e+00;
	v59 =	vadd.f32 v27, v4;
	v4 =	vadd.f32 v60, v63;
	v27 =	vld [tilespmem:s11+$0x14320]  }
0x124: {  	v36 =	vadd.f32 v24, v31;
	v63 =	vmax.f32 v55, $0.0e+00;
	[tilespmem:s11+$0x14290] =	vst v58;
	v29 =	vadd.f32 v26, v56;
	v26 =	vld [tilespmem:s11+$0x14330]  }
0x125: {  	[tilespmem:s11+$0x142A0] =	vst v63;
	v33 =	vmax.f32 v59, $0.0e+00;
	v34 =	vadd.f32 v25, v4;
	v4 =	vadd.f32 v62, v51;
	v25 =	vld [tilespmem:s11+$0x14340]  }
0x126: {  	[tilespmem:s11+$0x142B0] =	vst v33;
	v35 =	vmax.f32 v29, $0.0e+00;
	v37 =	vadd.f32 v48, v5;
	v5 =	vld [tilespmem:s11+$0x14350]  }
0x127: {  	v48 =	vmax.f32 v36, $0.0e+00;
	[tilespmem:s11+$0x142C0] =	vst v35;
	v40 =	vadd.f32 v23, v4;
	v4 =	vadd.f32 v47, v57;
	v23 =	vld [tilespmem:s11+$0x14360]  }
0x128: {  	v39 =	vmax.f32 v34, $0.0e+00;
	[tilespmem:s11+$0x142E0] =	vst v48;
	v49 =	vadd.f32 v22, v37;
	v50 =	vadd.f32 v46, v27;
	v22 =	vld [tilespmem:s11+$0x14370]  }
0x129: {  	v24 =	vld [tilespmem:s11+$0x14390];
	[tilespmem:s11+$0x142D0] =	vst v39;
	v51 =	vmax.f32 v40, $0.0e+00;
	v52 =	vadd.f32 v21, v4;
	v4 =	vadd.f32 v45, v26  }
0x12a: {  	p0 =	sne.s32 s12, $0x9800;
	v21 =	vld [tilespmem:s11+$0x14380];
	[tilespmem:s11+$0x142F0] =	vst v51;
	v53 =	vmax.f32 v49, $0.0e+00;
	v54 =	vadd.f32 v20, v50;
	v55 =	vadd.f32 v44, v25  }
.Ltmp1:
0x12b: {  	v20 =	vld [tilespmem:s11+$0x143A0];
	[tilespmem:s11+$0x14300] =	vst v53;
	v56 =	vmax.f32 v52, $0.0e+00;
	v57 =	vadd.f32 v19, v4;
	v4 =	vadd.f32 v43, v5;
	(pc) =	sbr.rel @p0 .LBB2_5-.Ltmp1, $4  }
0x12c: {  	v19 =	vld [tilespmem:s11+$0x143B0];
	[tilespmem:s11+$0x14310] =	vst v56;
	v58 =	vmax.f32 v54, $0.0e+00;
	v59 =	vadd.f32 v18, v55;
	v60 =	vadd.f32 v42, v23  }
0x12d: {  	v18 =	vld [tilespmem:s11+$0x143C0];
	[tilespmem:s11+$0x14320] =	vst v58;
	v61 =	vmax.f32 v57, $0.0e+00;
	v62 =	vadd.f32 v17, v4;
	v4 =	vadd.f32 v41, v22  }
0x12e: {  	v17 =	vld [tilespmem:s11+$0x143D0];
	v22 =	vadd.f32 v32, v24;
	[tilespmem:s11+$0x14330] =	vst v61;
	v63 =	vmax.f32 v59, $0.0e+00;
	v23 =	vadd.f32 v16, v60  }
0x12f: {  	s12 =	sadd.s32 $0x800, s12;
	v16 =	vadd.f32 v38, v21;
	[tilespmem:s11+$0x14340] =	vst v63;
	v25 =	vmax.f32 v62, $0.0e+00;
	v21 =	vadd.f32 v15, v4;
	v15 =	vld [tilespmem:s11+$0x143E0]  }
0x130: {  	v1 =	vld [tilespmem:s11+$0x143F0]  }
0x131: {  	v52 =	vld [tilespmem:$0x1FFA0]  }
0x132: {  	v55 =	vld [tilespmem:$0x1FFB0]  }
0x133: {  	[tilespmem:s11+$0x14350] =	vst v25;
	v0 =	vmax.f32 v23, $0.0e+00;
	v2 =	vadd.f32 v14, v20;
	v4 =	vld [tilespmem:s11+$0x193E0];
	v5 =	vadd.f32 v7, v22  }
0x134: {  	v58 =	vld [tilespmem:$0x1FFC0];
	[tilespmem:s11+$0x14360] =	vst v0;
	v47 =	vadd.f32 v8, v16;
	v3 =	vmax.f32 v21, $0.0e+00;
	v48 =	vadd.f32 v13, v19  }
0x135: {  	v50 =	vld [tilespmem:s11+$0x193F0];
	[tilespmem:s11+$0x14370] =	vst v3;
	v2 =	vadd.f32 v6, v2;
	v49 =	vadd.f32 v12, v18;
	v51 =	vmax.f32 v5, $0.0e+00  }
0x136: {  	v0 =	vmax.f32 v47, $0.0e+00;
	[tilespmem:s11+$0x14390] =	vst v51;
	v56 =	vadd.f32 v10, v15;
	v5 =	vadd.f32 v52, v48  }
0x137: {  	v53 =	vadd.f32 v11, v17;
	[tilespmem:s11+$0x14380] =	vst v0;
	v54 =	vmax.f32 v2, $0.0e+00;
	v2 =	vadd.f32 v55, v49  }
0x138: {  	[tilespmem:s11+$0x143A0] =	vst v54;
	v1 =	vadd.f32 v9, v1;
	v60 =	vadd.f32 v4, v56;
	v57 =	vmax.f32 v5, $0.0e+00  }
0x139: {  	v5 =	vadd.f32 v58, v53;
	v59 =	vmax.f32 v2, $0.0e+00;
	[tilespmem:s11+$0x143B0] =	vst v57  }
0x13a: {  	v1 =	vadd.f32 v50, v1;
	[tilespmem:s11+$0x143C0] =	vst v59;
	v62 =	vmax.f32 v60, $0.0e+00  }
0x13b: {  	s1 =	sadd.s32 $0x1, s1;
	v61 =	vmax.f32 v5, $0.0e+00;
	[tilespmem:s11+$0x143E0] =	vst v62  }
0x13c: {  	p0 =	sne.s32 s1, $0x7D;
	v63 =	vmax.f32 v1, $0.0e+00;
	[tilespmem:s11+$0x143D0] =	vst v61  }
.Ltmp2:
0x13d: {  	[tilespmem:s11+$0x143F0] =	vst v63;
	(pc) =	sbr.rel @p0 .LBB2_4-.Ltmp2, $4  }
0x13e: {  	[spmem:s2] =	stream.indirect.scatter.add.f32 [tilespmem:s20], [sflag:$0x3], $0x80, s23, s24, $0xb8;
	[tilespmem:$0x1BA00] =	vst v63  }
0x13f: {  	_ =	swait.ge [sflag:s21], $0x2800  }
0x140: {  	[sflag:s21] =	ssyncset.done $0x0  }
0x141: {  	[sflag:s21] =	ssyncadd.s32 $0xFFFFD800  }
0x142: {  	s0 =	stileid.u32  }
0x143: {  	[bflag:$0x0] =	sbarrier.arrive $0xFFFF;
	s0 =	sshll.u32 s0, $0x6  }
0x144: {  	s1 =	sshrl.u32 s10, $0x3;
	s11 =	rddreg [dreg:$0x3];
	s0 =	sor.u32 $0x1C03, s0  }
0x145: {  	[hbm:s11], [sflag:s0] =	dma.local [spmem:s1], $0x2800  }
0x146: {  	_ =	swait.ge [sflag:s21], $0x2800  }
0x147: {  	s3 =	sadd.s32 $0x1, s3;
	s13 =	rddreg [dreg:$0x4]  }
0x148: {  	p0 =	sne.s32 s3, s13  }
.Ltmp3:
0x149: {  	_ = 	snop;
	(pc) =	sbr.rel @p0 .LBB2_1-.Ltmp3, $3  }
0x14a: {  	_ =	sdelay $0x1  }
0x14b: {  	[sflag:s21] =	ssyncset.done $0x0  }
0x14c: {  	v0 =	vimm.f32 $0.0e+00;
	[sflag:s21] =	ssyncadd.s32 $0xFFFFD800  }
0x14d: {  	_ =	sfence.sel $0x180000  }
0x14e: {  	[bflag:$0x0] =	sbarrier.arrive $0xFFFF  }
0x14f: {  	_ =	strace $0x90000047  }
0x150: {  	s0 =	stileid.u32;
	[bflag:$0x2] =	sbarrier.arrive $0xFFFF  }
0x151: {  	p0 =	sne.s32 s0, $0x0;
	s0 =	rddreg [dreg:$0x2]  }
0x152: {  	s0 =	sadd.s32 @!p0 $0x100000, s0  }
0x153: {  	[sflag:s0] =	ssyncadd.tile.s32 @!p0 $0x1;
	_ =	shalt  }
.Lfunc_end2:
_tile_overlayer_lowered:
.L_overlay_start_2:
0x154: {  	(tag) =	ssettag $0x2  }
0x155: {  	s0 =	rddreg [dreg:$0x0];
	s2 =	stileid.u32  }
0x156: {  	s1 =	rddreg [dreg:$0x1];
	p0 =	sne.s32 s2, $0x0  }
0x157: {  	s3 =	rddreg [dreg:$0x2];
	[bflag:$0x3] =	sbarrier.arrive $0xFFFF;
	s2 =	simm.s32 @!p0 $0x1C03  }
0x158: {  	[timem:s3], [sflag:s2] =	dma.local @!p0 [hbm:s0], s1  }
0x159: {  	s0 =	simm.s32 @!p0 $0x3  }
0x15a: {  	_ =	swait.ge @!p0 [sflag:s0], s1  }
0x15b: {  	s1 =	ssub.s32 @!p0 $0x0, s1;
	[sflag:s0] =	ssyncset.done @!p0 $0x0  }
0x15c: {  	[sflag:s0] =	ssyncadd.s32 @!p0 s1  }
0x15d: {  	[bflag:$0x3] =	sbarrier.arrive $0xFFFF  }
0x15e: {  	_ =	shalt  }

// kernel: kernel.22.cloned.1.call-start
scs
__scs_entry_jumppad:
0x0: {  	(pc) =	sbr.rel $0x88, $3  }
0x1: {  	(tag) =	ssettag $0x0;
	lr =	simm.s32 $0x1  }
0x2: {  	[smem:$0x3F8F] =	sst lr;
	_ =	strace $0xD0000000  }
0x3: {  	_ = 	snop  }
0x4: {  	_ = 	snop  }
0x5: {  	_ = 	snop  }
0x6: {  	_ = 	snop  }
0x7: {  	_ = 	snop  }
__scs_overlays_trampoline_lowered:
0x8: {  	[smem:$0x3F9E] =	sst s0  }
0x9: {  	[smem:$0x3F9F] =	sst s1  }
0xa: {  	[smem:$0x3FA0] =	sst s2  }
0xb: {  	[smem:$0x3FA1] =	sst s3  }
0xc: {  	[smem:$0x3FA2] =	sst s4  }
0xd: {  	[smem:$0x3FA3] =	sst s5  }
0xe: {  	[smem:$0x3FA4] =	sst s6  }
0xf: {  	[smem:$0x3FA5] =	sst s7  }
0x10: {  	[smem:$0x3FA6] =	sst s8  }
0x11: {  	[smem:$0x3FA7] =	sst s9;
	s0 =	simm.s32 @!p0 $0x0  }
0x12: {  	s1 =	sld [smem:$0x3F8D];
	s0 =	simm.s32 @p0 $0x1  }
0x13: {  	[smem:$0x3FA8] =	sst s0;
	s0 =	simm.s32 @!p1 $0x0  }
0x14: {  	s2 =	sld [smem:$0x3F8C];
	s0 =	simm.s32 @p1 $0x1  }
0x15: {  	[smem:$0x3FA9] =	sst s0;
	s0 =	simm.s32 @!p2 $0x0  }
0x16: {  	s3 =	sld [smem:$0x3FDB];
	s0 =	simm.s32 @p2 $0x1  }
0x17: {  	s4 =	simm.s32 $0x1BF5;
	[smem:$0x3FAB] =	sst s0  }
0x18: {  	s0 =	sld [smem:$0x3F8E];
	_ =	swait.ge [sflag:s4], $0x0  }
0x19: {  	s7 =	sld [smem:$0x3F8F]  }
0x1a: {  	s8 =	sadd.s32 $0xFFFFE003, lr  }
0x1b: {  	s9 =	sadd.s32 $0xFFFFFEF7, lr;
	s5 =	simm.s32 $0xFFFFFFFF;
	p2 =	slt.u32 s8, $0xFFFFF086  }
0x1c: {  	p1 =	slt.u32 s9, $0xF7A;
	s5 =	simm.s32 @!p2 $0x0  }
0x1d: {  	s5 =	simm.s32 @p1 $0x1;
	p0 =	seq.s32 s7, s2  }
0x1e: {  	s7 =	smul.u32 @!p0 $0xF7A, s2;
	p2 =	seq.s32 @!p0 s5, $0x0  }
0x1f: {  	s9 =	smul.u32 $0xF7A, s1;
	s8 =	simm.s32 @!p0 $0x1BF5;
	p2 =	por !p2, p0  }
0x20: {  	[sflag:s8] =	ssyncset.s32 @!p0 $0xFFFFF086;
	s6 =	sadd.s32 @!p0 s3, s7;
	s7 =	simm.s32 @!p0 $0x108  }
0x21: {  	s3 =	sadd.s32 s3, s9;
	s6 =	sadd.s32 @!p0 $0x88, s6;
	s7 =	simm.s32 @p2 $0x1082  }
0x22: {  	[simem:s7], [sflag:s8] =	dma.local @!p0 [hbm:s6], $0xF7A  }
0x23: {  	s9 =	sor.u32 $0xD0000000, s2;
	s6 =	simm.s32 $0x108;
	_ =	swait.ge @!p0 [sflag:s8], $0x0  }
0x24: {  	s3 =	sadd.s32 $0x88, s3;
	s6 =	simm.s32 @!p1 $0x1082;
	[sflag:s4] =	ssyncset.s32 $0xFFFFF086  }
0x25: {  	[simem:s6], [sflag:s4] =	dma.local [hbm:s3], $0xF7A  }
0x26: {  	[smem:$0x3F8F] =	sst s1;
	(tag) =	ssettag s2;
	_ =	strace s9  }
0x27: {  	s1 =	sld [smem:$0x3F9F]  }
0x28: {  	s2 =	sld [smem:$0x3FA0]  }
0x29: {  	s4 =	sld [smem:$0x3FA2]  }
0x2a: {  	p0 =	seq.s32 s5, $0x0;
	s5 =	sld [smem:$0x3FA3]  }
0x2b: {  	s6 =	sld [smem:$0x3FA4]  }
0x2c: {  	s7 =	sld [smem:$0x3FA5]  }
0x2d: {  	s3 =	simm.s32 $0x108;
	s8 =	sld [smem:$0x3FA6]  }
0x2e: {  	s3 =	simm.s32 @!p0 $0x1082;
	s9 =	sld [smem:$0x3FA7]  }
0x2f: {  	lr =	sadd.s32 s0, s3;
	s0 =	sld [smem:$0x3F9E]  }
0x30: {  	s3 =	sld [smem:$0x3FA1]  }
0x31: {  	[smem:$0x3FAA] =	sst s10  }
0x32: {  	s10 =	sld [smem:$0x3FA8];
	_ =	sdelay $0x3  }
0x33: {  	p0 =	seq.s32 s10, $0x1;
	s10 =	sld [smem:$0x3FAA];
	_ =	sdelay $0x3  }
0x34: {  	[smem:$0x3FAA] =	sst s10  }
0x35: {  	s10 =	sld [smem:$0x3FA9];
	_ =	sdelay $0x3  }
0x36: {  	p1 =	seq.s32 s10, $0x1;
	s10 =	sld [smem:$0x3FAA];
	_ =	sdelay $0x3  }
0x37: {  	[smem:$0x3FAA] =	sst s10  }
0x38: {  	s10 =	sld [smem:$0x3FAB]  }
0x39: {  	_ = 	snop;
	(pc) =	sbr.ind lr, $3  }
0x3a: {  	_ = 	snop  }
0x3b: {  	_ = 	snop  }
0x3c: {  	p2 =	seq.s32 s10, $0x1;
	s10 =	sld [smem:$0x3FAA]  }
0x3d: {  	_ =	shalt  }
0x3e: {  	_ =	shalt  }
0x3f: {  	_ =	shalt  }
0x40: {  	_ =	shalt  }
0x41: {  	_ =	shalt  }
0x42: {  	_ =	shalt  }
0x43: {  	_ =	shalt  }
0x44: {  	_ =	shalt  }
0x45: {  	_ =	shalt  }
0x46: {  	_ =	shalt  }
0x47: {  	_ =	shalt  }
0x48: {  	_ =	shalt  }
0x49: {  	_ =	shalt  }
0x4a: {  	_ =	shalt  }
0x4b: {  	_ =	shalt  }
0x4c: {  	_ =	shalt  }
0x4d: {  	_ =	shalt  }
0x4e: {  	_ =	shalt  }
0x4f: {  	_ =	shalt  }
0x50: {  	_ =	shalt  }
0x51: {  	_ =	shalt  }
0x52: {  	_ =	shalt  }
0x53: {  	_ =	shalt  }
0x54: {  	_ =	shalt  }
0x55: {  	_ =	shalt  }
0x56: {  	_ =	shalt  }
0x57: {  	_ =	shalt  }
0x58: {  	_ =	shalt  }
0x59: {  	_ =	shalt  }
0x5a: {  	_ =	shalt  }
0x5b: {  	_ =	shalt  }
0x5c: {  	_ =	shalt  }
0x5d: {  	_ =	shalt  }
0x5e: {  	_ =	shalt  }
0x5f: {  	_ =	shalt  }
0x60: {  	_ =	shalt  }
0x61: {  	_ =	shalt  }
0x62: {  	_ =	shalt  }
0x63: {  	_ =	shalt  }
0x64: {  	_ =	shalt  }
0x65: {  	_ =	shalt  }
0x66: {  	_ =	shalt  }
0x67: {  	_ =	shalt  }
0x68: {  	_ =	shalt  }
0x69: {  	_ =	shalt  }
0x6a: {  	_ =	shalt  }
0x6b: {  	_ =	shalt  }
0x6c: {  	_ =	shalt  }
0x6d: {  	_ =	shalt  }
0x6e: {  	_ =	shalt  }
0x6f: {  	_ =	shalt  }
0x70: {  	_ =	shalt  }
0x71: {  	_ =	shalt  }
0x72: {  	_ =	shalt  }
0x73: {  	_ =	shalt  }
0x74: {  	_ =	shalt  }
0x75: {  	_ =	shalt  }
0x76: {  	_ =	shalt  }
0x77: {  	_ =	shalt  }
0x78: {  	_ =	shalt  }
0x79: {  	_ =	shalt  }
0x7a: {  	_ =	shalt  }
0x7b: {  	_ =	shalt  }
0x7c: {  	_ =	shalt  }
0x7d: {  	_ =	shalt  }
0x7e: {  	_ =	shalt  }
0x7f: {  	_ =	shalt  }
0x80: {  	_ =	shalt  }
0x81: {  	_ =	shalt  }
0x82: {  	_ =	shalt  }
0x83: {  	_ =	shalt  }
0x84: {  	_ =	shalt  }
0x85: {  	_ =	shalt  }
0x86: {  	_ =	shalt  }
0x87: {  	_ =	shalt  }
.Lfunc_end0:
.L_simem_size_0:
called_computation.2_lowered:
.L_overlay_start_0:
0x88: {  	s2 =	sld [smem:$0x3FD9]  }
0x89: {  	s3 =	sld [smem:$0x3FFE];
	_ =	sdelay $0x1  }
0x8a: {  	s1 =	srdreg.scid  }
0x8b: {  	s0 =	sand.u32 $0x1, s1  }
0x8c: {  	s16 =	sshll.u32 s0, $0xA;
	s2 =	sadd.s32 s3, s2  }
0x8d: {  	s2 =	sadd.s32 s2, s16  }
0x8e: {  	[smem:$0x3FB6] =	sst s2  }
0x8f: {  	_ = 	snop  }
0x90: {  	(tm) =	ssettm $0x1  }
0x91: {  	s17 =	sld [smem:$0x3FFB];
	_ =	sdelay $0x3  }
0x92: {  	_ =	strace s17  }
0x93: {  	s2 =	sld [smem:$0x3FFC];
	_ =	sdelay $0x3  }
0x94: {  	_ =	strace s2  }
0x95: {  	s2 =	sld [smem:$0x3FFD];
	_ =	sdelay $0x3  }
0x96: {  	_ =	strace s2  }
0x97: {  	_ =	strace $0x8FFFFFFF  }
0x98: {  	s18 =	sld [smem:$0x3FDB];
	_ =	sdelay $0x1  }
0x99: {  	s19 =	simm.s32 $_scs_section_size  }
0x9a: {  	s4 =	simm.s32 $_size__tile_overlayer_lowered;
	s5 =	simm.s32 $_tile_overlayer_lowered  }
0x9b: {  	s22 =	simm.s32 $0x1BFF;
	s21 =	sshll.u32 s5, $0x1;
	s2 =	sadd.s32 s19, s18  }
0x9c: {  	s6 =	simm.s32 $0x0;
	s20 =	sshll.u32 s4, $0x1;
	s4 =	sadd.s32 s21, s2  }
0x9d: {  	[timem:s6], [sflag:s22] =	dma.local [hbm:s4], s20  }
0x9e: {  	_ =	swait.ge [sflag:s22], s20  }
0x9f: {  	s3 =	ssub.s32 $0x0, s20;
	[sflag:s22] =	ssyncset.done $0x0  }
0xa0: {  	[sflag:s22] =	ssyncadd.s32 s3;
	_ =	sdelay $0x1  }
0xa1: {  	s23 =	simm.s32 $0x1B8B  }
0xa2: {  	_ =	swait.ge [sflag:s23], $0x1  }
0xa3: {  	[sflag:s23] =	ssyncset.done $0x0  }
0xa4: {  	s25 =	simm.s32 $0x1B8E;
	s24 =	sld [smem:$0x3FFE];
	[sflag:s23] =	ssyncadd.s32 $0xFFFFFFFF  }
0xa5: {  	s26 =	simm.s32 $execute0_lowered;
	[smem:$0x3FD2] =	sst s25  }
0xa6: {  	s4 =	sshll.u32 s26, $0x1;
	_ =	strace $0x8000004C;
	[dreg:$0x1] =	wrdreg $0xFFFFFFFF  }
0xa7: {  	s28 =	simm.s32 $_size_execute0_lowered;
	s2 =	sadd.s32 s2, s4;
	[dreg:$0x0] =	wrdreg $0x0  }
0xa8: {  	s4 =	sshll.u32 s28, $0x1;
	[dreg:$0x2] =	wrdreg s2  }
0xa9: {  	[dreg:$0x3] =	wrdreg s4  }
0xaa: {  	[dreg:$0x4] =	wrdreg $0xC0  }
0xab: {  	_ =	task [dreg:s6], $0x5FFFF  }
0xac: {  	[dreg:$0x1] =	wrdreg $0xFFFFFFFF  }
0xad: {  	[dreg:$0x0] =	wrdreg $0x60  }
0xae: {  	[dreg:$0x2] =	wrdreg s24  }
0xaf: {  	[dreg:$0x3] =	wrdreg $0x0  }
0xb0: {  	[dreg:$0x4] =	wrdreg $0x9  }
0xb1: {  	_ =	task.clear_ibuf [dreg:s6], $0x5FFFF;
	_ =	strace $0x9000004C  }
0xb2: {  	s29 =	simm.s32 $0x9;
	_ =	strace $0x8000004E  }
0xb3: {  	_ =	swait.ge [sflag:s29], $0x1  }
0xb4: {  	[sflag:s29] =	ssyncadd.s32 $0xFFFFFFFF  }
0xb5: {  	_ =	strace $0x9000004E  }
0xb6: {  	_ =	sfence  }
0xb7: {  	s30 =	sld [smem:$0x0];
	_ =	sdelay $0x2  }
0xb8: {  	s31 =	sshll.u32 s1, $0xD;
	s1 =	sshrl.u32 s1, $0x2  }
0xb9: {  	s3 =	sand.u32 $0x4000, s31;
	s1 =	sadd.s32 s1, s30  }
0xba: {  	s0 =	sor.u32 s3, s0;
	s1 =	sshll.u32 s1, $0x11  }
0xbb: {  	s0 =	sor.u32 s1, s0  }
0xbc: {  	s0 =	sadd.s32 $0x8F2B, s0  }
0xbd: {  	[sflag:s0] =	ssyncadd.remote.s32 $0x1  }
0xbe: {  	_ =	sfence.sel $0xFFFF  }
0xbf: {  	[dreg:$0x0] =	wrdreg $0xFFFFFFFF;
	(pc) =	sbr.abs _section_cstart, $3  }
0xc0: {  	[dreg:$0x1] =	wrdreg $0xFFFFFFFF  }
0xc1: {  	_ =	task.clear_ibuf [dreg:s6], $0x2FFFF;
	_ =	strace $0x9FFFFFFF  }
0xc2: {  	(tm) =	ssettm $0x7FFFFFFF  }
0xc3: {  	_ =	shalt  }
tec
execute0_lowered:
.L_overlay_start_1:
0x0: {  	(tag) =	ssettag $0x1  }
0x1: {  	s0 =	rddreg [dreg:$0x0]  }
0x2: {  	s2 =	rddreg [dreg:$0x1];
	s1 =	srdreg.scid  }
0x3: {  	s13 =	stileid.u32;
	s3 =	simm.s32 $0x0;
	s20 =	simm.s32 $0x14200  }
0x4: {  	s21 =	simm.s32 $0x3;
	s22 =	simm.s32 $0x14000;
	s8 =	smul.u32 $0x280, s13  }
0x5: {  	s28 =	simm.s32 $0x16A00;
	s30 =	simm.s32 $0x1;
	s5 =	smul.u32 $0x2710, s13  }
0x6: {  	s31 =	simm.s32 $0x2;
	s1 =	sand.u32 $0x1, s1;
	s13 =	smul.u32 $0x50000, s13  }
0x7: {  	[smem:$0x7FF] =	sst s3;
	s4 =	sadd.s32 $0x9600, s0;
	s9 =	smul.u32 $0x2800, s1  }
0x8: {  	s6 =	sadd.s32 $0x4600, s0;
	s7 =	sadd.s32 $0x2CD800, s0;
	s11 =	smul.u32 $0x4E20, s1  }
0x9: {  	_ =	strace $0x8000004D;
	s23 =	ssub.s32 $0x2, s1;
	s1 =	smul.u32 $0x27100, s1  }
0xa: {  	s12 =	sshrl.u32 s23, $0x1;
	s24 =	sshrl.u32 s13, $0x2;
	s8 =	sadd.s32 s8, s9  }
0xb: {  	s12 =	ssub.s32 s23, s12;
	s29 =	sadd.s32 $0x2710, s11;
	s9 =	sadd.s32 s5, s1  }
0xc: {  	s23 =	simm.s32 $0x14080;
	v0 =	vmov s11;
	s10 =	sshll.u32 s8, $0x4;
	s8 =	sadd.s32 $0x89DA00, s0  }
0xd: {  	s25 =	smax.u32 s12, $0x1;
	[tilespmem:$0x1FFE0] =	vst v0;
	v0 =	vmov s29;
	s29 =	simm.s32 $0x19200;
	s0 =	sadd.s32 s10, s0  }
0xe: {  	s10 =	sadd.s32 s24, s2;
	[dreg:$0x4] =	wrdreg s25;
	s24 =	simm.s32 $0x50  }
0xf: {  	s25 =	simm.s32 $0x14100;
	s0 =	sadd.s32 $0x369C00, s0;
	s26 =	sadd.s32 $0x2800, s10  }
0x10: {  	s14 =	sadd.s32 $0x5000, s10;
	s15 =	sadd.s32 $0x7800, s10;
	s16 =	sadd.s32 $0xA000, s10  }
0x11: {  	s17 =	sadd.s32 $0xC800, s10;
	s18 =	sadd.s32 $0xF000, s10;
	[dreg:$0x3] =	wrdreg s0  }
0x12: {  	[tilespmem:$0x1FFF0] =	vst v0;
	v0 =	vimm.f32 $0.0e+00;
	s19 =	sadd.s32 $0x11800, s10;
	[dreg:$0x5] =	wrdreg s26;
	s26 =	simm.s32 $0x14180  }
.LBB2_1:
0x13: {  	s0 =	simm.s32 $0x0;
	s1 =	simm.s32 $0x200  }
.LBB2_2:
0x14: {  	p0 =	sne.s32 s1, $0x9E00;
	[tilespmem:s0+$0x14270] =	vst v0  }
0x15: {  	[tilespmem:s0+$0x14200] =	vst v0  }
0x16: {  	[tilespmem:s0+$0x14210] =	vst v0  }
.Ltmp0:
0x17: {  	[tilespmem:s0+$0x14220] =	vst v0;
	(pc) =	sbr.rel @p0 .LBB2_2-.Ltmp0, $4  }
0x18: {  	[tilespmem:s0+$0x14230] =	vst v0  }
0x19: {  	[tilespmem:s0+$0x14240] =	vst v0  }
0x1a: {  	[tilespmem:s0+$0x14250] =	vst v0  }
0x1b: {  	[tilespmem:s0+$0x14260] =	vst v0;
	s0 =	sshra.s32 s1, $0x2;
	s1 =	sadd.s32 $0x200, s1  }
0x1c: {  	[tilespmem:s0+$0x14270] =	vst v0  }
0x1d: {  	[tilespmem:s0+$0x14200] =	vst v0  }
0x1e: {  	[tilespmem:s0+$0x14210] =	vst v0  }
0x1f: {  	[tilespmem:s0+$0x14220] =	vst v0  }
0x20: {  	[tilespmem:s0+$0x14230] =	vst v0  }
0x21: {  	[tilespmem:s0+$0x14240] =	vst v0  }
0x22: {  	[tilespmem:s0+$0x14250] =	vst v0  }
0x23: {  	[tilespmem:s0+$0x14260] =	vst v0  }
0x24: {  	[spmem:s10] =	stream.linear.scatter [tilespmem:s20], [sflag:$0x3], $0x2800, $0x38;
	[tilespmem:$0x1BA00] =	vst v63  }
0x25: {  	_ =	swait.ge [sflag:s21], $0x2800  }
0x26: {  	[sflag:s21] =	ssyncset.done $0x0  }
0x27: {  	s13 =	rddreg [dreg:$0x5];
	[sflag:s21] =	ssyncadd.s32 $0xFFFFD800  }
0x28: {  	[spmem:s13] =	stream.linear.scatter [tilespmem:s20], [sflag:$0x3], $0x2800, $0x38;
	[tilespmem:$0x1BA00] =	vst v63  }
0x29: {  	_ =	swait.ge [sflag:s21], $0x2800  }
0x2a: {  	[sflag:s21] =	ssyncset.done $0x0  }
0x2b: {  	[sflag:s21] =	ssyncadd.s32 $0xFFFFD800  }
0x2c: {  	[spmem:s14] =	stream.linear.scatter [tilespmem:s20], [sflag:$0x3], $0x2800, $0x38;
	[tilespmem:$0x1BA00] =	vst v63  }
0x2d: {  	_ =	swait.ge [sflag:s21], $0x2800  }
0x2e: {  	[sflag:s21] =	ssyncset.done $0x0  }
0x2f: {  	[sflag:s21] =	ssyncadd.s32 $0xFFFFD800  }
0x30: {  	[spmem:s15] =	stream.linear.scatter [tilespmem:s20], [sflag:$0x3], $0x2800, $0x38;
	[tilespmem:$0x1BA00] =	vst v63  }
0x31: {  	_ =	swait.ge [sflag:s21], $0x2800  }
0x32: {  	[sflag:s21] =	ssyncset.done $0x0  }
0x33: {  	[sflag:s21] =	ssyncadd.s32 $0xFFFFD800  }
0x34: {  	[spmem:s16] =	stream.linear.scatter [tilespmem:s20], [sflag:$0x3], $0x2800, $0x38;
	[tilespmem:$0x1BA00] =	vst v63  }
0x35: {  	_ =	swait.ge [sflag:s21], $0x2800  }
0x36: {  	[sflag:s21] =	ssyncset.done $0x0  }
0x37: {  	[sflag:s21] =	ssyncadd.s32 $0xFFFFD800  }
0x38: {  	[spmem:s17] =	stream.linear.scatter [tilespmem:s20], [sflag:$0x3], $0x2800, $0x38;
	[tilespmem:$0x1BA00] =	vst v63  }
0x39: {  	_ =	swait.ge [sflag:s21], $0x2800  }
0x3a: {  	[sflag:s21] =	ssyncset.done $0x0  }
0x3b: {  	[sflag:s21] =	ssyncadd.s32 $0xFFFFD800  }
0x3c: {  	[spmem:s18] =	stream.linear.scatter [tilespmem:s20], [sflag:$0x3], $0x2800, $0x38;
	[tilespmem:$0x1BA00] =	vst v63  }
0x3d: {  	_ =	swait.ge [sflag:s21], $0x2800  }
0x3e: {  	[sflag:s21] =	ssyncset.done $0x0  }
0x3f: {  	[sflag:s21] =	ssyncadd.s32 $0xFFFFD800  }
0x40: {  	[spmem:s19] =	stream.linear.scatter [tilespmem:s20], [sflag:$0x3], $0x2800, $0x38;
	[tilespmem:$0x1BA00] =	vst v63  }
0x41: {  	_ =	swait.ge [sflag:s21], $0x2800  }
0x42: {  	[sflag:s21] =	ssyncset.done $0x0  }
0x43: {  	[sflag:s21] =	ssyncadd.s32 $0xFFFFD800  }
0x44: {  	s0 =	simm.s32 $0x0;
	s1 =	simm.s32 $0x0;
	[bflag:$0x0] =	sbarrier.arrive $0xFFFF  }
.LBB2_4:
0x45: {  	s11 =	smul.u32 $0x50, s1;
	_ =	sdelay $0x1  }
0x46: {  	s12 =	sadd.s32 s5, s11  }
0x47: {  	s12 =	sshrl.u32 s12, $0x3  }
0x48: {  	s13 =	sadd.s32 s4, s12  }
0x49: {  	[tilespmem:s22], [sflag:$0x3] =	stream.linear.gather [hbm4b:s13+s0], $0x50, $0x38;
	[tilespmem:$0x1BA00] =	vst v63  }
0x4a: {  	_ =	swait.ge [sflag:s21], $0x50  }
0x4b: {  	[sflag:s21] =	ssyncset.done $0x0  }
0x4c: {  	s12 =	sadd.s32 s6, s12;
	[sflag:s21] =	ssyncadd.s32 $0xFFFFFFB0  }
0x4d: {  	[tilespmem:s23], [sflag:$0x3] =	stream.linear.gather [hbm4b:s12+s0], $0x50, $0x38;
	[tilespmem:$0x1BA00] =	vst v63  }
0x4e: {  	_ =	swait.ge [sflag:s21], $0x50  }
0x4f: {  	[sflag:s21] =	ssyncset.done $0x0;
	v0 =	vld [tilespmem:$0x1FFE0]  }
0x50: {  	v1 =	vld [tilespmem:$0x1FFF0];
	[sflag:s21] =	ssyncadd.s32 $0xFFFFFFB0  }
0x51: {  	v3 =	vld [tilespmem:$0x14000]  }
0x52: {  	v4 =	vld [tilespmem:$0x14080]  }
0x53: {  	v5 =	vld [tilespmem:$0x14010]  }
0x54: {  	v6 =	vld [tilespmem:$0x14090]  }
0x55: {  	v7 =	vld [tilespmem:$0x14020]  }
0x56: {  	v8 =	vld [tilespmem:$0x140A0];
	v3 =	vadd.s32 v0, v3  }
0x57: {  	v54 =	vadd.s32 v1, v4;
	v4 =	vld [tilespmem:$0x14030];
	[tilespmem:$0x14100] =	vst v3  }
0x58: {  	v55 =	vadd.s32 v0, v5;
	v5 =	vld [tilespmem:$0x140B0];
	[tilespmem:$0x14180] =	vst v54  }
0x59: {  	v56 =	vadd.s32 v1, v6;
	v6 =	vld [tilespmem:$0x14040];
	[tilespmem:$0x14110] =	vst v55  }
0x5a: {  	v57 =	vadd.s32 v0, v7;
	v7 =	vld [tilespmem:$0x140C0];
	[tilespmem:$0x14190] =	vst v56  }
0x5b: {  	v58 =	vadd.s32 v1, v8;
	[tilespmem:$0x14120] =	vst v57  }
0x5c: {  	[tilespmem:$0x141A0] =	vst v58;
	v59 =	vadd.s32 v0, v4  }
0x5d: {  	v60 =	vadd.s32 v1, v5;
	[tilespmem:$0x14130] =	vst v59  }
0x5e: {  	v61 =	vadd.s32 v0, v6;
	[tilespmem:$0x141B0] =	vst v60  }
0x5f: {  	v62 =	vadd.s32 v1, v7;
	[tilespmem:$0x14140] =	vst v61  }
0x60: {  	s11 =	sadd.s32 s11, s9;
	[tilespmem:$0x141C0] =	vst v62  }
0x61: {  	[tilespmem:s20], [sflag:$0x1] =	stream.indirect.gather [hbm4b:s7+s24], $0x80, s25, s24, $0xb8;
	[tilespmem:$0x1BA00] =	vst v63  }
0x62: {  	s11 =	sshll.u32 s11, $0x4  }
0x63: {  	[tilespmem:s28], [sflag:$0x2] =	stream.indirect.gather [hbm4b:s7+s24], $0x80, s26, s24, $0xb8;
	[tilespmem:$0x1BA00] =	vst v63  }
0x64: {  	s11 =	sadd.s32 s8, s11  }
0x65: {  	[tilespmem:s29], [sflag:$0x3] =	stream.linear.gather [hbm4b:s11+s0], $0x2800, $0x38;
	[tilespmem:$0x1BA00] =	vst v63  }
0x66: {  	_ =	swait.ge [sflag:s21], $0x2800  }
0x67: {  	[sflag:s21] =	ssyncset.done $0x0  }
0x68: {  	[sflag:s21] =	ssyncadd.s32 $0xFFFFD800  }
0x69: {  	_ =	swait.ge [sflag:s30], $0x2800  }
0x6a: {  	[sflag:s30] =	ssyncset.done $0x0  }
0x6b: {  	[sflag:s30] =	ssyncadd.s32 $0xFFFFD800  }
0x6c: {  	_ =	swait.ge [sflag:s31], $0x2800  }
0x6d: {  	[sflag:s31] =	ssyncset.done $0x0  }
0x6e: {  	s11 =	simm.s32 $0x0;
	[sflag:s31] =	ssyncadd.s32 $0xFFFFD800  }
0x6f: {  	v25 =	vld [tilespmem:s11+$0x19200]  }
0x70: {  	v26 =	vld [tilespmem:s11+$0x19210]  }
0x71: {  	v27 =	vld [tilespmem:s11+$0x19220]  }
0x72: {  	v28 =	vld [tilespmem:s11+$0x19230]  }
0x73: {  	v29 =	vld [tilespmem:s11+$0x19240]  }
0x74: {  	v30 =	vld [tilespmem:s11+$0x19250]  }
0x75: {  	v31 =	vld [tilespmem:s11+$0x19260]  }
0x76: {  	v32 =	vld [tilespmem:s11+$0x19270]  }
0x77: {  	v33 =	vld [tilespmem:s11+$0x19280]  }
0x78: {  	v34 =	vld [tilespmem:s11+$0x19290]  }
0x79: {  	v35 =	vld [tilespmem:s11+$0x192A0]  }
0x7a: {  	v36 =	vld [tilespmem:s11+$0x192B0]  }
0x7b: {  	v37 =	vld [tilespmem:s11+$0x192C0]  }
0x7c: {  	v38 =	vld [tilespmem:s11+$0x192D0]  }
0x7d: {  	v39 =	vld [tilespmem:s11+$0x192E0]  }
0x7e: {  	v23 =	vld [tilespmem:s11+$0x192F0]  }
0x7f: {  	v22 =	vld [tilespmem:s11+$0x19300]  }
0x80: {  	v19 =	vld [tilespmem:s11+$0x19310]  }
0x81: {  	v20 =	vld [tilespmem:s11+$0x19320]  }
0x82: {  	v63 =	vld [tilespmem:s11+$0x19330]  }
0x83: {  	v5 =	vld [tilespmem:s11+$0x19340]  }
0x84: {  	v4 =	vld [tilespmem:s11+$0x19350]  }
0x85: {  	v3 =	vld [tilespmem:s11+$0x19360]  }
0x86: {  	v2 =	vld [tilespmem:s11+$0x19370]  }
0x87: {  	v8 =	vld [tilespmem:s11+$0x19380]  }
0x88: {  	v7 =	vld [tilespmem:s11+$0x19390]  }
0x89: {  	v6 =	vld [tilespmem:s11+$0x193A0]  }
0x8a: {  	v40 =	vld [tilespmem:s11+$0x193B0]  }
0x8b: {  	v41 =	vld [tilespmem:s11+$0x193C0]  }
0x8c: {  	v42 =	vld [tilespmem:s11+$0x193D0]  }
0x8d: {  	v43 =	vld [tilespmem:s11+$0x16A30]  }
0x8e: {  	v44 =	vld [tilespmem:s11+$0x16A40]  }
0x8f: {  	v45 =	vld [tilespmem:s11+$0x16A50]  }
0x90: {  	v46 =	vld [tilespmem:s11+$0x16A60]  }
0x91: {  	v47 =	vld [tilespmem:s11+$0x16A70]  }
0x92: {  	v48 =	vld [tilespmem:s11+$0x16A80]  }
0x93: {  	v49 =	vld [tilespmem:s11+$0x16A90]  }
0x94: {  	v50 =	vld [tilespmem:s11+$0x16AA0]  }
0x95: {  	v51 =	vld [tilespmem:s11+$0x16AB0]  }
0x96: {  	v52 =	vld [tilespmem:s11+$0x16AC0]  }
0x97: {  	v53 =	vld [tilespmem:s11+$0x16AD0]  }
0x98: {  	v54 =	vld [tilespmem:s11+$0x16AE0]  }
0x99: {  	v55 =	vld [tilespmem:s11+$0x16AF0]  }
0x9a: {  	v56 =	vld [tilespmem:s11+$0x16B00]  }
0x9b: {  	v57 =	vld [tilespmem:s11+$0x16B10]  }
0x9c: {  	v58 =	vld [tilespmem:s11+$0x16B20]  }
0x9d: {  	v59 =	vld [tilespmem:s11+$0x16B30]  }
0x9e: {  	v60 =	vld [tilespmem:s11+$0x16B40]  }
0x9f: {  	v61 =	vld [tilespmem:s11+$0x16B50]  }
0xa0: {  	v62 =	vld [tilespmem:s11+$0x16B60]  }
0xa1: {  	v1 =	vld [tilespmem:s11+$0x14200]  }
0xa2: {  	v15 =	vld [tilespmem:s11+$0x14220]  }
0xa3: {  	[tilespmem:$0x1FFA0] =	vst v40;
	v40 =	vld [tilespmem:s11+$0x16A00]  }
0xa4: {  	[tilespmem:$0x1FFC0] =	vst v42;
	v42 =	vld [tilespmem:s11+$0x16A20]  }
0xa5: {  	v21 =	vld [tilespmem:s11+$0x16B80]  }
0xa6: {  	v24 =	vld [tilespmem:s11+$0x16B90]  }
0xa7: {  	v0 =	vld [tilespmem:s11+$0x14210]  }
0xa8: {  	[tilespmem:$0x1FFB0] =	vst v41;
	v41 =	vld [tilespmem:s11+$0x16A10]  }
0xa9: {  	v1 =	vadd.f32 v40, v1;
	v40 =	vld [tilespmem:s11+$0x14250];
	v15 =	vadd.f32 v42, v15  }
0xaa: {  	v14 =	vld [tilespmem:s11+$0x16BA0]  }
0xab: {  	v13 =	vld [tilespmem:s11+$0x16BB0];
	v15 =	vadd.f32 v27, v15  }
0xac: {  	v12 =	vld [tilespmem:s11+$0x16BC0]  }
0xad: {  	v17 =	vld [tilespmem:s11+$0x14240];
	v15 =	vmax.f32 v15, $0.0e+00  }
0xae: {  	v0 =	vadd.f32 v41, v0;
	v41 =	vld [tilespmem:s11+$0x14280];
	[tilespmem:s11+$0x14220] =	vst v15;
	v15 =	vadd.f32 v45, v40  }
0xaf: {  	v16 =	vld [tilespmem:s11+$0x14230]  }
0xb0: {  	v11 =	vld [tilespmem:s11+$0x16BD0];
	v15 =	vadd.f32 v30, v15  }
0xb1: {  	v18 =	vld [tilespmem:s11+$0x14260]  }
0xb2: {  	v44 =	vadd.f32 v44, v17;
	v17 =	vld [tilespmem:s11+$0x142B0];
	v15 =	vmax.f32 v15, $0.0e+00  }
0xb3: {  	v1 =	vadd.f32 v25, v1;
	v25 =	vld [tilespmem:s11+$0x14270];
	[tilespmem:s11+$0x14250] =	vst v15;
	v15 =	vadd.f32 v48, v41  }
0xb4: {  	v10 =	vld [tilespmem:s11+$0x16BE0];
	v43 =	vadd.f32 v43, v16;
	v0 =	vadd.f32 v26, v0  }
0xb5: {  	v9 =	vld [tilespmem:s11+$0x16BF0];
	v1 =	vmax.f32 v1, $0.0e+00;
	v15 =	vadd.f32 v33, v15  }
0xb6: {  	v26 =	vld [tilespmem:s11+$0x14290];
	v0 =	vmax.f32 v0, $0.0e+00;
	[tilespmem:s11+$0x14200] =	vst v1;
	v1 =	vadd.f32 v28, v43  }
0xb7: {  	v16 =	vld [tilespmem:s11+$0x142A0];
	v46 =	vadd.f32 v46, v18;
	[tilespmem:s11+$0x14210] =	vst v0;
	v0 =	vadd.f32 v29, v44;
	v15 =	vmax.f32 v15, $0.0e+00  }
0xb8: {  	v1 =	vmax.f32 v1, $0.0e+00;
	v47 =	vadd.f32 v47, v25;
	v25 =	vld [tilespmem:s11+$0x142E0];
	[tilespmem:s11+$0x14280] =	vst v15;
	v15 =	vadd.f32 v51, v17  }
0xb9: {  	v27 =	vld [tilespmem:s11+$0x142C0];
	[tilespmem:s11+$0x14230] =	vst v1;
	v1 =	vadd.f32 v31, v46  }
0xba: {  	v18 =	vld [tilespmem:s11+$0x142D0];
	v0 =	vmax.f32 v0, $0.0e+00;
	v15 =	vadd.f32 v36, v15  }
0xbb: {  	v49 =	vadd.f32 v49, v26;
	v26 =	vld [tilespmem:s11+$0x14300];
	[tilespmem:s11+$0x14240] =	vst v0;
	v0 =	vadd.f32 v32, v47;
	v1 =	vmax.f32 v1, $0.0e+00  }
0xbc: {  	v50 =	vadd.f32 v50, v16;
	v48 =	vld [tilespmem:s11+$0x142F0];
	[tilespmem:s11+$0x14260] =	vst v1;
	v15 =	vmax.f32 v15, $0.0e+00  }
0xbd: {  	v16 =	vld [tilespmem:s11+$0x14310];
	v0 =	vmax.f32 v0, $0.0e+00;
	v1 =	vadd.f32 v34, v49;
	[tilespmem:s11+$0x142B0] =	vst v15;
	v15 =	vadd.f32 v54, v25  }
0xbe: {  	v52 =	vadd.f32 v52, v27;
	[tilespmem:s11+$0x14270] =	vst v0;
	v0 =	vadd.f32 v35, v50;
	v17 =	vld [tilespmem:s11+$0x14320]  }
0xbf: {  	[tilespmem:$0x1FFD0] =	vst v63;
	v63 =	vld [tilespmem:s11+$0x16B70];
	v1 =	vmax.f32 v1, $0.0e+00;
	v15 =	vadd.f32 v39, v15  }
0xc0: {  	v53 =	vadd.f32 v53, v18;
	v18 =	vld [tilespmem:s11+$0x14340];
	[tilespmem:s11+$0x14290] =	vst v1;
	v0 =	vmax.f32 v0, $0.0e+00;
	v1 =	vadd.f32 v37, v52  }
0xc1: {  	v27 =	vld [tilespmem:s11+$0x14330];
	v56 =	vadd.f32 v56, v26;
	[tilespmem:s11+$0x142A0] =	vst v0;
	v54 =	vadd.f32 v55, v48;
	v15 =	vmax.f32 v15, $0.0e+00  }
0xc2: {  	v0 =	vadd.f32 v38, v53;
	v1 =	vmax.f32 v1, $0.0e+00;
	v25 =	vld [tilespmem:s11+$0x14350];
	[tilespmem:s11+$0x142E0] =	vst v15;
	v15 =	vadd.f32 v57, v16  }
0xc3: {  	[tilespmem:s11+$0x142C0] =	vst v1;
	v58 =	vadd.f32 v58, v17;
	v17 =	vld [tilespmem:$0x1FFD0];
	v1 =	vadd.f32 v23, v54  }
0xc4: {  	v0 =	vmax.f32 v0, $0.0e+00;
	v55 =	vld [tilespmem:s11+$0x14360];
	v15 =	vadd.f32 v19, v15  }
0xc5: {  	[tilespmem:s11+$0x142D0] =	vst v0;
	v0 =	vadd.f32 v22, v56;
	v23 =	vld [tilespmem:s11+$0x14370];
	v1 =	vmax.f32 v1, $0.0e+00  }
0xc6: {  	v59 =	vadd.f32 v59, v27;
	v22 =	vld [tilespmem:s11+$0x14390];
	[tilespmem:s11+$0x142F0] =	vst v1;
	v15 =	vmax.f32 v15, $0.0e+00  }
0xc7: {  	v0 =	vmax.f32 v0, $0.0e+00;
	v16 =	vld [tilespmem:s11+$0x14380];
	v1 =	vadd.f32 v20, v58;
	[tilespmem:s11+$0x14310] =	vst v15;
	v15 =	vadd.f32 v60, v18  }
0xc8: {  	[tilespmem:s11+$0x14300] =	vst v0;
	v20 =	vld [tilespmem:s11+$0x143A0];
	v0 =	vadd.f32 v17, v59;
	v61 =	vadd.f32 v61, v25  }
0xc9: {  	v25 =	vadd.f32 v62, v55;
	v17 =	vld [tilespmem:s11+$0x143D0];
	v1 =	vmax.f32 v1, $0.0e+00;
	v15 =	vadd.f32 v5, v15  }
0xca: {  	v19 =	vld [tilespmem:s11+$0x143B0];
	v0 =	vmax.f32 v0, $0.0e+00;
	v62 =	vadd.f32 v4, v61;
	v63 =	vadd.f32 v63, v23;
	[tilespmem:s11+$0x14320] =	vst v1  }
0xcb: {  	v22 =	vadd.f32 v24, v22;
	v23 =	vadd.f32 v3, v25;
	[tilespmem:s11+$0x14330] =	vst v0;
	v18 =	vld [tilespmem:s11+$0x143C0];
	v15 =	vmax.f32 v15, $0.0e+00  }
0xcc: {  	s12 =	simm.s32 $0x800;
	v25 =	vmax.f32 v62, $0.0e+00;
	v16 =	vadd.f32 v21, v16;
	v21 =	vadd.f32 v2, v63;
	[tilespmem:s11+$0x14340] =	vst v15;
	v15 =	vld [tilespmem:s11+$0x143E0]  }
.LBB2_5:
0xcd: {  	v2 =	vld [tilespmem:$0x1FFA0]  }
0xce: {  	v37 =	vld [tilespmem:$0x1FFB0]  }
0xcf: {  	v42 =	vld [tilespmem:$0x1FFC0]  }
0xd0: {  	[tilespmem:s11+$0x14350] =	vst v25;
	v0 =	vmax.f32 v23, $0.0e+00;
	v1 =	vadd.f32 v8, v16;
	v8 =	vadd.f32 v14, v20;
	v14 =	vld [tilespmem:s11+$0x143F0]  }
0xd1: {  	v29 =	vmax.f32 v21, $0.0e+00;
	[tilespmem:s11+$0x14360] =	vst v0;
	v7 =	vadd.f32 v7, v22;
	v13 =	vadd.f32 v13, v19;
	v16 =	vld [tilespmem:s11+$0x193E0]  }
0xd2: {  	s13 =	sshra.s32 s12, $0x2;
	[tilespmem:s11+$0x14370] =	vst v29;
	v30 =	vmax.f32 v1, $0.0e+00;
	v31 =	vadd.f32 v6, v8;
	v6 =	vadd.f32 v12, v18;
	v8 =	vld [tilespmem:s11+$0x193F0]  }
0xd3: {  	v34 =	vld [tilespmem:s13+$0x19200];
	v33 =	vmax.f32 v7, $0.0e+00;
	v5 =	vadd.f32 v2, v13;
	v7 =	vadd.f32 v11, v17;
	[tilespmem:s11+$0x14380] =	vst v30  }
0xd4: {  	v4 =	vadd.f32 v10, v15;
	v36 =	vld [tilespmem:s13+$0x19210];
	[tilespmem:s11+$0x14390] =	vst v33;
	v35 =	vmax.f32 v31, $0.0e+00;
	v1 =	vadd.f32 v37, v6  }
0xd5: {  	v38 =	vmax.f32 v5, $0.0e+00;
	v3 =	vadd.f32 v42, v7;
	v39 =	vld [tilespmem:s13+$0x19220];
	[tilespmem:s11+$0x143A0] =	vst v35;
	v5 =	vadd.f32 v9, v14  }
0xd6: {  	v44 =	vadd.f32 v16, v4;
	v40 =	vld [tilespmem:s13+$0x19230];
	[tilespmem:s11+$0x143B0] =	vst v38;
	v43 =	vmax.f32 v1, $0.0e+00  }
0xd7: {  	v45 =	vmax.f32 v3, $0.0e+00;
	v37 =	vld [tilespmem:s13+$0x19240];
	[tilespmem:s11+$0x143C0] =	vst v43;
	v46 =	vadd.f32 v8, v5  }
0xd8: {  	v47 =	vmax.f32 v44, $0.0e+00;
	v35 =	vld [tilespmem:s13+$0x19250];
	[tilespmem:s11+$0x143D0] =	vst v45  }
0xd9: {  	v33 =	vld [tilespmem:s13+$0x19260];
	[tilespmem:s11+$0x143E0] =	vst v47;
	v48 =	vmax.f32 v46, $0.0e+00  }
0xda: {  	v31 =	vld [tilespmem:s13+$0x19270];
	[tilespmem:s11+$0x143F0] =	vst v48;
	s11 =	smov.u32 s13  }
0xdb: {  	v30 =	vld [tilespmem:s11+$0x19280]  }
0xdc: {  	v29 =	vld [tilespmem:s11+$0x19290]  }
0xdd: {  	v28 =	vld [tilespmem:s11+$0x192A0]  }
0xde: {  	v27 =	vld [tilespmem:s11+$0x192B0]  }
0xdf: {  	v26 =	vld [tilespmem:s11+$0x192C0]  }
0xe0: {  	v25 =	vld [tilespmem:s11+$0x192D0]  }
0xe1: {  	v24 =	vld [tilespmem:s11+$0x192E0]  }
0xe2: {  	v23 =	vld [tilespmem:s11+$0x192F0]  }
0xe3: {  	v22 =	vld [tilespmem:s11+$0x19300]  }
0xe4: {  	v21 =	vld [tilespmem:s11+$0x19310]  }
0xe5: {  	v20 =	vld [tilespmem:s11+$0x19320]  }
0xe6: {  	v19 =	vld [tilespmem:s11+$0x19330]  }
0xe7: {  	v18 =	vld [tilespmem:s11+$0x19340]  }
0xe8: {  	v17 =	vld [tilespmem:s11+$0x19350]  }
0xe9: {  	v16 =	vld [tilespmem:s11+$0x19360]  }
0xea: {  	v15 =	vld [tilespmem:s11+$0x19370]  }
0xeb: {  	v8 =	vld [tilespmem:s11+$0x19380]  }
0xec: {  	v7 =	vld [tilespmem:s11+$0x19390]  }
0xed: {  	v6 =	vld [tilespmem:s11+$0x193A0]  }
0xee: {  	v0 =	vld [tilespmem:s11+$0x193B0]  }
0xef: {  	v49 =	vld [tilespmem:s11+$0x193C0]  }
0xf0: {  	v50 =	vld [tilespmem:s11+$0x193D0]  }
0xf1: {  	v1 =	vld [tilespmem:s11+$0x16A10]  }
0xf2: {  	v51 =	vld [tilespmem:s11+$0x16A40]  }
0xf3: {  	v52 =	vld [tilespmem:s11+$0x16A50]  }
0xf4: {  	v53 =	vld [tilespmem:s11+$0x16A60]  }
0xf5: {  	v54 =	vld [tilespmem:s11+$0x16A70]  }
0xf6: {  	v55 =	vld [tilespmem:s11+$0x16A80]  }
0xf7: {  	v56 =	vld [tilespmem:s11+$0x16A90]  }
0xf8: {  	v57 =	vld [tilespmem:s11+$0x16AA0]  }
0xf9: {  	v58 =	vld [tilespmem:s11+$0x16AB0]  }
0xfa: {  	v59 =	vld [tilespmem:s11+$0x16AC0]  }
0xfb: {  	v60 =	vld [tilespmem:s11+$0x16AD0]  }
0xfc: {  	v61 =	vld [tilespmem:s11+$0x16AE0]  }
0xfd: {  	v62 =	vld [tilespmem:s11+$0x16AF0]  }
0xfe: {  	v48 =	vld [tilespmem:s11+$0x16B00]  }
0xff: {  	v47 =	vld [tilespmem:s11+$0x16B10]  }
0x100: {  	v46 =	vld [tilespmem:s11+$0x16B20]  }
0x101: {  	v45 =	vld [tilespmem:s11+$0x16B30]  }
0x102: {  	v44 =	vld [tilespmem:s11+$0x16B40]  }
0x103: {  	v43 =	vld [tilespmem:s11+$0x16B50]  }
0x104: {  	v42 =	vld [tilespmem:s11+$0x16B60]  }
0x105: {  	v41 =	vld [tilespmem:s11+$0x16B70]  }
0x106: {  	v38 =	vld [tilespmem:s11+$0x16B80]  }
0x107: {  	v32 =	vld [tilespmem:s11+$0x16B90]  }
0x108: {  	v14 =	vld [tilespmem:s11+$0x16BA0]  }
0x109: {  	v13 =	vld [tilespmem:s11+$0x16BB0]  }
0x10a: {  	v12 =	vld [tilespmem:s11+$0x16BC0]  }
0x10b: {  	v11 =	vld [tilespmem:s11+$0x16BD0]  }
0x10c: {  	v63 =	vld [tilespmem:s11+$0x14200]  }
0x10d: {  	v2 =	vld [tilespmem:s11+$0x14210]  }
0x10e: {  	v3 =	vld [tilespmem:s11+$0x14220]  }
0x10f: {  	v4 =	vld [tilespmem:s11+$0x14230]  }
0x110: {  	v5 =	vld [tilespmem:s11+$0x14240]  }
0x111: {  	[tilespmem:$0x1FFA0] =	vst v0;
	v0 =	vld [tilespmem:s11+$0x16A00]  }
0x112: {  	[tilespmem:$0x1FFC0] =	vst v50;
	v50 =	vld [tilespmem:s11+$0x16A30]  }
0x113: {  	[tilespmem:$0x1FFB0] =	vst v49;
	v49 =	vld [tilespmem:s11+$0x16A20];
	v1 =	vadd.f32 v1, v2  }
0x114: {  	v2 =	vld [tilespmem:s11+$0x14260]  }
0x115: {  	v1 =	vadd.f32 v36, v1;
	v36 =	vld [tilespmem:s11+$0x14280]  }
0x116: {  	v0 =	vadd.f32 v0, v63;
	v63 =	vld [tilespmem:s11+$0x14250]  }
0x117: {  	v10 =	vld [tilespmem:s11+$0x16BE0];
	v5 =	vadd.f32 v51, v5;
	v4 =	vadd.f32 v50, v4  }
0x118: {  	v51 =	vmax.f32 v1, $0.0e+00;
	v3 =	vadd.f32 v49, v3;
	v0 =	vadd.f32 v34, v0;
	v34 =	vld [tilespmem:s11+$0x14270]  }
0x119: {  	[tilespmem:s11+$0x14210] =	vst v51;
	v51 =	vadd.f32 v37, v5;
	v49 =	vadd.f32 v40, v4;
	v40 =	vld [tilespmem:s11+$0x142A0]  }
0x11a: {  	v3 =	vadd.f32 v39, v3;
	v39 =	vld [tilespmem:s11+$0x14290];
	v55 =	vadd.f32 v55, v36  }
0x11b: {  	v2 =	vadd.f32 v53, v2;
	v5 =	vld [tilespmem:s11+$0x142B0];
	v0 =	vmax.f32 v0, $0.0e+00;
	v4 =	vadd.f32 v52, v63  }
0x11c: {  	v37 =	vld [tilespmem:s11+$0x142E0];
	v50 =	vmax.f32 v3, $0.0e+00;
	[tilespmem:s11+$0x14200] =	vst v0;
	v52 =	vmax.f32 v49, $0.0e+00;
	v49 =	vadd.f32 v30, v55  }
0x11d: {  	[tilespmem:s11+$0x14220] =	vst v50;
	v53 =	vadd.f32 v35, v4;
	v4 =	vadd.f32 v54, v34;
	v34 =	vld [tilespmem:s11+$0x142C0]  }
0x11e: {  	v2 =	vadd.f32 v33, v2;
	v63 =	vld [tilespmem:s11+$0x142D0];
	[tilespmem:s11+$0x14230] =	vst v52;
	v54 =	vmax.f32 v51, $0.0e+00;
	v50 =	vadd.f32 v57, v40  }
0x11f: {  	v9 =	vld [tilespmem:s11+$0x16BF0];
	[tilespmem:s11+$0x14240] =	vst v54;
	v54 =	vmax.f32 v49, $0.0e+00;
	v36 =	vadd.f32 v31, v4;
	v4 =	vadd.f32 v56, v39  }
0x120: {  	v51 =	vld [tilespmem:s11+$0x142F0];
	v35 =	vmax.f32 v53, $0.0e+00;
	v55 =	vadd.f32 v28, v50;
	[tilespmem:s11+$0x14280] =	vst v54  }
0x121: {  	v39 =	vmax.f32 v2, $0.0e+00;
	[tilespmem:s11+$0x14250] =	vst v35;
	v53 =	vadd.f32 v29, v4;
	v4 =	vadd.f32 v58, v5;
	v5 =	vld [tilespmem:s11+$0x14300]  }
0x122: {  	v57 =	vld [tilespmem:s11+$0x14310];
	v31 =	vadd.f32 v61, v37;
	[tilespmem:s11+$0x14260] =	vst v39;
	v52 =	vmax.f32 v36, $0.0e+00;
	v56 =	vadd.f32 v59, v34  }
0x123: {  	[tilespmem:s11+$0x14270] =	vst v52;
	v58 =	vmax.f32 v53, $0.0e+00;
	v59 =	vadd.f32 v27, v4;
	v4 =	vadd.f32 v60, v63;
	v27 =	vld [tilespmem:s11+$0x14320]  }
0x124: {  	v36 =	vadd.f32 v24, v31;
	v63 =	vmax.f32 v55, $0.0e+00;
	[tilespmem:s11+$0x14290] =	vst v58;
	v29 =	vadd.f32 v26, v56;
	v26 =	vld [tilespmem:s11+$0x14330]  }
0x125: {  	[tilespmem:s11+$0x142A0] =	vst v63;
	v33 =	vmax.f32 v59, $0.0e+00;
	v34 =	vadd.f32 v25, v4;
	v4 =	vadd.f32 v62, v51;
	v25 =	vld [tilespmem:s11+$0x14340]  }
0x126: {  	[tilespmem:s11+$0x142B0] =	vst v33;
	v35 =	vmax.f32 v29, $0.0e+00;
	v37 =	vadd.f32 v48, v5;
	v5 =	vld [tilespmem:s11+$0x14350]  }
0x127: {  	v48 =	vmax.f32 v36, $0.0e+00;
	[tilespmem:s11+$0x142C0] =	vst v35;
	v40 =	vadd.f32 v23, v4;
	v4 =	vadd.f32 v47, v57;
	v23 =	vld [tilespmem:s11+$0x14360]  }
0x128: {  	v39 =	vmax.f32 v34, $0.0e+00;
	[tilespmem:s11+$0x142E0] =	vst v48;
	v49 =	vadd.f32 v22, v37;
	v50 =	vadd.f32 v46, v27;
	v22 =	vld [tilespmem:s11+$0x14370]  }
0x129: {  	v24 =	vld [tilespmem:s11+$0x14390];
	[tilespmem:s11+$0x142D0] =	vst v39;
	v51 =	vmax.f32 v40, $0.0e+00;
	v52 =	vadd.f32 v21, v4;
	v4 =	vadd.f32 v45, v26  }
0x12a: {  	p0 =	sne.s32 s12, $0x9800;
	v21 =	vld [tilespmem:s11+$0x14380];
	[tilespmem:s11+$0x142F0] =	vst v51;
	v53 =	vmax.f32 v49, $0.0e+00;
	v54 =	vadd.f32 v20, v50;
	v55 =	vadd.f32 v44, v25  }
.Ltmp1:
0x12b: {  	v20 =	vld [tilespmem:s11+$0x143A0];
	[tilespmem:s11+$0x14300] =	vst v53;
	v56 =	vmax.f32 v52, $0.0e+00;
	v57 =	vadd.f32 v19, v4;
	v4 =	vadd.f32 v43, v5;
	(pc) =	sbr.rel @p0 .LBB2_5-.Ltmp1, $4  }
0x12c: {  	v19 =	vld [tilespmem:s11+$0x143B0];
	[tilespmem:s11+$0x14310] =	vst v56;
	v58 =	vmax.f32 v54, $0.0e+00;
	v59 =	vadd.f32 v18, v55;
	v60 =	vadd.f32 v42, v23  }
0x12d: {  	v18 =	vld [tilespmem:s11+$0x143C0];
	[tilespmem:s11+$0x14320] =	vst v58;
	v61 =	vmax.f32 v57, $0.0e+00;
	v62 =	vadd.f32 v17, v4;
	v4 =	vadd.f32 v41, v22  }
0x12e: {  	v17 =	vld [tilespmem:s11+$0x143D0];
	v22 =	vadd.f32 v32, v24;
	[tilespmem:s11+$0x14330] =	vst v61;
	v63 =	vmax.f32 v59, $0.0e+00;
	v23 =	vadd.f32 v16, v60  }
0x12f: {  	s12 =	sadd.s32 $0x800, s12;
	v16 =	vadd.f32 v38, v21;
	[tilespmem:s11+$0x14340] =	vst v63;
	v25 =	vmax.f32 v62, $0.0e+00;
	v21 =	vadd.f32 v15, v4;
	v15 =	vld [tilespmem:s11+$0x143E0]  }
0x130: {  	v1 =	vld [tilespmem:s11+$0x143F0]  }
0x131: {  	v52 =	vld [tilespmem:$0x1FFA0]  }
0x132: {  	v55 =	vld [tilespmem:$0x1FFB0]  }
0x133: {  	[tilespmem:s11+$0x14350] =	vst v25;
	v0 =	vmax.f32 v23, $0.0e+00;
	v2 =	vadd.f32 v14, v20;
	v4 =	vld [tilespmem:s11+$0x193E0];
	v5 =	vadd.f32 v7, v22  }
0x134: {  	v58 =	vld [tilespmem:$0x1FFC0];
	[tilespmem:s11+$0x14360] =	vst v0;
	v47 =	vadd.f32 v8, v16;
	v3 =	vmax.f32 v21, $0.0e+00;
	v48 =	vadd.f32 v13, v19  }
0x135: {  	v50 =	vld [tilespmem:s11+$0x193F0];
	[tilespmem:s11+$0x14370] =	vst v3;
	v2 =	vadd.f32 v6, v2;
	v49 =	vadd.f32 v12, v18;
	v51 =	vmax.f32 v5, $0.0e+00  }
0x136: {  	v0 =	vmax.f32 v47, $0.0e+00;
	[tilespmem:s11+$0x14390] =	vst v51;
	v56 =	vadd.f32 v10, v15;
	v5 =	vadd.f32 v52, v48  }
0x137: {  	v53 =	vadd.f32 v11, v17;
	[tilespmem:s11+$0x14380] =	vst v0;
	v54 =	vmax.f32 v2, $0.0e+00;
	v2 =	vadd.f32 v55, v49  }
0x138: {  	[tilespmem:s11+$0x143A0] =	vst v54;
	v1 =	vadd.f32 v9, v1;
	v60 =	vadd.f32 v4, v56;
	v57 =	vmax.f32 v5, $0.0e+00  }
0x139: {  	v5 =	vadd.f32 v58, v53;
	v59 =	vmax.f32 v2, $0.0e+00;
	[tilespmem:s11+$0x143B0] =	vst v57  }
0x13a: {  	v1 =	vadd.f32 v50, v1;
	[tilespmem:s11+$0x143C0] =	vst v59;
	v62 =	vmax.f32 v60, $0.0e+00  }
0x13b: {  	s1 =	sadd.s32 $0x1, s1;
	v61 =	vmax.f32 v5, $0.0e+00;
	[tilespmem:s11+$0x143E0] =	vst v62  }
0x13c: {  	p0 =	sne.s32 s1, $0x7D;
	v63 =	vmax.f32 v1, $0.0e+00;
	[tilespmem:s11+$0x143D0] =	vst v61  }
.Ltmp2:
0x13d: {  	[tilespmem:s11+$0x143F0] =	vst v63;
	(pc) =	sbr.rel @p0 .LBB2_4-.Ltmp2, $4  }
0x13e: {  	[spmem:s2] =	stream.indirect.scatter.add.f32 [tilespmem:s20], [sflag:$0x3], $0x80, s23, s24, $0xb8;
	[tilespmem:$0x1BA00] =	vst v63  }
0x13f: {  	_ =	swait.ge [sflag:s21], $0x2800  }
0x140: {  	[sflag:s21] =	ssyncset.done $0x0  }
0x141: {  	[sflag:s21] =	ssyncadd.s32 $0xFFFFD800  }
0x142: {  	s0 =	stileid.u32  }
0x143: {  	[bflag:$0x0] =	sbarrier.arrive $0xFFFF;
	s0 =	sshll.u32 s0, $0x6  }
0x144: {  	s1 =	sshrl.u32 s10, $0x3;
	s11 =	rddreg [dreg:$0x3];
	s0 =	sor.u32 $0x1C03, s0  }
0x145: {  	[hbm:s11], [sflag:s0] =	dma.local [spmem:s1], $0x2800  }
0x146: {  	_ =	swait.ge [sflag:s21], $0x2800  }
0x147: {  	s3 =	sadd.s32 $0x1, s3;
	s13 =	rddreg [dreg:$0x4]  }
0x148: {  	p0 =	sne.s32 s3, s13  }
.Ltmp3:
0x149: {  	_ = 	snop;
	(pc) =	sbr.rel @p0 .LBB2_1-.Ltmp3, $3  }
0x14a: {  	_ =	sdelay $0x1  }
0x14b: {  	[sflag:s21] =	ssyncset.done $0x0  }
0x14c: {  	v0 =	vimm.f32 $0.0e+00;
	[sflag:s21] =	ssyncadd.s32 $0xFFFFD800  }
0x14d: {  	_ =	sfence.sel $0x180000  }
0x14e: {  	[bflag:$0x0] =	sbarrier.arrive $0xFFFF  }
0x14f: {  	_ =	strace $0x9000004D  }
0x150: {  	s0 =	stileid.u32;
	[bflag:$0x2] =	sbarrier.arrive $0xFFFF  }
0x151: {  	p0 =	sne.s32 s0, $0x0;
	s0 =	rddreg [dreg:$0x2]  }
0x152: {  	s0 =	sadd.s32 @!p0 $0x100000, s0  }
0x153: {  	[sflag:s0] =	ssyncadd.tile.s32 @!p0 $0x1;
	_ =	shalt  }
.Lfunc_end2:
_tile_overlayer_lowered:
.L_overlay_start_2:
0x154: {  	(tag) =	ssettag $0x2  }
0x155: {  	s0 =	rddreg [dreg:$0x0];
	s2 =	stileid.u32  }
0x156: {  	s1 =	rddreg [dreg:$0x1];
	p0 =	sne.s32 s2, $0x0  }
0x157: {  	s3 =	rddreg [dreg:$0x2];
	[bflag:$0x3] =	sbarrier.arrive $0xFFFF;
	s2 =	simm.s32 @!p0 $0x1C03  }
0x158: {  	[timem:s3], [sflag:s2] =	dma.local @!p0 [hbm:s0], s1  }
0x159: {  	s0 =	simm.s32 @!p0 $0x3  }
0x15a: {  	_ =	swait.ge @!p0 [sflag:s0], s1  }
0x15b: {  	s1 =	ssub.s32 @!p0 $0x0, s1;
	[sflag:s0] =	ssyncset.done @!p0 $0x0  }
0x15c: {  	[sflag:s0] =	ssyncadd.s32 @!p0 s1  }
0x15d: {  	[bflag:$0x3] =	sbarrier.arrive $0xFFFF  }
0x15e: {  	_ =	shalt  }

// kernel: kernel.25.cloned.1.call-start
scs
__scs_entry_jumppad:
0x0: {  	(pc) =	sbr.rel $0x88, $3  }
0x1: {  	(tag) =	ssettag $0x0;
	lr =	simm.s32 $0x1  }
0x2: {  	[smem:$0x3F8F] =	sst lr;
	_ =	strace $0xD0000000  }
0x3: {  	_ = 	snop  }
0x4: {  	_ = 	snop  }
0x5: {  	_ = 	snop  }
0x6: {  	_ = 	snop  }
0x7: {  	_ = 	snop  }
__scs_overlays_trampoline_lowered:
0x8: {  	[smem:$0x3F9E] =	sst s0  }
0x9: {  	[smem:$0x3F9F] =	sst s1  }
0xa: {  	[smem:$0x3FA0] =	sst s2  }
0xb: {  	[smem:$0x3FA1] =	sst s3  }
0xc: {  	[smem:$0x3FA2] =	sst s4  }
0xd: {  	[smem:$0x3FA3] =	sst s5  }
0xe: {  	[smem:$0x3FA4] =	sst s6  }
0xf: {  	[smem:$0x3FA5] =	sst s7  }
0x10: {  	[smem:$0x3FA6] =	sst s8  }
0x11: {  	[smem:$0x3FA7] =	sst s9;
	s0 =	simm.s32 @!p0 $0x0  }
0x12: {  	s1 =	sld [smem:$0x3F8D];
	s0 =	simm.s32 @p0 $0x1  }
0x13: {  	[smem:$0x3FA8] =	sst s0;
	s0 =	simm.s32 @!p1 $0x0  }
0x14: {  	s2 =	sld [smem:$0x3F8C];
	s0 =	simm.s32 @p1 $0x1  }
0x15: {  	[smem:$0x3FA9] =	sst s0;
	s0 =	simm.s32 @!p2 $0x0  }
0x16: {  	s3 =	sld [smem:$0x3FDB];
	s0 =	simm.s32 @p2 $0x1  }
0x17: {  	s4 =	simm.s32 $0x1BF5;
	[smem:$0x3FAB] =	sst s0  }
0x18: {  	s0 =	sld [smem:$0x3F8E];
	_ =	swait.ge [sflag:s4], $0x0  }
0x19: {  	s7 =	sld [smem:$0x3F8F]  }
0x1a: {  	s8 =	sadd.s32 $0xFFFFE003, lr  }
0x1b: {  	s9 =	sadd.s32 $0xFFFFFEF7, lr;
	s5 =	simm.s32 $0xFFFFFFFF;
	p2 =	slt.u32 s8, $0xFFFFF086  }
0x1c: {  	p1 =	slt.u32 s9, $0xF7A;
	s5 =	simm.s32 @!p2 $0x0  }
0x1d: {  	s5 =	simm.s32 @p1 $0x1;
	p0 =	seq.s32 s7, s2  }
0x1e: {  	s7 =	smul.u32 @!p0 $0xF7A, s2;
	p2 =	seq.s32 @!p0 s5, $0x0  }
0x1f: {  	s9 =	smul.u32 $0xF7A, s1;
	s8 =	simm.s32 @!p0 $0x1BF5;
	p2 =	por !p2, p0  }
0x20: {  	[sflag:s8] =	ssyncset.s32 @!p0 $0xFFFFF086;
	s6 =	sadd.s32 @!p0 s3, s7;
	s7 =	simm.s32 @!p0 $0x108  }
0x21: {  	s3 =	sadd.s32 s3, s9;
	s6 =	sadd.s32 @!p0 $0x88, s6;
	s7 =	simm.s32 @p2 $0x1082  }
0x22: {  	[simem:s7], [sflag:s8] =	dma.local @!p0 [hbm:s6], $0xF7A  }
0x23: {  	s9 =	sor.u32 $0xD0000000, s2;
	s6 =	simm.s32 $0x108;
	_ =	swait.ge @!p0 [sflag:s8], $0x0  }
0x24: {  	s3 =	sadd.s32 $0x88, s3;
	s6 =	simm.s32 @!p1 $0x1082;
	[sflag:s4] =	ssyncset.s32 $0xFFFFF086  }
0x25: {  	[simem:s6], [sflag:s4] =	dma.local [hbm:s3], $0xF7A  }
0x26: {  	[smem:$0x3F8F] =	sst s1;
	(tag) =	ssettag s2;
	_ =	strace s9  }
0x27: {  	s1 =	sld [smem:$0x3F9F]  }
0x28: {  	s2 =	sld [smem:$0x3FA0]  }
0x29: {  	s4 =	sld [smem:$0x3FA2]  }
0x2a: {  	p0 =	seq.s32 s5, $0x0;
	s5 =	sld [smem:$0x3FA3]  }
0x2b: {  	s6 =	sld [smem:$0x3FA4]  }
0x2c: {  	s7 =	sld [smem:$0x3FA5]  }
0x2d: {  	s3 =	simm.s32 $0x108;
	s8 =	sld [smem:$0x3FA6]  }
0x2e: {  	s3 =	simm.s32 @!p0 $0x1082;
	s9 =	sld [smem:$0x3FA7]  }
0x2f: {  	lr =	sadd.s32 s0, s3;
	s0 =	sld [smem:$0x3F9E]  }
0x30: {  	s3 =	sld [smem:$0x3FA1]  }
0x31: {  	[smem:$0x3FAA] =	sst s10  }
0x32: {  	s10 =	sld [smem:$0x3FA8];
	_ =	sdelay $0x3  }
0x33: {  	p0 =	seq.s32 s10, $0x1;
	s10 =	sld [smem:$0x3FAA];
	_ =	sdelay $0x3  }
0x34: {  	[smem:$0x3FAA] =	sst s10  }
0x35: {  	s10 =	sld [smem:$0x3FA9];
	_ =	sdelay $0x3  }
0x36: {  	p1 =	seq.s32 s10, $0x1;
	s10 =	sld [smem:$0x3FAA];
	_ =	sdelay $0x3  }
0x37: {  	[smem:$0x3FAA] =	sst s10  }
0x38: {  	s10 =	sld [smem:$0x3FAB]  }
0x39: {  	_ = 	snop;
	(pc) =	sbr.ind lr, $3  }
0x3a: {  	_ = 	snop  }
0x3b: {  	_ = 	snop  }
0x3c: {  	p2 =	seq.s32 s10, $0x1;
	s10 =	sld [smem:$0x3FAA]  }
0x3d: {  	_ =	shalt  }
0x3e: {  	_ =	shalt  }
0x3f: {  	_ =	shalt  }
0x40: {  	_ =	shalt  }
0x41: {  	_ =	shalt  }
0x42: {  	_ =	shalt  }
0x43: {  	_ =	shalt  }
0x44: {  	_ =	shalt  }
0x45: {  	_ =	shalt  }
0x46: {  	_ =	shalt  }
0x47: {  	_ =	shalt  }
0x48: {  	_ =	shalt  }
0x49: {  	_ =	shalt  }
0x4a: {  	_ =	shalt  }
0x4b: {  	_ =	shalt  }
0x4c: {  	_ =	shalt  }
0x4d: {  	_ =	shalt  }
0x4e: {  	_ =	shalt  }
0x4f: {  	_ =	shalt  }
0x50: {  	_ =	shalt  }
0x51: {  	_ =	shalt  }
0x52: {  	_ =	shalt  }
0x53: {  	_ =	shalt  }
0x54: {  	_ =	shalt  }
0x55: {  	_ =	shalt  }
0x56: {  	_ =	shalt  }
0x57: {  	_ =	shalt  }
0x58: {  	_ =	shalt  }
0x59: {  	_ =	shalt  }
0x5a: {  	_ =	shalt  }
0x5b: {  	_ =	shalt  }
0x5c: {  	_ =	shalt  }
0x5d: {  	_ =	shalt  }
0x5e: {  	_ =	shalt  }
0x5f: {  	_ =	shalt  }
0x60: {  	_ =	shalt  }
0x61: {  	_ =	shalt  }
0x62: {  	_ =	shalt  }
0x63: {  	_ =	shalt  }
0x64: {  	_ =	shalt  }
0x65: {  	_ =	shalt  }
0x66: {  	_ =	shalt  }
0x67: {  	_ =	shalt  }
0x68: {  	_ =	shalt  }
0x69: {  	_ =	shalt  }
0x6a: {  	_ =	shalt  }
0x6b: {  	_ =	shalt  }
0x6c: {  	_ =	shalt  }
0x6d: {  	_ =	shalt  }
0x6e: {  	_ =	shalt  }
0x6f: {  	_ =	shalt  }
0x70: {  	_ =	shalt  }
0x71: {  	_ =	shalt  }
0x72: {  	_ =	shalt  }
0x73: {  	_ =	shalt  }
0x74: {  	_ =	shalt  }
0x75: {  	_ =	shalt  }
0x76: {  	_ =	shalt  }
0x77: {  	_ =	shalt  }
0x78: {  	_ =	shalt  }
0x79: {  	_ =	shalt  }
0x7a: {  	_ =	shalt  }
0x7b: {  	_ =	shalt  }
0x7c: {  	_ =	shalt  }
0x7d: {  	_ =	shalt  }
0x7e: {  	_ =	shalt  }
0x7f: {  	_ =	shalt  }
0x80: {  	_ =	shalt  }
0x81: {  	_ =	shalt  }
0x82: {  	_ =	shalt  }
0x83: {  	_ =	shalt  }
0x84: {  	_ =	shalt  }
0x85: {  	_ =	shalt  }
0x86: {  	_ =	shalt  }
0x87: {  	_ =	shalt  }
.Lfunc_end0:
.L_simem_size_0:
called_computation.3_lowered:
.L_overlay_start_0:
0x88: {  	s2 =	sld [smem:$0x3FD9]  }
0x89: {  	s3 =	sld [smem:$0x3FFE];
	_ =	sdelay $0x1  }
0x8a: {  	s1 =	srdreg.scid  }
0x8b: {  	s0 =	sand.u32 $0x1, s1  }
0x8c: {  	s16 =	sshll.u32 s0, $0xA;
	s2 =	sadd.s32 s3, s2  }
0x8d: {  	s2 =	sadd.s32 s2, s16  }
0x8e: {  	[smem:$0x3FB6] =	sst s2  }
0x8f: {  	_ = 	snop  }
0x90: {  	(tm) =	ssettm $0x1  }
0x91: {  	s17 =	sld [smem:$0x3FFB];
	_ =	sdelay $0x3  }
0x92: {  	_ =	strace s17  }
0x93: {  	s2 =	sld [smem:$0x3FFC];
	_ =	sdelay $0x3  }
0x94: {  	_ =	strace s2  }
0x95: {  	s2 =	sld [smem:$0x3FFD];
	_ =	sdelay $0x3  }
0x96: {  	_ =	strace s2  }
0x97: {  	_ =	strace $0x8FFFFFFF  }
0x98: {  	s18 =	sld [smem:$0x3FDB];
	_ =	sdelay $0x1  }
0x99: {  	s19 =	simm.s32 $_scs_section_size  }
0x9a: {  	s4 =	simm.s32 $_size__tile_overlayer_lowered;
	s5 =	simm.s32 $_tile_overlayer_lowered  }
0x9b: {  	s22 =	simm.s32 $0x1BFF;
	s21 =	sshll.u32 s5, $0x1;
	s2 =	sadd.s32 s19, s18  }
0x9c: {  	s6 =	simm.s32 $0x0;
	s20 =	sshll.u32 s4, $0x1;
	s4 =	sadd.s32 s21, s2  }
0x9d: {  	[timem:s6], [sflag:s22] =	dma.local [hbm:s4], s20  }
0x9e: {  	_ =	swait.ge [sflag:s22], s20  }
0x9f: {  	s3 =	ssub.s32 $0x0, s20;
	[sflag:s22] =	ssyncset.done $0x0  }
0xa0: {  	[sflag:s22] =	ssyncadd.s32 s3;
	_ =	sdelay $0x1  }
0xa1: {  	s23 =	simm.s32 $0x1B8B  }
0xa2: {  	_ =	swait.ge [sflag:s23], $0x1  }
0xa3: {  	[sflag:s23] =	ssyncset.done $0x0  }
0xa4: {  	s25 =	simm.s32 $0x1B8E;
	s24 =	sld [smem:$0x3FFE];
	[sflag:s23] =	ssyncadd.s32 $0xFFFFFFFF  }
0xa5: {  	s26 =	simm.s32 $execute0_lowered;
	[smem:$0x3FD2] =	sst s25  }
0xa6: {  	s4 =	sshll.u32 s26, $0x1;
	_ =	strace $0x8000004F;
	[dreg:$0x1] =	wrdreg $0xFFFFFFFF  }
0xa7: {  	s28 =	simm.s32 $_size_execute0_lowered;
	s2 =	sadd.s32 s2, s4;
	[dreg:$0x0] =	wrdreg $0x0  }
0xa8: {  	s4 =	sshll.u32 s28, $0x1;
	[dreg:$0x2] =	wrdreg s2  }
0xa9: {  	[dreg:$0x3] =	wrdreg s4  }
0xaa: {  	[dreg:$0x4] =	wrdreg $0xC0  }
0xab: {  	_ =	task [dreg:s6], $0x5FFFF  }
0xac: {  	[dreg:$0x1] =	wrdreg $0xFFFFFFFF  }
0xad: {  	[dreg:$0x0] =	wrdreg $0x60  }
0xae: {  	[dreg:$0x2] =	wrdreg s24  }
0xaf: {  	[dreg:$0x3] =	wrdreg $0x0  }
0xb0: {  	[dreg:$0x4] =	wrdreg $0x9  }
0xb1: {  	_ =	task.clear_ibuf [dreg:s6], $0x5FFFF;
	_ =	strace $0x9000004F  }
0xb2: {  	s29 =	simm.s32 $0x9;
	_ =	strace $0x80000051  }
0xb3: {  	_ =	swait.ge [sflag:s29], $0x1  }
0xb4: {  	[sflag:s29] =	ssyncadd.s32 $0xFFFFFFFF  }
0xb5: {  	_ =	strace $0x90000051  }
0xb6: {  	_ =	sfence  }
0xb7: {  	s30 =	sld [smem:$0x0];
	_ =	sdelay $0x2  }
0xb8: {  	s31 =	sshll.u32 s1, $0xD;
	s1 =	sshrl.u32 s1, $0x2  }
0xb9: {  	s3 =	sand.u32 $0x4000, s31;
	s1 =	sadd.s32 s1, s30  }
0xba: {  	s0 =	sor.u32 s3, s0;
	s1 =	sshll.u32 s1, $0x11  }
0xbb: {  	s0 =	sor.u32 s1, s0  }
0xbc: {  	s0 =	sadd.s32 $0x8F2B, s0  }
0xbd: {  	[sflag:s0] =	ssyncadd.remote.s32 $0x1  }
0xbe: {  	_ =	sfence.sel $0xFFFF  }
0xbf: {  	[dreg:$0x0] =	wrdreg $0xFFFFFFFF;
	(pc) =	sbr.abs _section_cstart, $3  }
0xc0: {  	[dreg:$0x1] =	wrdreg $0xFFFFFFFF  }
0xc1: {  	_ =	task.clear_ibuf [dreg:s6], $0x2FFFF;
	_ =	strace $0x9FFFFFFF  }
0xc2: {  	(tm) =	ssettm $0x7FFFFFFF  }
0xc3: {  	_ =	shalt  }
tec
execute0_lowered:
.L_overlay_start_1:
0x0: {  	(tag) =	ssettag $0x1  }
0x1: {  	s0 =	rddreg [dreg:$0x0]  }
0x2: {  	s2 =	rddreg [dreg:$0x1];
	s1 =	srdreg.scid  }
0x3: {  	s13 =	stileid.u32;
	s3 =	simm.s32 $0x0;
	s20 =	simm.s32 $0x14200  }
0x4: {  	s21 =	simm.s32 $0x3;
	s22 =	simm.s32 $0x14000;
	s8 =	smul.u32 $0x280, s13  }
0x5: {  	s28 =	simm.s32 $0x16A00;
	s30 =	simm.s32 $0x1;
	s5 =	smul.u32 $0x2710, s13  }
0x6: {  	s31 =	simm.s32 $0x2;
	s1 =	sand.u32 $0x1, s1;
	s13 =	smul.u32 $0x50000, s13  }
0x7: {  	[smem:$0x7FF] =	sst s3;
	s4 =	sadd.s32 $0x9600, s0;
	s9 =	smul.u32 $0x2800, s1  }
0x8: {  	s6 =	sadd.s32 $0x4600, s0;
	s7 =	sadd.s32 $0x8EBC00, s0;
	s11 =	smul.u32 $0x4E20, s1  }
0x9: {  	_ =	strace $0x80000050;
	s23 =	ssub.s32 $0x2, s1;
	s1 =	smul.u32 $0x27100, s1  }
0xa: {  	s12 =	sshrl.u32 s23, $0x1;
	s24 =	sshrl.u32 s13, $0x2;
	s8 =	sadd.s32 s8, s9  }
0xb: {  	s12 =	ssub.s32 s23, s12;
	s29 =	sadd.s32 $0x2710, s11;
	s9 =	sadd.s32 s5, s1  }
0xc: {  	s23 =	simm.s32 $0x14080;
	v0 =	vmov s11;
	s10 =	sshll.u32 s8, $0x4;
	s8 =	sadd.s32 $0xD7FA00, s0  }
0xd: {  	s25 =	smax.u32 s12, $0x1;
	[tilespmem:$0x1FFE0] =	vst v0;
	v0 =	vmov s29;
	s29 =	simm.s32 $0x19200;
	s0 =	sadd.s32 s10, s0  }
0xe: {  	s10 =	sadd.s32 s24, s2;
	[dreg:$0x4] =	wrdreg s25;
	s24 =	simm.s32 $0x50  }
0xf: {  	s25 =	simm.s32 $0x14100;
	s0 =	sadd.s32 $0x988000, s0;
	s26 =	sadd.s32 $0x2800, s10  }
0x10: {  	s14 =	sadd.s32 $0x5000, s10;
	s15 =	sadd.s32 $0x7800, s10;
	s16 =	sadd.s32 $0xA000, s10  }
0x11: {  	s17 =	sadd.s32 $0xC800, s10;
	s18 =	sadd.s32 $0xF000, s10;
	[dreg:$0x3] =	wrdreg s0  }
0x12: {  	[tilespmem:$0x1FFF0] =	vst v0;
	v0 =	vimm.f32 $0.0e+00;
	s19 =	sadd.s32 $0x11800, s10;
	[dreg:$0x5] =	wrdreg s26;
	s26 =	simm.s32 $0x14180  }
.LBB2_1:
0x13: {  	s0 =	simm.s32 $0x0;
	s1 =	simm.s32 $0x200  }
.LBB2_2:
0x14: {  	p0 =	sne.s32 s1, $0x9E00;
	[tilespmem:s0+$0x14270] =	vst v0  }
0x15: {  	[tilespmem:s0+$0x14200] =	vst v0  }
0x16: {  	[tilespmem:s0+$0x14210] =	vst v0  }
.Ltmp0:
0x17: {  	[tilespmem:s0+$0x14220] =	vst v0;
	(pc) =	sbr.rel @p0 .LBB2_2-.Ltmp0, $4  }
0x18: {  	[tilespmem:s0+$0x14230] =	vst v0  }
0x19: {  	[tilespmem:s0+$0x14240] =	vst v0  }
0x1a: {  	[tilespmem:s0+$0x14250] =	vst v0  }
0x1b: {  	[tilespmem:s0+$0x14260] =	vst v0;
	s0 =	sshra.s32 s1, $0x2;
	s1 =	sadd.s32 $0x200, s1  }
0x1c: {  	[tilespmem:s0+$0x14270] =	vst v0  }
0x1d: {  	[tilespmem:s0+$0x14200] =	vst v0  }
0x1e: {  	[tilespmem:s0+$0x14210] =	vst v0  }
0x1f: {  	[tilespmem:s0+$0x14220] =	vst v0  }
0x20: {  	[tilespmem:s0+$0x14230] =	vst v0  }
0x21: {  	[tilespmem:s0+$0x14240] =	vst v0  }
0x22: {  	[tilespmem:s0+$0x14250] =	vst v0  }
0x23: {  	[tilespmem:s0+$0x14260] =	vst v0  }
0x24: {  	[spmem:s10] =	stream.linear.scatter [tilespmem:s20], [sflag:$0x3], $0x2800, $0x38;
	[tilespmem:$0x1BA00] =	vst v63  }
0x25: {  	_ =	swait.ge [sflag:s21], $0x2800  }
0x26: {  	[sflag:s21] =	ssyncset.done $0x0  }
0x27: {  	s13 =	rddreg [dreg:$0x5];
	[sflag:s21] =	ssyncadd.s32 $0xFFFFD800  }
0x28: {  	[spmem:s13] =	stream.linear.scatter [tilespmem:s20], [sflag:$0x3], $0x2800, $0x38;
	[tilespmem:$0x1BA00] =	vst v63  }
0x29: {  	_ =	swait.ge [sflag:s21], $0x2800  }
0x2a: {  	[sflag:s21] =	ssyncset.done $0x0  }
0x2b: {  	[sflag:s21] =	ssyncadd.s32 $0xFFFFD800  }
0x2c: {  	[spmem:s14] =	stream.linear.scatter [tilespmem:s20], [sflag:$0x3], $0x2800, $0x38;
	[tilespmem:$0x1BA00] =	vst v63  }
0x2d: {  	_ =	swait.ge [sflag:s21], $0x2800  }
0x2e: {  	[sflag:s21] =	ssyncset.done $0x0  }
0x2f: {  	[sflag:s21] =	ssyncadd.s32 $0xFFFFD800  }
0x30: {  	[spmem:s15] =	stream.linear.scatter [tilespmem:s20], [sflag:$0x3], $0x2800, $0x38;
	[tilespmem:$0x1BA00] =	vst v63  }
0x31: {  	_ =	swait.ge [sflag:s21], $0x2800  }
0x32: {  	[sflag:s21] =	ssyncset.done $0x0  }
0x33: {  	[sflag:s21] =	ssyncadd.s32 $0xFFFFD800  }
0x34: {  	[spmem:s16] =	stream.linear.scatter [tilespmem:s20], [sflag:$0x3], $0x2800, $0x38;
	[tilespmem:$0x1BA00] =	vst v63  }
0x35: {  	_ =	swait.ge [sflag:s21], $0x2800  }
0x36: {  	[sflag:s21] =	ssyncset.done $0x0  }
0x37: {  	[sflag:s21] =	ssyncadd.s32 $0xFFFFD800  }
0x38: {  	[spmem:s17] =	stream.linear.scatter [tilespmem:s20], [sflag:$0x3], $0x2800, $0x38;
	[tilespmem:$0x1BA00] =	vst v63  }
0x39: {  	_ =	swait.ge [sflag:s21], $0x2800  }
0x3a: {  	[sflag:s21] =	ssyncset.done $0x0  }
0x3b: {  	[sflag:s21] =	ssyncadd.s32 $0xFFFFD800  }
0x3c: {  	[spmem:s18] =	stream.linear.scatter [tilespmem:s20], [sflag:$0x3], $0x2800, $0x38;
	[tilespmem:$0x1BA00] =	vst v63  }
0x3d: {  	_ =	swait.ge [sflag:s21], $0x2800  }
0x3e: {  	[sflag:s21] =	ssyncset.done $0x0  }
0x3f: {  	[sflag:s21] =	ssyncadd.s32 $0xFFFFD800  }
0x40: {  	[spmem:s19] =	stream.linear.scatter [tilespmem:s20], [sflag:$0x3], $0x2800, $0x38;
	[tilespmem:$0x1BA00] =	vst v63  }
0x41: {  	_ =	swait.ge [sflag:s21], $0x2800  }
0x42: {  	[sflag:s21] =	ssyncset.done $0x0  }
0x43: {  	[sflag:s21] =	ssyncadd.s32 $0xFFFFD800  }
0x44: {  	s0 =	simm.s32 $0x0;
	s1 =	simm.s32 $0x0;
	[bflag:$0x0] =	sbarrier.arrive $0xFFFF  }
.LBB2_4:
0x45: {  	s11 =	smul.u32 $0x50, s1;
	_ =	sdelay $0x1  }
0x46: {  	s12 =	sadd.s32 s5, s11  }
0x47: {  	s12 =	sshrl.u32 s12, $0x3  }
0x48: {  	s13 =	sadd.s32 s4, s12  }
0x49: {  	[tilespmem:s22], [sflag:$0x3] =	stream.linear.gather [hbm4b:s13+s0], $0x50, $0x38;
	[tilespmem:$0x1BA00] =	vst v63  }
0x4a: {  	_ =	swait.ge [sflag:s21], $0x50  }
0x4b: {  	[sflag:s21] =	ssyncset.done $0x0  }
0x4c: {  	s12 =	sadd.s32 s6, s12;
	[sflag:s21] =	ssyncadd.s32 $0xFFFFFFB0  }
0x4d: {  	[tilespmem:s23], [sflag:$0x3] =	stream.linear.gather [hbm4b:s12+s0], $0x50, $0x38;
	[tilespmem:$0x1BA00] =	vst v63  }
0x4e: {  	_ =	swait.ge [sflag:s21], $0x50  }
0x4f: {  	[sflag:s21] =	ssyncset.done $0x0;
	v0 =	vld [tilespmem:$0x1FFE0]  }
0x50: {  	v1 =	vld [tilespmem:$0x1FFF0];
	[sflag:s21] =	ssyncadd.s32 $0xFFFFFFB0  }
0x51: {  	v3 =	vld [tilespmem:$0x14000]  }
0x52: {  	v4 =	vld [tilespmem:$0x14080]  }
0x53: {  	v5 =	vld [tilespmem:$0x14010]  }
0x54: {  	v6 =	vld [tilespmem:$0x14090]  }
0x55: {  	v7 =	vld [tilespmem:$0x14020]  }
0x56: {  	v8 =	vld [tilespmem:$0x140A0];
	v3 =	vadd.s32 v0, v3  }
0x57: {  	v54 =	vadd.s32 v1, v4;
	v4 =	vld [tilespmem:$0x14030];
	[tilespmem:$0x14100] =	vst v3  }
0x58: {  	v55 =	vadd.s32 v0, v5;
	v5 =	vld [tilespmem:$0x140B0];
	[tilespmem:$0x14180] =	vst v54  }
0x59: {  	v56 =	vadd.s32 v1, v6;
	v6 =	vld [tilespmem:$0x14040];
	[tilespmem:$0x14110] =	vst v55  }
0x5a: {  	v57 =	vadd.s32 v0, v7;
	v7 =	vld [tilespmem:$0x140C0];
	[tilespmem:$0x14190] =	vst v56  }
0x5b: {  	v58 =	vadd.s32 v1, v8;
	[tilespmem:$0x14120] =	vst v57  }
0x5c: {  	[tilespmem:$0x141A0] =	vst v58;
	v59 =	vadd.s32 v0, v4  }
0x5d: {  	v60 =	vadd.s32 v1, v5;
	[tilespmem:$0x14130] =	vst v59  }
0x5e: {  	v61 =	vadd.s32 v0, v6;
	[tilespmem:$0x141B0] =	vst v60  }
0x5f: {  	v62 =	vadd.s32 v1, v7;
	[tilespmem:$0x14140] =	vst v61  }
0x60: {  	s11 =	sadd.s32 s11, s9;
	[tilespmem:$0x141C0] =	vst v62  }
0x61: {  	[tilespmem:s20], [sflag:$0x1] =	stream.indirect.gather [hbm4b:s7+s24], $0x80, s25, s24, $0xb8;
	[tilespmem:$0x1BA00] =	vst v63  }
0x62: {  	s11 =	sshll.u32 s11, $0x4  }
0x63: {  	[tilespmem:s28], [sflag:$0x2] =	stream.indirect.gather [hbm4b:s7+s24], $0x80, s26, s24, $0xb8;
	[tilespmem:$0x1BA00] =	vst v63  }
0x64: {  	s11 =	sadd.s32 s8, s11  }
0x65: {  	[tilespmem:s29], [sflag:$0x3] =	stream.linear.gather [hbm4b:s11+s0], $0x2800, $0x38;
	[tilespmem:$0x1BA00] =	vst v63  }
0x66: {  	_ =	swait.ge [sflag:s21], $0x2800  }
0x67: {  	[sflag:s21] =	ssyncset.done $0x0  }
0x68: {  	[sflag:s21] =	ssyncadd.s32 $0xFFFFD800  }
0x69: {  	_ =	swait.ge [sflag:s30], $0x2800  }
0x6a: {  	[sflag:s30] =	ssyncset.done $0x0  }
0x6b: {  	[sflag:s30] =	ssyncadd.s32 $0xFFFFD800  }
0x6c: {  	_ =	swait.ge [sflag:s31], $0x2800  }
0x6d: {  	[sflag:s31] =	ssyncset.done $0x0  }
0x6e: {  	s11 =	simm.s32 $0x0;
	[sflag:s31] =	ssyncadd.s32 $0xFFFFD800  }
0x6f: {  	v25 =	vld [tilespmem:s11+$0x19200]  }
0x70: {  	v26 =	vld [tilespmem:s11+$0x19210]  }
0x71: {  	v27 =	vld [tilespmem:s11+$0x19220]  }
0x72: {  	v28 =	vld [tilespmem:s11+$0x19230]  }
0x73: {  	v29 =	vld [tilespmem:s11+$0x19240]  }
0x74: {  	v30 =	vld [tilespmem:s11+$0x19250]  }
0x75: {  	v31 =	vld [tilespmem:s11+$0x19260]  }
0x76: {  	v32 =	vld [tilespmem:s11+$0x19270]  }
0x77: {  	v33 =	vld [tilespmem:s11+$0x19280]  }
0x78: {  	v34 =	vld [tilespmem:s11+$0x19290]  }
0x79: {  	v35 =	vld [tilespmem:s11+$0x192A0]  }
0x7a: {  	v36 =	vld [tilespmem:s11+$0x192B0]  }
0x7b: {  	v37 =	vld [tilespmem:s11+$0x192C0]  }
0x7c: {  	v38 =	vld [tilespmem:s11+$0x192D0]  }
0x7d: {  	v39 =	vld [tilespmem:s11+$0x192E0]  }
0x7e: {  	v23 =	vld [tilespmem:s11+$0x192F0]  }
0x7f: {  	v22 =	vld [tilespmem:s11+$0x19300]  }
0x80: {  	v19 =	vld [tilespmem:s11+$0x19310]  }
0x81: {  	v20 =	vld [tilespmem:s11+$0x19320]  }
0x82: {  	v63 =	vld [tilespmem:s11+$0x19330]  }
0x83: {  	v5 =	vld [tilespmem:s11+$0x19340]  }
0x84: {  	v4 =	vld [tilespmem:s11+$0x19350]  }
0x85: {  	v3 =	vld [tilespmem:s11+$0x19360]  }
0x86: {  	v2 =	vld [tilespmem:s11+$0x19370]  }
0x87: {  	v8 =	vld [tilespmem:s11+$0x19380]  }
0x88: {  	v7 =	vld [tilespmem:s11+$0x19390]  }
0x89: {  	v6 =	vld [tilespmem:s11+$0x193A0]  }
0x8a: {  	v40 =	vld [tilespmem:s11+$0x193B0]  }
0x8b: {  	v41 =	vld [tilespmem:s11+$0x193C0]  }
0x8c: {  	v42 =	vld [tilespmem:s11+$0x193D0]  }
0x8d: {  	v43 =	vld [tilespmem:s11+$0x16A30]  }
0x8e: {  	v44 =	vld [tilespmem:s11+$0x16A40]  }
0x8f: {  	v45 =	vld [tilespmem:s11+$0x16A50]  }
0x90: {  	v46 =	vld [tilespmem:s11+$0x16A60]  }
0x91: {  	v47 =	vld [tilespmem:s11+$0x16A70]  }
0x92: {  	v48 =	vld [tilespmem:s11+$0x16A80]  }
0x93: {  	v49 =	vld [tilespmem:s11+$0x16A90]  }
0x94: {  	v50 =	vld [tilespmem:s11+$0x16AA0]  }
0x95: {  	v51 =	vld [tilespmem:s11+$0x16AB0]  }
0x96: {  	v52 =	vld [tilespmem:s11+$0x16AC0]  }
0x97: {  	v53 =	vld [tilespmem:s11+$0x16AD0]  }
0x98: {  	v54 =	vld [tilespmem:s11+$0x16AE0]  }
0x99: {  	v55 =	vld [tilespmem:s11+$0x16AF0]  }
0x9a: {  	v56 =	vld [tilespmem:s11+$0x16B00]  }
0x9b: {  	v57 =	vld [tilespmem:s11+$0x16B10]  }
0x9c: {  	v58 =	vld [tilespmem:s11+$0x16B20]  }
0x9d: {  	v59 =	vld [tilespmem:s11+$0x16B30]  }
0x9e: {  	v60 =	vld [tilespmem:s11+$0x16B40]  }
0x9f: {  	v61 =	vld [tilespmem:s11+$0x16B50]  }
0xa0: {  	v62 =	vld [tilespmem:s11+$0x16B60]  }
0xa1: {  	v1 =	vld [tilespmem:s11+$0x14200]  }
0xa2: {  	v15 =	vld [tilespmem:s11+$0x14220]  }
0xa3: {  	[tilespmem:$0x1FFA0] =	vst v40;
	v40 =	vld [tilespmem:s11+$0x16A00]  }
0xa4: {  	[tilespmem:$0x1FFC0] =	vst v42;
	v42 =	vld [tilespmem:s11+$0x16A20]  }
0xa5: {  	v21 =	vld [tilespmem:s11+$0x16B80]  }
0xa6: {  	v24 =	vld [tilespmem:s11+$0x16B90]  }
0xa7: {  	v0 =	vld [tilespmem:s11+$0x14210]  }
0xa8: {  	[tilespmem:$0x1FFB0] =	vst v41;
	v41 =	vld [tilespmem:s11+$0x16A10]  }
0xa9: {  	v1 =	vadd.f32 v40, v1;
	v40 =	vld [tilespmem:s11+$0x14250];
	v15 =	vadd.f32 v42, v15  }
0xaa: {  	v14 =	vld [tilespmem:s11+$0x16BA0]  }
0xab: {  	v13 =	vld [tilespmem:s11+$0x16BB0];
	v15 =	vadd.f32 v27, v15  }
0xac: {  	v12 =	vld [tilespmem:s11+$0x16BC0]  }
0xad: {  	v17 =	vld [tilespmem:s11+$0x14240];
	v15 =	vmax.f32 v15, $0.0e+00  }
0xae: {  	v0 =	vadd.f32 v41, v0;
	v41 =	vld [tilespmem:s11+$0x14280];
	[tilespmem:s11+$0x14220] =	vst v15;
	v15 =	vadd.f32 v45, v40  }
0xaf: {  	v16 =	vld [tilespmem:s11+$0x14230]  }
0xb0: {  	v11 =	vld [tilespmem:s11+$0x16BD0];
	v15 =	vadd.f32 v30, v15  }
0xb1: {  	v18 =	vld [tilespmem:s11+$0x14260]  }
0xb2: {  	v44 =	vadd.f32 v44, v17;
	v17 =	vld [tilespmem:s11+$0x142B0];
	v15 =	vmax.f32 v15, $0.0e+00  }
0xb3: {  	v1 =	vadd.f32 v25, v1;
	v25 =	vld [tilespmem:s11+$0x14270];
	[tilespmem:s11+$0x14250] =	vst v15;
	v15 =	vadd.f32 v48, v41  }
0xb4: {  	v10 =	vld [tilespmem:s11+$0x16BE0];
	v43 =	vadd.f32 v43, v16;
	v0 =	vadd.f32 v26, v0  }
0xb5: {  	v9 =	vld [tilespmem:s11+$0x16BF0];
	v1 =	vmax.f32 v1, $0.0e+00;
	v15 =	vadd.f32 v33, v15  }
0xb6: {  	v26 =	vld [tilespmem:s11+$0x14290];
	v0 =	vmax.f32 v0, $0.0e+00;
	[tilespmem:s11+$0x14200] =	vst v1;
	v1 =	vadd.f32 v28, v43  }
0xb7: {  	v16 =	vld [tilespmem:s11+$0x142A0];
	v46 =	vadd.f32 v46, v18;
	[tilespmem:s11+$0x14210] =	vst v0;
	v0 =	vadd.f32 v29, v44;
	v15 =	vmax.f32 v15, $0.0e+00  }
0xb8: {  	v1 =	vmax.f32 v1, $0.0e+00;
	v47 =	vadd.f32 v47, v25;
	v25 =	vld [tilespmem:s11+$0x142E0];
	[tilespmem:s11+$0x14280] =	vst v15;
	v15 =	vadd.f32 v51, v17  }
0xb9: {  	v27 =	vld [tilespmem:s11+$0x142C0];
	[tilespmem:s11+$0x14230] =	vst v1;
	v1 =	vadd.f32 v31, v46  }
0xba: {  	v18 =	vld [tilespmem:s11+$0x142D0];
	v0 =	vmax.f32 v0, $0.0e+00;
	v15 =	vadd.f32 v36, v15  }
0xbb: {  	v49 =	vadd.f32 v49, v26;
	v26 =	vld [tilespmem:s11+$0x14300];
	[tilespmem:s11+$0x14240] =	vst v0;
	v0 =	vadd.f32 v32, v47;
	v1 =	vmax.f32 v1, $0.0e+00  }
0xbc: {  	v50 =	vadd.f32 v50, v16;
	v48 =	vld [tilespmem:s11+$0x142F0];
	[tilespmem:s11+$0x14260] =	vst v1;
	v15 =	vmax.f32 v15, $0.0e+00  }
0xbd: {  	v16 =	vld [tilespmem:s11+$0x14310];
	v0 =	vmax.f32 v0, $0.0e+00;
	v1 =	vadd.f32 v34, v49;
	[tilespmem:s11+$0x142B0] =	vst v15;
	v15 =	vadd.f32 v54, v25  }
0xbe: {  	v52 =	vadd.f32 v52, v27;
	[tilespmem:s11+$0x14270] =	vst v0;
	v0 =	vadd.f32 v35, v50;
	v17 =	vld [tilespmem:s11+$0x14320]  }
0xbf: {  	[tilespmem:$0x1FFD0] =	vst v63;
	v63 =	vld [tilespmem:s11+$0x16B70];
	v1 =	vmax.f32 v1, $0.0e+00;
	v15 =	vadd.f32 v39, v15  }
0xc0: {  	v53 =	vadd.f32 v53, v18;
	v18 =	vld [tilespmem:s11+$0x14340];
	[tilespmem:s11+$0x14290] =	vst v1;
	v0 =	vmax.f32 v0, $0.0e+00;
	v1 =	vadd.f32 v37, v52  }
0xc1: {  	v27 =	vld [tilespmem:s11+$0x14330];
	v56 =	vadd.f32 v56, v26;
	[tilespmem:s11+$0x142A0] =	vst v0;
	v54 =	vadd.f32 v55, v48;
	v15 =	vmax.f32 v15, $0.0e+00  }
0xc2: {  	v0 =	vadd.f32 v38, v53;
	v1 =	vmax.f32 v1, $0.0e+00;
	v25 =	vld [tilespmem:s11+$0x14350];
	[tilespmem:s11+$0x142E0] =	vst v15;
	v15 =	vadd.f32 v57, v16  }
0xc3: {  	[tilespmem:s11+$0x142C0] =	vst v1;
	v58 =	vadd.f32 v58, v17;
	v17 =	vld [tilespmem:$0x1FFD0];
	v1 =	vadd.f32 v23, v54  }
0xc4: {  	v0 =	vmax.f32 v0, $0.0e+00;
	v55 =	vld [tilespmem:s11+$0x14360];
	v15 =	vadd.f32 v19, v15  }
0xc5: {  	[tilespmem:s11+$0x142D0] =	vst v0;
	v0 =	vadd.f32 v22, v56;
	v23 =	vld [tilespmem:s11+$0x14370];
	v1 =	vmax.f32 v1, $0.0e+00  }
0xc6: {  	v59 =	vadd.f32 v59, v27;
	v22 =	vld [tilespmem:s11+$0x14390];
	[tilespmem:s11+$0x142F0] =	vst v1;
	v15 =	vmax.f32 v15, $0.0e+00  }
0xc7: {  	v0 =	vmax.f32 v0, $0.0e+00;
	v16 =	vld [tilespmem:s11+$0x14380];
	v1 =	vadd.f32 v20, v58;
	[tilespmem:s11+$0x14310] =	vst v15;
	v15 =	vadd.f32 v60, v18  }
0xc8: {  	[tilespmem:s11+$0x14300] =	vst v0;
	v20 =	vld [tilespmem:s11+$0x143A0];
	v0 =	vadd.f32 v17, v59;
	v61 =	vadd.f32 v61, v25  }
0xc9: {  	v25 =	vadd.f32 v62, v55;
	v17 =	vld [tilespmem:s11+$0x143D0];
	v1 =	vmax.f32 v1, $0.0e+00;
	v15 =	vadd.f32 v5, v15  }
0xca: {  	v19 =	vld [tilespmem:s11+$0x143B0];
	v0 =	vmax.f32 v0, $0.0e+00;
	v62 =	vadd.f32 v4, v61;
	v63 =	vadd.f32 v63, v23;
	[tilespmem:s11+$0x14320] =	vst v1  }
0xcb: {  	v22 =	vadd.f32 v24, v22;
	v23 =	vadd.f32 v3, v25;
	[tilespmem:s11+$0x14330] =	vst v0;
	v18 =	vld [tilespmem:s11+$0x143C0];
	v15 =	vmax.f32 v15, $0.0e+00  }
0xcc: {  	s12 =	simm.s32 $0x800;
	v25 =	vmax.f32 v62, $0.0e+00;
	v16 =	vadd.f32 v21, v16;
	v21 =	vadd.f32 v2, v63;
	[tilespmem:s11+$0x14340] =	vst v15;
	v15 =	vld [tilespmem:s11+$0x143E0]  }
.LBB2_5:
0xcd: {  	v2 =	vld [tilespmem:$0x1FFA0]  }
0xce: {  	v37 =	vld [tilespmem:$0x1FFB0]  }
0xcf: {  	v42 =	vld [tilespmem:$0x1FFC0]  }
0xd0: {  	[tilespmem:s11+$0x14350] =	vst v25;
	v0 =	vmax.f32 v23, $0.0e+00;
	v1 =	vadd.f32 v8, v16;
	v8 =	vadd.f32 v14, v20;
	v14 =	vld [tilespmem:s11+$0x143F0]  }
0xd1: {  	v29 =	vmax.f32 v21, $0.0e+00;
	[tilespmem:s11+$0x14360] =	vst v0;
	v7 =	vadd.f32 v7, v22;
	v13 =	vadd.f32 v13, v19;
	v16 =	vld [tilespmem:s11+$0x193E0]  }
0xd2: {  	s13 =	sshra.s32 s12, $0x2;
	[tilespmem:s11+$0x14370] =	vst v29;
	v30 =	vmax.f32 v1, $0.0e+00;
	v31 =	vadd.f32 v6, v8;
	v6 =	vadd.f32 v12, v18;
	v8 =	vld [tilespmem:s11+$0x193F0]  }
0xd3: {  	v34 =	vld [tilespmem:s13+$0x19200];
	v33 =	vmax.f32 v7, $0.0e+00;
	v5 =	vadd.f32 v2, v13;
	v7 =	vadd.f32 v11, v17;
	[tilespmem:s11+$0x14380] =	vst v30  }
0xd4: {  	v4 =	vadd.f32 v10, v15;
	v36 =	vld [tilespmem:s13+$0x19210];
	[tilespmem:s11+$0x14390] =	vst v33;
	v35 =	vmax.f32 v31, $0.0e+00;
	v1 =	vadd.f32 v37, v6  }
0xd5: {  	v38 =	vmax.f32 v5, $0.0e+00;
	v3 =	vadd.f32 v42, v7;
	v39 =	vld [tilespmem:s13+$0x19220];
	[tilespmem:s11+$0x143A0] =	vst v35;
	v5 =	vadd.f32 v9, v14  }
0xd6: {  	v44 =	vadd.f32 v16, v4;
	v40 =	vld [tilespmem:s13+$0x19230];
	[tilespmem:s11+$0x143B0] =	vst v38;
	v43 =	vmax.f32 v1, $0.0e+00  }
0xd7: {  	v45 =	vmax.f32 v3, $0.0e+00;
	v37 =	vld [tilespmem:s13+$0x19240];
	[tilespmem:s11+$0x143C0] =	vst v43;
	v46 =	vadd.f32 v8, v5  }
0xd8: {  	v47 =	vmax.f32 v44, $0.0e+00;
	v35 =	vld [tilespmem:s13+$0x19250];
	[tilespmem:s11+$0x143D0] =	vst v45  }
0xd9: {  	v33 =	vld [tilespmem:s13+$0x19260];
	[tilespmem:s11+$0x143E0] =	vst v47;
	v48 =	vmax.f32 v46, $0.0e+00  }
0xda: {  	v31 =	vld [tilespmem:s13+$0x19270];
	[tilespmem:s11+$0x143F0] =	vst v48;
	s11 =	smov.u32 s13  }
0xdb: {  	v30 =	vld [tilespmem:s11+$0x19280]  }
0xdc: {  	v29 =	vld [tilespmem:s11+$0x19290]  }
0xdd: {  	v28 =	vld [tilespmem:s11+$0x192A0]  }
0xde: {  	v27 =	vld [tilespmem:s11+$0x192B0]  }
0xdf: {  	v26 =	vld [tilespmem:s11+$0x192C0]  }
0xe0: {  	v25 =	vld [tilespmem:s11+$0x192D0]  }
0xe1: {  	v24 =	vld [tilespmem:s11+$0x192E0]  }
0xe2: {  	v23 =	vld [tilespmem:s11+$0x192F0]  }
0xe3: {  	v22 =	vld [tilespmem:s11+$0x19300]  }
0xe4: {  	v21 =	vld [tilespmem:s11+$0x19310]  }
0xe5: {  	v20 =	vld [tilespmem:s11+$0x19320]  }
0xe6: {  	v19 =	vld [tilespmem:s11+$0x19330]  }
0xe7: {  	v18 =	vld [tilespmem:s11+$0x19340]  }
0xe8: {  	v17 =	vld [tilespmem:s11+$0x19350]  }
0xe9: {  	v16 =	vld [tilespmem:s11+$0x19360]  }
0xea: {  	v15 =	vld [tilespmem:s11+$0x19370]  }
0xeb: {  	v8 =	vld [tilespmem:s11+$0x19380]  }
0xec: {  	v7 =	vld [tilespmem:s11+$0x19390]  }
0xed: {  	v6 =	vld [tilespmem:s11+$0x193A0]  }
0xee: {  	v0 =	vld [tilespmem:s11+$0x193B0]  }
0xef: {  	v49 =	vld [tilespmem:s11+$0x193C0]  }
0xf0: {  	v50 =	vld [tilespmem:s11+$0x193D0]  }
0xf1: {  	v1 =	vld [tilespmem:s11+$0x16A10]  }
0xf2: {  	v51 =	vld [tilespmem:s11+$0x16A40]  }
0xf3: {  	v52 =	vld [tilespmem:s11+$0x16A50]  }
0xf4: {  	v53 =	vld [tilespmem:s11+$0x16A60]  }
0xf5: {  	v54 =	vld [tilespmem:s11+$0x16A70]  }
0xf6: {  	v55 =	vld [tilespmem:s11+$0x16A80]  }
0xf7: {  	v56 =	vld [tilespmem:s11+$0x16A90]  }
0xf8: {  	v57 =	vld [tilespmem:s11+$0x16AA0]  }
0xf9: {  	v58 =	vld [tilespmem:s11+$0x16AB0]  }
0xfa: {  	v59 =	vld [tilespmem:s11+$0x16AC0]  }
0xfb: {  	v60 =	vld [tilespmem:s11+$0x16AD0]  }
0xfc: {  	v61 =	vld [tilespmem:s11+$0x16AE0]  }
0xfd: {  	v62 =	vld [tilespmem:s11+$0x16AF0]  }
0xfe: {  	v48 =	vld [tilespmem:s11+$0x16B00]  }
0xff: {  	v47 =	vld [tilespmem:s11+$0x16B10]  }
0x100: {  	v46 =	vld [tilespmem:s11+$0x16B20]  }
0x101: {  	v45 =	vld [tilespmem:s11+$0x16B30]  }
0x102: {  	v44 =	vld [tilespmem:s11+$0x16B40]  }
0x103: {  	v43 =	vld [tilespmem:s11+$0x16B50]  }
0x104: {  	v42 =	vld [tilespmem:s11+$0x16B60]  }
0x105: {  	v41 =	vld [tilespmem:s11+$0x16B70]  }
0x106: {  	v38 =	vld [tilespmem:s11+$0x16B80]  }
0x107: {  	v32 =	vld [tilespmem:s11+$0x16B90]  }
0x108: {  	v14 =	vld [tilespmem:s11+$0x16BA0]  }
0x109: {  	v13 =	vld [tilespmem:s11+$0x16BB0]  }
0x10a: {  	v12 =	vld [tilespmem:s11+$0x16BC0]  }
0x10b: {  	v11 =	vld [tilespmem:s11+$0x16BD0]  }
0x10c: {  	v63 =	vld [tilespmem:s11+$0x14200]  }
0x10d: {  	v2 =	vld [tilespmem:s11+$0x14210]  }
0x10e: {  	v3 =	vld [tilespmem:s11+$0x14220]  }
0x10f: {  	v4 =	vld [tilespmem:s11+$0x14230]  }
0x110: {  	v5 =	vld [tilespmem:s11+$0x14240]  }
0x111: {  	[tilespmem:$0x1FFA0] =	vst v0;
	v0 =	vld [tilespmem:s11+$0x16A00]  }
0x112: {  	[tilespmem:$0x1FFC0] =	vst v50;
	v50 =	vld [tilespmem:s11+$0x16A30]  }
0x113: {  	[tilespmem:$0x1FFB0] =	vst v49;
	v49 =	vld [tilespmem:s11+$0x16A20];
	v1 =	vadd.f32 v1, v2  }
0x114: {  	v2 =	vld [tilespmem:s11+$0x14260]  }
0x115: {  	v1 =	vadd.f32 v36, v1;
	v36 =	vld [tilespmem:s11+$0x14280]  }
0x116: {  	v0 =	vadd.f32 v0, v63;
	v63 =	vld [tilespmem:s11+$0x14250]  }
0x117: {  	v10 =	vld [tilespmem:s11+$0x16BE0];
	v5 =	vadd.f32 v51, v5;
	v4 =	vadd.f32 v50, v4  }
0x118: {  	v51 =	vmax.f32 v1, $0.0e+00;
	v3 =	vadd.f32 v49, v3;
	v0 =	vadd.f32 v34, v0;
	v34 =	vld [tilespmem:s11+$0x14270]  }
0x119: {  	[tilespmem:s11+$0x14210] =	vst v51;
	v51 =	vadd.f32 v37, v5;
	v49 =	vadd.f32 v40, v4;
	v40 =	vld [tilespmem:s11+$0x142A0]  }
0x11a: {  	v3 =	vadd.f32 v39, v3;
	v39 =	vld [tilespmem:s11+$0x14290];
	v55 =	vadd.f32 v55, v36  }
0x11b: {  	v2 =	vadd.f32 v53, v2;
	v5 =	vld [tilespmem:s11+$0x142B0];
	v0 =	vmax.f32 v0, $0.0e+00;
	v4 =	vadd.f32 v52, v63  }
0x11c: {  	v37 =	vld [tilespmem:s11+$0x142E0];
	v50 =	vmax.f32 v3, $0.0e+00;
	[tilespmem:s11+$0x14200] =	vst v0;
	v52 =	vmax.f32 v49, $0.0e+00;
	v49 =	vadd.f32 v30, v55  }
0x11d: {  	[tilespmem:s11+$0x14220] =	vst v50;
	v53 =	vadd.f32 v35, v4;
	v4 =	vadd.f32 v54, v34;
	v34 =	vld [tilespmem:s11+$0x142C0]  }
0x11e: {  	v2 =	vadd.f32 v33, v2;
	v63 =	vld [tilespmem:s11+$0x142D0];
	[tilespmem:s11+$0x14230] =	vst v52;
	v54 =	vmax.f32 v51, $0.0e+00;
	v50 =	vadd.f32 v57, v40  }
0x11f: {  	v9 =	vld [tilespmem:s11+$0x16BF0];
	[tilespmem:s11+$0x14240] =	vst v54;
	v54 =	vmax.f32 v49, $0.0e+00;
	v36 =	vadd.f32 v31, v4;
	v4 =	vadd.f32 v56, v39  }
0x120: {  	v51 =	vld [tilespmem:s11+$0x142F0];
	v35 =	vmax.f32 v53, $0.0e+00;
	v55 =	vadd.f32 v28, v50;
	[tilespmem:s11+$0x14280] =	vst v54  }
0x121: {  	v39 =	vmax.f32 v2, $0.0e+00;
	[tilespmem:s11+$0x14250] =	vst v35;
	v53 =	vadd.f32 v29, v4;
	v4 =	vadd.f32 v58, v5;
	v5 =	vld [tilespmem:s11+$0x14300]  }
0x122: {  	v57 =	vld [tilespmem:s11+$0x14310];
	v31 =	vadd.f32 v61, v37;
	[tilespmem:s11+$0x14260] =	vst v39;
	v52 =	vmax.f32 v36, $0.0e+00;
	v56 =	vadd.f32 v59, v34  }
0x123: {  	[tilespmem:s11+$0x14270] =	vst v52;
	v58 =	vmax.f32 v53, $0.0e+00;
	v59 =	vadd.f32 v27, v4;
	v4 =	vadd.f32 v60, v63;
	v27 =	vld [tilespmem:s11+$0x14320]  }
0x124: {  	v36 =	vadd.f32 v24, v31;
	v63 =	vmax.f32 v55, $0.0e+00;
	[tilespmem:s11+$0x14290] =	vst v58;
	v29 =	vadd.f32 v26, v56;
	v26 =	vld [tilespmem:s11+$0x14330]  }
0x125: {  	[tilespmem:s11+$0x142A0] =	vst v63;
	v33 =	vmax.f32 v59, $0.0e+00;
	v34 =	vadd.f32 v25, v4;
	v4 =	vadd.f32 v62, v51;
	v25 =	vld [tilespmem:s11+$0x14340]  }
0x126: {  	[tilespmem:s11+$0x142B0] =	vst v33;
	v35 =	vmax.f32 v29, $0.0e+00;
	v37 =	vadd.f32 v48, v5;
	v5 =	vld [tilespmem:s11+$0x14350]  }
0x127: {  	v48 =	vmax.f32 v36, $0.0e+00;
	[tilespmem:s11+$0x142C0] =	vst v35;
	v40 =	vadd.f32 v23, v4;
	v4 =	vadd.f32 v47, v57;
	v23 =	vld [tilespmem:s11+$0x14360]  }
0x128: {  	v39 =	vmax.f32 v34, $0.0e+00;
	[tilespmem:s11+$0x142E0] =	vst v48;
	v49 =	vadd.f32 v22, v37;
	v50 =	vadd.f32 v46, v27;
	v22 =	vld [tilespmem:s11+$0x14370]  }
0x129: {  	v24 =	vld [tilespmem:s11+$0x14390];
	[tilespmem:s11+$0x142D0] =	vst v39;
	v51 =	vmax.f32 v40, $0.0e+00;
	v52 =	vadd.f32 v21, v4;
	v4 =	vadd.f32 v45, v26  }
0x12a: {  	p0 =	sne.s32 s12, $0x9800;
	v21 =	vld [tilespmem:s11+$0x14380];
	[tilespmem:s11+$0x142F0] =	vst v51;
	v53 =	vmax.f32 v49, $0.0e+00;
	v54 =	vadd.f32 v20, v50;
	v55 =	vadd.f32 v44, v25  }
.Ltmp1:
0x12b: {  	v20 =	vld [tilespmem:s11+$0x143A0];
	[tilespmem:s11+$0x14300] =	vst v53;
	v56 =	vmax.f32 v52, $0.0e+00;
	v57 =	vadd.f32 v19, v4;
	v4 =	vadd.f32 v43, v5;
	(pc) =	sbr.rel @p0 .LBB2_5-.Ltmp1, $4  }
0x12c: {  	v19 =	vld [tilespmem:s11+$0x143B0];
	[tilespmem:s11+$0x14310] =	vst v56;
	v58 =	vmax.f32 v54, $0.0e+00;
	v59 =	vadd.f32 v18, v55;
	v60 =	vadd.f32 v42, v23  }
0x12d: {  	v18 =	vld [tilespmem:s11+$0x143C0];
	[tilespmem:s11+$0x14320] =	vst v58;
	v61 =	vmax.f32 v57, $0.0e+00;
	v62 =	vadd.f32 v17, v4;
	v4 =	vadd.f32 v41, v22  }
0x12e: {  	v17 =	vld [tilespmem:s11+$0x143D0];
	v22 =	vadd.f32 v32, v24;
	[tilespmem:s11+$0x14330] =	vst v61;
	v63 =	vmax.f32 v59, $0.0e+00;
	v23 =	vadd.f32 v16, v60  }
0x12f: {  	s12 =	sadd.s32 $0x800, s12;
	v16 =	vadd.f32 v38, v21;
	[tilespmem:s11+$0x14340] =	vst v63;
	v25 =	vmax.f32 v62, $0.0e+00;
	v21 =	vadd.f32 v15, v4;
	v15 =	vld [tilespmem:s11+$0x143E0]  }
0x130: {  	v1 =	vld [tilespmem:s11+$0x143F0]  }
0x131: {  	v52 =	vld [tilespmem:$0x1FFA0]  }
0x132: {  	v55 =	vld [tilespmem:$0x1FFB0]  }
0x133: {  	[tilespmem:s11+$0x14350] =	vst v25;
	v0 =	vmax.f32 v23, $0.0e+00;
	v2 =	vadd.f32 v14, v20;
	v4 =	vld [tilespmem:s11+$0x193E0];
	v5 =	vadd.f32 v7, v22  }
0x134: {  	v58 =	vld [tilespmem:$0x1FFC0];
	[tilespmem:s11+$0x14360] =	vst v0;
	v47 =	vadd.f32 v8, v16;
	v3 =	vmax.f32 v21, $0.0e+00;
	v48 =	vadd.f32 v13, v19  }
0x135: {  	v50 =	vld [tilespmem:s11+$0x193F0];
	[tilespmem:s11+$0x14370] =	vst v3;
	v2 =	vadd.f32 v6, v2;
	v49 =	vadd.f32 v12, v18;
	v51 =	vmax.f32 v5, $0.0e+00  }
0x136: {  	v0 =	vmax.f32 v47, $0.0e+00;
	[tilespmem:s11+$0x14390] =	vst v51;
	v56 =	vadd.f32 v10, v15;
	v5 =	vadd.f32 v52, v48  }
0x137: {  	v53 =	vadd.f32 v11, v17;
	[tilespmem:s11+$0x14380] =	vst v0;
	v54 =	vmax.f32 v2, $0.0e+00;
	v2 =	vadd.f32 v55, v49  }
0x138: {  	[tilespmem:s11+$0x143A0] =	vst v54;
	v1 =	vadd.f32 v9, v1;
	v60 =	vadd.f32 v4, v56;
	v57 =	vmax.f32 v5, $0.0e+00  }
0x139: {  	v5 =	vadd.f32 v58, v53;
	v59 =	vmax.f32 v2, $0.0e+00;
	[tilespmem:s11+$0x143B0] =	vst v57  }
0x13a: {  	v1 =	vadd.f32 v50, v1;
	[tilespmem:s11+$0x143C0] =	vst v59;
	v62 =	vmax.f32 v60, $0.0e+00  }
0x13b: {  	s1 =	sadd.s32 $0x1, s1;
	v61 =	vmax.f32 v5, $0.0e+00;
	[tilespmem:s11+$0x143E0] =	vst v62  }
0x13c: {  	p0 =	sne.s32 s1, $0x7D;
	v63 =	vmax.f32 v1, $0.0e+00;
	[tilespmem:s11+$0x143D0] =	vst v61  }
.Ltmp2:
0x13d: {  	[tilespmem:s11+$0x143F0] =	vst v63;
	(pc) =	sbr.rel @p0 .LBB2_4-.Ltmp2, $4  }
0x13e: {  	[spmem:s2] =	stream.indirect.scatter.add.f32 [tilespmem:s20], [sflag:$0x3], $0x80, s23, s24, $0xb8;
	[tilespmem:$0x1BA00] =	vst v63  }
0x13f: {  	_ =	swait.ge [sflag:s21], $0x2800  }
0x140: {  	[sflag:s21] =	ssyncset.done $0x0  }
0x141: {  	[sflag:s21] =	ssyncadd.s32 $0xFFFFD800  }
0x142: {  	s0 =	stileid.u32  }
0x143: {  	[bflag:$0x0] =	sbarrier.arrive $0xFFFF;
	s0 =	sshll.u32 s0, $0x6  }
0x144: {  	s1 =	sshrl.u32 s10, $0x3;
	s11 =	rddreg [dreg:$0x3];
	s0 =	sor.u32 $0x1C03, s0  }
0x145: {  	[hbm:s11], [sflag:s0] =	dma.local [spmem:s1], $0x2800  }
0x146: {  	_ =	swait.ge [sflag:s21], $0x2800  }
0x147: {  	s3 =	sadd.s32 $0x1, s3;
	s13 =	rddreg [dreg:$0x4]  }
0x148: {  	p0 =	sne.s32 s3, s13  }
.Ltmp3:
0x149: {  	_ = 	snop;
	(pc) =	sbr.rel @p0 .LBB2_1-.Ltmp3, $3  }
0x14a: {  	_ =	sdelay $0x1  }
0x14b: {  	[sflag:s21] =	ssyncset.done $0x0  }
0x14c: {  	v0 =	vimm.f32 $0.0e+00;
	[sflag:s21] =	ssyncadd.s32 $0xFFFFD800  }
0x14d: {  	_ =	sfence.sel $0x180000  }
0x14e: {  	[bflag:$0x0] =	sbarrier.arrive $0xFFFF  }
0x14f: {  	_ =	strace $0x90000050  }
0x150: {  	s0 =	stileid.u32;
	[bflag:$0x2] =	sbarrier.arrive $0xFFFF  }
0x151: {  	p0 =	sne.s32 s0, $0x0;
	s0 =	rddreg [dreg:$0x2]  }
0x152: {  	s0 =	sadd.s32 @!p0 $0x100000, s0  }
0x153: {  	[sflag:s0] =	ssyncadd.tile.s32 @!p0 $0x1;
	_ =	shalt  }
.Lfunc_end2:
_tile_overlayer_lowered:
.L_overlay_start_2:
0x154: {  	(tag) =	ssettag $0x2  }
0x155: {  	s0 =	rddreg [dreg:$0x0];
	s2 =	stileid.u32  }
0x156: {  	s1 =	rddreg [dreg:$0x1];
	p0 =	sne.s32 s2, $0x0  }
0x157: {  	s3 =	rddreg [dreg:$0x2];
	[bflag:$0x3] =	sbarrier.arrive $0xFFFF;
	s2 =	simm.s32 @!p0 $0x1C03  }
0x158: {  	[timem:s3], [sflag:s2] =	dma.local @!p0 [hbm:s0], s1  }
0x159: {  	s0 =	simm.s32 @!p0 $0x3  }
0x15a: {  	_ =	swait.ge @!p0 [sflag:s0], s1  }
0x15b: {  	s1 =	ssub.s32 @!p0 $0x0, s1;
	[sflag:s0] =	ssyncset.done @!p0 $0x0  }
0x15c: {  	[sflag:s0] =	ssyncadd.s32 @!p0 s1  }
0x15d: {  	[bflag:$0x3] =	sbarrier.arrive $0xFFFF  }
0x15e: {  	_ =	shalt  }

</sc_bundles>
